<compile_context>
chip_gen: v7x
topology: tpu7x:2x2x1
jax: 0.10.2.dev20260603
libtpu: 0.0.44.dev20260713+nightly
codegen_flags: <defaults>
</compile_context>

<pallas_src>
import jax
import jax.numpy as jnp
from jax.experimental import pallas as pl
from jax.experimental.pallas import tpu as pltpu
from jax.experimental.pallas import tpu_sc as plsc

K = 512
D = 16
EPS = 1e-15
_PREC = jax.lax.Precision.HIGHEST
_CHUNK = 256
_NTILES = 13
_NPAD = _NTILES * _CHUNK
_L = 16


def _dot(a, b):
    return jax.lax.dot_general(a, b, ((((1,), (0,))), ((), ())),
                               preferred_element_type=jnp.float32,
                               precision=_PREC)


def _assign_kernel(x_ref, e_ref, idx_ref, q_ref, vat_ref, kta_scr):
    nh, hw = x_ref.shape[0], x_ref.shape[2]
    n = nh * hw
    vat_ref[...] = jnp.zeros_like(vat_ref)
    for h in range(nh):
        blk = x_ref[h]
        q_ref[pl.ds(h * hw, hw), :] = jnp.transpose(blk[0:D, :])
        kta_scr[0:D, pl.ds(h * hw, hw)] = blk[D:2 * D, :]
        vat_ref[0:D, pl.ds(h * hw, hw)] = blk[2 * D:3 * D, :]
    kta_scr[D:D + 1, :] = jnp.ones_like(kta_scr[D:D + 1, :])
    vat_ref[D:D + 1, 0:n] = jnp.ones_like(vat_ref[D:D + 1, 0:n])

    e = e_ref[...]
    e_sq = jnp.sum(e * e, axis=1, keepdims=True)
    e_aug = jnp.concatenate([e * (-2.0), e_sq], axis=1)
    dist_t = _dot(e_aug, kta_scr[...])

    min_d = jnp.min(dist_t, axis=0, keepdims=True)
    code_iota = jax.lax.broadcasted_iota(jnp.int32, dist_t.shape, 0)
    idx = jnp.min(jnp.where(dist_t == min_d, code_iota, K),
                  axis=0, keepdims=True)
    idx_ref[:, 0:n] = idx
    idx_ref[:, n:] = jnp.full_like(idx_ref[:, n:], K)


def _sc_scatter_body(idx_hbm, vat_hbm, zero_hbm, out_hbm, idx_v, cols_v, acc):
    c = jax.lax.axis_index("c")
    s = jax.lax.axis_index("s")
    wid = s * 2 + c

    @pl.when(wid < _NTILES)
    def _():
        base = wid * _CHUNK
        pltpu.sync_copy(idx_hbm.at[pl.ds(base, _CHUNK)], idx_v)
        pltpu.sync_copy(vat_hbm.at[:, pl.ds(base, _CHUNK)], cols_v)
        pltpu.sync_copy(zero_hbm, acc)
        for g in range(_CHUNK // _L):
            rows = idx_v[pl.ds(g * _L, _L)]
            flat = rows * 32
            for col in range(32):
                vals = cols_v[col, pl.ds(g * _L, _L)]
                plsc.addupdate_scatter(
                    acc, [flat + jnp.full((_L,), col, jnp.int32)], vals)
        pltpu.sync_copy(acc, out_hbm.at[wid])


def _sc_scatter(idx, vat, zero):
    return pl.kernel(
        _sc_scatter_body,
        out_type=jax.ShapeDtypeStruct((_NTILES, (K + 1) * 32), jnp.float32),
        mesh=plsc.VectorSubcoreMesh(core_axis_name="c", subcore_axis_name="s",
                                    num_cores=2, num_subcores=16),
        scratch_types=[
            pltpu.VMEM((_CHUNK,), jnp.int32),
            pltpu.VMEM((32, _CHUNK), jnp.float32),
            pltpu.VMEM(((K + 1) * 32,), jnp.float32),
        ],
        compiler_params=pltpu.CompilerParams(needs_layout_passes=False),
    )(idx, vat, zero)


def _combine_kernel(q_ref, e_ref, otv_ref, o_ref):
    otv_aug = otv_ref[0, 0:K, 0:D + 1]
    for t in range(1, _NTILES):
        otv_aug = otv_aug + otv_ref[t, 0:K, 0:D + 1]
    p = jnp.exp(_dot(q_ref[...], jnp.transpose(e_ref[...])))
    num_aug = _dot(p, otv_aug)
    o_ref[...] = num_aug[:, :D] / (num_aug[:, D:D + 1] + EPS)


def kernel(qkv, embedding_weight):
    B, C, H, W = qkv.shape
    nh = B * C // (3 * D)
    n = nh * H * W
    x = jnp.reshape(qkv.astype(jnp.float32), (nh, 3 * D, H * W))
    e = embedding_weight.astype(jnp.float32)

    idx, q, vat = pl.pallas_call(
        _assign_kernel,
        out_shape=[
            jax.ShapeDtypeStruct((1, _NPAD), jnp.int32),
            jax.ShapeDtypeStruct((n, D), jnp.float32),
            jax.ShapeDtypeStruct((32, _NPAD), jnp.float32),
        ],
        scratch_shapes=[pltpu.VMEM((D + 1, n), jnp.float32)],
    )(x, e)

    otv13 = _sc_scatter(jnp.reshape(idx, (_NPAD,)), vat,
                        jnp.zeros(((K + 1) * 32,), jnp.float32))
    otv13 = jnp.reshape(otv13, (_NTILES, K + 1, 32))

    out = pl.pallas_call(
        _combine_kernel,
        out_shape=jax.ShapeDtypeStruct((n, D), jnp.float32),
    )(q, e, otv13)
    return jnp.reshape(out, (B, -1, H, W))

# --- scband reference (transcript-rebuilt; emitter-appended) ---
"""Pipeline reference for scband-vqembedding-11407433138594 (READ-ONLY COPY).

The authoritative reference and input builder live on the scoring server;
editing this copy changes nothing except your own understanding.
"""

import jax, jax.numpy as jnp
import numpy as np

K = 512
D = 16
EPS = 1e-15


def setup_inputs(seed: int = 0) -> dict:
    key = jax.random.key(seed)
    k1, k2 = jax.random.split(key)
    qkv = jax.random.normal(k1, (2, 384, 14, 14), dtype=jnp.float32)
    embedding_weight = jax.random.normal(k2, (K, D), dtype=jnp.float32)
    return {"qkv": qkv, "embedding_weight": embedding_weight}


def _vq(x, codebook):
    # x: (N, D), codebook: (K, D) -> indices (N,) via nearest L2
    distances = ((x[:, None, :] - codebook[None, :, :]) ** 2).sum(-1)
    indices = jnp.argmin(distances, axis=-1)
    return indices  # int indices: gradient naturally cut (matches .detach())


def reference(qkv, embedding_weight):
    B, C, H, W = qkv.shape
    qkv = qkv.astype(jnp.float32)
    qkv = jnp.reshape(qkv, (B, -1, 3 * D, H * W))
    qkv = jnp.swapaxes(qkv, -1, -2)  # (B, heads, H*W, 3*D)
    q = qkv[..., 0:D]
    k = qkv[..., D:2 * D]
    v = qkv[..., 2 * D:]
    k_res = k.reshape(-1, 16)
    indices = _vq(k_res, embedding_weight)
    one_hot = jax.nn.one_hot(indices, embedding_weight.shape[0], dtype=k_res.dtype)
    q_res = q.reshape(-1, 16)
    v_res = v.reshape(-1, 16)
    QC_t = jnp.matmul(q_res, embedding_weight.T)          # (N, K)
    O_tV = jnp.matmul(one_hot.T, v_res)                   # (K, D) scatter-add style
    numerator = jnp.matmul(jnp.exp(QC_t), O_tV)           # (N, D)
    denominator = jnp.matmul(jnp.exp(QC_t), one_hot.T)    # (N, N)
    ones_matrix = jnp.ones((denominator.shape[0], 1), dtype=denominator.dtype)
    denominator = jnp.matmul(denominator, ones_matrix).squeeze()
    denominator = denominator + EPS
    result = numerator / denominator[:, None]
    result = jnp.reshape(result, (B, -1, H, W))
    return result

if __name__ == "__main__":
    import jax
    _d = setup_inputs()
    print(jax.jit(kernel)(*tuple(_d.values())))

</pallas_src>

<mosaic_0001>
#map = affine_map<(d0, d1) -> (0)>
#map1 = affine_map<(d0, d1) -> (0, 0)>
module attributes {stable_mosaic.version = 14 : i64} {
  func.func @_sc_scatter_body(%arg0: i32, %arg1: i32, %arg2: memref<3328xi32, #tpu.memory_space<hbm>>, %arg3: memref<32x3328xf32, #tpu.memory_space<hbm>>, %arg4: memref<16416xf32, #tpu.memory_space<hbm>>, %arg5: memref<13x16416xf32, #tpu.memory_space<hbm>>, %arg6: memref<256xi32, #tpu.memory_space<vmem>>, %arg7: memref<32x256xf32, #tpu.memory_space<vmem>>, %arg8: memref<16416xf32, #tpu.memory_space<vmem>>) attributes {dimension_semantics = [#tpu.dimension_semantics<core_parallel>, #tpu.dimension_semantics<subcore_parallel>], iteration_bounds = array<i64: 2, 16>, scalar_prefetch = 0 : i64, scratch_operands = 3 : i64, tpu.core_type = #tpu.core_type<sc_vector_subcore>, window_params = [{transform_indices = #map}, {transform_indices = #map1}, {transform_indices = #map}, {transform_indices = #map1}]} {
    %mul3A = arith.constant 2 : i32
    %mul3A_0 = arith.muli %arg1, %mul3A : i32
    %add3A = arith.addi %mul3A_0, %arg0 : i32
    %lt3A = arith.constant 13 : i32
    %lt3A_1 = arith.cmpi slt, %add3A, %lt3A : i32
    %convert_element_type3A = arith.extui %lt3A_1 : i1 to i32
    %cond3A = arith.constant 0 : i32
    %cond3A_2 = arith.cmpi ne, %convert_element_type3A, %cond3A : i32
    scf.if %cond3A_2 {
      %mul3A_3 = arith.constant 256 : i32
      %mul3A_4 = arith.muli %add3A, %mul3A_3 : i32
      "tpu.region"() ({
        %run_scoped3A = tpu.sem_alloc : memref<!tpu.dma_semaphore, #tpu.memory_space<semaphore_mem>>
        %dma_start3A = tpu.memref_slice %arg2[%mul3A_4] : memref<3328xi32, #tpu.memory_space<hbm>> -> memref<256xi32, #tpu.memory_space<hbm>>
        %dma_start3A_3667 = tpu.memref_slice %arg2[%mul3A_4] : memref<3328xi32, #tpu.memory_space<hbm>> -> memref<256xi32, #tpu.memory_space<hbm>>
        tpu.enqueue_dma source(%dma_start3A_3667 : memref<256xi32, #tpu.memory_space<hbm>>) target(%arg6 : memref<256xi32, #tpu.memory_space<vmem>>) target_semaphore(%run_scoped3A : memref<!tpu.dma_semaphore, #tpu.memory_space<semaphore_mem>>)
        %dma_wait3A = tpu.memref_slice %arg2[%mul3A_4] : memref<3328xi32, #tpu.memory_space<hbm>> -> memref<256xi32, #tpu.memory_space<hbm>>
        %dma_wait3A_3668 = tpu.memref_slice %arg2[%mul3A_4] : memref<3328xi32, #tpu.memory_space<hbm>> -> memref<256xi32, #tpu.memory_space<hbm>>
        tpu.wait_dma2 semaphore(%run_scoped3A : memref<!tpu.dma_semaphore, #tpu.memory_space<semaphore_mem>>) src(%dma_wait3A_3668 : memref<256xi32, #tpu.memory_space<hbm>>) dst(%arg6 : memref<256xi32, #tpu.memory_space<vmem>>)
        tpu.yield
      }) : () -> ()
      "tpu.region"() ({
        %run_scoped3A = tpu.sem_alloc : memref<!tpu.dma_semaphore, #tpu.memory_space<semaphore_mem>>
        %dma_start3A = arith.constant 0 : i32
        %dma_start3A_3667 = tpu.memref_slice %arg3[%dma_start3A, %mul3A_4] : memref<32x3328xf32, #tpu.memory_space<hbm>> -> memref<32x256xf32, #tpu.memory_space<hbm>>
        %dma_start3A_3668 = arith.constant 0 : i32
        %dma_start3A_3669 = tpu.memref_slice %arg3[%dma_start3A_3668, %mul3A_4] : memref<32x3328xf32, #tpu.memory_space<hbm>> -> memref<32x256xf32, #tpu.memory_space<hbm>>
        tpu.enqueue_dma source(%dma_start3A_3669 : memref<32x256xf32, #tpu.memory_space<hbm>>) target(%arg7 : memref<32x256xf32, #tpu.memory_space<vmem>>) target_semaphore(%run_scoped3A : memref<!tpu.dma_semaphore, #tpu.memory_space<semaphore_mem>>)
        %dma_wait3A = arith.constant 0 : i32
        %dma_wait3A_3670 = tpu.memref_slice %arg3[%dma_wait3A, %mul3A_4] : memref<32x3328xf32, #tpu.memory_space<hbm>> -> memref<32x256xf32, #tpu.memory_space<hbm>>
        %dma_wait3A_3671 = arith.constant 0 : i32
        %dma_wait3A_3672 = tpu.memref_slice %arg3[%dma_wait3A_3671, %mul3A_4] : memref<32x3328xf32, #tpu.memory_space<hbm>> -> memref<32x256xf32, #tpu.memory_space<hbm>>
        tpu.wait_dma2 semaphore(%run_scoped3A : memref<!tpu.dma_semaphore, #tpu.memory_space<semaphore_mem>>) src(%dma_wait3A_3672 : memref<32x256xf32, #tpu.memory_space<hbm>>) dst(%arg7 : memref<32x256xf32, #tpu.memory_space<vmem>>)
        tpu.yield
      }) : () -> ()
      "tpu.region"() ({
        %run_scoped3A = tpu.sem_alloc : memref<!tpu.dma_semaphore, #tpu.memory_space<semaphore_mem>>
        tpu.enqueue_dma source(%arg4 : memref<16416xf32, #tpu.memory_space<hbm>>) target(%arg8 : memref<16416xf32, #tpu.memory_space<vmem>>) target_semaphore(%run_scoped3A : memref<!tpu.dma_semaphore, #tpu.memory_space<semaphore_mem>>)
        tpu.wait_dma2 semaphore(%run_scoped3A : memref<!tpu.dma_semaphore, #tpu.memory_space<semaphore_mem>>) src(%arg4 : memref<16416xf32, #tpu.memory_space<hbm>>) dst(%arg8 : memref<16416xf32, #tpu.memory_space<vmem>>)
        tpu.yield
      }) : () -> ()
      %get3A = arith.constant 0 : index
      %get3A_5 = tpu.vector_load %arg6[%get3A] {strides = array<i32>} : memref<256xi32, #tpu.memory_space<vmem>>, vector<16xi32>,
      %mul3A_6 = arith.constant 32 : i32
      %mul3A_7 = vector.broadcast %mul3A_6 : i32 to vector<16xi32>
      %mul3A_8 = arith.muli %get3A_5, %mul3A_7 : vector<16xi32>
      %get3A_9 = arith.constant 0 : i32
      %get3A_10 = arith.index_cast %get3A_9 : i32 to index
      %get3A_11 = arith.constant 0 : index
      %get3A_12 = tpu.vector_load %arg7[%get3A_10, %get3A_11] {strides = array<i32>} : memref<32x256xf32, #tpu.memory_space<vmem>>, vector<16xf32>,
      %broadcast_in_dim3A = arith.constant 0 : i32
      %broadcast_in_dim3A_13 = vector.broadcast %broadcast_in_dim3A : i32 to vector<16xi32>
      %add3A_14 = arith.addi %mul3A_8, %broadcast_in_dim3A_13 : vector<16xi32>
      tpu.vector_store_idx %arg8[%add3A_14], %get3A_12 {add = true} : memref<16416xf32, #tpu.memory_space<vmem>>[vector<16xi32>], vector<16xf32>,
      %get3A_15 = arith.constant 1 : i32
      %get3A_16 = arith.index_cast %get3A_15 : i32 to index
      %get3A_17 = arith.constant 0 : index
      %get3A_18 = tpu.vector_load %arg7[%get3A_16, %get3A_17] {strides = array<i32>} : memref<32x256xf32, #tpu.memory_space<vmem>>, vector<16xf32>,
      %broadcast_in_dim3A_19 = arith.constant 1 : i32
      %broadcast_in_dim3A_20 = vector.broadcast %broadcast_in_dim3A_19 : i32 to vector<16xi32>
      %add3A_21 = arith.addi %mul3A_8, %broadcast_in_dim3A_20 : vector<16xi32>
      tpu.vector_store_idx %arg8[%add3A_21], %get3A_18 {add = true} : memref<16416xf32, #tpu.memory_space<vmem>>[vector<16xi32>], vector<16xf32>,
      %get3A_22 = arith.constant 2 : i32
      %get3A_23 = arith.index_cast %get3A_22 : i32 to index
      %get3A_24 = arith.constant 0 : index
      %get3A_25 = tpu.vector_load %arg7[%get3A_23, %get3A_24] {strides = array<i32>} : memref<32x256xf32, #tpu.memory_space<vmem>>, vector<16xf32>,
      %broadcast_in_dim3A_26 = arith.constant 2 : i32
      %broadcast_in_dim3A_27 = vector.broadcast %broadcast_in_dim3A_26 : i32 to vector<16xi32>
      %add3A_28 = arith.addi %mul3A_8, %broadcast_in_dim3A_27 : vector<16xi32>
      tpu.vector_store_idx %arg8[%add3A_28], %get3A_25 {add = true} : memref<16416xf32, #tpu.memory_space<vmem>>[vector<16xi32>], vector<16xf32>,
      %get3A_29 = arith.constant 3 : i32
      %get3A_30 = arith.index_cast %get3A_29 : i32 to index
      %get3A_31 = arith.constant 0 : index
      %get3A_32 = tpu.vector_load %arg7[%get3A_30, %get3A_31] {strides = array<i32>} : memref<32x256xf32, #tpu.memory_space<vmem>>, vector<16xf32>,
      %broadcast_in_dim3A_33 = arith.constant 3 : i32
      %broadcast_in_dim3A_34 = vector.broadcast %broadcast_in_dim3A_33 : i32 to vector<16xi32>
      %add3A_35 = arith.addi %mul3A_8, %broadcast_in_dim3A_34 : vector<16xi32>
      tpu.vector_store_idx %arg8[%add3A_35], %get3A_32 {add = true} : memref<16416xf32, #tpu.memory_space<vmem>>[vector<16xi32>], vector<16xf32>,
      %get3A_36 = arith.constant 4 : i32
      %get3A_37 = arith.index_cast %get3A_36 : i32 to index
      %get3A_38 = arith.constant 0 : index
      %get3A_39 = tpu.vector_load %arg7[%get3A_37, %get3A_38] {strides = array<i32>} : memref<32x256xf32, #tpu.memory_space<vmem>>, vector<16xf32>,
      %broadcast_in_dim3A_40 = arith.constant 4 : i32
      %broadcast_in_dim3A_41 = vector.broadcast %broadcast_in_dim3A_40 : i32 to vector<16xi32>
      %add3A_42 = arith.addi %mul3A_8, %broadcast_in_dim3A_41 : vector<16xi32>
      tpu.vector_store_idx %arg8[%add3A_42], %get3A_39 {add = true} : memref<16416xf32, #tpu.memory_space<vmem>>[vector<16xi32>], vector<16xf32>,
      %get3A_43 = arith.constant 5 : i32
      %get3A_44 = arith.index_cast %get3A_43 : i32 to index
      %get3A_45 = arith.constant 0 : index
      %get3A_46 = tpu.vector_load %arg7[%get3A_44, %get3A_45] {strides = array<i32>} : memref<32x256xf32, #tpu.memory_space<vmem>>, vector<16xf32>,
      %broadcast_in_dim3A_47 = arith.constant 5 : i32
      %broadcast_in_dim3A_48 = vector.broadcast %broadcast_in_dim3A_47 : i32 to vector<16xi32>
      %add3A_49 = arith.addi %mul3A_8, %broadcast_in_dim3A_48 : vector<16xi32>
      tpu.vector_store_idx %arg8[%add3A_49], %get3A_46 {add = true} : memref<16416xf32, #tpu.memory_space<vmem>>[vector<16xi32>], vector<16xf32>,
      %get3A_50 = arith.constant 6 : i32
      %get3A_51 = arith.index_cast %get3A_50 : i32 to index
      %get3A_52 = arith.constant 0 : index
      %get3A_53 = tpu.vector_load %arg7[%get3A_51, %get3A_52] {strides = array<i32>} : memref<32x256xf32, #tpu.memory_space<vmem>>, vector<16xf32>,
      %broadcast_in_dim3A_54 = arith.constant 6 : i32
      %broadcast_in_dim3A_55 = vector.broadcast %broadcast_in_dim3A_54 : i32 to vector<16xi32>
      %add3A_56 = arith.addi %mul3A_8, %broadcast_in_dim3A_55 : vector<16xi32>
      tpu.vector_store_idx %arg8[%add3A_56], %get3A_53 {add = true} : memref<16416xf32, #tpu.memory_space<vmem>>[vector<16xi32>], vector<16xf32>,
      %get3A_57 = arith.constant 7 : i32
      %get3A_58 = arith.index_cast %get3A_57 : i32 to index
      %get3A_59 = arith.constant 0 : index
      %get3A_60 = tpu.vector_load %arg7[%get3A_58, %get3A_59] {strides = array<i32>} : memref<32x256xf32, #tpu.memory_space<vmem>>, vector<16xf32>,
      %broadcast_in_dim3A_61 = arith.constant 7 : i32
      %broadcast_in_dim3A_62 = vector.broadcast %broadcast_in_dim3A_61 : i32 to vector<16xi32>
      %add3A_63 = arith.addi %mul3A_8, %broadcast_in_dim3A_62 : vector<16xi32>
      tpu.vector_store_idx %arg8[%add3A_63], %get3A_60 {add = true} : memref<16416xf32, #tpu.memory_space<vmem>>[vector<16xi32>], vector<16xf32>,
      %get3A_64 = arith.constant 8 : i32
      %get3A_65 = arith.index_cast %get3A_64 : i32 to index
      %get3A_66 = arith.constant 0 : index
      %get3A_67 = tpu.vector_load %arg7[%get3A_65, %get3A_66] {strides = array<i32>} : memref<32x256xf32, #tpu.memory_space<vmem>>, vector<16xf32>,
      %broadcast_in_dim3A_68 = arith.constant 8 : i32
      %broadcast_in_dim3A_69 = vector.broadcast %broadcast_in_dim3A_68 : i32 to vector<16xi32>
      %add3A_70 = arith.addi %mul3A_8, %broadcast_in_dim3A_69 : vector<16xi32>
      tpu.vector_store_idx %arg8[%add3A_70], %get3A_67 {add = true} : memref<16416xf32, #tpu.memory_space<vmem>>[vector<16xi32>], vector<16xf32>,
      %get3A_71 = arith.constant 9 : i32
      %get3A_72 = arith.index_cast %get3A_71 : i32 to index
      %get3A_73 = arith.constant 0 : index
      %get3A_74 = tpu.vector_load %arg7[%get3A_72, %get3A_73] {strides = array<i32>} : memref<32x256xf32, #tpu.memory_space<vmem>>, vector<16xf32>,
      %broadcast_in_dim3A_75 = arith.constant 9 : i32
      %broadcast_in_dim3A_76 = vector.broadcast %broadcast_in_dim3A_75 : i32 to vector<16xi32>
      %add3A_77 = arith.addi %mul3A_8, %broadcast_in_dim3A_76 : vector<16xi32>
      tpu.vector_store_idx %arg8[%add3A_77], %get3A_74 {add = true} : memref<16416xf32, #tpu.memory_space<vmem>>[vector<16xi32>], vector<16xf32>,
      %get3A_78 = arith.constant 10 : i32
      %get3A_79 = arith.index_cast %get3A_78 : i32 to index
      %get3A_80 = arith.constant 0 : index
      %get3A_81 = tpu.vector_load %arg7[%get3A_79, %get3A_80] {strides = array<i32>} : memref<32x256xf32, #tpu.memory_space<vmem>>, vector<16xf32>,
      %broadcast_in_dim3A_82 = arith.constant 10 : i32
      %broadcast_in_dim3A_83 = vector.broadcast %broadcast_in_dim3A_82 : i32 to vector<16xi32>
      %add3A_84 = arith.addi %mul3A_8, %broadcast_in_dim3A_83 : vector<16xi32>
      tpu.vector_store_idx %arg8[%add3A_84], %get3A_81 {add = true} : memref<16416xf32, #tpu.memory_space<vmem>>[vector<16xi32>], vector<16xf32>,
      %get3A_85 = arith.constant 11 : i32
      %get3A_86 = arith.index_cast %get3A_85 : i32 to index
      %get3A_87 = arith.constant 0 : index
      %get3A_88 = tpu.vector_load %arg7[%get3A_86, %get3A_87] {strides = array<i32>} : memref<32x256xf32, #tpu.memory_space<vmem>>, vector<16xf32>,
      %broadcast_in_dim3A_89 = arith.constant 11 : i32
      %broadcast_in_dim3A_90 = vector.broadcast %broadcast_in_dim3A_89 : i32 to vector<16xi32>
      %add3A_91 = arith.addi %mul3A_8, %broadcast_in_dim3A_90 : vector<16xi32>
      tpu.vector_store_idx %arg8[%add3A_91], %get3A_88 {add = true} : memref<16416xf32, #tpu.memory_space<vmem>>[vector<16xi32>], vector<16xf32>,
      %get3A_92 = arith.constant 12 : i32
      %get3A_93 = arith.index_cast %get3A_92 : i32 to index
      %get3A_94 = arith.constant 0 : index
      %get3A_95 = tpu.vector_load %arg7[%get3A_93, %get3A_94] {strides = array<i32>} : memref<32x256xf32, #tpu.memory_space<vmem>>, vector<16xf32>,
      %broadcast_in_dim3A_96 = arith.constant 12 : i32
      %broadcast_in_dim3A_97 = vector.broadcast %broadcast_in_dim3A_96 : i32 to vector<16xi32>
      %add3A_98 = arith.addi %mul3A_8, %broadcast_in_dim3A_97 : vector<16xi32>
      tpu.vector_store_idx %arg8[%add3A_98], %get3A_95 {add = true} : memref<16416xf32, #tpu.memory_space<vmem>>[vector<16xi32>], vector<16xf32>,
      %get3A_99 = arith.constant 13 : i32
      %get3A_100 = arith.index_cast %get3A_99 : i32 to index
      %get3A_101 = arith.constant 0 : index
      %get3A_102 = tpu.vector_load %arg7[%get3A_100, %get3A_101] {strides = array<i32>} : memref<32x256xf32, #tpu.memory_space<vmem>>, vector<16xf32>,
      %broadcast_in_dim3A_103 = arith.constant 13 : i32
      %broadcast_in_dim3A_104 = vector.broadcast %broadcast_in_dim3A_103 : i32 to vector<16xi32>
      %add3A_105 = arith.addi %mul3A_8, %broadcast_in_dim3A_104 : vector<16xi32>
      tpu.vector_store_idx %arg8[%add3A_105], %get3A_102 {add = true} : memref<16416xf32, #tpu.memory_space<vmem>>[vector<16xi32>], vector<16xf32>,
      %get3A_106 = arith.constant 14 : i32
      %get3A_107 = arith.index_cast %get3A_106 : i32 to index
      %get3A_108 = arith.constant 0 : index
      %get3A_109 = tpu.vector_load %arg7[%get3A_107, %get3A_108] {strides = array<i32>} : memref<32x256xf32, #tpu.memory_space<vmem>>, vector<16xf32>,
      %broadcast_in_dim3A_110 = arith.constant 14 : i32
      %broadcast_in_dim3A_111 = vector.broadcast %broadcast_in_dim3A_110 : i32 to vector<16xi32>
      %add3A_112 = arith.addi %mul3A_8, %broadcast_in_dim3A_111 : vector<16xi32>
      tpu.vector_store_idx %arg8[%add3A_112], %get3A_109 {add = true} : memref<16416xf32, #tpu.memory_space<vmem>>[vector<16xi32>], vector<16xf32>,
      %get3A_113 = arith.constant 15 : i32
      %get3A_114 = arith.index_cast %get3A_113 : i32 to index
      %get3A_115 = arith.constant 0 : index
      %get3A_116 = tpu.vector_load %arg7[%get3A_114, %get3A_115] {strides = array<i32>} : memref<32x256xf32, #tpu.memory_space<vmem>>, vector<16xf32>,
      %broadcast_in_dim3A_117 = arith.constant 15 : i32
      %broadcast_in_dim3A_118 = vector.broadcast %broadcast_in_dim3A_117 : i32 to vector<16xi32>
      %add3A_119 = arith.addi %mul3A_8, %broadcast_in_dim3A_118 : vector<16xi32>
      tpu.vector_store_idx %arg8[%add3A_119], %get3A_116 {add = true} : memref<16416xf32, #tpu.memory_space<vmem>>[vector<16xi32>], vector<16xf32>,
      %get3A_120 = arith.constant 16 : i32
      %get3A_121 = arith.index_cast %get3A_120 : i32 to index
      %get3A_122 = arith.constant 0 : index
      %get3A_123 = tpu.vector_load %arg7[%get3A_121, %get3A_122] {strides = array<i32>} : memref<32x256xf32, #tpu.memory_space<vmem>>, vector<16xf32>,
      %broadcast_in_dim3A_124 = arith.constant 16 : i32
      %broadcast_in_dim3A_125 = vector.broadcast %broadcast_in_dim3A_124 : i32 to vector<16xi32>
      %add3A_126 = arith.addi %mul3A_8, %broadcast_in_dim3A_125 : vector<16xi32>
      tpu.vector_store_idx %arg8[%add3A_126], %get3A_123 {add = true} : memref<16416xf32, #tpu.memory_space<vmem>>[vector<16xi32>], vector<16xf32>,
      %get3A_127 = arith.constant 17 : i32
      %get3A_128 = arith.index_cast %get3A_127 : i32 to index
      %get3A_129 = arith.constant 0 : index
      %get3A_130 = tpu.vector_load %arg7[%get3A_128, %get3A_129] {strides = array<i32>} : memref<32x256xf32, #tpu.memory_space<vmem>>, vector<16xf32>,
      %broadcast_in_dim3A_131 = arith.constant 17 : i32
      %broadcast_in_dim3A_132 = vector.broadcast %broadcast_in_dim3A_131 : i32 to vector<16xi32>
      %add3A_133 = arith.addi %mul3A_8, %broadcast_in_dim3A_132 : vector<16xi32>
      tpu.vector_store_idx %arg8[%add3A_133], %get3A_130 {add = true} : memref<16416xf32, #tpu.memory_space<vmem>>[vector<16xi32>], vector<16xf32>,
      %get3A_134 = arith.constant 18 : i32
      %get3A_135 = arith.index_cast %get3A_134 : i32 to index
      %get3A_136 = arith.constant 0 : index
      %get3A_137 = tpu.vector_load %arg7[%get3A_135, %get3A_136] {strides = array<i32>} : memref<32x256xf32, #tpu.memory_space<vmem>>, vector<16xf32>,
      %broadcast_in_dim3A_138 = arith.constant 18 : i32
      %broadcast_in_dim3A_139 = vector.broadcast %broadcast_in_dim3A_138 : i32 to vector<16xi32>
      %add3A_140 = arith.addi %mul3A_8, %broadcast_in_dim3A_139 : vector<16xi32>
      tpu.vector_store_idx %arg8[%add3A_140], %get3A_137 {add = true} : memref<16416xf32, #tpu.memory_space<vmem>>[vector<16xi32>], vector<16xf32>,
      %get3A_141 = arith.constant 19 : i32
      %get3A_142 = arith.index_cast %get3A_141 : i32 to index
      %get3A_143 = arith.constant 0 : index
      %get3A_144 = tpu.vector_load %arg7[%get3A_142, %get3A_143] {strides = array<i32>} : memref<32x256xf32, #tpu.memory_space<vmem>>, vector<16xf32>,
      %broadcast_in_dim3A_145 = arith.constant 19 : i32
      %broadcast_in_dim3A_146 = vector.broadcast %broadcast_in_dim3A_145 : i32 to vector<16xi32>
      %add3A_147 = arith.addi %mul3A_8, %broadcast_in_dim3A_146 : vector<16xi32>
      tpu.vector_store_idx %arg8[%add3A_147], %get3A_144 {add = true} : memref<16416xf32, #tpu.memory_space<vmem>>[vector<16xi32>], vector<16xf32>,
      %get3A_148 = arith.constant 20 : i32
      %get3A_149 = arith.index_cast %get3A_148 : i32 to index
      %get3A_150 = arith.constant 0 : index
      %get3A_151 = tpu.vector_load %arg7[%get3A_149, %get3A_150] {strides = array<i32>} : memref<32x256xf32, #tpu.memory_space<vmem>>, vector<16xf32>,
      %broadcast_in_dim3A_152 = arith.constant 20 : i32
      %broadcast_in_dim3A_153 = vector.broadcast %broadcast_in_dim3A_152 : i32 to vector<16xi32>
      %add3A_154 = arith.addi %mul3A_8, %broadcast_in_dim3A_153 : vector<16xi32>
      tpu.vector_store_idx %arg8[%add3A_154], %get3A_151 {add = true} : memref<16416xf32, #tpu.memory_space<vmem>>[vector<16xi32>], vector<16xf32>,
      %get3A_155 = arith.constant 21 : i32
      %get3A_156 = arith.index_cast %get3A_155 : i32 to index
      %get3A_157 = arith.constant 0 : index
      %get3A_158 = tpu.vector_load %arg7[%get3A_156, %get3A_157] {strides = array<i32>} : memref<32x256xf32, #tpu.memory_space<vmem>>, vector<16xf32>,
      %broadcast_in_dim3A_159 = arith.constant 21 : i32
      %broadcast_in_dim3A_160 = vector.broadcast %broadcast_in_dim3A_159 : i32 to vector<16xi32>
      %add3A_161 = arith.addi %mul3A_8, %broadcast_in_dim3A_160 : vector<16xi32>
      tpu.vector_store_idx %arg8[%add3A_161], %get3A_158 {add = true} : memref<16416xf32, #tpu.memory_space<vmem>>[vector<16xi32>], vector<16xf32>,
      %get3A_162 = arith.constant 22 : i32
      %get3A_163 = arith.index_cast %get3A_162 : i32 to index
      %get3A_164 = arith.constant 0 : index
      %get3A_165 = tpu.vector_load %arg7[%get3A_163, %get3A_164] {strides = array<i32>} : memref<32x256xf32, #tpu.memory_space<vmem>>, vector<16xf32>,
      %broadcast_in_dim3A_166 = arith.constant 22 : i32
      %broadcast_in_dim3A_167 = vector.broadcast %broadcast_in_dim3A_166 : i32 to vector<16xi32>
      %add3A_168 = arith.addi %mul3A_8, %broadcast_in_dim3A_167 : vector<16xi32>
      tpu.vector_store_idx %arg8[%add3A_168], %get3A_165 {add = true} : memref<16416xf32, #tpu.memory_space<vmem>>[vector<16xi32>], vector<16xf32>,
      %get3A_169 = arith.constant 23 : i32
      %get3A_170 = arith.index_cast %get3A_169 : i32 to index
      %get3A_171 = arith.constant 0 : index
      %get3A_172 = tpu.vector_load %arg7[%get3A_170, %get3A_171] {strides = array<i32>} : memref<32x256xf32, #tpu.memory_space<vmem>>, vector<16xf32>,
      %broadcast_in_dim3A_173 = arith.constant 23 : i32
      %broadcast_in_dim3A_174 = vector.broadcast %broadcast_in_dim3A_173 : i32 to vector<16xi32>
      %add3A_175 = arith.addi %mul3A_8, %broadcast_in_dim3A_174 : vector<16xi32>
      tpu.vector_store_idx %arg8[%add3A_175], %get3A_172 {add = true} : memref<16416xf32, #tpu.memory_space<vmem>>[vector<16xi32>], vector<16xf32>,
      %get3A_176 = arith.constant 24 : i32
      %get3A_177 = arith.index_cast %get3A_176 : i32 to index
      %get3A_178 = arith.constant 0 : index
      %get3A_179 = tpu.vector_load %arg7[%get3A_177, %get3A_178] {strides = array<i32>} : memref<32x256xf32, #tpu.memory_space<vmem>>, vector<16xf32>,
      %broadcast_in_dim3A_180 = arith.constant 24 : i32
      %broadcast_in_dim3A_181 = vector.broadcast %broadcast_in_dim3A_180 : i32 to vector<16xi32>
      %add3A_182 = arith.addi %mul3A_8, %broadcast_in_dim3A_181 : vector<16xi32>
      tpu.vector_store_idx %arg8[%add3A_182], %get3A_179 {add = true} : memref<16416xf32, #tpu.memory_space<vmem>>[vector<16xi32>], vector<16xf32>,
      %get3A_183 = arith.constant 25 : i32
      %get3A_184 = arith.index_cast %get3A_183 : i32 to index
      %get3A_185 = arith.constant 0 : index
      %get3A_186 = tpu.vector_load %arg7[%get3A_184, %get3A_185] {strides = array<i32>} : memref<32x256xf32, #tpu.memory_space<vmem>>, vector<16xf32>,
      %broadcast_in_dim3A_187 = arith.constant 25 : i32
      %broadcast_in_dim3A_188 = vector.broadcast %broadcast_in_dim3A_187 : i32 to vector<16xi32>
      %add3A_189 = arith.addi %mul3A_8, %broadcast_in_dim3A_188 : vector<16xi32>
      tpu.vector_store_idx %arg8[%add3A_189], %get3A_186 {add = true} : memref<16416xf32, #tpu.memory_space<vmem>>[vector<16xi32>], vector<16xf32>,
      %get3A_190 = arith.constant 26 : i32
      %get3A_191 = arith.index_cast %get3A_190 : i32 to index
      %get3A_192 = arith.constant 0 : index
      %get3A_193 = tpu.vector_load %arg7[%get3A_191, %get3A_192] {strides = array<i32>} : memref<32x256xf32, #tpu.memory_space<vmem>>, vector<16xf32>,
      %broadcast_in_dim3A_194 = arith.constant 26 : i32
      %broadcast_in_dim3A_195 = vector.broadcast %broadcast_in_dim3A_194 : i32 to vector<16xi32>
      %add3A_196 = arith.addi %mul3A_8, %broadcast_in_dim3A_195 : vector<16xi32>
      tpu.vector_store_idx %arg8[%add3A_196], %get3A_193 {add = true} : memref<16416xf32, #tpu.memory_space<vmem>>[vector<16xi32>], vector<16xf32>,
      %get3A_197 = arith.constant 27 : i32
      %get3A_198 = arith.index_cast %get3A_197 : i32 to index
      %get3A_199 = arith.constant 0 : index
      %get3A_200 = tpu.vector_load %arg7[%get3A_198, %get3A_199] {strides = array<i32>} : memref<32x256xf32, #tpu.memory_space<vmem>>, vector<16xf32>,
      %broadcast_in_dim3A_201 = arith.constant 27 : i32
      %broadcast_in_dim3A_202 = vector.broadcast %broadcast_in_dim3A_201 : i32 to vector<16xi32>
      %add3A_203 = arith.addi %mul3A_8, %broadcast_in_dim3A_202 : vector<16xi32>
      tpu.vector_store_idx %arg8[%add3A_203], %get3A_200 {add = true} : memref<16416xf32, #tpu.memory_space<vmem>>[vector<16xi32>], vector<16xf32>,
      %get3A_204 = arith.constant 28 : i32
      %get3A_205 = arith.index_cast %get3A_204 : i32 to index
      %get3A_206 = arith.constant 0 : index
      %get3A_207 = tpu.vector_load %arg7[%get3A_205, %get3A_206] {strides = array<i32>} : memref<32x256xf32, #tpu.memory_space<vmem>>, vector<16xf32>,
      %broadcast_in_dim3A_208 = arith.constant 28 : i32
      %broadcast_in_dim3A_209 = vector.broadcast %broadcast_in_dim3A_208 : i32 to vector<16xi32>
      %add3A_210 = arith.addi %mul3A_8, %broadcast_in_dim3A_209 : vector<16xi32>
      tpu.vector_store_idx %arg8[%add3A_210], %get3A_207 {add = true} : memref<16416xf32, #tpu.memory_space<vmem>>[vector<16xi32>], vector<16xf32>,
      %get3A_211 = arith.constant 29 : i32
      %get3A_212 = arith.index_cast %get3A_211 : i32 to index
      %get3A_213 = arith.constant 0 : index
      %get3A_214 = tpu.vector_load %arg7[%get3A_212, %get3A_213] {strides = array<i32>} : memref<32x256xf32, #tpu.memory_space<vmem>>, vector<16xf32>,
      %broadcast_in_dim3A_215 = arith.constant 29 : i32
      %broadcast_in_dim3A_216 = vector.broadcast %broadcast_in_dim3A_215 : i32 to vector<16xi32>
      %add3A_217 = arith.addi %mul3A_8, %broadcast_in_dim3A_216 : vector<16xi32>
      tpu.vector_store_idx %arg8[%add3A_217], %get3A_214 {add = true} : memref<16416xf32, #tpu.memory_space<vmem>>[vector<16xi32>], vector<16xf32>,
      %get3A_218 = arith.constant 30 : i32
      %get3A_219 = arith.index_cast %get3A_218 : i32 to index
      %get3A_220 = arith.constant 0 : index
      %get3A_221 = tpu.vector_load %arg7[%get3A_219, %get3A_220] {strides = array<i32>} : memref<32x256xf32, #tpu.memory_space<vmem>>, vector<16xf32>,
      %broadcast_in_dim3A_222 = arith.constant 30 : i32
      %broadcast_in_dim3A_223 = vector.broadcast %broadcast_in_dim3A_222 : i32 to vector<16xi32>
      %add3A_224 = arith.addi %mul3A_8, %broadcast_in_dim3A_223 : vector<16xi32>
      tpu.vector_store_idx %arg8[%add3A_224], %get3A_221 {add = true} : memref<16416xf32, #tpu.memory_space<vmem>>[vector<16xi32>], vector<16xf32>,
      %get3A_225 = arith.constant 31 : i32
      %get3A_226 = arith.index_cast %get3A_225 : i32 to index
      %get3A_227 = arith.constant 0 : index
      %get3A_228 = tpu.vector_load %arg7[%get3A_226, %get3A_227] {strides = array<i32>} : memref<32x256xf32, #tpu.memory_space<vmem>>, vector<16xf32>,
      %broadcast_in_dim3A_229 = arith.constant 31 : i32
      %broadcast_in_dim3A_230 = vector.broadcast %broadcast_in_dim3A_229 : i32 to vector<16xi32>
      %add3A_231 = arith.addi %mul3A_8, %broadcast_in_dim3A_230 : vector<16xi32>
      tpu.vector_store_idx %arg8[%add3A_231], %get3A_228 {add = true} : memref<16416xf32, #tpu.memory_space<vmem>>[vector<16xi32>], vector<16xf32>,
      %get3A_232 = arith.constant 16 : index
      %get3A_233 = tpu.vector_load %arg6[%get3A_232] {strides = array<i32>} : memref<256xi32, #tpu.memory_space<vmem>>, vector<16xi32>,
      %mul3A_234 = arith.constant 32 : i32
      %mul3A_235 = vector.broadcast %mul3A_234 : i32 to vector<16xi32>
      %mul3A_236 = arith.muli %get3A_233, %mul3A_235 : vector<16xi32>
      %get3A_237 = arith.constant 0 : i32
      %get3A_238 = arith.index_cast %get3A_237 : i32 to index
      %get3A_239 = arith.constant 16 : index
      %get3A_240 = tpu.vector_load %arg7[%get3A_238, %get3A_239] {strides = array<i32>} : memref<32x256xf32, #tpu.memory_space<vmem>>, vector<16xf32>,
      %broadcast_in_dim3A_241 = arith.constant 0 : i32
      %broadcast_in_dim3A_242 = vector.broadcast %broadcast_in_dim3A_241 : i32 to vector<16xi32>
      %add3A_243 = arith.addi %mul3A_236, %broadcast_in_dim3A_242 : vector<16xi32>
      tpu.vector_store_idx %arg8[%add3A_243], %get3A_240 {add = true} : memref<16416xf32, #tpu.memory_space<vmem>>[vector<16xi32>], vector<16xf32>,
      %get3A_244 = arith.constant 1 : i32
      %get3A_245 = arith.index_cast %get3A_244 : i32 to index
      %get3A_246 = arith.constant 16 : index
      %get3A_247 = tpu.vector_load %arg7[%get3A_245, %get3A_246] {strides = array<i32>} : memref<32x256xf32, #tpu.memory_space<vmem>>, vector<16xf32>,
      %broadcast_in_dim3A_248 = arith.constant 1 : i32
      %broadcast_in_dim3A_249 = vector.broadcast %broadcast_in_dim3A_248 : i32 to vector<16xi32>
      %add3A_250 = arith.addi %mul3A_236, %broadcast_in_dim3A_249 : vector<16xi32>
      tpu.vector_store_idx %arg8[%add3A_250], %get3A_247 {add = true} : memref<16416xf32, #tpu.memory_space<vmem>>[vector<16xi32>], vector<16xf32>,
      %get3A_251 = arith.constant 2 : i32
      %get3A_252 = arith.index_cast %get3A_251 : i32 to index
      %get3A_253 = arith.constant 16 : index
      %get3A_254 = tpu.vector_load %arg7[%get3A_252, %get3A_253] {strides = array<i32>} : memref<32x256xf32, #tpu.memory_space<vmem>>, vector<16xf32>,
      %broadcast_in_dim3A_255 = arith.constant 2 : i32
      %broadcast_in_dim3A_256 = vector.broadcast %broadcast_in_dim3A_255 : i32 to vector<16xi32>
      %add3A_257 = arith.addi %mul3A_236, %broadcast_in_dim3A_256 : vector<16xi32>
      tpu.vector_store_idx %arg8[%add3A_257], %get3A_254 {add = true} : memref<16416xf32, #tpu.memory_space<vmem>>[vector<16xi32>], vector<16xf32>,
      %get3A_258 = arith.constant 3 : i32
      %get3A_259 = arith.index_cast %get3A_258 : i32 to index
      %get3A_260 = arith.constant 16 : index
      %get3A_261 = tpu.vector_load %arg7[%get3A_259, %get3A_260] {strides = array<i32>} : memref<32x256xf32, #tpu.memory_space<vmem>>, vector<16xf32>,
      %broadcast_in_dim3A_262 = arith.constant 3 : i32
      %broadcast_in_dim3A_263 = vector.broadcast %broadcast_in_dim3A_262 : i32 to vector<16xi32>
      %add3A_264 = arith.addi %mul3A_236, %broadcast_in_dim3A_263 : vector<16xi32>
      tpu.vector_store_idx %arg8[%add3A_264], %get3A_261 {add = true} : memref<16416xf32, #tpu.memory_space<vmem>>[vector<16xi32>], vector<16xf32>,
      %get3A_265 = arith.constant 4 : i32
      %get3A_266 = arith.index_cast %get3A_265 : i32 to index
      %get3A_267 = arith.constant 16 : index
      %get3A_268 = tpu.vector_load %arg7[%get3A_266, %get3A_267] {strides = array<i32>} : memref<32x256xf32, #tpu.memory_space<vmem>>, vector<16xf32>,
      %broadcast_in_dim3A_269 = arith.constant 4 : i32
      %broadcast_in_dim3A_270 = vector.broadcast %broadcast_in_dim3A_269 : i32 to vector<16xi32>
      %add3A_271 = arith.addi %mul3A_236, %broadcast_in_dim3A_270 : vector<16xi32>
      tpu.vector_store_idx %arg8[%add3A_271], %get3A_268 {add = true} : memref<16416xf32, #tpu.memory_space<vmem>>[vector<16xi32>], vector<16xf32>,
      %get3A_272 = arith.constant 5 : i32
      %get3A_273 = arith.index_cast %get3A_272 : i32 to index
      %get3A_274 = arith.constant 16 : index
      %get3A_275 = tpu.vector_load %arg7[%get3A_273, %get3A_274] {strides = array<i32>} : memref<32x256xf32, #tpu.memory_space<vmem>>, vector<16xf32>,
      %broadcast_in_dim3A_276 = arith.constant 5 : i32
      %broadcast_in_dim3A_277 = vector.broadcast %broadcast_in_dim3A_276 : i32 to vector<16xi32>
      %add3A_278 = arith.addi %mul3A_236, %broadcast_in_dim3A_277 : vector<16xi32>
      tpu.vector_store_idx %arg8[%add3A_278], %get3A_275 {add = true} : memref<16416xf32, #tpu.memory_space<vmem>>[vector<16xi32>], vector<16xf32>,
      %get3A_279 = arith.constant 6 : i32
      %get3A_280 = arith.index_cast %get3A_279 : i32 to index
      %get3A_281 = arith.constant 16 : index
      %get3A_282 = tpu.vector_load %arg7[%get3A_280, %get3A_281] {strides = array<i32>} : memref<32x256xf32, #tpu.memory_space<vmem>>, vector<16xf32>,
      %broadcast_in_dim3A_283 = arith.constant 6 : i32
      %broadcast_in_dim3A_284 = vector.broadcast %broadcast_in_dim3A_283 : i32 to vector<16xi32>
      %add3A_285 = arith.addi %mul3A_236, %broadcast_in_dim3A_284 : vector<16xi32>
      tpu.vector_store_idx %arg8[%add3A_285], %get3A_282 {add = true} : memref<16416xf32, #tpu.memory_space<vmem>>[vector<16xi32>], vector<16xf32>,
      %get3A_286 = arith.constant 7 : i32
      %get3A_287 = arith.index_cast %get3A_286 : i32 to index
      %get3A_288 = arith.constant 16 : index
      %get3A_289 = tpu.vector_load %arg7[%get3A_287, %get3A_288] {strides = array<i32>} : memref<32x256xf32, #tpu.memory_space<vmem>>, vector<16xf32>,
      %broadcast_in_dim3A_290 = arith.constant 7 : i32
      %broadcast_in_dim3A_291 = vector.broadcast %broadcast_in_dim3A_290 : i32 to vector<16xi32>
      %add3A_292 = arith.addi %mul3A_236, %broadcast_in_dim3A_291 : vector<16xi32>
      tpu.vector_store_idx %arg8[%add3A_292], %get3A_289 {add = true} : memref<16416xf32, #tpu.memory_space<vmem>>[vector<16xi32>], vector<16xf32>,
      %get3A_293 = arith.constant 8 : i32
      %get3A_294 = arith.index_cast %get3A_293 : i32 to index
      %get3A_295 = arith.constant 16 : index
      %get3A_296 = tpu.vector_load %arg7[%get3A_294, %get3A_295] {strides = array<i32>} : memref<32x256xf32, #tpu.memory_space<vmem>>, vector<16xf32>,
      %broadcast_in_dim3A_297 = arith.constant 8 : i32
      %broadcast_in_dim3A_298 = vector.broadcast %broadcast_in_dim3A_297 : i32 to vector<16xi32>
      %add3A_299 = arith.addi %mul3A_236, %broadcast_in_dim3A_298 : vector<16xi32>
      tpu.vector_store_idx %arg8[%add3A_299], %get3A_296 {add = true} : memref<16416xf32, #tpu.memory_space<vmem>>[vector<16xi32>], vector<16xf32>,
      %get3A_300 = arith.constant 9 : i32
      %get3A_301 = arith.index_cast %get3A_300 : i32 to index
      %get3A_302 = arith.constant 16 : index
      %get3A_303 = tpu.vector_load %arg7[%get3A_301, %get3A_302] {strides = array<i32>} : memref<32x256xf32, #tpu.memory_space<vmem>>, vector<16xf32>,
      %broadcast_in_dim3A_304 = arith.constant 9 : i32
      %broadcast_in_dim3A_305 = vector.broadcast %broadcast_in_dim3A_304 : i32 to vector<16xi32>
      %add3A_306 = arith.addi %mul3A_236, %broadcast_in_dim3A_305 : vector<16xi32>
      tpu.vector_store_idx %arg8[%add3A_306], %get3A_303 {add = true} : memref<16416xf32, #tpu.memory_space<vmem>>[vector<16xi32>], vector<16xf32>,
      %get3A_307 = arith.constant 10 : i32
      %get3A_308 = arith.index_cast %get3A_307 : i32 to index
      %get3A_309 = arith.constant 16 : index
      %get3A_310 = tpu.vector_load %arg7[%get3A_308, %get3A_309] {strides = array<i32>} : memref<32x256xf32, #tpu.memory_space<vmem>>, vector<16xf32>,
      %broadcast_in_dim3A_311 = arith.constant 10 : i32
      %broadcast_in_dim3A_312 = vector.broadcast %broadcast_in_dim3A_311 : i32 to vector<16xi32>
      %add3A_313 = arith.addi %mul3A_236, %broadcast_in_dim3A_312 : vector<16xi32>
      tpu.vector_store_idx %arg8[%add3A_313], %get3A_310 {add = true} : memref<16416xf32, #tpu.memory_space<vmem>>[vector<16xi32>], vector<16xf32>,
      %get3A_314 = arith.constant 11 : i32
      %get3A_315 = arith.index_cast %get3A_314 : i32 to index
      %get3A_316 = arith.constant 16 : index
      %get3A_317 = tpu.vector_load %arg7[%get3A_315, %get3A_316] {strides = array<i32>} : memref<32x256xf32, #tpu.memory_space<vmem>>, vector<16xf32>,
      %broadcast_in_dim3A_318 = arith.constant 11 : i32
      %broadcast_in_dim3A_319 = vector.broadcast %broadcast_in_dim3A_318 : i32 to vector<16xi32>
      %add3A_320 = arith.addi %mul3A_236, %broadcast_in_dim3A_319 : vector<16xi32>
      tpu.vector_store_idx %arg8[%add3A_320], %get3A_317 {add = true} : memref<16416xf32, #tpu.memory_space<vmem>>[vector<16xi32>], vector<16xf32>,
      %get3A_321 = arith.constant 12 : i32
      %get3A_322 = arith.index_cast %get3A_321 : i32 to index
      %get3A_323 = arith.constant 16 : index
      %get3A_324 = tpu.vector_load %arg7[%get3A_322, %get3A_323] {strides = array<i32>} : memref<32x256xf32, #tpu.memory_space<vmem>>, vector<16xf32>,
      %broadcast_in_dim3A_325 = arith.constant 12 : i32
      %broadcast_in_dim3A_326 = vector.broadcast %broadcast_in_dim3A_325 : i32 to vector<16xi32>
      %add3A_327 = arith.addi %mul3A_236, %broadcast_in_dim3A_326 : vector<16xi32>
      tpu.vector_store_idx %arg8[%add3A_327], %get3A_324 {add = true} : memref<16416xf32, #tpu.memory_space<vmem>>[vector<16xi32>], vector<16xf32>,
      %get3A_328 = arith.constant 13 : i32
      %get3A_329 = arith.index_cast %get3A_328 : i32 to index
      %get3A_330 = arith.constant 16 : index
      %get3A_331 = tpu.vector_load %arg7[%get3A_329, %get3A_330] {strides = array<i32>} : memref<32x256xf32, #tpu.memory_space<vmem>>, vector<16xf32>,
      %broadcast_in_dim3A_332 = arith.constant 13 : i32
      %broadcast_in_dim3A_333 = vector.broadcast %broadcast_in_dim3A_332 : i32 to vector<16xi32>
      %add3A_334 = arith.addi %mul3A_236, %broadcast_in_dim3A_333 : vector<16xi32>
      tpu.vector_store_idx %arg8[%add3A_334], %get3A_331 {add = true} : memref<16416xf32, #tpu.memory_space<vmem>>[vector<16xi32>], vector<16xf32>,
      %get3A_335 = arith.constant 14 : i32
      %get3A_336 = arith.index_cast %get3A_335 : i32 to index
      %get3A_337 = arith.constant 16 : index
      %get3A_338 = tpu.vector_load %arg7[%get3A_336, %get3A_337] {strides = array<i32>} : memref<32x256xf32, #tpu.memory_space<vmem>>, vector<16xf32>,
      %broadcast_in_dim3A_339 = arith.constant 14 : i32
      %broadcast_in_dim3A_340 = vector.broadcast %broadcast_in_dim3A_339 : i32 to vector<16xi32>
      %add3A_341 = arith.addi %mul3A_236, %broadcast_in_dim3A_340 : vector<16xi32>
      tpu.vector_store_idx %arg8[%add3A_341], %get3A_338 {add = true} : memref<16416xf32, #tpu.memory_space<vmem>>[vector<16xi32>], vector<16xf32>,
      %get3A_342 = arith.constant 15 : i32
      %get3A_343 = arith.index_cast %get3A_342 : i32 to index
      %get3A_344 = arith.constant 16 : index
      %get3A_345 = tpu.vector_load %arg7[%get3A_343, %get3A_344] {strides = array<i32>} : memref<32x256xf32, #tpu.memory_space<vmem>>, vector<16xf32>,
      %broadcast_in_dim3A_346 = arith.constant 15 : i32
      %broadcast_in_dim3A_347 = vector.broadcast %broadcast_in_dim3A_346 : i32 to vector<16xi32>
      %add3A_348 = arith.addi %mul3A_236, %broadcast_in_dim3A_347 : vector<16xi32>
      tpu.vector_store_idx %arg8[%add3A_348], %get3A_345 {add = true} : memref<16416xf32, #tpu.memory_space<vmem>>[vector<16xi32>], vector<16xf32>,
      %get3A_349 = arith.constant 16 : i32
      %get3A_350 = arith.index_cast %get3A_349 : i32 to index
      %get3A_351 = arith.constant 16 : index
      %get3A_352 = tpu.vector_load %arg7[%get3A_350, %get3A_351] {strides = array<i32>} : memref<32x256xf32, #tpu.memory_space<vmem>>, vector<16xf32>,
      %broadcast_in_dim3A_353 = arith.constant 16 : i32
      %broadcast_in_dim3A_354 = vector.broadcast %broadcast_in_dim3A_353 : i32 to vector<16xi32>
      %add3A_355 = arith.addi %mul3A_236, %broadcast_in_dim3A_354 : vector<16xi32>
      tpu.vector_store_idx %arg8[%add3A_355], %get3A_352 {add = true} : memref<16416xf32, #tpu.memory_space<vmem>>[vector<16xi32>], vector<16xf32>,
      %get3A_356 = arith.constant 17 : i32
      %get3A_357 = arith.index_cast %get3A_356 : i32 to index
      %get3A_358 = arith.constant 16 : index
      %get3A_359 = tpu.vector_load %arg7[%get3A_357, %get3A_358] {strides = array<i32>} : memref<32x256xf32, #tpu.memory_space<vmem>>, vector<16xf32>,
      %broadcast_in_dim3A_360 = arith.constant 17 : i32
      %broadcast_in_dim3A_361 = vector.broadcast %broadcast_in_dim3A_360 : i32 to vector<16xi32>
      %add3A_362 = arith.addi %mul3A_236, %broadcast_in_dim3A_361 : vector<16xi32>
      tpu.vector_store_idx %arg8[%add3A_362], %get3A_359 {add = true} : memref<16416xf32, #tpu.memory_space<vmem>>[vector<16xi32>], vector<16xf32>,
      %get3A_363 = arith.constant 18 : i32
      %get3A_364 = arith.index_cast %get3A_363 : i32 to index
      %get3A_365 = arith.constant 16 : index
      %get3A_366 = tpu.vector_load %arg7[%get3A_364, %get3A_365] {strides = array<i32>} : memref<32x256xf32, #tpu.memory_space<vmem>>, vector<16xf32>,
      %broadcast_in_dim3A_367 = arith.constant 18 : i32
      %broadcast_in_dim3A_368 = vector.broadcast %broadcast_in_dim3A_367 : i32 to vector<16xi32>
      %add3A_369 = arith.addi %mul3A_236, %broadcast_in_dim3A_368 : vector<16xi32>
      tpu.vector_store_idx %arg8[%add3A_369], %get3A_366 {add = true} : memref<16416xf32, #tpu.memory_space<vmem>>[vector<16xi32>], vector<16xf32>,
      %get3A_370 = arith.constant 19 : i32
      %get3A_371 = arith.index_cast %get3A_370 : i32 to index
      %get3A_372 = arith.constant 16 : index
      %get3A_373 = tpu.vector_load %arg7[%get3A_371, %get3A_372] {strides = array<i32>} : memref<32x256xf32, #tpu.memory_space<vmem>>, vector<16xf32>,
      %broadcast_in_dim3A_374 = arith.constant 19 : i32
      %broadcast_in_dim3A_375 = vector.broadcast %broadcast_in_dim3A_374 : i32 to vector<16xi32>
      %add3A_376 = arith.addi %mul3A_236, %broadcast_in_dim3A_375 : vector<16xi32>
      tpu.vector_store_idx %arg8[%add3A_376], %get3A_373 {add = true} : memref<16416xf32, #tpu.memory_space<vmem>>[vector<16xi32>], vector<16xf32>,
      %get3A_377 = arith.constant 20 : i32
      %get3A_378 = arith.index_cast %get3A_377 : i32 to index
      %get3A_379 = arith.constant 16 : index
      %get3A_380 = tpu.vector_load %arg7[%get3A_378, %get3A_379] {strides = array<i32>} : memref<32x256xf32, #tpu.memory_space<vmem>>, vector<16xf32>,
      %broadcast_in_dim3A_381 = arith.constant 20 : i32
      %broadcast_in_dim3A_382 = vector.broadcast %broadcast_in_dim3A_381 : i32 to vector<16xi32>
      %add3A_383 = arith.addi %mul3A_236, %broadcast_in_dim3A_382 : vector<16xi32>
      tpu.vector_store_idx %arg8[%add3A_383], %get3A_380 {add = true} : memref<16416xf32, #tpu.memory_space<vmem>>[vector<16xi32>], vector<16xf32>,
      %get3A_384 = arith.constant 21 : i32
      %get3A_385 = arith.index_cast %get3A_384 : i32 to index
      %get3A_386 = arith.constant 16 : index
      %get3A_387 = tpu.vector_load %arg7[%get3A_385, %get3A_386] {strides = array<i32>} : memref<32x256xf32, #tpu.memory_space<vmem>>, vector<16xf32>,
      %broadcast_in_dim3A_388 = arith.constant 21 : i32
      %broadcast_in_dim3A_389 = vector.broadcast %broadcast_in_dim3A_388 : i32 to vector<16xi32>
      %add3A_390 = arith.addi %mul3A_236, %broadcast_in_dim3A_389 : vector<16xi32>
      tpu.vector_store_idx %arg8[%add3A_390], %get3A_387 {add = true} : memref<16416xf32, #tpu.memory_space<vmem>>[vector<16xi32>], vector<16xf32>,
      %get3A_391 = arith.constant 22 : i32
      %get3A_392 = arith.index_cast %get3A_391 : i32 to index
      %get3A_393 = arith.constant 16 : index
      %get3A_394 = tpu.vector_load %arg7[%get3A_392, %get3A_393] {strides = array<i32>} : memref<32x256xf32, #tpu.memory_space<vmem>>, vector<16xf32>,
      %broadcast_in_dim3A_395 = arith.constant 22 : i32
      %broadcast_in_dim3A_396 = vector.broadcast %broadcast_in_dim3A_395 : i32 to vector<16xi32>
      %add3A_397 = arith.addi %mul3A_236, %broadcast_in_dim3A_396 : vector<16xi32>
      tpu.vector_store_idx %arg8[%add3A_397], %get3A_394 {add = true} : memref<16416xf32, #tpu.memory_space<vmem>>[vector<16xi32>], vector<16xf32>,
      %get3A_398 = arith.constant 23 : i32
      %get3A_399 = arith.index_cast %get3A_398 : i32 to index
      %get3A_400 = arith.constant 16 : index
      %get3A_401 = tpu.vector_load %arg7[%get3A_399, %get3A_400] {strides = array<i32>} : memref<32x256xf32, #tpu.memory_space<vmem>>, vector<16xf32>,
      %broadcast_in_dim3A_402 = arith.constant 23 : i32
      %broadcast_in_dim3A_403 = vector.broadcast %broadcast_in_dim3A_402 : i32 to vector<16xi32>
      %add3A_404 = arith.addi %mul3A_236, %broadcast_in_dim3A_403 : vector<16xi32>
      tpu.vector_store_idx %arg8[%add3A_404], %get3A_401 {add = true} : memref<16416xf32, #tpu.memory_space<vmem>>[vector<16xi32>], vector<16xf32>,
      %get3A_405 = arith.constant 24 : i32
      %get3A_406 = arith.index_cast %get3A_405 : i32 to index
      %get3A_407 = arith.constant 16 : index
      %get3A_408 = tpu.vector_load %arg7[%get3A_406, %get3A_407] {strides = array<i32>} : memref<32x256xf32, #tpu.memory_space<vmem>>, vector<16xf32>,
      %broadcast_in_dim3A_409 = arith.constant 24 : i32
      %broadcast_in_dim3A_410 = vector.broadcast %broadcast_in_dim3A_409 : i32 to vector<16xi32>
      %add3A_411 = arith.addi %mul3A_236, %broadcast_in_dim3A_410 : vector<16xi32>
      tpu.vector_store_idx %arg8[%add3A_411], %get3A_408 {add = true} : memref<16416xf32, #tpu.memory_space<vmem>>[vector<16xi32>], vector<16xf32>,
      %get3A_412 = arith.constant 25 : i32
      %get3A_413 = arith.index_cast %get3A_412 : i32 to index
      %get3A_414 = arith.constant 16 : index
      %get3A_415 = tpu.vector_load %arg7[%get3A_413, %get3A_414] {strides = array<i32>} : memref<32x256xf32, #tpu.memory_space<vmem>>, vector<16xf32>,
      %broadcast_in_dim3A_416 = arith.constant 25 : i32
      %broadcast_in_dim3A_417 = vector.broadcast %broadcast_in_dim3A_416 : i32 to vector<16xi32>
      %add3A_418 = arith.addi %mul3A_236, %broadcast_in_dim3A_417 : vector<16xi32>
      tpu.vector_store_idx %arg8[%add3A_418], %get3A_415 {add = true} : memref<16416xf32, #tpu.memory_space<vmem>>[vector<16xi32>], vector<16xf32>,
      %get3A_419 = arith.constant 26 : i32
      %get3A_420 = arith.index_cast %get3A_419 : i32 to index
      %get3A_421 = arith.constant 16 : index
      %get3A_422 = tpu.vector_load %arg7[%get3A_420, %get3A_421] {strides = array<i32>} : memref<32x256xf32, #tpu.memory_space<vmem>>, vector<16xf32>,
      %broadcast_in_dim3A_423 = arith.constant 26 : i32
      %broadcast_in_dim3A_424 = vector.broadcast %broadcast_in_dim3A_423 : i32 to vector<16xi32>
      %add3A_425 = arith.addi %mul3A_236, %broadcast_in_dim3A_424 : vector<16xi32>
      tpu.vector_store_idx %arg8[%add3A_425], %get3A_422 {add = true} : memref<16416xf32, #tpu.memory_space<vmem>>[vector<16xi32>], vector<16xf32>,
      %get3A_426 = arith.constant 27 : i32
      %get3A_427 = arith.index_cast %get3A_426 : i32 to index
      %get3A_428 = arith.constant 16 : index
      %get3A_429 = tpu.vector_load %arg7[%get3A_427, %get3A_428] {strides = array<i32>} : memref<32x256xf32, #tpu.memory_space<vmem>>, vector<16xf32>,
      %broadcast_in_dim3A_430 = arith.constant 27 : i32
      %broadcast_in_dim3A_431 = vector.broadcast %broadcast_in_dim3A_430 : i32 to vector<16xi32>
      %add3A_432 = arith.addi %mul3A_236, %broadcast_in_dim3A_431 : vector<16xi32>
      tpu.vector_store_idx %arg8[%add3A_432], %get3A_429 {add = true} : memref<16416xf32, #tpu.memory_space<vmem>>[vector<16xi32>], vector<16xf32>,
      %get3A_433 = arith.constant 28 : i32
      %get3A_434 = arith.index_cast %get3A_433 : i32 to index
      %get3A_435 = arith.constant 16 : index
      %get3A_436 = tpu.vector_load %arg7[%get3A_434, %get3A_435] {strides = array<i32>} : memref<32x256xf32, #tpu.memory_space<vmem>>, vector<16xf32>,
      %broadcast_in_dim3A_437 = arith.constant 28 : i32
      %broadcast_in_dim3A_438 = vector.broadcast %broadcast_in_dim3A_437 : i32 to vector<16xi32>
      %add3A_439 = arith.addi %mul3A_236, %broadcast_in_dim3A_438 : vector<16xi32>
      tpu.vector_store_idx %arg8[%add3A_439], %get3A_436 {add = true} : memref<16416xf32, #tpu.memory_space<vmem>>[vector<16xi32>], vector<16xf32>,
      %get3A_440 = arith.constant 29 : i32
      %get3A_441 = arith.index_cast %get3A_440 : i32 to index
      %get3A_442 = arith.constant 16 : index
      %get3A_443 = tpu.vector_load %arg7[%get3A_441, %get3A_442] {strides = array<i32>} : memref<32x256xf32, #tpu.memory_space<vmem>>, vector<16xf32>,
      %broadcast_in_dim3A_444 = arith.constant 29 : i32
      %broadcast_in_dim3A_445 = vector.broadcast %broadcast_in_dim3A_444 : i32 to vector<16xi32>
      %add3A_446 = arith.addi %mul3A_236, %broadcast_in_dim3A_445 : vector<16xi32>
      tpu.vector_store_idx %arg8[%add3A_446], %get3A_443 {add = true} : memref<16416xf32, #tpu.memory_space<vmem>>[vector<16xi32>], vector<16xf32>,
      %get3A_447 = arith.constant 30 : i32
      %get3A_448 = arith.index_cast %get3A_447 : i32 to index
      %get3A_449 = arith.constant 16 : index
      %get3A_450 = tpu.vector_load %arg7[%get3A_448, %get3A_449] {strides = array<i32>} : memref<32x256xf32, #tpu.memory_space<vmem>>, vector<16xf32>,
      %broadcast_in_dim3A_451 = arith.constant 30 : i32
      %broadcast_in_dim3A_452 = vector.broadcast %broadcast_in_dim3A_451 : i32 to vector<16xi32>
      %add3A_453 = arith.addi %mul3A_236, %broadcast_in_dim3A_452 : vector<16xi32>
      tpu.vector_store_idx %arg8[%add3A_453], %get3A_450 {add = true} : memref<16416xf32, #tpu.memory_space<vmem>>[vector<16xi32>], vector<16xf32>,
      %get3A_454 = arith.constant 31 : i32
      %get3A_455 = arith.index_cast %get3A_454 : i32 to index
      %get3A_456 = arith.constant 16 : index
      %get3A_457 = tpu.vector_load %arg7[%get3A_455, %get3A_456] {strides = array<i32>} : memref<32x256xf32, #tpu.memory_space<vmem>>, vector<16xf32>,
      %broadcast_in_dim3A_458 = arith.constant 31 : i32
      %broadcast_in_dim3A_459 = vector.broadcast %broadcast_in_dim3A_458 : i32 to vector<16xi32>
      %add3A_460 = arith.addi %mul3A_236, %broadcast_in_dim3A_459 : vector<16xi32>
      tpu.vector_store_idx %arg8[%add3A_460], %get3A_457 {add = true} : memref<16416xf32, #tpu.memory_space<vmem>>[vector<16xi32>], vector<16xf32>,
      %get3A_461 = arith.constant 32 : index
      %get3A_462 = tpu.vector_load %arg6[%get3A_461] {strides = array<i32>} : memref<256xi32, #tpu.memory_space<vmem>>, vector<16xi32>,
      %mul3A_463 = arith.constant 32 : i32
      %mul3A_464 = vector.broadcast %mul3A_463 : i32 to vector<16xi32>
      %mul3A_465 = arith.muli %get3A_462, %mul3A_464 : vector<16xi32>
      %get3A_466 = arith.constant 0 : i32
      %get3A_467 = arith.index_cast %get3A_466 : i32 to index
      %get3A_468 = arith.constant 32 : index
      %get3A_469 = tpu.vector_load %arg7[%get3A_467, %get3A_468] {strides = array<i32>} : memref<32x256xf32, #tpu.memory_space<vmem>>, vector<16xf32>,
      %broadcast_in_dim3A_470 = arith.constant 0 : i32
      %broadcast_in_dim3A_471 = vector.broadcast %broadcast_in_dim3A_470 : i32 to vector<16xi32>
      %add3A_472 = arith.addi %mul3A_465, %broadcast_in_dim3A_471 : vector<16xi32>
      tpu.vector_store_idx %arg8[%add3A_472], %get3A_469 {add = true} : memref<16416xf32, #tpu.memory_space<vmem>>[vector<16xi32>], vector<16xf32>,
      %get3A_473 = arith.constant 1 : i32
      %get3A_474 = arith.index_cast %get3A_473 : i32 to index
      %get3A_475 = arith.constant 32 : index
      %get3A_476 = tpu.vector_load %arg7[%get3A_474, %get3A_475] {strides = array<i32>} : memref<32x256xf32, #tpu.memory_space<vmem>>, vector<16xf32>,
      %broadcast_in_dim3A_477 = arith.constant 1 : i32
      %broadcast_in_dim3A_478 = vector.broadcast %broadcast_in_dim3A_477 : i32 to vector<16xi32>
      %add3A_479 = arith.addi %mul3A_465, %broadcast_in_dim3A_478 : vector<16xi32>
      tpu.vector_store_idx %arg8[%add3A_479], %get3A_476 {add = true} : memref<16416xf32, #tpu.memory_space<vmem>>[vector<16xi32>], vector<16xf32>,
      %get3A_480 = arith.constant 2 : i32
      %get3A_481 = arith.index_cast %get3A_480 : i32 to index
      %get3A_482 = arith.constant 32 : index
      %get3A_483 = tpu.vector_load %arg7[%get3A_481, %get3A_482] {strides = array<i32>} : memref<32x256xf32, #tpu.memory_space<vmem>>, vector<16xf32>,
      %broadcast_in_dim3A_484 = arith.constant 2 : i32
      %broadcast_in_dim3A_485 = vector.broadcast %broadcast_in_dim3A_484 : i32 to vector<16xi32>
      %add3A_486 = arith.addi %mul3A_465, %broadcast_in_dim3A_485 : vector<16xi32>
      tpu.vector_store_idx %arg8[%add3A_486], %get3A_483 {add = true} : memref<16416xf32, #tpu.memory_space<vmem>>[vector<16xi32>], vector<16xf32>,
      %get3A_487 = arith.constant 3 : i32
      %get3A_488 = arith.index_cast %get3A_487 : i32 to index
      %get3A_489 = arith.constant 32 : index
      %get3A_490 = tpu.vector_load %arg7[%get3A_488, %get3A_489] {strides = array<i32>} : memref<32x256xf32, #tpu.memory_space<vmem>>, vector<16xf32>,
      %broadcast_in_dim3A_491 = arith.constant 3 : i32
      %broadcast_in_dim3A_492 = vector.broadcast %broadcast_in_dim3A_491 : i32 to vector<16xi32>
      %add3A_493 = arith.addi %mul3A_465, %broadcast_in_dim3A_492 : vector<16xi32>
      tpu.vector_store_idx %arg8[%add3A_493], %get3A_490 {add = true} : memref<16416xf32, #tpu.memory_space<vmem>>[vector<16xi32>], vector<16xf32>,
      %get3A_494 = arith.constant 4 : i32
      %get3A_495 = arith.index_cast %get3A_494 : i32 to index
      %get3A_496 = arith.constant 32 : index
      %get3A_497 = tpu.vector_load %arg7[%get3A_495, %get3A_496] {strides = array<i32>} : memref<32x256xf32, #tpu.memory_space<vmem>>, vector<16xf32>,
      %broadcast_in_dim3A_498 = arith.constant 4 : i32
      %broadcast_in_dim3A_499 = vector.broadcast %broadcast_in_dim3A_498 : i32 to vector<16xi32>
      %add3A_500 = arith.addi %mul3A_465, %broadcast_in_dim3A_499 : vector<16xi32>
      tpu.vector_store_idx %arg8[%add3A_500], %get3A_497 {add = true} : memref<16416xf32, #tpu.memory_space<vmem>>[vector<16xi32>], vector<16xf32>,
      %get3A_501 = arith.constant 5 : i32
      %get3A_502 = arith.index_cast %get3A_501 : i32 to index
      %get3A_503 = arith.constant 32 : index
      %get3A_504 = tpu.vector_load %arg7[%get3A_502, %get3A_503] {strides = array<i32>} : memref<32x256xf32, #tpu.memory_space<vmem>>, vector<16xf32>,
      %broadcast_in_dim3A_505 = arith.constant 5 : i32
      %broadcast_in_dim3A_506 = vector.broadcast %broadcast_in_dim3A_505 : i32 to vector<16xi32>
      %add3A_507 = arith.addi %mul3A_465, %broadcast_in_dim3A_506 : vector<16xi32>
      tpu.vector_store_idx %arg8[%add3A_507], %get3A_504 {add = true} : memref<16416xf32, #tpu.memory_space<vmem>>[vector<16xi32>], vector<16xf32>,
      %get3A_508 = arith.constant 6 : i32
      %get3A_509 = arith.index_cast %get3A_508 : i32 to index
      %get3A_510 = arith.constant 32 : index
      %get3A_511 = tpu.vector_load %arg7[%get3A_509, %get3A_510] {strides = array<i32>} : memref<32x256xf32, #tpu.memory_space<vmem>>, vector<16xf32>,
      %broadcast_in_dim3A_512 = arith.constant 6 : i32
      %broadcast_in_dim3A_513 = vector.broadcast %broadcast_in_dim3A_512 : i32 to vector<16xi32>
      %add3A_514 = arith.addi %mul3A_465, %broadcast_in_dim3A_513 : vector<16xi32>
      tpu.vector_store_idx %arg8[%add3A_514], %get3A_511 {add = true} : memref<16416xf32, #tpu.memory_space<vmem>>[vector<16xi32>], vector<16xf32>,
      %get3A_515 = arith.constant 7 : i32
      %get3A_516 = arith.index_cast %get3A_515 : i32 to index
      %get3A_517 = arith.constant 32 : index
      %get3A_518 = tpu.vector_load %arg7[%get3A_516, %get3A_517] {strides = array<i32>} : memref<32x256xf32, #tpu.memory_space<vmem>>, vector<16xf32>,
      %broadcast_in_dim3A_519 = arith.constant 7 : i32
      %broadcast_in_dim3A_520 = vector.broadcast %broadcast_in_dim3A_519 : i32 to vector<16xi32>
      %add3A_521 = arith.addi %mul3A_465, %broadcast_in_dim3A_520 : vector<16xi32>
      tpu.vector_store_idx %arg8[%add3A_521], %get3A_518 {add = true} : memref<16416xf32, #tpu.memory_space<vmem>>[vector<16xi32>], vector<16xf32>,
      %get3A_522 = arith.constant 8 : i32
      %get3A_523 = arith.index_cast %get3A_522 : i32 to index
      %get3A_524 = arith.constant 32 : index
      %get3A_525 = tpu.vector_load %arg7[%get3A_523, %get3A_524] {strides = array<i32>} : memref<32x256xf32, #tpu.memory_space<vmem>>, vector<16xf32>,
      %broadcast_in_dim3A_526 = arith.constant 8 : i32
      %broadcast_in_dim3A_527 = vector.broadcast %broadcast_in_dim3A_526 : i32 to vector<16xi32>
      %add3A_528 = arith.addi %mul3A_465, %broadcast_in_dim3A_527 : vector<16xi32>
      tpu.vector_store_idx %arg8[%add3A_528], %get3A_525 {add = true} : memref<16416xf32, #tpu.memory_space<vmem>>[vector<16xi32>], vector<16xf32>,
      %get3A_529 = arith.constant 9 : i32
      %get3A_530 = arith.index_cast %get3A_529 : i32 to index
      %get3A_531 = arith.constant 32 : index
      %get3A_532 = tpu.vector_load %arg7[%get3A_530, %get3A_531] {strides = array<i32>} : memref<32x256xf32, #tpu.memory_space<vmem>>, vector<16xf32>,
      %broadcast_in_dim3A_533 = arith.constant 9 : i32
      %broadcast_in_dim3A_534 = vector.broadcast %broadcast_in_dim3A_533 : i32 to vector<16xi32>
      %add3A_535 = arith.addi %mul3A_465, %broadcast_in_dim3A_534 : vector<16xi32>
      tpu.vector_store_idx %arg8[%add3A_535], %get3A_532 {add = true} : memref<16416xf32, #tpu.memory_space<vmem>>[vector<16xi32>], vector<16xf32>,
      %get3A_536 = arith.constant 10 : i32
      %get3A_537 = arith.index_cast %get3A_536 : i32 to index
      %get3A_538 = arith.constant 32 : index
      %get3A_539 = tpu.vector_load %arg7[%get3A_537, %get3A_538] {strides = array<i32>} : memref<32x256xf32, #tpu.memory_space<vmem>>, vector<16xf32>,
      %broadcast_in_dim3A_540 = arith.constant 10 : i32
      %broadcast_in_dim3A_541 = vector.broadcast %broadcast_in_dim3A_540 : i32 to vector<16xi32>
      %add3A_542 = arith.addi %mul3A_465, %broadcast_in_dim3A_541 : vector<16xi32>
      tpu.vector_store_idx %arg8[%add3A_542], %get3A_539 {add = true} : memref<16416xf32, #tpu.memory_space<vmem>>[vector<16xi32>], vector<16xf32>,
      %get3A_543 = arith.constant 11 : i32
      %get3A_544 = arith.index_cast %get3A_543 : i32 to index
      %get3A_545 = arith.constant 32 : index
      %get3A_546 = tpu.vector_load %arg7[%get3A_544, %get3A_545] {strides = array<i32>} : memref<32x256xf32, #tpu.memory_space<vmem>>, vector<16xf32>,
      %broadcast_in_dim3A_547 = arith.constant 11 : i32
      %broadcast_in_dim3A_548 = vector.broadcast %broadcast_in_dim3A_547 : i32 to vector<16xi32>
      %add3A_549 = arith.addi %mul3A_465, %broadcast_in_dim3A_548 : vector<16xi32>
      tpu.vector_store_idx %arg8[%add3A_549], %get3A_546 {add = true} : memref<16416xf32, #tpu.memory_space<vmem>>[vector<16xi32>], vector<16xf32>,
      %get3A_550 = arith.constant 12 : i32
      %get3A_551 = arith.index_cast %get3A_550 : i32 to index
      %get3A_552 = arith.constant 32 : index
      %get3A_553 = tpu.vector_load %arg7[%get3A_551, %get3A_552] {strides = array<i32>} : memref<32x256xf32, #tpu.memory_space<vmem>>, vector<16xf32>,
      %broadcast_in_dim3A_554 = arith.constant 12 : i32
      %broadcast_in_dim3A_555 = vector.broadcast %broadcast_in_dim3A_554 : i32 to vector<16xi32>
      %add3A_556 = arith.addi %mul3A_465, %broadcast_in_dim3A_555 : vector<16xi32>
      tpu.vector_store_idx %arg8[%add3A_556], %get3A_553 {add = true} : memref<16416xf32, #tpu.memory_space<vmem>>[vector<16xi32>], vector<16xf32>,
      %get3A_557 = arith.constant 13 : i32
      %get3A_558 = arith.index_cast %get3A_557 : i32 to index
      %get3A_559 = arith.constant 32 : index
      %get3A_560 = tpu.vector_load %arg7[%get3A_558, %get3A_559] {strides = array<i32>} : memref<32x256xf32, #tpu.memory_space<vmem>>, vector<16xf32>,
      %broadcast_in_dim3A_561 = arith.constant 13 : i32
      %broadcast_in_dim3A_562 = vector.broadcast %broadcast_in_dim3A_561 : i32 to vector<16xi32>
      %add3A_563 = arith.addi %mul3A_465, %broadcast_in_dim3A_562 : vector<16xi32>
      tpu.vector_store_idx %arg8[%add3A_563], %get3A_560 {add = true} : memref<16416xf32, #tpu.memory_space<vmem>>[vector<16xi32>], vector<16xf32>,
      %get3A_564 = arith.constant 14 : i32
      %get3A_565 = arith.index_cast %get3A_564 : i32 to index
      %get3A_566 = arith.constant 32 : index
      %get3A_567 = tpu.vector_load %arg7[%get3A_565, %get3A_566] {strides = array<i32>} : memref<32x256xf32, #tpu.memory_space<vmem>>, vector<16xf32>,
      %broadcast_in_dim3A_568 = arith.constant 14 : i32
      %broadcast_in_dim3A_569 = vector.broadcast %broadcast_in_dim3A_568 : i32 to vector<16xi32>
      %add3A_570 = arith.addi %mul3A_465, %broadcast_in_dim3A_569 : vector<16xi32>
      tpu.vector_store_idx %arg8[%add3A_570], %get3A_567 {add = true} : memref<16416xf32, #tpu.memory_space<vmem>>[vector<16xi32>], vector<16xf32>,
      %get3A_571 = arith.constant 15 : i32
      %get3A_572 = arith.index_cast %get3A_571 : i32 to index
      %get3A_573 = arith.constant 32 : index
      %get3A_574 = tpu.vector_load %arg7[%get3A_572, %get3A_573] {strides = array<i32>} : memref<32x256xf32, #tpu.memory_space<vmem>>, vector<16xf32>,
      %broadcast_in_dim3A_575 = arith.constant 15 : i32
      %broadcast_in_dim3A_576 = vector.broadcast %broadcast_in_dim3A_575 : i32 to vector<16xi32>
      %add3A_577 = arith.addi %mul3A_465, %broadcast_in_dim3A_576 : vector<16xi32>
      tpu.vector_store_idx %arg8[%add3A_577], %get3A_574 {add = true} : memref<16416xf32, #tpu.memory_space<vmem>>[vector<16xi32>], vector<16xf32>,
      %get3A_578 = arith.constant 16 : i32
      %get3A_579 = arith.index_cast %get3A_578 : i32 to index
      %get3A_580 = arith.constant 32 : index
      %get3A_581 = tpu.vector_load %arg7[%get3A_579, %get3A_580] {strides = array<i32>} : memref<32x256xf32, #tpu.memory_space<vmem>>, vector<16xf32>,
      %broadcast_in_dim3A_582 = arith.constant 16 : i32
      %broadcast_in_dim3A_583 = vector.broadcast %broadcast_in_dim3A_582 : i32 to vector<16xi32>
      %add3A_584 = arith.addi %mul3A_465, %broadcast_in_dim3A_583 : vector<16xi32>
      tpu.vector_store_idx %arg8[%add3A_584], %get3A_581 {add = true} : memref<16416xf32, #tpu.memory_space<vmem>>[vector<16xi32>], vector<16xf32>,
      %get3A_585 = arith.constant 17 : i32
      %get3A_586 = arith.index_cast %get3A_585 : i32 to index
      %get3A_587 = arith.constant 32 : index
      %get3A_588 = tpu.vector_load %arg7[%get3A_586, %get3A_587] {strides = array<i32>} : memref<32x256xf32, #tpu.memory_space<vmem>>, vector<16xf32>,
      %broadcast_in_dim3A_589 = arith.constant 17 : i32
      %broadcast_in_dim3A_590 = vector.broadcast %broadcast_in_dim3A_589 : i32 to vector<16xi32>
      %add3A_591 = arith.addi %mul3A_465, %broadcast_in_dim3A_590 : vector<16xi32>
      tpu.vector_store_idx %arg8[%add3A_591], %get3A_588 {add = true} : memref<16416xf32, #tpu.memory_space<vmem>>[vector<16xi32>], vector<16xf32>,
      %get3A_592 = arith.constant 18 : i32
      %get3A_593 = arith.index_cast %get3A_592 : i32 to index
      %get3A_594 = arith.constant 32 : index
      %get3A_595 = tpu.vector_load %arg7[%get3A_593, %get3A_594] {strides = array<i32>} : memref<32x256xf32, #tpu.memory_space<vmem>>, vector<16xf32>,
      %broadcast_in_dim3A_596 = arith.constant 18 : i32
      %broadcast_in_dim3A_597 = vector.broadcast %broadcast_in_dim3A_596 : i32 to vector<16xi32>
      %add3A_598 = arith.addi %mul3A_465, %broadcast_in_dim3A_597 : vector<16xi32>
      tpu.vector_store_idx %arg8[%add3A_598], %get3A_595 {add = true} : memref<16416xf32, #tpu.memory_space<vmem>>[vector<16xi32>], vector<16xf32>,
      %get3A_599 = arith.constant 19 : i32
      %get3A_600 = arith.index_cast %get3A_599 : i32 to index
      %get3A_601 = arith.constant 32 : index
      %get3A_602 = tpu.vector_load %arg7[%get3A_600, %get3A_601] {strides = array<i32>} : memref<32x256xf32, #tpu.memory_space<vmem>>, vector<16xf32>,
      %broadcast_in_dim3A_603 = arith.constant 19 : i32
      %broadcast_in_dim3A_604 = vector.broadcast %broadcast_in_dim3A_603 : i32 to vector<16xi32>
      %add3A_605 = arith.addi %mul3A_465, %broadcast_in_dim3A_604 : vector<16xi32>
      tpu.vector_store_idx %arg8[%add3A_605], %get3A_602 {add = true} : memref<16416xf32, #tpu.memory_space<vmem>>[vector<16xi32>], vector<16xf32>,
      %get3A_606 = arith.constant 20 : i32
      %get3A_607 = arith.index_cast %get3A_606 : i32 to index
      %get3A_608 = arith.constant 32 : index
      %get3A_609 = tpu.vector_load %arg7[%get3A_607, %get3A_608] {strides = array<i32>} : memref<32x256xf32, #tpu.memory_space<vmem>>, vector<16xf32>,
      %broadcast_in_dim3A_610 = arith.constant 20 : i32
      %broadcast_in_dim3A_611 = vector.broadcast %broadcast_in_dim3A_610 : i32 to vector<16xi32>
      %add3A_612 = arith.addi %mul3A_465, %broadcast_in_dim3A_611 : vector<16xi32>
      tpu.vector_store_idx %arg8[%add3A_612], %get3A_609 {add = true} : memref<16416xf32, #tpu.memory_space<vmem>>[vector<16xi32>], vector<16xf32>,
      %get3A_613 = arith.constant 21 : i32
      %get3A_614 = arith.index_cast %get3A_613 : i32 to index
      %get3A_615 = arith.constant 32 : index
      %get3A_616 = tpu.vector_load %arg7[%get3A_614, %get3A_615] {strides = array<i32>} : memref<32x256xf32, #tpu.memory_space<vmem>>, vector<16xf32>,
      %broadcast_in_dim3A_617 = arith.constant 21 : i32
      %broadcast_in_dim3A_618 = vector.broadcast %broadcast_in_dim3A_617 : i32 to vector<16xi32>
      %add3A_619 = arith.addi %mul3A_465, %broadcast_in_dim3A_618 : vector<16xi32>
      tpu.vector_store_idx %arg8[%add3A_619], %get3A_616 {add = true} : memref<16416xf32, #tpu.memory_space<vmem>>[vector<16xi32>], vector<16xf32>,
      %get3A_620 = arith.constant 22 : i32
      %get3A_621 = arith.index_cast %get3A_620 : i32 to index
      %get3A_622 = arith.constant 32 : index
      %get3A_623 = tpu.vector_load %arg7[%get3A_621, %get3A_622] {strides = array<i32>} : memref<32x256xf32, #tpu.memory_space<vmem>>, vector<16xf32>,
      %broadcast_in_dim3A_624 = arith.constant 22 : i32
      %broadcast_in_dim3A_625 = vector.broadcast %broadcast_in_dim3A_624 : i32 to vector<16xi32>
      %add3A_626 = arith.addi %mul3A_465, %broadcast_in_dim3A_625 : vector<16xi32>
      tpu.vector_store_idx %arg8[%add3A_626], %get3A_623 {add = true} : memref<16416xf32, #tpu.memory_space<vmem>>[vector<16xi32>], vector<16xf32>,
      %get3A_627 = arith.constant 23 : i32
      %get3A_628 = arith.index_cast %get3A_627 : i32 to index
      %get3A_629 = arith.constant 32 : index
      %get3A_630 = tpu.vector_load %arg7[%get3A_628, %get3A_629] {strides = array<i32>} : memref<32x256xf32, #tpu.memory_space<vmem>>, vector<16xf32>,
      %broadcast_in_dim3A_631 = arith.constant 23 : i32
      %broadcast_in_dim3A_632 = vector.broadcast %broadcast_in_dim3A_631 : i32 to vector<16xi32>
      %add3A_633 = arith.addi %mul3A_465, %broadcast_in_dim3A_632 : vector<16xi32>
      tpu.vector_store_idx %arg8[%add3A_633], %get3A_630 {add = true} : memref<16416xf32, #tpu.memory_space<vmem>>[vector<16xi32>], vector<16xf32>,
      %get3A_634 = arith.constant 24 : i32
      %get3A_635 = arith.index_cast %get3A_634 : i32 to index
      %get3A_636 = arith.constant 32 : index
      %get3A_637 = tpu.vector_load %arg7[%get3A_635, %get3A_636] {strides = array<i32>} : memref<32x256xf32, #tpu.memory_space<vmem>>, vector<16xf32>,
      %broadcast_in_dim3A_638 = arith.constant 24 : i32
      %broadcast_in_dim3A_639 = vector.broadcast %broadcast_in_dim3A_638 : i32 to vector<16xi32>
      %add3A_640 = arith.addi %mul3A_465, %broadcast_in_dim3A_639 : vector<16xi32>
      tpu.vector_store_idx %arg8[%add3A_640], %get3A_637 {add = true} : memref<16416xf32, #tpu.memory_space<vmem>>[vector<16xi32>], vector<16xf32>,
      %get3A_641 = arith.constant 25 : i32
      %get3A_642 = arith.index_cast %get3A_641 : i32 to index
      %get3A_643 = arith.constant 32 : index
      %get3A_644 = tpu.vector_load %arg7[%get3A_642, %get3A_643] {strides = array<i32>} : memref<32x256xf32, #tpu.memory_space<vmem>>, vector<16xf32>,
      %broadcast_in_dim3A_645 = arith.constant 25 : i32
      %broadcast_in_dim3A_646 = vector.broadcast %broadcast_in_dim3A_645 : i32 to vector<16xi32>
      %add3A_647 = arith.addi %mul3A_465, %broadcast_in_dim3A_646 : vector<16xi32>
      tpu.vector_store_idx %arg8[%add3A_647], %get3A_644 {add = true} : memref<16416xf32, #tpu.memory_space<vmem>>[vector<16xi32>], vector<16xf32>,
      %get3A_648 = arith.constant 26 : i32
      %get3A_649 = arith.index_cast %get3A_648 : i32 to index
      %get3A_650 = arith.constant 32 : index
      %get3A_651 = tpu.vector_load %arg7[%get3A_649, %get3A_650] {strides = array<i32>} : memref<32x256xf32, #tpu.memory_space<vmem>>, vector<16xf32>,
      %broadcast_in_dim3A_652 = arith.constant 26 : i32
      %broadcast_in_dim3A_653 = vector.broadcast %broadcast_in_dim3A_652 : i32 to vector<16xi32>
      %add3A_654 = arith.addi %mul3A_465, %broadcast_in_dim3A_653 : vector<16xi32>
      tpu.vector_store_idx %arg8[%add3A_654], %get3A_651 {add = true} : memref<16416xf32, #tpu.memory_space<vmem>>[vector<16xi32>], vector<16xf32>,
      %get3A_655 = arith.constant 27 : i32
      %get3A_656 = arith.index_cast %get3A_655 : i32 to index
      %get3A_657 = arith.constant 32 : index
      %get3A_658 = tpu.vector_load %arg7[%get3A_656, %get3A_657] {strides = array<i32>} : memref<32x256xf32, #tpu.memory_space<vmem>>, vector<16xf32>,
      %broadcast_in_dim3A_659 = arith.constant 27 : i32
      %broadcast_in_dim3A_660 = vector.broadcast %broadcast_in_dim3A_659 : i32 to vector<16xi32>
      %add3A_661 = arith.addi %mul3A_465, %broadcast_in_dim3A_660 : vector<16xi32>
      tpu.vector_store_idx %arg8[%add3A_661], %get3A_658 {add = true} : memref<16416xf32, #tpu.memory_space<vmem>>[vector<16xi32>], vector<16xf32>,
      %get3A_662 = arith.constant 28 : i32
      %get3A_663 = arith.index_cast %get3A_662 : i32 to index
      %get3A_664 = arith.constant 32 : index
      %get3A_665 = tpu.vector_load %arg7[%get3A_663, %get3A_664] {strides = array<i32>} : memref<32x256xf32, #tpu.memory_space<vmem>>, vector<16xf32>,
      %broadcast_in_dim3A_666 = arith.constant 28 : i32
      %broadcast_in_dim3A_667 = vector.broadcast %broadcast_in_dim3A_666 : i32 to vector<16xi32>
      %add3A_668 = arith.addi %mul3A_465, %broadcast_in_dim3A_667 : vector<16xi32>
      tpu.vector_store_idx %arg8[%add3A_668], %get3A_665 {add = true} : memref<16416xf32, #tpu.memory_space<vmem>>[vector<16xi32>], vector<16xf32>,
      %get3A_669 = arith.constant 29 : i32
      %get3A_670 = arith.index_cast %get3A_669 : i32 to index
      %get3A_671 = arith.constant 32 : index
      %get3A_672 = tpu.vector_load %arg7[%get3A_670, %get3A_671] {strides = array<i32>} : memref<32x256xf32, #tpu.memory_space<vmem>>, vector<16xf32>,
      %broadcast_in_dim3A_673 = arith.constant 29 : i32
      %broadcast_in_dim3A_674 = vector.broadcast %broadcast_in_dim3A_673 : i32 to vector<16xi32>
      %add3A_675 = arith.addi %mul3A_465, %broadcast_in_dim3A_674 : vector<16xi32>
      tpu.vector_store_idx %arg8[%add3A_675], %get3A_672 {add = true} : memref<16416xf32, #tpu.memory_space<vmem>>[vector<16xi32>], vector<16xf32>,
      %get3A_676 = arith.constant 30 : i32
      %get3A_677 = arith.index_cast %get3A_676 : i32 to index
      %get3A_678 = arith.constant 32 : index
      %get3A_679 = tpu.vector_load %arg7[%get3A_677, %get3A_678] {strides = array<i32>} : memref<32x256xf32, #tpu.memory_space<vmem>>, vector<16xf32>,
      %broadcast_in_dim3A_680 = arith.constant 30 : i32
      %broadcast_in_dim3A_681 = vector.broadcast %broadcast_in_dim3A_680 : i32 to vector<16xi32>
      %add3A_682 = arith.addi %mul3A_465, %broadcast_in_dim3A_681 : vector<16xi32>
      tpu.vector_store_idx %arg8[%add3A_682], %get3A_679 {add = true} : memref<16416xf32, #tpu.memory_space<vmem>>[vector<16xi32>], vector<16xf32>,
      %get3A_683 = arith.constant 31 : i32
      %get3A_684 = arith.index_cast %get3A_683 : i32 to index
      %get3A_685 = arith.constant 32 : index
      %get3A_686 = tpu.vector_load %arg7[%get3A_684, %get3A_685] {strides = array<i32>} : memref<32x256xf32, #tpu.memory_space<vmem>>, vector<16xf32>,
      %broadcast_in_dim3A_687 = arith.constant 31 : i32
      %broadcast_in_dim3A_688 = vector.broadcast %broadcast_in_dim3A_687 : i32 to vector<16xi32>
      %add3A_689 = arith.addi %mul3A_465, %broadcast_in_dim3A_688 : vector<16xi32>
      tpu.vector_store_idx %arg8[%add3A_689], %get3A_686 {add = true} : memref<16416xf32, #tpu.memory_space<vmem>>[vector<16xi32>], vector<16xf32>,
      %get3A_690 = arith.constant 48 : index
      %get3A_691 = tpu.vector_load %arg6[%get3A_690] {strides = array<i32>} : memref<256xi32, #tpu.memory_space<vmem>>, vector<16xi32>,
      %mul3A_692 = arith.constant 32 : i32
      %mul3A_693 = vector.broadcast %mul3A_692 : i32 to vector<16xi32>
      %mul3A_694 = arith.muli %get3A_691, %mul3A_693 : vector<16xi32>
      %get3A_695 = arith.constant 0 : i32
      %get3A_696 = arith.index_cast %get3A_695 : i32 to index
      %get3A_697 = arith.constant 48 : index
      %get3A_698 = tpu.vector_load %arg7[%get3A_696, %get3A_697] {strides = array<i32>} : memref<32x256xf32, #tpu.memory_space<vmem>>, vector<16xf32>,
      %broadcast_in_dim3A_699 = arith.constant 0 : i32
      %broadcast_in_dim3A_700 = vector.broadcast %broadcast_in_dim3A_699 : i32 to vector<16xi32>
      %add3A_701 = arith.addi %mul3A_694, %broadcast_in_dim3A_700 : vector<16xi32>
      tpu.vector_store_idx %arg8[%add3A_701], %get3A_698 {add = true} : memref<16416xf32, #tpu.memory_space<vmem>>[vector<16xi32>], vector<16xf32>,
      %get3A_702 = arith.constant 1 : i32
      %get3A_703 = arith.index_cast %get3A_702 : i32 to index
      %get3A_704 = arith.constant 48 : index
      %get3A_705 = tpu.vector_load %arg7[%get3A_703, %get3A_704] {strides = array<i32>} : memref<32x256xf32, #tpu.memory_space<vmem>>, vector<16xf32>,
      %broadcast_in_dim3A_706 = arith.constant 1 : i32
      %broadcast_in_dim3A_707 = vector.broadcast %broadcast_in_dim3A_706 : i32 to vector<16xi32>
      %add3A_708 = arith.addi %mul3A_694, %broadcast_in_dim3A_707 : vector<16xi32>
      tpu.vector_store_idx %arg8[%add3A_708], %get3A_705 {add = true} : memref<16416xf32, #tpu.memory_space<vmem>>[vector<16xi32>], vector<16xf32>,
      %get3A_709 = arith.constant 2 : i32
      %get3A_710 = arith.index_cast %get3A_709 : i32 to index
      %get3A_711 = arith.constant 48 : index
      %get3A_712 = tpu.vector_load %arg7[%get3A_710, %get3A_711] {strides = array<i32>} : memref<32x256xf32, #tpu.memory_space<vmem>>, vector<16xf32>,
      %broadcast_in_dim3A_713 = arith.constant 2 : i32
      %broadcast_in_dim3A_714 = vector.broadcast %broadcast_in_dim3A_713 : i32 to vector<16xi32>
      %add3A_715 = arith.addi %mul3A_694, %broadcast_in_dim3A_714 : vector<16xi32>
      tpu.vector_store_idx %arg8[%add3A_715], %get3A_712 {add = true} : memref<16416xf32, #tpu.memory_space<vmem>>[vector<16xi32>], vector<16xf32>,
      %get3A_716 = arith.constant 3 : i32
      %get3A_717 = arith.index_cast %get3A_716 : i32 to index
      %get3A_718 = arith.constant 48 : index
      %get3A_719 = tpu.vector_load %arg7[%get3A_717, %get3A_718] {strides = array<i32>} : memref<32x256xf32, #tpu.memory_space<vmem>>, vector<16xf32>,
      %broadcast_in_dim3A_720 = arith.constant 3 : i32
      %broadcast_in_dim3A_721 = vector.broadcast %broadcast_in_dim3A_720 : i32 to vector<16xi32>
      %add3A_722 = arith.addi %mul3A_694, %broadcast_in_dim3A_721 : vector<16xi32>
      tpu.vector_store_idx %arg8[%add3A_722], %get3A_719 {add = true} : memref<16416xf32, #tpu.memory_space<vmem>>[vector<16xi32>], vector<16xf32>,
      %get3A_723 = arith.constant 4 : i32
      %get3A_724 = arith.index_cast %get3A_723 : i32 to index
      %get3A_725 = arith.constant 48 : index
      %get3A_726 = tpu.vector_load %arg7[%get3A_724, %get3A_725] {strides = array<i32>} : memref<32x256xf32, #tpu.memory_space<vmem>>, vector<16xf32>,
      %broadcast_in_dim3A_727 = arith.constant 4 : i32
      %broadcast_in_dim3A_728 = vector.broadcast %broadcast_in_dim3A_727 : i32 to vector<16xi32>
      %add3A_729 = arith.addi %mul3A_694, %broadcast_in_dim3A_728 : vector<16xi32>
      tpu.vector_store_idx %arg8[%add3A_729], %get3A_726 {add = true} : memref<16416xf32, #tpu.memory_space<vmem>>[vector<16xi32>], vector<16xf32>,
      %get3A_730 = arith.constant 5 : i32
      %get3A_731 = arith.index_cast %get3A_730 : i32 to index
      %get3A_732 = arith.constant 48 : index
      %get3A_733 = tpu.vector_load %arg7[%get3A_731, %get3A_732] {strides = array<i32>} : memref<32x256xf32, #tpu.memory_space<vmem>>, vector<16xf32>,
      %broadcast_in_dim3A_734 = arith.constant 5 : i32
      %broadcast_in_dim3A_735 = vector.broadcast %broadcast_in_dim3A_734 : i32 to vector<16xi32>
      %add3A_736 = arith.addi %mul3A_694, %broadcast_in_dim3A_735 : vector<16xi32>
      tpu.vector_store_idx %arg8[%add3A_736], %get3A_733 {add = true} : memref<16416xf32, #tpu.memory_space<vmem>>[vector<16xi32>], vector<16xf32>,
      %get3A_737 = arith.constant 6 : i32
      %get3A_738 = arith.index_cast %get3A_737 : i32 to index
      %get3A_739 = arith.constant 48 : index
      %get3A_740 = tpu.vector_load %arg7[%get3A_738, %get3A_739] {strides = array<i32>} : memref<32x256xf32, #tpu.memory_space<vmem>>, vector<16xf32>,
      %broadcast_in_dim3A_741 = arith.constant 6 : i32
      %broadcast_in_dim3A_742 = vector.broadcast %broadcast_in_dim3A_741 : i32 to vector<16xi32>
      %add3A_743 = arith.addi %mul3A_694, %broadcast_in_dim3A_742 : vector<16xi32>
      tpu.vector_store_idx %arg8[%add3A_743], %get3A_740 {add = true} : memref<16416xf32, #tpu.memory_space<vmem>>[vector<16xi32>], vector<16xf32>,
      %get3A_744 = arith.constant 7 : i32
      %get3A_745 = arith.index_cast %get3A_744 : i32 to index
      %get3A_746 = arith.constant 48 : index
      %get3A_747 = tpu.vector_load %arg7[%get3A_745, %get3A_746] {strides = array<i32>} : memref<32x256xf32, #tpu.memory_space<vmem>>, vector<16xf32>,
      %broadcast_in_dim3A_748 = arith.constant 7 : i32
      %broadcast_in_dim3A_749 = vector.broadcast %broadcast_in_dim3A_748 : i32 to vector<16xi32>
      %add3A_750 = arith.addi %mul3A_694, %broadcast_in_dim3A_749 : vector<16xi32>
      tpu.vector_store_idx %arg8[%add3A_750], %get3A_747 {add = true} : memref<16416xf32, #tpu.memory_space<vmem>>[vector<16xi32>], vector<16xf32>,
      %get3A_751 = arith.constant 8 : i32
      %get3A_752 = arith.index_cast %get3A_751 : i32 to index
      %get3A_753 = arith.constant 48 : index
      %get3A_754 = tpu.vector_load %arg7[%get3A_752, %get3A_753] {strides = array<i32>} : memref<32x256xf32, #tpu.memory_space<vmem>>, vector<16xf32>,
      %broadcast_in_dim3A_755 = arith.constant 8 : i32
      %broadcast_in_dim3A_756 = vector.broadcast %broadcast_in_dim3A_755 : i32 to vector<16xi32>
      %add3A_757 = arith.addi %mul3A_694, %broadcast_in_dim3A_756 : vector<16xi32>
      tpu.vector_store_idx %arg8[%add3A_757], %get3A_754 {add = true} : memref<16416xf32, #tpu.memory_space<vmem>>[vector<16xi32>], vector<16xf32>,
      %get3A_758 = arith.constant 9 : i32
      %get3A_759 = arith.index_cast %get3A_758 : i32 to index
      %get3A_760 = arith.constant 48 : index
      %get3A_761 = tpu.vector_load %arg7[%get3A_759, %get3A_760] {strides = array<i32>} : memref<32x256xf32, #tpu.memory_space<vmem>>, vector<16xf32>,
      %broadcast_in_dim3A_762 = arith.constant 9 : i32
      %broadcast_in_dim3A_763 = vector.broadcast %broadcast_in_dim3A_762 : i32 to vector<16xi32>
      %add3A_764 = arith.addi %mul3A_694, %broadcast_in_dim3A_763 : vector<16xi32>
      tpu.vector_store_idx %arg8[%add3A_764], %get3A_761 {add = true} : memref<16416xf32, #tpu.memory_space<vmem>>[vector<16xi32>], vector<16xf32>,
      %get3A_765 = arith.constant 10 : i32
      %get3A_766 = arith.index_cast %get3A_765 : i32 to index
      %get3A_767 = arith.constant 48 : index
      %get3A_768 = tpu.vector_load %arg7[%get3A_766, %get3A_767] {strides = array<i32>} : memref<32x256xf32, #tpu.memory_space<vmem>>, vector<16xf32>,
      %broadcast_in_dim3A_769 = arith.constant 10 : i32
      %broadcast_in_dim3A_770 = vector.broadcast %broadcast_in_dim3A_769 : i32 to vector<16xi32>
      %add3A_771 = arith.addi %mul3A_694, %broadcast_in_dim3A_770 : vector<16xi32>
      tpu.vector_store_idx %arg8[%add3A_771], %get3A_768 {add = true} : memref<16416xf32, #tpu.memory_space<vmem>>[vector<16xi32>], vector<16xf32>,
      %get3A_772 = arith.constant 11 : i32
      %get3A_773 = arith.index_cast %get3A_772 : i32 to index
      %get3A_774 = arith.constant 48 : index
      %get3A_775 = tpu.vector_load %arg7[%get3A_773, %get3A_774] {strides = array<i32>} : memref<32x256xf32, #tpu.memory_space<vmem>>, vector<16xf32>,
      %broadcast_in_dim3A_776 = arith.constant 11 : i32
      %broadcast_in_dim3A_777 = vector.broadcast %broadcast_in_dim3A_776 : i32 to vector<16xi32>
      %add3A_778 = arith.addi %mul3A_694, %broadcast_in_dim3A_777 : vector<16xi32>
      tpu.vector_store_idx %arg8[%add3A_778], %get3A_775 {add = true} : memref<16416xf32, #tpu.memory_space<vmem>>[vector<16xi32>], vector<16xf32>,
      %get3A_779 = arith.constant 12 : i32
      %get3A_780 = arith.index_cast %get3A_779 : i32 to index
      %get3A_781 = arith.constant 48 : index
      %get3A_782 = tpu.vector_load %arg7[%get3A_780, %get3A_781] {strides = array<i32>} : memref<32x256xf32, #tpu.memory_space<vmem>>, vector<16xf32>,
      %broadcast_in_dim3A_783 = arith.constant 12 : i32
      %broadcast_in_dim3A_784 = vector.broadcast %broadcast_in_dim3A_783 : i32 to vector<16xi32>
      %add3A_785 = arith.addi %mul3A_694, %broadcast_in_dim3A_784 : vector<16xi32>
      tpu.vector_store_idx %arg8[%add3A_785], %get3A_782 {add = true} : memref<16416xf32, #tpu.memory_space<vmem>>[vector<16xi32>], vector<16xf32>,
      %get3A_786 = arith.constant 13 : i32
      %get3A_787 = arith.index_cast %get3A_786 : i32 to index
      %get3A_788 = arith.constant 48 : index
      %get3A_789 = tpu.vector_load %arg7[%get3A_787, %get3A_788] {strides = array<i32>} : memref<32x256xf32, #tpu.memory_space<vmem>>, vector<16xf32>,
      %broadcast_in_dim3A_790 = arith.constant 13 : i32
      %broadcast_in_dim3A_791 = vector.broadcast %broadcast_in_dim3A_790 : i32 to vector<16xi32>
      %add3A_792 = arith.addi %mul3A_694, %broadcast_in_dim3A_791 : vector<16xi32>
      tpu.vector_store_idx %arg8[%add3A_792], %get3A_789 {add = true} : memref<16416xf32, #tpu.memory_space<vmem>>[vector<16xi32>], vector<16xf32>,
      %get3A_793 = arith.constant 14 : i32
      %get3A_794 = arith.index_cast %get3A_793 : i32 to index
      %get3A_795 = arith.constant 48 : index
      %get3A_796 = tpu.vector_load %arg7[%get3A_794, %get3A_795] {strides = array<i32>} : memref<32x256xf32, #tpu.memory_space<vmem>>, vector<16xf32>,
      %broadcast_in_dim3A_797 = arith.constant 14 : i32
      %broadcast_in_dim3A_798 = vector.broadcast %broadcast_in_dim3A_797 : i32 to vector<16xi32>
      %add3A_799 = arith.addi %mul3A_694, %broadcast_in_dim3A_798 : vector<16xi32>
      tpu.vector_store_idx %arg8[%add3A_799], %get3A_796 {add = true} : memref<16416xf32, #tpu.memory_space<vmem>>[vector<16xi32>], vector<16xf32>,
      %get3A_800 = arith.constant 15 : i32
      %get3A_801 = arith.index_cast %get3A_800 : i32 to index
      %get3A_802 = arith.constant 48 : index
      %get3A_803 = tpu.vector_load %arg7[%get3A_801, %get3A_802] {strides = array<i32>} : memref<32x256xf32, #tpu.memory_space<vmem>>, vector<16xf32>,
      %broadcast_in_dim3A_804 = arith.constant 15 : i32
      %broadcast_in_dim3A_805 = vector.broadcast %broadcast_in_dim3A_804 : i32 to vector<16xi32>
      %add3A_806 = arith.addi %mul3A_694, %broadcast_in_dim3A_805 : vector<16xi32>
      tpu.vector_store_idx %arg8[%add3A_806], %get3A_803 {add = true} : memref<16416xf32, #tpu.memory_space<vmem>>[vector<16xi32>], vector<16xf32>,
      %get3A_807 = arith.constant 16 : i32
      %get3A_808 = arith.index_cast %get3A_807 : i32 to index
      %get3A_809 = arith.constant 48 : index
      %get3A_810 = tpu.vector_load %arg7[%get3A_808, %get3A_809] {strides = array<i32>} : memref<32x256xf32, #tpu.memory_space<vmem>>, vector<16xf32>,
      %broadcast_in_dim3A_811 = arith.constant 16 : i32
      %broadcast_in_dim3A_812 = vector.broadcast %broadcast_in_dim3A_811 : i32 to vector<16xi32>
      %add3A_813 = arith.addi %mul3A_694, %broadcast_in_dim3A_812 : vector<16xi32>
      tpu.vector_store_idx %arg8[%add3A_813], %get3A_810 {add = true} : memref<16416xf32, #tpu.memory_space<vmem>>[vector<16xi32>], vector<16xf32>,
      %get3A_814 = arith.constant 17 : i32
      %get3A_815 = arith.index_cast %get3A_814 : i32 to index
      %get3A_816 = arith.constant 48 : index
      %get3A_817 = tpu.vector_load %arg7[%get3A_815, %get3A_816] {strides = array<i32>} : memref<32x256xf32, #tpu.memory_space<vmem>>, vector<16xf32>,
      %broadcast_in_dim3A_818 = arith.constant 17 : i32
      %broadcast_in_dim3A_819 = vector.broadcast %broadcast_in_dim3A_818 : i32 to vector<16xi32>
      %add3A_820 = arith.addi %mul3A_694, %broadcast_in_dim3A_819 : vector<16xi32>
      tpu.vector_store_idx %arg8[%add3A_820], %get3A_817 {add = true} : memref<16416xf32, #tpu.memory_space<vmem>>[vector<16xi32>], vector<16xf32>,
      %get3A_821 = arith.constant 18 : i32
      %get3A_822 = arith.index_cast %get3A_821 : i32 to index
      %get3A_823 = arith.constant 48 : index
      %get3A_824 = tpu.vector_load %arg7[%get3A_822, %get3A_823] {strides = array<i32>} : memref<32x256xf32, #tpu.memory_space<vmem>>, vector<16xf32>,
      %broadcast_in_dim3A_825 = arith.constant 18 : i32
      %broadcast_in_dim3A_826 = vector.broadcast %broadcast_in_dim3A_825 : i32 to vector<16xi32>
      %add3A_827 = arith.addi %mul3A_694, %broadcast_in_dim3A_826 : vector<16xi32>
      tpu.vector_store_idx %arg8[%add3A_827], %get3A_824 {add = true} : memref<16416xf32, #tpu.memory_space<vmem>>[vector<16xi32>], vector<16xf32>,
      %get3A_828 = arith.constant 19 : i32
      %get3A_829 = arith.index_cast %get3A_828 : i32 to index
      %get3A_830 = arith.constant 48 : index
      %get3A_831 = tpu.vector_load %arg7[%get3A_829, %get3A_830] {strides = array<i32>} : memref<32x256xf32, #tpu.memory_space<vmem>>, vector<16xf32>,
      %broadcast_in_dim3A_832 = arith.constant 19 : i32
      %broadcast_in_dim3A_833 = vector.broadcast %broadcast_in_dim3A_832 : i32 to vector<16xi32>
      %add3A_834 = arith.addi %mul3A_694, %broadcast_in_dim3A_833 : vector<16xi32>
      tpu.vector_store_idx %arg8[%add3A_834], %get3A_831 {add = true} : memref<16416xf32, #tpu.memory_space<vmem>>[vector<16xi32>], vector<16xf32>,
      %get3A_835 = arith.constant 20 : i32
      %get3A_836 = arith.index_cast %get3A_835 : i32 to index
      %get3A_837 = arith.constant 48 : index
      %get3A_838 = tpu.vector_load %arg7[%get3A_836, %get3A_837] {strides = array<i32>} : memref<32x256xf32, #tpu.memory_space<vmem>>, vector<16xf32>,
      %broadcast_in_dim3A_839 = arith.constant 20 : i32
      %broadcast_in_dim3A_840 = vector.broadcast %broadcast_in_dim3A_839 : i32 to vector<16xi32>
      %add3A_841 = arith.addi %mul3A_694, %broadcast_in_dim3A_840 : vector<16xi32>
      tpu.vector_store_idx %arg8[%add3A_841], %get3A_838 {add = true} : memref<16416xf32, #tpu.memory_space<vmem>>[vector<16xi32>], vector<16xf32>,
      %get3A_842 = arith.constant 21 : i32
      %get3A_843 = arith.index_cast %get3A_842 : i32 to index
      %get3A_844 = arith.constant 48 : index
      %get3A_845 = tpu.vector_load %arg7[%get3A_843, %get3A_844] {strides = array<i32>} : memref<32x256xf32, #tpu.memory_space<vmem>>, vector<16xf32>,
      %broadcast_in_dim3A_846 = arith.constant 21 : i32
      %broadcast_in_dim3A_847 = vector.broadcast %broadcast_in_dim3A_846 : i32 to vector<16xi32>
      %add3A_848 = arith.addi %mul3A_694, %broadcast_in_dim3A_847 : vector<16xi32>
      tpu.vector_store_idx %arg8[%add3A_848], %get3A_845 {add = true} : memref<16416xf32, #tpu.memory_space<vmem>>[vector<16xi32>], vector<16xf32>,
      %get3A_849 = arith.constant 22 : i32
      %get3A_850 = arith.index_cast %get3A_849 : i32 to index
      %get3A_851 = arith.constant 48 : index
      %get3A_852 = tpu.vector_load %arg7[%get3A_850, %get3A_851] {strides = array<i32>} : memref<32x256xf32, #tpu.memory_space<vmem>>, vector<16xf32>,
      %broadcast_in_dim3A_853 = arith.constant 22 : i32
      %broadcast_in_dim3A_854 = vector.broadcast %broadcast_in_dim3A_853 : i32 to vector<16xi32>
      %add3A_855 = arith.addi %mul3A_694, %broadcast_in_dim3A_854 : vector<16xi32>
      tpu.vector_store_idx %arg8[%add3A_855], %get3A_852 {add = true} : memref<16416xf32, #tpu.memory_space<vmem>>[vector<16xi32>], vector<16xf32>,
      %get3A_856 = arith.constant 23 : i32
      %get3A_857 = arith.index_cast %get3A_856 : i32 to index
      %get3A_858 = arith.constant 48 : index
      %get3A_859 = tpu.vector_load %arg7[%get3A_857, %get3A_858] {strides = array<i32>} : memref<32x256xf32, #tpu.memory_space<vmem>>, vector<16xf32>,
      %broadcast_in_dim3A_860 = arith.constant 23 : i32
      %broadcast_in_dim3A_861 = vector.broadcast %broadcast_in_dim3A_860 : i32 to vector<16xi32>
      %add3A_862 = arith.addi %mul3A_694, %broadcast_in_dim3A_861 : vector<16xi32>
      tpu.vector_store_idx %arg8[%add3A_862], %get3A_859 {add = true} : memref<16416xf32, #tpu.memory_space<vmem>>[vector<16xi32>], vector<16xf32>,
      %get3A_863 = arith.constant 24 : i32
      %get3A_864 = arith.index_cast %get3A_863 : i32 to index
      %get3A_865 = arith.constant 48 : index
      %get3A_866 = tpu.vector_load %arg7[%get3A_864, %get3A_865] {strides = array<i32>} : memref<32x256xf32, #tpu.memory_space<vmem>>, vector<16xf32>,
      %broadcast_in_dim3A_867 = arith.constant 24 : i32
      %broadcast_in_dim3A_868 = vector.broadcast %broadcast_in_dim3A_867 : i32 to vector<16xi32>
      %add3A_869 = arith.addi %mul3A_694, %broadcast_in_dim3A_868 : vector<16xi32>
      tpu.vector_store_idx %arg8[%add3A_869], %get3A_866 {add = true} : memref<16416xf32, #tpu.memory_space<vmem>>[vector<16xi32>], vector<16xf32>,
      %get3A_870 = arith.constant 25 : i32
      %get3A_871 = arith.index_cast %get3A_870 : i32 to index
      %get3A_872 = arith.constant 48 : index
      %get3A_873 = tpu.vector_load %arg7[%get3A_871, %get3A_872] {strides = array<i32>} : memref<32x256xf32, #tpu.memory_space<vmem>>, vector<16xf32>,
      %broadcast_in_dim3A_874 = arith.constant 25 : i32
      %broadcast_in_dim3A_875 = vector.broadcast %broadcast_in_dim3A_874 : i32 to vector<16xi32>
      %add3A_876 = arith.addi %mul3A_694, %broadcast_in_dim3A_875 : vector<16xi32>
      tpu.vector_store_idx %arg8[%add3A_876], %get3A_873 {add = true} : memref<16416xf32, #tpu.memory_space<vmem>>[vector<16xi32>], vector<16xf32>,
      %get3A_877 = arith.constant 26 : i32
      %get3A_878 = arith.index_cast %get3A_877 : i32 to index
      %get3A_879 = arith.constant 48 : index
      %get3A_880 = tpu.vector_load %arg7[%get3A_878, %get3A_879] {strides = array<i32>} : memref<32x256xf32, #tpu.memory_space<vmem>>, vector<16xf32>,
      %broadcast_in_dim3A_881 = arith.constant 26 : i32
      %broadcast_in_dim3A_882 = vector.broadcast %broadcast_in_dim3A_881 : i32 to vector<16xi32>
      %add3A_883 = arith.addi %mul3A_694, %broadcast_in_dim3A_882 : vector<16xi32>
      tpu.vector_store_idx %arg8[%add3A_883], %get3A_880 {add = true} : memref<16416xf32, #tpu.memory_space<vmem>>[vector<16xi32>], vector<16xf32>,
      %get3A_884 = arith.constant 27 : i32
      %get3A_885 = arith.index_cast %get3A_884 : i32 to index
      %get3A_886 = arith.constant 48 : index
      %get3A_887 = tpu.vector_load %arg7[%get3A_885, %get3A_886] {strides = array<i32>} : memref<32x256xf32, #tpu.memory_space<vmem>>, vector<16xf32>,
      %broadcast_in_dim3A_888 = arith.constant 27 : i32
      %broadcast_in_dim3A_889 = vector.broadcast %broadcast_in_dim3A_888 : i32 to vector<16xi32>
      %add3A_890 = arith.addi %mul3A_694, %broadcast_in_dim3A_889 : vector<16xi32>
      tpu.vector_store_idx %arg8[%add3A_890], %get3A_887 {add = true} : memref<16416xf32, #tpu.memory_space<vmem>>[vector<16xi32>], vector<16xf32>,
      %get3A_891 = arith.constant 28 : i32
      %get3A_892 = arith.index_cast %get3A_891 : i32 to index
      %get3A_893 = arith.constant 48 : index
      %get3A_894 = tpu.vector_load %arg7[%get3A_892, %get3A_893] {strides = array<i32>} : memref<32x256xf32, #tpu.memory_space<vmem>>, vector<16xf32>,
      %broadcast_in_dim3A_895 = arith.constant 28 : i32
      %broadcast_in_dim3A_896 = vector.broadcast %broadcast_in_dim3A_895 : i32 to vector<16xi32>
      %add3A_897 = arith.addi %mul3A_694, %broadcast_in_dim3A_896 : vector<16xi32>
      tpu.vector_store_idx %arg8[%add3A_897], %get3A_894 {add = true} : memref<16416xf32, #tpu.memory_space<vmem>>[vector<16xi32>], vector<16xf32>,
      %get3A_898 = arith.constant 29 : i32
      %get3A_899 = arith.index_cast %get3A_898 : i32 to index
      %get3A_900 = arith.constant 48 : index
      %get3A_901 = tpu.vector_load %arg7[%get3A_899, %get3A_900] {strides = array<i32>} : memref<32x256xf32, #tpu.memory_space<vmem>>, vector<16xf32>,
      %broadcast_in_dim3A_902 = arith.constant 29 : i32
      %broadcast_in_dim3A_903 = vector.broadcast %broadcast_in_dim3A_902 : i32 to vector<16xi32>
      %add3A_904 = arith.addi %mul3A_694, %broadcast_in_dim3A_903 : vector<16xi32>
      tpu.vector_store_idx %arg8[%add3A_904], %get3A_901 {add = true} : memref<16416xf32, #tpu.memory_space<vmem>>[vector<16xi32>], vector<16xf32>,
      %get3A_905 = arith.constant 30 : i32
      %get3A_906 = arith.index_cast %get3A_905 : i32 to index
      %get3A_907 = arith.constant 48 : index
      %get3A_908 = tpu.vector_load %arg7[%get3A_906, %get3A_907] {strides = array<i32>} : memref<32x256xf32, #tpu.memory_space<vmem>>, vector<16xf32>,
      %broadcast_in_dim3A_909 = arith.constant 30 : i32
      %broadcast_in_dim3A_910 = vector.broadcast %broadcast_in_dim3A_909 : i32 to vector<16xi32>
      %add3A_911 = arith.addi %mul3A_694, %broadcast_in_dim3A_910 : vector<16xi32>
      tpu.vector_store_idx %arg8[%add3A_911], %get3A_908 {add = true} : memref<16416xf32, #tpu.memory_space<vmem>>[vector<16xi32>], vector<16xf32>,
      %get3A_912 = arith.constant 31 : i32
      %get3A_913 = arith.index_cast %get3A_912 : i32 to index
      %get3A_914 = arith.constant 48 : index
      %get3A_915 = tpu.vector_load %arg7[%get3A_913, %get3A_914] {strides = array<i32>} : memref<32x256xf32, #tpu.memory_space<vmem>>, vector<16xf32>,
      %broadcast_in_dim3A_916 = arith.constant 31 : i32
      %broadcast_in_dim3A_917 = vector.broadcast %broadcast_in_dim3A_916 : i32 to vector<16xi32>
      %add3A_918 = arith.addi %mul3A_694, %broadcast_in_dim3A_917 : vector<16xi32>
      tpu.vector_store_idx %arg8[%add3A_918], %get3A_915 {add = true} : memref<16416xf32, #tpu.memory_space<vmem>>[vector<16xi32>], vector<16xf32>,
      %get3A_919 = arith.constant 64 : index
      %get3A_920 = tpu.vector_load %arg6[%get3A_919] {strides = array<i32>} : memref<256xi32, #tpu.memory_space<vmem>>, vector<16xi32>,
      %mul3A_921 = arith.constant 32 : i32
      %mul3A_922 = vector.broadcast %mul3A_921 : i32 to vector<16xi32>
      %mul3A_923 = arith.muli %get3A_920, %mul3A_922 : vector<16xi32>
      %get3A_924 = arith.constant 0 : i32
      %get3A_925 = arith.index_cast %get3A_924 : i32 to index
      %get3A_926 = arith.constant 64 : index
      %get3A_927 = tpu.vector_load %arg7[%get3A_925, %get3A_926] {strides = array<i32>} : memref<32x256xf32, #tpu.memory_space<vmem>>, vector<16xf32>,
      %broadcast_in_dim3A_928 = arith.constant 0 : i32
      %broadcast_in_dim3A_929 = vector.broadcast %broadcast_in_dim3A_928 : i32 to vector<16xi32>
      %add3A_930 = arith.addi %mul3A_923, %broadcast_in_dim3A_929 : vector<16xi32>
      tpu.vector_store_idx %arg8[%add3A_930], %get3A_927 {add = true} : memref<16416xf32, #tpu.memory_space<vmem>>[vector<16xi32>], vector<16xf32>,
      %get3A_931 = arith.constant 1 : i32
      %get3A_932 = arith.index_cast %get3A_931 : i32 to index
      %get3A_933 = arith.constant 64 : index
      %get3A_934 = tpu.vector_load %arg7[%get3A_932, %get3A_933] {strides = array<i32>} : memref<32x256xf32, #tpu.memory_space<vmem>>, vector<16xf32>,
      %broadcast_in_dim3A_935 = arith.constant 1 : i32
      %broadcast_in_dim3A_936 = vector.broadcast %broadcast_in_dim3A_935 : i32 to vector<16xi32>
      %add3A_937 = arith.addi %mul3A_923, %broadcast_in_dim3A_936 : vector<16xi32>
      tpu.vector_store_idx %arg8[%add3A_937], %get3A_934 {add = true} : memref<16416xf32, #tpu.memory_space<vmem>>[vector<16xi32>], vector<16xf32>,
      %get3A_938 = arith.constant 2 : i32
      %get3A_939 = arith.index_cast %get3A_938 : i32 to index
      %get3A_940 = arith.constant 64 : index
      %get3A_941 = tpu.vector_load %arg7[%get3A_939, %get3A_940] {strides = array<i32>} : memref<32x256xf32, #tpu.memory_space<vmem>>, vector<16xf32>,
      %broadcast_in_dim3A_942 = arith.constant 2 : i32
      %broadcast_in_dim3A_943 = vector.broadcast %broadcast_in_dim3A_942 : i32 to vector<16xi32>
      %add3A_944 = arith.addi %mul3A_923, %broadcast_in_dim3A_943 : vector<16xi32>
      tpu.vector_store_idx %arg8[%add3A_944], %get3A_941 {add = true} : memref<16416xf32, #tpu.memory_space<vmem>>[vector<16xi32>], vector<16xf32>,
      %get3A_945 = arith.constant 3 : i32
      %get3A_946 = arith.index_cast %get3A_945 : i32 to index
      %get3A_947 = arith.constant 64 : index
      %get3A_948 = tpu.vector_load %arg7[%get3A_946, %get3A_947] {strides = array<i32>} : memref<32x256xf32, #tpu.memory_space<vmem>>, vector<16xf32>,
      %broadcast_in_dim3A_949 = arith.constant 3 : i32
      %broadcast_in_dim3A_950 = vector.broadcast %broadcast_in_dim3A_949 : i32 to vector<16xi32>
      %add3A_951 = arith.addi %mul3A_923, %broadcast_in_dim3A_950 : vector<16xi32>
      tpu.vector_store_idx %arg8[%add3A_951], %get3A_948 {add = true} : memref<16416xf32, #tpu.memory_space<vmem>>[vector<16xi32>], vector<16xf32>,
      %get3A_952 = arith.constant 4 : i32
      %get3A_953 = arith.index_cast %get3A_952 : i32 to index
      %get3A_954 = arith.constant 64 : index
      %get3A_955 = tpu.vector_load %arg7[%get3A_953, %get3A_954] {strides = array<i32>} : memref<32x256xf32, #tpu.memory_space<vmem>>, vector<16xf32>,
      %broadcast_in_dim3A_956 = arith.constant 4 : i32
      %broadcast_in_dim3A_957 = vector.broadcast %broadcast_in_dim3A_956 : i32 to vector<16xi32>
      %add3A_958 = arith.addi %mul3A_923, %broadcast_in_dim3A_957 : vector<16xi32>
      tpu.vector_store_idx %arg8[%add3A_958], %get3A_955 {add = true} : memref<16416xf32, #tpu.memory_space<vmem>>[vector<16xi32>], vector<16xf32>,
      %get3A_959 = arith.constant 5 : i32
      %get3A_960 = arith.index_cast %get3A_959 : i32 to index
      %get3A_961 = arith.constant 64 : index
      %get3A_962 = tpu.vector_load %arg7[%get3A_960, %get3A_961] {strides = array<i32>} : memref<32x256xf32, #tpu.memory_space<vmem>>, vector<16xf32>,
      %broadcast_in_dim3A_963 = arith.constant 5 : i32
      %broadcast_in_dim3A_964 = vector.broadcast %broadcast_in_dim3A_963 : i32 to vector<16xi32>
      %add3A_965 = arith.addi %mul3A_923, %broadcast_in_dim3A_964 : vector<16xi32>
      tpu.vector_store_idx %arg8[%add3A_965], %get3A_962 {add = true} : memref<16416xf32, #tpu.memory_space<vmem>>[vector<16xi32>], vector<16xf32>,
      %get3A_966 = arith.constant 6 : i32
      %get3A_967 = arith.index_cast %get3A_966 : i32 to index
      %get3A_968 = arith.constant 64 : index
      %get3A_969 = tpu.vector_load %arg7[%get3A_967, %get3A_968] {strides = array<i32>} : memref<32x256xf32, #tpu.memory_space<vmem>>, vector<16xf32>,
      %broadcast_in_dim3A_970 = arith.constant 6 : i32
      %broadcast_in_dim3A_971 = vector.broadcast %broadcast_in_dim3A_970 : i32 to vector<16xi32>
      %add3A_972 = arith.addi %mul3A_923, %broadcast_in_dim3A_971 : vector<16xi32>
      tpu.vector_store_idx %arg8[%add3A_972], %get3A_969 {add = true} : memref<16416xf32, #tpu.memory_space<vmem>>[vector<16xi32>], vector<16xf32>,
      %get3A_973 = arith.constant 7 : i32
      %get3A_974 = arith.index_cast %get3A_973 : i32 to index
      %get3A_975 = arith.constant 64 : index
      %get3A_976 = tpu.vector_load %arg7[%get3A_974, %get3A_975] {strides = array<i32>} : memref<32x256xf32, #tpu.memory_space<vmem>>, vector<16xf32>,
      %broadcast_in_dim3A_977 = arith.constant 7 : i32
      %broadcast_in_dim3A_978 = vector.broadcast %broadcast_in_dim3A_977 : i32 to vector<16xi32>
      %add3A_979 = arith.addi %mul3A_923, %broadcast_in_dim3A_978 : vector<16xi32>
      tpu.vector_store_idx %arg8[%add3A_979], %get3A_976 {add = true} : memref<16416xf32, #tpu.memory_space<vmem>>[vector<16xi32>], vector<16xf32>,
      %get3A_980 = arith.constant 8 : i32
      %get3A_981 = arith.index_cast %get3A_980 : i32 to index
      %get3A_982 = arith.constant 64 : index
      %get3A_983 = tpu.vector_load %arg7[%get3A_981, %get3A_982] {strides = array<i32>} : memref<32x256xf32, #tpu.memory_space<vmem>>, vector<16xf32>,
      %broadcast_in_dim3A_984 = arith.constant 8 : i32
      %broadcast_in_dim3A_985 = vector.broadcast %broadcast_in_dim3A_984 : i32 to vector<16xi32>
      %add3A_986 = arith.addi %mul3A_923, %broadcast_in_dim3A_985 : vector<16xi32>
      tpu.vector_store_idx %arg8[%add3A_986], %get3A_983 {add = true} : memref<16416xf32, #tpu.memory_space<vmem>>[vector<16xi32>], vector<16xf32>,
      %get3A_987 = arith.constant 9 : i32
      %get3A_988 = arith.index_cast %get3A_987 : i32 to index
      %get3A_989 = arith.constant 64 : index
      %get3A_990 = tpu.vector_load %arg7[%get3A_988, %get3A_989] {strides = array<i32>} : memref<32x256xf32, #tpu.memory_space<vmem>>, vector<16xf32>,
      %broadcast_in_dim3A_991 = arith.constant 9 : i32
      %broadcast_in_dim3A_992 = vector.broadcast %broadcast_in_dim3A_991 : i32 to vector<16xi32>
      %add3A_993 = arith.addi %mul3A_923, %broadcast_in_dim3A_992 : vector<16xi32>
      tpu.vector_store_idx %arg8[%add3A_993], %get3A_990 {add = true} : memref<16416xf32, #tpu.memory_space<vmem>>[vector<16xi32>], vector<16xf32>,
      %get3A_994 = arith.constant 10 : i32
      %get3A_995 = arith.index_cast %get3A_994 : i32 to index
      %get3A_996 = arith.constant 64 : index
      %get3A_997 = tpu.vector_load %arg7[%get3A_995, %get3A_996] {strides = array<i32>} : memref<32x256xf32, #tpu.memory_space<vmem>>, vector<16xf32>,
      %broadcast_in_dim3A_998 = arith.constant 10 : i32
      %broadcast_in_dim3A_999 = vector.broadcast %broadcast_in_dim3A_998 : i32 to vector<16xi32>
      %add3A_1000 = arith.addi %mul3A_923, %broadcast_in_dim3A_999 : vector<16xi32>
      tpu.vector_store_idx %arg8[%add3A_1000], %get3A_997 {add = true} : memref<16416xf32, #tpu.memory_space<vmem>>[vector<16xi32>], vector<16xf32>,
      %get3A_1001 = arith.constant 11 : i32
      %get3A_1002 = arith.index_cast %get3A_1001 : i32 to index
      %get3A_1003 = arith.constant 64 : index
      %get3A_1004 = tpu.vector_load %arg7[%get3A_1002, %get3A_1003] {strides = array<i32>} : memref<32x256xf32, #tpu.memory_space<vmem>>, vector<16xf32>,
      %broadcast_in_dim3A_1005 = arith.constant 11 : i32
      %broadcast_in_dim3A_1006 = vector.broadcast %broadcast_in_dim3A_1005 : i32 to vector<16xi32>
      %add3A_1007 = arith.addi %mul3A_923, %broadcast_in_dim3A_1006 : vector<16xi32>
      tpu.vector_store_idx %arg8[%add3A_1007], %get3A_1004 {add = true} : memref<16416xf32, #tpu.memory_space<vmem>>[vector<16xi32>], vector<16xf32>,
      %get3A_1008 = arith.constant 12 : i32
      %get3A_1009 = arith.index_cast %get3A_1008 : i32 to index
      %get3A_1010 = arith.constant 64 : index
      %get3A_1011 = tpu.vector_load %arg7[%get3A_1009, %get3A_1010] {strides = array<i32>} : memref<32x256xf32, #tpu.memory_space<vmem>>, vector<16xf32>,
      %broadcast_in_dim3A_1012 = arith.constant 12 : i32
      %broadcast_in_dim3A_1013 = vector.broadcast %broadcast_in_dim3A_1012 : i32 to vector<16xi32>
      %add3A_1014 = arith.addi %mul3A_923, %broadcast_in_dim3A_1013 : vector<16xi32>
      tpu.vector_store_idx %arg8[%add3A_1014], %get3A_1011 {add = true} : memref<16416xf32, #tpu.memory_space<vmem>>[vector<16xi32>], vector<16xf32>,
      %get3A_1015 = arith.constant 13 : i32
      %get3A_1016 = arith.index_cast %get3A_1015 : i32 to index
      %get3A_1017 = arith.constant 64 : index
      %get3A_1018 = tpu.vector_load %arg7[%get3A_1016, %get3A_1017] {strides = array<i32>} : memref<32x256xf32, #tpu.memory_space<vmem>>, vector<16xf32>,
      %broadcast_in_dim3A_1019 = arith.constant 13 : i32
      %broadcast_in_dim3A_1020 = vector.broadcast %broadcast_in_dim3A_1019 : i32 to vector<16xi32>
      %add3A_1021 = arith.addi %mul3A_923, %broadcast_in_dim3A_1020 : vector<16xi32>
      tpu.vector_store_idx %arg8[%add3A_1021], %get3A_1018 {add = true} : memref<16416xf32, #tpu.memory_space<vmem>>[vector<16xi32>], vector<16xf32>,
      %get3A_1022 = arith.constant 14 : i32
      %get3A_1023 = arith.index_cast %get3A_1022 : i32 to index
      %get3A_1024 = arith.constant 64 : index
      %get3A_1025 = tpu.vector_load %arg7[%get3A_1023, %get3A_1024] {strides = array<i32>} : memref<32x256xf32, #tpu.memory_space<vmem>>, vector<16xf32>,
      %broadcast_in_dim3A_1026 = arith.constant 14 : i32
      %broadcast_in_dim3A_1027 = vector.broadcast %broadcast_in_dim3A_1026 : i32 to vector<16xi32>
      %add3A_1028 = arith.addi %mul3A_923, %broadcast_in_dim3A_1027 : vector<16xi32>
      tpu.vector_store_idx %arg8[%add3A_1028], %get3A_1025 {add = true} : memref<16416xf32, #tpu.memory_space<vmem>>[vector<16xi32>], vector<16xf32>,
      %get3A_1029 = arith.constant 15 : i32
      %get3A_1030 = arith.index_cast %get3A_1029 : i32 to index
      %get3A_1031 = arith.constant 64 : index
      %get3A_1032 = tpu.vector_load %arg7[%get3A_1030, %get3A_1031] {strides = array<i32>} : memref<32x256xf32, #tpu.memory_space<vmem>>, vector<16xf32>,
      %broadcast_in_dim3A_1033 = arith.constant 15 : i32
      %broadcast_in_dim3A_1034 = vector.broadcast %broadcast_in_dim3A_1033 : i32 to vector<16xi32>
      %add3A_1035 = arith.addi %mul3A_923, %broadcast_in_dim3A_1034 : vector<16xi32>
      tpu.vector_store_idx %arg8[%add3A_1035], %get3A_1032 {add = true} : memref<16416xf32, #tpu.memory_space<vmem>>[vector<16xi32>], vector<16xf32>,
      %get3A_1036 = arith.constant 16 : i32
      %get3A_1037 = arith.index_cast %get3A_1036 : i32 to index
      %get3A_1038 = arith.constant 64 : index
      %get3A_1039 = tpu.vector_load %arg7[%get3A_1037, %get3A_1038] {strides = array<i32>} : memref<32x256xf32, #tpu.memory_space<vmem>>, vector<16xf32>,
      %broadcast_in_dim3A_1040 = arith.constant 16 : i32
      %broadcast_in_dim3A_1041 = vector.broadcast %broadcast_in_dim3A_1040 : i32 to vector<16xi32>
      %add3A_1042 = arith.addi %mul3A_923, %broadcast_in_dim3A_1041 : vector<16xi32>
      tpu.vector_store_idx %arg8[%add3A_1042], %get3A_1039 {add = true} : memref<16416xf32, #tpu.memory_space<vmem>>[vector<16xi32>], vector<16xf32>,
      %get3A_1043 = arith.constant 17 : i32
      %get3A_1044 = arith.index_cast %get3A_1043 : i32 to index
      %get3A_1045 = arith.constant 64 : index
      %get3A_1046 = tpu.vector_load %arg7[%get3A_1044, %get3A_1045] {strides = array<i32>} : memref<32x256xf32, #tpu.memory_space<vmem>>, vector<16xf32>,
      %broadcast_in_dim3A_1047 = arith.constant 17 : i32
      %broadcast_in_dim3A_1048 = vector.broadcast %broadcast_in_dim3A_1047 : i32 to vector<16xi32>
      %add3A_1049 = arith.addi %mul3A_923, %broadcast_in_dim3A_1048 : vector<16xi32>
      tpu.vector_store_idx %arg8[%add3A_1049], %get3A_1046 {add = true} : memref<16416xf32, #tpu.memory_space<vmem>>[vector<16xi32>], vector<16xf32>,
      %get3A_1050 = arith.constant 18 : i32
      %get3A_1051 = arith.index_cast %get3A_1050 : i32 to index
      %get3A_1052 = arith.constant 64 : index
      %get3A_1053 = tpu.vector_load %arg7[%get3A_1051, %get3A_1052] {strides = array<i32>} : memref<32x256xf32, #tpu.memory_space<vmem>>, vector<16xf32>,
      %broadcast_in_dim3A_1054 = arith.constant 18 : i32
      %broadcast_in_dim3A_1055 = vector.broadcast %broadcast_in_dim3A_1054 : i32 to vector<16xi32>
      %add3A_1056 = arith.addi %mul3A_923, %broadcast_in_dim3A_1055 : vector<16xi32>
      tpu.vector_store_idx %arg8[%add3A_1056], %get3A_1053 {add = true} : memref<16416xf32, #tpu.memory_space<vmem>>[vector<16xi32>], vector<16xf32>,
      %get3A_1057 = arith.constant 19 : i32
      %get3A_1058 = arith.index_cast %get3A_1057 : i32 to index
      %get3A_1059 = arith.constant 64 : index
      %get3A_1060 = tpu.vector_load %arg7[%get3A_1058, %get3A_1059] {strides = array<i32>} : memref<32x256xf32, #tpu.memory_space<vmem>>, vector<16xf32>,
      %broadcast_in_dim3A_1061 = arith.constant 19 : i32
      %broadcast_in_dim3A_1062 = vector.broadcast %broadcast_in_dim3A_1061 : i32 to vector<16xi32>
      %add3A_1063 = arith.addi %mul3A_923, %broadcast_in_dim3A_1062 : vector<16xi32>
      tpu.vector_store_idx %arg8[%add3A_1063], %get3A_1060 {add = true} : memref<16416xf32, #tpu.memory_space<vmem>>[vector<16xi32>], vector<16xf32>,
      %get3A_1064 = arith.constant 20 : i32
      %get3A_1065 = arith.index_cast %get3A_1064 : i32 to index
      %get3A_1066 = arith.constant 64 : index
      %get3A_1067 = tpu.vector_load %arg7[%get3A_1065, %get3A_1066] {strides = array<i32>} : memref<32x256xf32, #tpu.memory_space<vmem>>, vector<16xf32>,
      %broadcast_in_dim3A_1068 = arith.constant 20 : i32
      %broadcast_in_dim3A_1069 = vector.broadcast %broadcast_in_dim3A_1068 : i32 to vector<16xi32>
      %add3A_1070 = arith.addi %mul3A_923, %broadcast_in_dim3A_1069 : vector<16xi32>
      tpu.vector_store_idx %arg8[%add3A_1070], %get3A_1067 {add = true} : memref<16416xf32, #tpu.memory_space<vmem>>[vector<16xi32>], vector<16xf32>,
      %get3A_1071 = arith.constant 21 : i32
      %get3A_1072 = arith.index_cast %get3A_1071 : i32 to index
      %get3A_1073 = arith.constant 64 : index
      %get3A_1074 = tpu.vector_load %arg7[%get3A_1072, %get3A_1073] {strides = array<i32>} : memref<32x256xf32, #tpu.memory_space<vmem>>, vector<16xf32>,
      %broadcast_in_dim3A_1075 = arith.constant 21 : i32
      %broadcast_in_dim3A_1076 = vector.broadcast %broadcast_in_dim3A_1075 : i32 to vector<16xi32>
      %add3A_1077 = arith.addi %mul3A_923, %broadcast_in_dim3A_1076 : vector<16xi32>
      tpu.vector_store_idx %arg8[%add3A_1077], %get3A_1074 {add = true} : memref<16416xf32, #tpu.memory_space<vmem>>[vector<16xi32>], vector<16xf32>,
      %get3A_1078 = arith.constant 22 : i32
      %get3A_1079 = arith.index_cast %get3A_1078 : i32 to index
      %get3A_1080 = arith.constant 64 : index
      %get3A_1081 = tpu.vector_load %arg7[%get3A_1079, %get3A_1080] {strides = array<i32>} : memref<32x256xf32, #tpu.memory_space<vmem>>, vector<16xf32>,
      %broadcast_in_dim3A_1082 = arith.constant 22 : i32
      %broadcast_in_dim3A_1083 = vector.broadcast %broadcast_in_dim3A_1082 : i32 to vector<16xi32>
      %add3A_1084 = arith.addi %mul3A_923, %broadcast_in_dim3A_1083 : vector<16xi32>
      tpu.vector_store_idx %arg8[%add3A_1084], %get3A_1081 {add = true} : memref<16416xf32, #tpu.memory_space<vmem>>[vector<16xi32>], vector<16xf32>,
      %get3A_1085 = arith.constant 23 : i32
      %get3A_1086 = arith.index_cast %get3A_1085 : i32 to index
      %get3A_1087 = arith.constant 64 : index
      %get3A_1088 = tpu.vector_load %arg7[%get3A_1086, %get3A_1087] {strides = array<i32>} : memref<32x256xf32, #tpu.memory_space<vmem>>, vector<16xf32>,
      %broadcast_in_dim3A_1089 = arith.constant 23 : i32
      %broadcast_in_dim3A_1090 = vector.broadcast %broadcast_in_dim3A_1089 : i32 to vector<16xi32>
      %add3A_1091 = arith.addi %mul3A_923, %broadcast_in_dim3A_1090 : vector<16xi32>
      tpu.vector_store_idx %arg8[%add3A_1091], %get3A_1088 {add = true} : memref<16416xf32, #tpu.memory_space<vmem>>[vector<16xi32>], vector<16xf32>,
      %get3A_1092 = arith.constant 24 : i32
      %get3A_1093 = arith.index_cast %get3A_1092 : i32 to index
      %get3A_1094 = arith.constant 64 : index
      %get3A_1095 = tpu.vector_load %arg7[%get3A_1093, %get3A_1094] {strides = array<i32>} : memref<32x256xf32, #tpu.memory_space<vmem>>, vector<16xf32>,
      %broadcast_in_dim3A_1096 = arith.constant 24 : i32
      %broadcast_in_dim3A_1097 = vector.broadcast %broadcast_in_dim3A_1096 : i32 to vector<16xi32>
      %add3A_1098 = arith.addi %mul3A_923, %broadcast_in_dim3A_1097 : vector<16xi32>
      tpu.vector_store_idx %arg8[%add3A_1098], %get3A_1095 {add = true} : memref<16416xf32, #tpu.memory_space<vmem>>[vector<16xi32>], vector<16xf32>,
      %get3A_1099 = arith.constant 25 : i32
      %get3A_1100 = arith.index_cast %get3A_1099 : i32 to index
      %get3A_1101 = arith.constant 64 : index
      %get3A_1102 = tpu.vector_load %arg7[%get3A_1100, %get3A_1101] {strides = array<i32>} : memref<32x256xf32, #tpu.memory_space<vmem>>, vector<16xf32>,
      %broadcast_in_dim3A_1103 = arith.constant 25 : i32
      %broadcast_in_dim3A_1104 = vector.broadcast %broadcast_in_dim3A_1103 : i32 to vector<16xi32>
      %add3A_1105 = arith.addi %mul3A_923, %broadcast_in_dim3A_1104 : vector<16xi32>
      tpu.vector_store_idx %arg8[%add3A_1105], %get3A_1102 {add = true} : memref<16416xf32, #tpu.memory_space<vmem>>[vector<16xi32>], vector<16xf32>,
      %get3A_1106 = arith.constant 26 : i32
      %get3A_1107 = arith.index_cast %get3A_1106 : i32 to index
      %get3A_1108 = arith.constant 64 : index
      %get3A_1109 = tpu.vector_load %arg7[%get3A_1107, %get3A_1108] {strides = array<i32>} : memref<32x256xf32, #tpu.memory_space<vmem>>, vector<16xf32>,
      %broadcast_in_dim3A_1110 = arith.constant 26 : i32
      %broadcast_in_dim3A_1111 = vector.broadcast %broadcast_in_dim3A_1110 : i32 to vector<16xi32>
      %add3A_1112 = arith.addi %mul3A_923, %broadcast_in_dim3A_1111 : vector<16xi32>
      tpu.vector_store_idx %arg8[%add3A_1112], %get3A_1109 {add = true} : memref<16416xf32, #tpu.memory_space<vmem>>[vector<16xi32>], vector<16xf32>,
      %get3A_1113 = arith.constant 27 : i32
      %get3A_1114 = arith.index_cast %get3A_1113 : i32 to index
      %get3A_1115 = arith.constant 64 : index
      %get3A_1116 = tpu.vector_load %arg7[%get3A_1114, %get3A_1115] {strides = array<i32>} : memref<32x256xf32, #tpu.memory_space<vmem>>, vector<16xf32>,
      %broadcast_in_dim3A_1117 = arith.constant 27 : i32
      %broadcast_in_dim3A_1118 = vector.broadcast %broadcast_in_dim3A_1117 : i32 to vector<16xi32>
      %add3A_1119 = arith.addi %mul3A_923, %broadcast_in_dim3A_1118 : vector<16xi32>
      tpu.vector_store_idx %arg8[%add3A_1119], %get3A_1116 {add = true} : memref<16416xf32, #tpu.memory_space<vmem>>[vector<16xi32>], vector<16xf32>,
      %get3A_1120 = arith.constant 28 : i32
      %get3A_1121 = arith.index_cast %get3A_1120 : i32 to index
      %get3A_1122 = arith.constant 64 : index
      %get3A_1123 = tpu.vector_load %arg7[%get3A_1121, %get3A_1122] {strides = array<i32>} : memref<32x256xf32, #tpu.memory_space<vmem>>, vector<16xf32>,
      %broadcast_in_dim3A_1124 = arith.constant 28 : i32
      %broadcast_in_dim3A_1125 = vector.broadcast %broadcast_in_dim3A_1124 : i32 to vector<16xi32>
      %add3A_1126 = arith.addi %mul3A_923, %broadcast_in_dim3A_1125 : vector<16xi32>
      tpu.vector_store_idx %arg8[%add3A_1126], %get3A_1123 {add = true} : memref<16416xf32, #tpu.memory_space<vmem>>[vector<16xi32>], vector<16xf32>,
      %get3A_1127 = arith.constant 29 : i32
      %get3A_1128 = arith.index_cast %get3A_1127 : i32 to index
      %get3A_1129 = arith.constant 64 : index
      %get3A_1130 = tpu.vector_load %arg7[%get3A_1128, %get3A_1129] {strides = array<i32>} : memref<32x256xf32, #tpu.memory_space<vmem>>, vector<16xf32>,
      %broadcast_in_dim3A_1131 = arith.constant 29 : i32
      %broadcast_in_dim3A_1132 = vector.broadcast %broadcast_in_dim3A_1131 : i32 to vector<16xi32>
      %add3A_1133 = arith.addi %mul3A_923, %broadcast_in_dim3A_1132 : vector<16xi32>
      tpu.vector_store_idx %arg8[%add3A_1133], %get3A_1130 {add = true} : memref<16416xf32, #tpu.memory_space<vmem>>[vector<16xi32>], vector<16xf32>,
      %get3A_1134 = arith.constant 30 : i32
      %get3A_1135 = arith.index_cast %get3A_1134 : i32 to index
      %get3A_1136 = arith.constant 64 : index
      %get3A_1137 = tpu.vector_load %arg7[%get3A_1135, %get3A_1136] {strides = array<i32>} : memref<32x256xf32, #tpu.memory_space<vmem>>, vector<16xf32>,
      %broadcast_in_dim3A_1138 = arith.constant 30 : i32
      %broadcast_in_dim3A_1139 = vector.broadcast %broadcast_in_dim3A_1138 : i32 to vector<16xi32>
      %add3A_1140 = arith.addi %mul3A_923, %broadcast_in_dim3A_1139 : vector<16xi32>
      tpu.vector_store_idx %arg8[%add3A_1140], %get3A_1137 {add = true} : memref<16416xf32, #tpu.memory_space<vmem>>[vector<16xi32>], vector<16xf32>,
      %get3A_1141 = arith.constant 31 : i32
      %get3A_1142 = arith.index_cast %get3A_1141 : i32 to index
      %get3A_1143 = arith.constant 64 : index
      %get3A_1144 = tpu.vector_load %arg7[%get3A_1142, %get3A_1143] {strides = array<i32>} : memref<32x256xf32, #tpu.memory_space<vmem>>, vector<16xf32>,
      %broadcast_in_dim3A_1145 = arith.constant 31 : i32
      %broadcast_in_dim3A_1146 = vector.broadcast %broadcast_in_dim3A_1145 : i32 to vector<16xi32>
      %add3A_1147 = arith.addi %mul3A_923, %broadcast_in_dim3A_1146 : vector<16xi32>
      tpu.vector_store_idx %arg8[%add3A_1147], %get3A_1144 {add = true} : memref<16416xf32, #tpu.memory_space<vmem>>[vector<16xi32>], vector<16xf32>,
      %get3A_1148 = arith.constant 80 : index
      %get3A_1149 = tpu.vector_load %arg6[%get3A_1148] {strides = array<i32>} : memref<256xi32, #tpu.memory_space<vmem>>, vector<16xi32>,
      %mul3A_1150 = arith.constant 32 : i32
      %mul3A_1151 = vector.broadcast %mul3A_1150 : i32 to vector<16xi32>
      %mul3A_1152 = arith.muli %get3A_1149, %mul3A_1151 : vector<16xi32>
      %get3A_1153 = arith.constant 0 : i32
      %get3A_1154 = arith.index_cast %get3A_1153 : i32 to index
      %get3A_1155 = arith.constant 80 : index
      %get3A_1156 = tpu.vector_load %arg7[%get3A_1154, %get3A_1155] {strides = array<i32>} : memref<32x256xf32, #tpu.memory_space<vmem>>, vector<16xf32>,
      %broadcast_in_dim3A_1157 = arith.constant 0 : i32
      %broadcast_in_dim3A_1158 = vector.broadcast %broadcast_in_dim3A_1157 : i32 to vector<16xi32>
      %add3A_1159 = arith.addi %mul3A_1152, %broadcast_in_dim3A_1158 : vector<16xi32>
      tpu.vector_store_idx %arg8[%add3A_1159], %get3A_1156 {add = true} : memref<16416xf32, #tpu.memory_space<vmem>>[vector<16xi32>], vector<16xf32>,
      %get3A_1160 = arith.constant 1 : i32
      %get3A_1161 = arith.index_cast %get3A_1160 : i32 to index
      %get3A_1162 = arith.constant 80 : index
      %get3A_1163 = tpu.vector_load %arg7[%get3A_1161, %get3A_1162] {strides = array<i32>} : memref<32x256xf32, #tpu.memory_space<vmem>>, vector<16xf32>,
      %broadcast_in_dim3A_1164 = arith.constant 1 : i32
      %broadcast_in_dim3A_1165 = vector.broadcast %broadcast_in_dim3A_1164 : i32 to vector<16xi32>
      %add3A_1166 = arith.addi %mul3A_1152, %broadcast_in_dim3A_1165 : vector<16xi32>
      tpu.vector_store_idx %arg8[%add3A_1166], %get3A_1163 {add = true} : memref<16416xf32, #tpu.memory_space<vmem>>[vector<16xi32>], vector<16xf32>,
      %get3A_1167 = arith.constant 2 : i32
      %get3A_1168 = arith.index_cast %get3A_1167 : i32 to index
      %get3A_1169 = arith.constant 80 : index
      %get3A_1170 = tpu.vector_load %arg7[%get3A_1168, %get3A_1169] {strides = array<i32>} : memref<32x256xf32, #tpu.memory_space<vmem>>, vector<16xf32>,
      %broadcast_in_dim3A_1171 = arith.constant 2 : i32
      %broadcast_in_dim3A_1172 = vector.broadcast %broadcast_in_dim3A_1171 : i32 to vector<16xi32>
      %add3A_1173 = arith.addi %mul3A_1152, %broadcast_in_dim3A_1172 : vector<16xi32>
      tpu.vector_store_idx %arg8[%add3A_1173], %get3A_1170 {add = true} : memref<16416xf32, #tpu.memory_space<vmem>>[vector<16xi32>], vector<16xf32>,
      %get3A_1174 = arith.constant 3 : i32
      %get3A_1175 = arith.index_cast %get3A_1174 : i32 to index
      %get3A_1176 = arith.constant 80 : index
      %get3A_1177 = tpu.vector_load %arg7[%get3A_1175, %get3A_1176] {strides = array<i32>} : memref<32x256xf32, #tpu.memory_space<vmem>>, vector<16xf32>,
      %broadcast_in_dim3A_1178 = arith.constant 3 : i32
      %broadcast_in_dim3A_1179 = vector.broadcast %broadcast_in_dim3A_1178 : i32 to vector<16xi32>
      %add3A_1180 = arith.addi %mul3A_1152, %broadcast_in_dim3A_1179 : vector<16xi32>
      tpu.vector_store_idx %arg8[%add3A_1180], %get3A_1177 {add = true} : memref<16416xf32, #tpu.memory_space<vmem>>[vector<16xi32>], vector<16xf32>,
      %get3A_1181 = arith.constant 4 : i32
      %get3A_1182 = arith.index_cast %get3A_1181 : i32 to index
      %get3A_1183 = arith.constant 80 : index
      %get3A_1184 = tpu.vector_load %arg7[%get3A_1182, %get3A_1183] {strides = array<i32>} : memref<32x256xf32, #tpu.memory_space<vmem>>, vector<16xf32>,
      %broadcast_in_dim3A_1185 = arith.constant 4 : i32
      %broadcast_in_dim3A_1186 = vector.broadcast %broadcast_in_dim3A_1185 : i32 to vector<16xi32>
      %add3A_1187 = arith.addi %mul3A_1152, %broadcast_in_dim3A_1186 : vector<16xi32>
      tpu.vector_store_idx %arg8[%add3A_1187], %get3A_1184 {add = true} : memref<16416xf32, #tpu.memory_space<vmem>>[vector<16xi32>], vector<16xf32>,
      %get3A_1188 = arith.constant 5 : i32
      %get3A_1189 = arith.index_cast %get3A_1188 : i32 to index
      %get3A_1190 = arith.constant 80 : index
      %get3A_1191 = tpu.vector_load %arg7[%get3A_1189, %get3A_1190] {strides = array<i32>} : memref<32x256xf32, #tpu.memory_space<vmem>>, vector<16xf32>,
      %broadcast_in_dim3A_1192 = arith.constant 5 : i32
      %broadcast_in_dim3A_1193 = vector.broadcast %broadcast_in_dim3A_1192 : i32 to vector<16xi32>
      %add3A_1194 = arith.addi %mul3A_1152, %broadcast_in_dim3A_1193 : vector<16xi32>
      tpu.vector_store_idx %arg8[%add3A_1194], %get3A_1191 {add = true} : memref<16416xf32, #tpu.memory_space<vmem>>[vector<16xi32>], vector<16xf32>,
      %get3A_1195 = arith.constant 6 : i32
      %get3A_1196 = arith.index_cast %get3A_1195 : i32 to index
      %get3A_1197 = arith.constant 80 : index
      %get3A_1198 = tpu.vector_load %arg7[%get3A_1196, %get3A_1197] {strides = array<i32>} : memref<32x256xf32, #tpu.memory_space<vmem>>, vector<16xf32>,
      %broadcast_in_dim3A_1199 = arith.constant 6 : i32
      %broadcast_in_dim3A_1200 = vector.broadcast %broadcast_in_dim3A_1199 : i32 to vector<16xi32>
      %add3A_1201 = arith.addi %mul3A_1152, %broadcast_in_dim3A_1200 : vector<16xi32>
      tpu.vector_store_idx %arg8[%add3A_1201], %get3A_1198 {add = true} : memref<16416xf32, #tpu.memory_space<vmem>>[vector<16xi32>], vector<16xf32>,
      %get3A_1202 = arith.constant 7 : i32
      %get3A_1203 = arith.index_cast %get3A_1202 : i32 to index
      %get3A_1204 = arith.constant 80 : index
      %get3A_1205 = tpu.vector_load %arg7[%get3A_1203, %get3A_1204] {strides = array<i32>} : memref<32x256xf32, #tpu.memory_space<vmem>>, vector<16xf32>,
      %broadcast_in_dim3A_1206 = arith.constant 7 : i32
      %broadcast_in_dim3A_1207 = vector.broadcast %broadcast_in_dim3A_1206 : i32 to vector<16xi32>
      %add3A_1208 = arith.addi %mul3A_1152, %broadcast_in_dim3A_1207 : vector<16xi32>
      tpu.vector_store_idx %arg8[%add3A_1208], %get3A_1205 {add = true} : memref<16416xf32, #tpu.memory_space<vmem>>[vector<16xi32>], vector<16xf32>,
      %get3A_1209 = arith.constant 8 : i32
      %get3A_1210 = arith.index_cast %get3A_1209 : i32 to index
      %get3A_1211 = arith.constant 80 : index
      %get3A_1212 = tpu.vector_load %arg7[%get3A_1210, %get3A_1211] {strides = array<i32>} : memref<32x256xf32, #tpu.memory_space<vmem>>, vector<16xf32>,
      %broadcast_in_dim3A_1213 = arith.constant 8 : i32
      %broadcast_in_dim3A_1214 = vector.broadcast %broadcast_in_dim3A_1213 : i32 to vector<16xi32>
      %add3A_1215 = arith.addi %mul3A_1152, %broadcast_in_dim3A_1214 : vector<16xi32>
      tpu.vector_store_idx %arg8[%add3A_1215], %get3A_1212 {add = true} : memref<16416xf32, #tpu.memory_space<vmem>>[vector<16xi32>], vector<16xf32>,
      %get3A_1216 = arith.constant 9 : i32
      %get3A_1217 = arith.index_cast %get3A_1216 : i32 to index
      %get3A_1218 = arith.constant 80 : index
      %get3A_1219 = tpu.vector_load %arg7[%get3A_1217, %get3A_1218] {strides = array<i32>} : memref<32x256xf32, #tpu.memory_space<vmem>>, vector<16xf32>,
      %broadcast_in_dim3A_1220 = arith.constant 9 : i32
      %broadcast_in_dim3A_1221 = vector.broadcast %broadcast_in_dim3A_1220 : i32 to vector<16xi32>
      %add3A_1222 = arith.addi %mul3A_1152, %broadcast_in_dim3A_1221 : vector<16xi32>
      tpu.vector_store_idx %arg8[%add3A_1222], %get3A_1219 {add = true} : memref<16416xf32, #tpu.memory_space<vmem>>[vector<16xi32>], vector<16xf32>,
      %get3A_1223 = arith.constant 10 : i32
      %get3A_1224 = arith.index_cast %get3A_1223 : i32 to index
      %get3A_1225 = arith.constant 80 : index
      %get3A_1226 = tpu.vector_load %arg7[%get3A_1224, %get3A_1225] {strides = array<i32>} : memref<32x256xf32, #tpu.memory_space<vmem>>, vector<16xf32>,
      %broadcast_in_dim3A_1227 = arith.constant 10 : i32
      %broadcast_in_dim3A_1228 = vector.broadcast %broadcast_in_dim3A_1227 : i32 to vector<16xi32>
      %add3A_1229 = arith.addi %mul3A_1152, %broadcast_in_dim3A_1228 : vector<16xi32>
      tpu.vector_store_idx %arg8[%add3A_1229], %get3A_1226 {add = true} : memref<16416xf32, #tpu.memory_space<vmem>>[vector<16xi32>], vector<16xf32>,
      %get3A_1230 = arith.constant 11 : i32
      %get3A_1231 = arith.index_cast %get3A_1230 : i32 to index
      %get3A_1232 = arith.constant 80 : index
      %get3A_1233 = tpu.vector_load %arg7[%get3A_1231, %get3A_1232] {strides = array<i32>} : memref<32x256xf32, #tpu.memory_space<vmem>>, vector<16xf32>,
      %broadcast_in_dim3A_1234 = arith.constant 11 : i32
      %broadcast_in_dim3A_1235 = vector.broadcast %broadcast_in_dim3A_1234 : i32 to vector<16xi32>
      %add3A_1236 = arith.addi %mul3A_1152, %broadcast_in_dim3A_1235 : vector<16xi32>
      tpu.vector_store_idx %arg8[%add3A_1236], %get3A_1233 {add = true} : memref<16416xf32, #tpu.memory_space<vmem>>[vector<16xi32>], vector<16xf32>,
      %get3A_1237 = arith.constant 12 : i32
      %get3A_1238 = arith.index_cast %get3A_1237 : i32 to index
      %get3A_1239 = arith.constant 80 : index
      %get3A_1240 = tpu.vector_load %arg7[%get3A_1238, %get3A_1239] {strides = array<i32>} : memref<32x256xf32, #tpu.memory_space<vmem>>, vector<16xf32>,
      %broadcast_in_dim3A_1241 = arith.constant 12 : i32
      %broadcast_in_dim3A_1242 = vector.broadcast %broadcast_in_dim3A_1241 : i32 to vector<16xi32>
      %add3A_1243 = arith.addi %mul3A_1152, %broadcast_in_dim3A_1242 : vector<16xi32>
      tpu.vector_store_idx %arg8[%add3A_1243], %get3A_1240 {add = true} : memref<16416xf32, #tpu.memory_space<vmem>>[vector<16xi32>], vector<16xf32>,
      %get3A_1244 = arith.constant 13 : i32
      %get3A_1245 = arith.index_cast %get3A_1244 : i32 to index
      %get3A_1246 = arith.constant 80 : index
      %get3A_1247 = tpu.vector_load %arg7[%get3A_1245, %get3A_1246] {strides = array<i32>} : memref<32x256xf32, #tpu.memory_space<vmem>>, vector<16xf32>,
      %broadcast_in_dim3A_1248 = arith.constant 13 : i32
      %broadcast_in_dim3A_1249 = vector.broadcast %broadcast_in_dim3A_1248 : i32 to vector<16xi32>
      %add3A_1250 = arith.addi %mul3A_1152, %broadcast_in_dim3A_1249 : vector<16xi32>
      tpu.vector_store_idx %arg8[%add3A_1250], %get3A_1247 {add = true} : memref<16416xf32, #tpu.memory_space<vmem>>[vector<16xi32>], vector<16xf32>,
      %get3A_1251 = arith.constant 14 : i32
      %get3A_1252 = arith.index_cast %get3A_1251 : i32 to index
      %get3A_1253 = arith.constant 80 : index
      %get3A_1254 = tpu.vector_load %arg7[%get3A_1252, %get3A_1253] {strides = array<i32>} : memref<32x256xf32, #tpu.memory_space<vmem>>, vector<16xf32>,
      %broadcast_in_dim3A_1255 = arith.constant 14 : i32
      %broadcast_in_dim3A_1256 = vector.broadcast %broadcast_in_dim3A_1255 : i32 to vector<16xi32>
      %add3A_1257 = arith.addi %mul3A_1152, %broadcast_in_dim3A_1256 : vector<16xi32>
      tpu.vector_store_idx %arg8[%add3A_1257], %get3A_1254 {add = true} : memref<16416xf32, #tpu.memory_space<vmem>>[vector<16xi32>], vector<16xf32>,
      %get3A_1258 = arith.constant 15 : i32
      %get3A_1259 = arith.index_cast %get3A_1258 : i32 to index
      %get3A_1260 = arith.constant 80 : index
      %get3A_1261 = tpu.vector_load %arg7[%get3A_1259, %get3A_1260] {strides = array<i32>} : memref<32x256xf32, #tpu.memory_space<vmem>>, vector<16xf32>,
      %broadcast_in_dim3A_1262 = arith.constant 15 : i32
      %broadcast_in_dim3A_1263 = vector.broadcast %broadcast_in_dim3A_1262 : i32 to vector<16xi32>
      %add3A_1264 = arith.addi %mul3A_1152, %broadcast_in_dim3A_1263 : vector<16xi32>
      tpu.vector_store_idx %arg8[%add3A_1264], %get3A_1261 {add = true} : memref<16416xf32, #tpu.memory_space<vmem>>[vector<16xi32>], vector<16xf32>,
      %get3A_1265 = arith.constant 16 : i32
      %get3A_1266 = arith.index_cast %get3A_1265 : i32 to index
      %get3A_1267 = arith.constant 80 : index
      %get3A_1268 = tpu.vector_load %arg7[%get3A_1266, %get3A_1267] {strides = array<i32>} : memref<32x256xf32, #tpu.memory_space<vmem>>, vector<16xf32>,
      %broadcast_in_dim3A_1269 = arith.constant 16 : i32
      %broadcast_in_dim3A_1270 = vector.broadcast %broadcast_in_dim3A_1269 : i32 to vector<16xi32>
      %add3A_1271 = arith.addi %mul3A_1152, %broadcast_in_dim3A_1270 : vector<16xi32>
      tpu.vector_store_idx %arg8[%add3A_1271], %get3A_1268 {add = true} : memref<16416xf32, #tpu.memory_space<vmem>>[vector<16xi32>], vector<16xf32>,
      %get3A_1272 = arith.constant 17 : i32
      %get3A_1273 = arith.index_cast %get3A_1272 : i32 to index
      %get3A_1274 = arith.constant 80 : index
      %get3A_1275 = tpu.vector_load %arg7[%get3A_1273, %get3A_1274] {strides = array<i32>} : memref<32x256xf32, #tpu.memory_space<vmem>>, vector<16xf32>,
      %broadcast_in_dim3A_1276 = arith.constant 17 : i32
      %broadcast_in_dim3A_1277 = vector.broadcast %broadcast_in_dim3A_1276 : i32 to vector<16xi32>
      %add3A_1278 = arith.addi %mul3A_1152, %broadcast_in_dim3A_1277 : vector<16xi32>
      tpu.vector_store_idx %arg8[%add3A_1278], %get3A_1275 {add = true} : memref<16416xf32, #tpu.memory_space<vmem>>[vector<16xi32>], vector<16xf32>,
      %get3A_1279 = arith.constant 18 : i32
      %get3A_1280 = arith.index_cast %get3A_1279 : i32 to index
      %get3A_1281 = arith.constant 80 : index
      %get3A_1282 = tpu.vector_load %arg7[%get3A_1280, %get3A_1281] {strides = array<i32>} : memref<32x256xf32, #tpu.memory_space<vmem>>, vector<16xf32>,
      %broadcast_in_dim3A_1283 = arith.constant 18 : i32
      %broadcast_in_dim3A_1284 = vector.broadcast %broadcast_in_dim3A_1283 : i32 to vector<16xi32>
      %add3A_1285 = arith.addi %mul3A_1152, %broadcast_in_dim3A_1284 : vector<16xi32>
      tpu.vector_store_idx %arg8[%add3A_1285], %get3A_1282 {add = true} : memref<16416xf32, #tpu.memory_space<vmem>>[vector<16xi32>], vector<16xf32>,
      %get3A_1286 = arith.constant 19 : i32
      %get3A_1287 = arith.index_cast %get3A_1286 : i32 to index
      %get3A_1288 = arith.constant 80 : index
      %get3A_1289 = tpu.vector_load %arg7[%get3A_1287, %get3A_1288] {strides = array<i32>} : memref<32x256xf32, #tpu.memory_space<vmem>>, vector<16xf32>,
      %broadcast_in_dim3A_1290 = arith.constant 19 : i32
      %broadcast_in_dim3A_1291 = vector.broadcast %broadcast_in_dim3A_1290 : i32 to vector<16xi32>
      %add3A_1292 = arith.addi %mul3A_1152, %broadcast_in_dim3A_1291 : vector<16xi32>
      tpu.vector_store_idx %arg8[%add3A_1292], %get3A_1289 {add = true} : memref<16416xf32, #tpu.memory_space<vmem>>[vector<16xi32>], vector<16xf32>,
      %get3A_1293 = arith.constant 20 : i32
      %get3A_1294 = arith.index_cast %get3A_1293 : i32 to index
      %get3A_1295 = arith.constant 80 : index
      %get3A_1296 = tpu.vector_load %arg7[%get3A_1294, %get3A_1295] {strides = array<i32>} : memref<32x256xf32, #tpu.memory_space<vmem>>, vector<16xf32>,
      %broadcast_in_dim3A_1297 = arith.constant 20 : i32
      %broadcast_in_dim3A_1298 = vector.broadcast %broadcast_in_dim3A_1297 : i32 to vector<16xi32>
      %add3A_1299 = arith.addi %mul3A_1152, %broadcast_in_dim3A_1298 : vector<16xi32>
      tpu.vector_store_idx %arg8[%add3A_1299], %get3A_1296 {add = true} : memref<16416xf32, #tpu.memory_space<vmem>>[vector<16xi32>], vector<16xf32>,
      %get3A_1300 = arith.constant 21 : i32
      %get3A_1301 = arith.index_cast %get3A_1300 : i32 to index
      %get3A_1302 = arith.constant 80 : index
      %get3A_1303 = tpu.vector_load %arg7[%get3A_1301, %get3A_1302] {strides = array<i32>} : memref<32x256xf32, #tpu.memory_space<vmem>>, vector<16xf32>,
      %broadcast_in_dim3A_1304 = arith.constant 21 : i32
      %broadcast_in_dim3A_1305 = vector.broadcast %broadcast_in_dim3A_1304 : i32 to vector<16xi32>
      %add3A_1306 = arith.addi %mul3A_1152, %broadcast_in_dim3A_1305 : vector<16xi32>
      tpu.vector_store_idx %arg8[%add3A_1306], %get3A_1303 {add = true} : memref<16416xf32, #tpu.memory_space<vmem>>[vector<16xi32>], vector<16xf32>,
      %get3A_1307 = arith.constant 22 : i32
      %get3A_1308 = arith.index_cast %get3A_1307 : i32 to index
      %get3A_1309 = arith.constant 80 : index
      %get3A_1310 = tpu.vector_load %arg7[%get3A_1308, %get3A_1309] {strides = array<i32>} : memref<32x256xf32, #tpu.memory_space<vmem>>, vector<16xf32>,
      %broadcast_in_dim3A_1311 = arith.constant 22 : i32
      %broadcast_in_dim3A_1312 = vector.broadcast %broadcast_in_dim3A_1311 : i32 to vector<16xi32>
      %add3A_1313 = arith.addi %mul3A_1152, %broadcast_in_dim3A_1312 : vector<16xi32>
      tpu.vector_store_idx %arg8[%add3A_1313], %get3A_1310 {add = true} : memref<16416xf32, #tpu.memory_space<vmem>>[vector<16xi32>], vector<16xf32>,
      %get3A_1314 = arith.constant 23 : i32
      %get3A_1315 = arith.index_cast %get3A_1314 : i32 to index
      %get3A_1316 = arith.constant 80 : index
      %get3A_1317 = tpu.vector_load %arg7[%get3A_1315, %get3A_1316] {strides = array<i32>} : memref<32x256xf32, #tpu.memory_space<vmem>>, vector<16xf32>,
      %broadcast_in_dim3A_1318 = arith.constant 23 : i32
      %broadcast_in_dim3A_1319 = vector.broadcast %broadcast_in_dim3A_1318 : i32 to vector<16xi32>
      %add3A_1320 = arith.addi %mul3A_1152, %broadcast_in_dim3A_1319 : vector<16xi32>
      tpu.vector_store_idx %arg8[%add3A_1320], %get3A_1317 {add = true} : memref<16416xf32, #tpu.memory_space<vmem>>[vector<16xi32>], vector<16xf32>,
      %get3A_1321 = arith.constant 24 : i32
      %get3A_1322 = arith.index_cast %get3A_1321 : i32 to index
      %get3A_1323 = arith.constant 80 : index
      %get3A_1324 = tpu.vector_load %arg7[%get3A_1322, %get3A_1323] {strides = array<i32>} : memref<32x256xf32, #tpu.memory_space<vmem>>, vector<16xf32>,
      %broadcast_in_dim3A_1325 = arith.constant 24 : i32
      %broadcast_in_dim3A_1326 = vector.broadcast %broadcast_in_dim3A_1325 : i32 to vector<16xi32>
      %add3A_1327 = arith.addi %mul3A_1152, %broadcast_in_dim3A_1326 : vector<16xi32>
      tpu.vector_store_idx %arg8[%add3A_1327], %get3A_1324 {add = true} : memref<16416xf32, #tpu.memory_space<vmem>>[vector<16xi32>], vector<16xf32>,
      %get3A_1328 = arith.constant 25 : i32
      %get3A_1329 = arith.index_cast %get3A_1328 : i32 to index
      %get3A_1330 = arith.constant 80 : index
      %get3A_1331 = tpu.vector_load %arg7[%get3A_1329, %get3A_1330] {strides = array<i32>} : memref<32x256xf32, #tpu.memory_space<vmem>>, vector<16xf32>,
      %broadcast_in_dim3A_1332 = arith.constant 25 : i32
      %broadcast_in_dim3A_1333 = vector.broadcast %broadcast_in_dim3A_1332 : i32 to vector<16xi32>
      %add3A_1334 = arith.addi %mul3A_1152, %broadcast_in_dim3A_1333 : vector<16xi32>
      tpu.vector_store_idx %arg8[%add3A_1334], %get3A_1331 {add = true} : memref<16416xf32, #tpu.memory_space<vmem>>[vector<16xi32>], vector<16xf32>,
      %get3A_1335 = arith.constant 26 : i32
      %get3A_1336 = arith.index_cast %get3A_1335 : i32 to index
      %get3A_1337 = arith.constant 80 : index
      %get3A_1338 = tpu.vector_load %arg7[%get3A_1336, %get3A_1337] {strides = array<i32>} : memref<32x256xf32, #tpu.memory_space<vmem>>, vector<16xf32>,
      %broadcast_in_dim3A_1339 = arith.constant 26 : i32
      %broadcast_in_dim3A_1340 = vector.broadcast %broadcast_in_dim3A_1339 : i32 to vector<16xi32>
      %add3A_1341 = arith.addi %mul3A_1152, %broadcast_in_dim3A_1340 : vector<16xi32>
      tpu.vector_store_idx %arg8[%add3A_1341], %get3A_1338 {add = true} : memref<16416xf32, #tpu.memory_space<vmem>>[vector<16xi32>], vector<16xf32>,
      %get3A_1342 = arith.constant 27 : i32
      %get3A_1343 = arith.index_cast %get3A_1342 : i32 to index
      %get3A_1344 = arith.constant 80 : index
      %get3A_1345 = tpu.vector_load %arg7[%get3A_1343, %get3A_1344] {strides = array<i32>} : memref<32x256xf32, #tpu.memory_space<vmem>>, vector<16xf32>,
      %broadcast_in_dim3A_1346 = arith.constant 27 : i32
      %broadcast_in_dim3A_1347 = vector.broadcast %broadcast_in_dim3A_1346 : i32 to vector<16xi32>
      %add3A_1348 = arith.addi %mul3A_1152, %broadcast_in_dim3A_1347 : vector<16xi32>
      tpu.vector_store_idx %arg8[%add3A_1348], %get3A_1345 {add = true} : memref<16416xf32, #tpu.memory_space<vmem>>[vector<16xi32>], vector<16xf32>,
      %get3A_1349 = arith.constant 28 : i32
      %get3A_1350 = arith.index_cast %get3A_1349 : i32 to index
      %get3A_1351 = arith.constant 80 : index
      %get3A_1352 = tpu.vector_load %arg7[%get3A_1350, %get3A_1351] {strides = array<i32>} : memref<32x256xf32, #tpu.memory_space<vmem>>, vector<16xf32>,
      %broadcast_in_dim3A_1353 = arith.constant 28 : i32
      %broadcast_in_dim3A_1354 = vector.broadcast %broadcast_in_dim3A_1353 : i32 to vector<16xi32>
      %add3A_1355 = arith.addi %mul3A_1152, %broadcast_in_dim3A_1354 : vector<16xi32>
      tpu.vector_store_idx %arg8[%add3A_1355], %get3A_1352 {add = true} : memref<16416xf32, #tpu.memory_space<vmem>>[vector<16xi32>], vector<16xf32>,
      %get3A_1356 = arith.constant 29 : i32
      %get3A_1357 = arith.index_cast %get3A_1356 : i32 to index
      %get3A_1358 = arith.constant 80 : index
      %get3A_1359 = tpu.vector_load %arg7[%get3A_1357, %get3A_1358] {strides = array<i32>} : memref<32x256xf32, #tpu.memory_space<vmem>>, vector<16xf32>,
      %broadcast_in_dim3A_1360 = arith.constant 29 : i32
      %broadcast_in_dim3A_1361 = vector.broadcast %broadcast_in_dim3A_1360 : i32 to vector<16xi32>
      %add3A_1362 = arith.addi %mul3A_1152, %broadcast_in_dim3A_1361 : vector<16xi32>
      tpu.vector_store_idx %arg8[%add3A_1362], %get3A_1359 {add = true} : memref<16416xf32, #tpu.memory_space<vmem>>[vector<16xi32>], vector<16xf32>,
      %get3A_1363 = arith.constant 30 : i32
      %get3A_1364 = arith.index_cast %get3A_1363 : i32 to index
      %get3A_1365 = arith.constant 80 : index
      %get3A_1366 = tpu.vector_load %arg7[%get3A_1364, %get3A_1365] {strides = array<i32>} : memref<32x256xf32, #tpu.memory_space<vmem>>, vector<16xf32>,
      %broadcast_in_dim3A_1367 = arith.constant 30 : i32
      %broadcast_in_dim3A_1368 = vector.broadcast %broadcast_in_dim3A_1367 : i32 to vector<16xi32>
      %add3A_1369 = arith.addi %mul3A_1152, %broadcast_in_dim3A_1368 : vector<16xi32>
      tpu.vector_store_idx %arg8[%add3A_1369], %get3A_1366 {add = true} : memref<16416xf32, #tpu.memory_space<vmem>>[vector<16xi32>], vector<16xf32>,
      %get3A_1370 = arith.constant 31 : i32
      %get3A_1371 = arith.index_cast %get3A_1370 : i32 to index
      %get3A_1372 = arith.constant 80 : index
      %get3A_1373 = tpu.vector_load %arg7[%get3A_1371, %get3A_1372] {strides = array<i32>} : memref<32x256xf32, #tpu.memory_space<vmem>>, vector<16xf32>,
      %broadcast_in_dim3A_1374 = arith.constant 31 : i32
      %broadcast_in_dim3A_1375 = vector.broadcast %broadcast_in_dim3A_1374 : i32 to vector<16xi32>
      %add3A_1376 = arith.addi %mul3A_1152, %broadcast_in_dim3A_1375 : vector<16xi32>
      tpu.vector_store_idx %arg8[%add3A_1376], %get3A_1373 {add = true} : memref<16416xf32, #tpu.memory_space<vmem>>[vector<16xi32>], vector<16xf32>,
      %get3A_1377 = arith.constant 96 : index
      %get3A_1378 = tpu.vector_load %arg6[%get3A_1377] {strides = array<i32>} : memref<256xi32, #tpu.memory_space<vmem>>, vector<16xi32>,
      %mul3A_1379 = arith.constant 32 : i32
      %mul3A_1380 = vector.broadcast %mul3A_1379 : i32 to vector<16xi32>
      %mul3A_1381 = arith.muli %get3A_1378, %mul3A_1380 : vector<16xi32>
      %get3A_1382 = arith.constant 0 : i32
      %get3A_1383 = arith.index_cast %get3A_1382 : i32 to index
      %get3A_1384 = arith.constant 96 : index
      %get3A_1385 = tpu.vector_load %arg7[%get3A_1383, %get3A_1384] {strides = array<i32>} : memref<32x256xf32, #tpu.memory_space<vmem>>, vector<16xf32>,
      %broadcast_in_dim3A_1386 = arith.constant 0 : i32
      %broadcast_in_dim3A_1387 = vector.broadcast %broadcast_in_dim3A_1386 : i32 to vector<16xi32>
      %add3A_1388 = arith.addi %mul3A_1381, %broadcast_in_dim3A_1387 : vector<16xi32>
      tpu.vector_store_idx %arg8[%add3A_1388], %get3A_1385 {add = true} : memref<16416xf32, #tpu.memory_space<vmem>>[vector<16xi32>], vector<16xf32>,
      %get3A_1389 = arith.constant 1 : i32
      %get3A_1390 = arith.index_cast %get3A_1389 : i32 to index
      %get3A_1391 = arith.constant 96 : index
      %get3A_1392 = tpu.vector_load %arg7[%get3A_1390, %get3A_1391] {strides = array<i32>} : memref<32x256xf32, #tpu.memory_space<vmem>>, vector<16xf32>,
      %broadcast_in_dim3A_1393 = arith.constant 1 : i32
      %broadcast_in_dim3A_1394 = vector.broadcast %broadcast_in_dim3A_1393 : i32 to vector<16xi32>
      %add3A_1395 = arith.addi %mul3A_1381, %broadcast_in_dim3A_1394 : vector<16xi32>
      tpu.vector_store_idx %arg8[%add3A_1395], %get3A_1392 {add = true} : memref<16416xf32, #tpu.memory_space<vmem>>[vector<16xi32>], vector<16xf32>,
      %get3A_1396 = arith.constant 2 : i32
      %get3A_1397 = arith.index_cast %get3A_1396 : i32 to index
      %get3A_1398 = arith.constant 96 : index
      %get3A_1399 = tpu.vector_load %arg7[%get3A_1397, %get3A_1398] {strides = array<i32>} : memref<32x256xf32, #tpu.memory_space<vmem>>, vector<16xf32>,
      %broadcast_in_dim3A_1400 = arith.constant 2 : i32
      %broadcast_in_dim3A_1401 = vector.broadcast %broadcast_in_dim3A_1400 : i32 to vector<16xi32>
      %add3A_1402 = arith.addi %mul3A_1381, %broadcast_in_dim3A_1401 : vector<16xi32>
      tpu.vector_store_idx %arg8[%add3A_1402], %get3A_1399 {add = true} : memref<16416xf32, #tpu.memory_space<vmem>>[vector<16xi32>], vector<16xf32>,
      %get3A_1403 = arith.constant 3 : i32
      %get3A_1404 = arith.index_cast %get3A_1403 : i32 to index
      %get3A_1405 = arith.constant 96 : index
      %get3A_1406 = tpu.vector_load %arg7[%get3A_1404, %get3A_1405] {strides = array<i32>} : memref<32x256xf32, #tpu.memory_space<vmem>>, vector<16xf32>,
      %broadcast_in_dim3A_1407 = arith.constant 3 : i32
      %broadcast_in_dim3A_1408 = vector.broadcast %broadcast_in_dim3A_1407 : i32 to vector<16xi32>
      %add3A_1409 = arith.addi %mul3A_1381, %broadcast_in_dim3A_1408 : vector<16xi32>
      tpu.vector_store_idx %arg8[%add3A_1409], %get3A_1406 {add = true} : memref<16416xf32, #tpu.memory_space<vmem>>[vector<16xi32>], vector<16xf32>,
      %get3A_1410 = arith.constant 4 : i32
      %get3A_1411 = arith.index_cast %get3A_1410 : i32 to index
      %get3A_1412 = arith.constant 96 : index
      %get3A_1413 = tpu.vector_load %arg7[%get3A_1411, %get3A_1412] {strides = array<i32>} : memref<32x256xf32, #tpu.memory_space<vmem>>, vector<16xf32>,
      %broadcast_in_dim3A_1414 = arith.constant 4 : i32
      %broadcast_in_dim3A_1415 = vector.broadcast %broadcast_in_dim3A_1414 : i32 to vector<16xi32>
      %add3A_1416 = arith.addi %mul3A_1381, %broadcast_in_dim3A_1415 : vector<16xi32>
      tpu.vector_store_idx %arg8[%add3A_1416], %get3A_1413 {add = true} : memref<16416xf32, #tpu.memory_space<vmem>>[vector<16xi32>], vector<16xf32>,
      %get3A_1417 = arith.constant 5 : i32
      %get3A_1418 = arith.index_cast %get3A_1417 : i32 to index
      %get3A_1419 = arith.constant 96 : index
      %get3A_1420 = tpu.vector_load %arg7[%get3A_1418, %get3A_1419] {strides = array<i32>} : memref<32x256xf32, #tpu.memory_space<vmem>>, vector<16xf32>,
      %broadcast_in_dim3A_1421 = arith.constant 5 : i32
      %broadcast_in_dim3A_1422 = vector.broadcast %broadcast_in_dim3A_1421 : i32 to vector<16xi32>
      %add3A_1423 = arith.addi %mul3A_1381, %broadcast_in_dim3A_1422 : vector<16xi32>
      tpu.vector_store_idx %arg8[%add3A_1423], %get3A_1420 {add = true} : memref<16416xf32, #tpu.memory_space<vmem>>[vector<16xi32>], vector<16xf32>,
      %get3A_1424 = arith.constant 6 : i32
      %get3A_1425 = arith.index_cast %get3A_1424 : i32 to index
      %get3A_1426 = arith.constant 96 : index
      %get3A_1427 = tpu.vector_load %arg7[%get3A_1425, %get3A_1426] {strides = array<i32>} : memref<32x256xf32, #tpu.memory_space<vmem>>, vector<16xf32>,
      %broadcast_in_dim3A_1428 = arith.constant 6 : i32
      %broadcast_in_dim3A_1429 = vector.broadcast %broadcast_in_dim3A_1428 : i32 to vector<16xi32>
      %add3A_1430 = arith.addi %mul3A_1381, %broadcast_in_dim3A_1429 : vector<16xi32>
      tpu.vector_store_idx %arg8[%add3A_1430], %get3A_1427 {add = true} : memref<16416xf32, #tpu.memory_space<vmem>>[vector<16xi32>], vector<16xf32>,
      %get3A_1431 = arith.constant 7 : i32
      %get3A_1432 = arith.index_cast %get3A_1431 : i32 to index
      %get3A_1433 = arith.constant 96 : index
      %get3A_1434 = tpu.vector_load %arg7[%get3A_1432, %get3A_1433] {strides = array<i32>} : memref<32x256xf32, #tpu.memory_space<vmem>>, vector<16xf32>,
      %broadcast_in_dim3A_1435 = arith.constant 7 : i32
      %broadcast_in_dim3A_1436 = vector.broadcast %broadcast_in_dim3A_1435 : i32 to vector<16xi32>
      %add3A_1437 = arith.addi %mul3A_1381, %broadcast_in_dim3A_1436 : vector<16xi32>
      tpu.vector_store_idx %arg8[%add3A_1437], %get3A_1434 {add = true} : memref<16416xf32, #tpu.memory_space<vmem>>[vector<16xi32>], vector<16xf32>,
      %get3A_1438 = arith.constant 8 : i32
      %get3A_1439 = arith.index_cast %get3A_1438 : i32 to index
      %get3A_1440 = arith.constant 96 : index
      %get3A_1441 = tpu.vector_load %arg7[%get3A_1439, %get3A_1440] {strides = array<i32>} : memref<32x256xf32, #tpu.memory_space<vmem>>, vector<16xf32>,
      %broadcast_in_dim3A_1442 = arith.constant 8 : i32
      %broadcast_in_dim3A_1443 = vector.broadcast %broadcast_in_dim3A_1442 : i32 to vector<16xi32>
      %add3A_1444 = arith.addi %mul3A_1381, %broadcast_in_dim3A_1443 : vector<16xi32>
      tpu.vector_store_idx %arg8[%add3A_1444], %get3A_1441 {add = true} : memref<16416xf32, #tpu.memory_space<vmem>>[vector<16xi32>], vector<16xf32>,
      %get3A_1445 = arith.constant 9 : i32
      %get3A_1446 = arith.index_cast %get3A_1445 : i32 to index
      %get3A_1447 = arith.constant 96 : index
      %get3A_1448 = tpu.vector_load %arg7[%get3A_1446, %get3A_1447] {strides = array<i32>} : memref<32x256xf32, #tpu.memory_space<vmem>>, vector<16xf32>,
      %broadcast_in_dim3A_1449 = arith.constant 9 : i32
      %broadcast_in_dim3A_1450 = vector.broadcast %broadcast_in_dim3A_1449 : i32 to vector<16xi32>
      %add3A_1451 = arith.addi %mul3A_1381, %broadcast_in_dim3A_1450 : vector<16xi32>
      tpu.vector_store_idx %arg8[%add3A_1451], %get3A_1448 {add = true} : memref<16416xf32, #tpu.memory_space<vmem>>[vector<16xi32>], vector<16xf32>,
      %get3A_1452 = arith.constant 10 : i32
      %get3A_1453 = arith.index_cast %get3A_1452 : i32 to index
      %get3A_1454 = arith.constant 96 : index
      %get3A_1455 = tpu.vector_load %arg7[%get3A_1453, %get3A_1454] {strides = array<i32>} : memref<32x256xf32, #tpu.memory_space<vmem>>, vector<16xf32>,
      %broadcast_in_dim3A_1456 = arith.constant 10 : i32
      %broadcast_in_dim3A_1457 = vector.broadcast %broadcast_in_dim3A_1456 : i32 to vector<16xi32>
      %add3A_1458 = arith.addi %mul3A_1381, %broadcast_in_dim3A_1457 : vector<16xi32>
      tpu.vector_store_idx %arg8[%add3A_1458], %get3A_1455 {add = true} : memref<16416xf32, #tpu.memory_space<vmem>>[vector<16xi32>], vector<16xf32>,
      %get3A_1459 = arith.constant 11 : i32
      %get3A_1460 = arith.index_cast %get3A_1459 : i32 to index
      %get3A_1461 = arith.constant 96 : index
      %get3A_1462 = tpu.vector_load %arg7[%get3A_1460, %get3A_1461] {strides = array<i32>} : memref<32x256xf32, #tpu.memory_space<vmem>>, vector<16xf32>,
      %broadcast_in_dim3A_1463 = arith.constant 11 : i32
      %broadcast_in_dim3A_1464 = vector.broadcast %broadcast_in_dim3A_1463 : i32 to vector<16xi32>
      %add3A_1465 = arith.addi %mul3A_1381, %broadcast_in_dim3A_1464 : vector<16xi32>
      tpu.vector_store_idx %arg8[%add3A_1465], %get3A_1462 {add = true} : memref<16416xf32, #tpu.memory_space<vmem>>[vector<16xi32>], vector<16xf32>,
      %get3A_1466 = arith.constant 12 : i32
      %get3A_1467 = arith.index_cast %get3A_1466 : i32 to index
      %get3A_1468 = arith.constant 96 : index
      %get3A_1469 = tpu.vector_load %arg7[%get3A_1467, %get3A_1468] {strides = array<i32>} : memref<32x256xf32, #tpu.memory_space<vmem>>, vector<16xf32>,
      %broadcast_in_dim3A_1470 = arith.constant 12 : i32
      %broadcast_in_dim3A_1471 = vector.broadcast %broadcast_in_dim3A_1470 : i32 to vector<16xi32>
      %add3A_1472 = arith.addi %mul3A_1381, %broadcast_in_dim3A_1471 : vector<16xi32>
      tpu.vector_store_idx %arg8[%add3A_1472], %get3A_1469 {add = true} : memref<16416xf32, #tpu.memory_space<vmem>>[vector<16xi32>], vector<16xf32>,
      %get3A_1473 = arith.constant 13 : i32
      %get3A_1474 = arith.index_cast %get3A_1473 : i32 to index
      %get3A_1475 = arith.constant 96 : index
      %get3A_1476 = tpu.vector_load %arg7[%get3A_1474, %get3A_1475] {strides = array<i32>} : memref<32x256xf32, #tpu.memory_space<vmem>>, vector<16xf32>,
      %broadcast_in_dim3A_1477 = arith.constant 13 : i32
      %broadcast_in_dim3A_1478 = vector.broadcast %broadcast_in_dim3A_1477 : i32 to vector<16xi32>
      %add3A_1479 = arith.addi %mul3A_1381, %broadcast_in_dim3A_1478 : vector<16xi32>
      tpu.vector_store_idx %arg8[%add3A_1479], %get3A_1476 {add = true} : memref<16416xf32, #tpu.memory_space<vmem>>[vector<16xi32>], vector<16xf32>,
      %get3A_1480 = arith.constant 14 : i32
      %get3A_1481 = arith.index_cast %get3A_1480 : i32 to index
      %get3A_1482 = arith.constant 96 : index
      %get3A_1483 = tpu.vector_load %arg7[%get3A_1481, %get3A_1482] {strides = array<i32>} : memref<32x256xf32, #tpu.memory_space<vmem>>, vector<16xf32>,
      %broadcast_in_dim3A_1484 = arith.constant 14 : i32
      %broadcast_in_dim3A_1485 = vector.broadcast %broadcast_in_dim3A_1484 : i32 to vector<16xi32>
      %add3A_1486 = arith.addi %mul3A_1381, %broadcast_in_dim3A_1485 : vector<16xi32>
      tpu.vector_store_idx %arg8[%add3A_1486], %get3A_1483 {add = true} : memref<16416xf32, #tpu.memory_space<vmem>>[vector<16xi32>], vector<16xf32>,
      %get3A_1487 = arith.constant 15 : i32
      %get3A_1488 = arith.index_cast %get3A_1487 : i32 to index
      %get3A_1489 = arith.constant 96 : index
      %get3A_1490 = tpu.vector_load %arg7[%get3A_1488, %get3A_1489] {strides = array<i32>} : memref<32x256xf32, #tpu.memory_space<vmem>>, vector<16xf32>,
      %broadcast_in_dim3A_1491 = arith.constant 15 : i32
      %broadcast_in_dim3A_1492 = vector.broadcast %broadcast_in_dim3A_1491 : i32 to vector<16xi32>
      %add3A_1493 = arith.addi %mul3A_1381, %broadcast_in_dim3A_1492 : vector<16xi32>
      tpu.vector_store_idx %arg8[%add3A_1493], %get3A_1490 {add = true} : memref<16416xf32, #tpu.memory_space<vmem>>[vector<16xi32>], vector<16xf32>,
      %get3A_1494 = arith.constant 16 : i32
      %get3A_1495 = arith.index_cast %get3A_1494 : i32 to index
      %get3A_1496 = arith.constant 96 : index
      %get3A_1497 = tpu.vector_load %arg7[%get3A_1495, %get3A_1496] {strides = array<i32>} : memref<32x256xf32, #tpu.memory_space<vmem>>, vector<16xf32>,
      %broadcast_in_dim3A_1498 = arith.constant 16 : i32
      %broadcast_in_dim3A_1499 = vector.broadcast %broadcast_in_dim3A_1498 : i32 to vector<16xi32>
      %add3A_1500 = arith.addi %mul3A_1381, %broadcast_in_dim3A_1499 : vector<16xi32>
      tpu.vector_store_idx %arg8[%add3A_1500], %get3A_1497 {add = true} : memref<16416xf32, #tpu.memory_space<vmem>>[vector<16xi32>], vector<16xf32>,
      %get3A_1501 = arith.constant 17 : i32
      %get3A_1502 = arith.index_cast %get3A_1501 : i32 to index
      %get3A_1503 = arith.constant 96 : index
      %get3A_1504 = tpu.vector_load %arg7[%get3A_1502, %get3A_1503] {strides = array<i32>} : memref<32x256xf32, #tpu.memory_space<vmem>>, vector<16xf32>,
      %broadcast_in_dim3A_1505 = arith.constant 17 : i32
      %broadcast_in_dim3A_1506 = vector.broadcast %broadcast_in_dim3A_1505 : i32 to vector<16xi32>
      %add3A_1507 = arith.addi %mul3A_1381, %broadcast_in_dim3A_1506 : vector<16xi32>
      tpu.vector_store_idx %arg8[%add3A_1507], %get3A_1504 {add = true} : memref<16416xf32, #tpu.memory_space<vmem>>[vector<16xi32>], vector<16xf32>,
      %get3A_1508 = arith.constant 18 : i32
      %get3A_1509 = arith.index_cast %get3A_1508 : i32 to index
      %get3A_1510 = arith.constant 96 : index
      %get3A_1511 = tpu.vector_load %arg7[%get3A_1509, %get3A_1510] {strides = array<i32>} : memref<32x256xf32, #tpu.memory_space<vmem>>, vector<16xf32>,
      %broadcast_in_dim3A_1512 = arith.constant 18 : i32
      %broadcast_in_dim3A_1513 = vector.broadcast %broadcast_in_dim3A_1512 : i32 to vector<16xi32>
      %add3A_1514 = arith.addi %mul3A_1381, %broadcast_in_dim3A_1513 : vector<16xi32>
      tpu.vector_store_idx %arg8[%add3A_1514], %get3A_1511 {add = true} : memref<16416xf32, #tpu.memory_space<vmem>>[vector<16xi32>], vector<16xf32>,
      %get3A_1515 = arith.constant 19 : i32
      %get3A_1516 = arith.index_cast %get3A_1515 : i32 to index
      %get3A_1517 = arith.constant 96 : index
      %get3A_1518 = tpu.vector_load %arg7[%get3A_1516, %get3A_1517] {strides = array<i32>} : memref<32x256xf32, #tpu.memory_space<vmem>>, vector<16xf32>,
      %broadcast_in_dim3A_1519 = arith.constant 19 : i32
      %broadcast_in_dim3A_1520 = vector.broadcast %broadcast_in_dim3A_1519 : i32 to vector<16xi32>
      %add3A_1521 = arith.addi %mul3A_1381, %broadcast_in_dim3A_1520 : vector<16xi32>
      tpu.vector_store_idx %arg8[%add3A_1521], %get3A_1518 {add = true} : memref<16416xf32, #tpu.memory_space<vmem>>[vector<16xi32>], vector<16xf32>,
      %get3A_1522 = arith.constant 20 : i32
      %get3A_1523 = arith.index_cast %get3A_1522 : i32 to index
      %get3A_1524 = arith.constant 96 : index
      %get3A_1525 = tpu.vector_load %arg7[%get3A_1523, %get3A_1524] {strides = array<i32>} : memref<32x256xf32, #tpu.memory_space<vmem>>, vector<16xf32>,
      %broadcast_in_dim3A_1526 = arith.constant 20 : i32
      %broadcast_in_dim3A_1527 = vector.broadcast %broadcast_in_dim3A_1526 : i32 to vector<16xi32>
      %add3A_1528 = arith.addi %mul3A_1381, %broadcast_in_dim3A_1527 : vector<16xi32>
      tpu.vector_store_idx %arg8[%add3A_1528], %get3A_1525 {add = true} : memref<16416xf32, #tpu.memory_space<vmem>>[vector<16xi32>], vector<16xf32>,
      %get3A_1529 = arith.constant 21 : i32
      %get3A_1530 = arith.index_cast %get3A_1529 : i32 to index
      %get3A_1531 = arith.constant 96 : index
      %get3A_1532 = tpu.vector_load %arg7[%get3A_1530, %get3A_1531] {strides = array<i32>} : memref<32x256xf32, #tpu.memory_space<vmem>>, vector<16xf32>,
      %broadcast_in_dim3A_1533 = arith.constant 21 : i32
      %broadcast_in_dim3A_1534 = vector.broadcast %broadcast_in_dim3A_1533 : i32 to vector<16xi32>
      %add3A_1535 = arith.addi %mul3A_1381, %broadcast_in_dim3A_1534 : vector<16xi32>
      tpu.vector_store_idx %arg8[%add3A_1535], %get3A_1532 {add = true} : memref<16416xf32, #tpu.memory_space<vmem>>[vector<16xi32>], vector<16xf32>,
      %get3A_1536 = arith.constant 22 : i32
      %get3A_1537 = arith.index_cast %get3A_1536 : i32 to index
      %get3A_1538 = arith.constant 96 : index
      %get3A_1539 = tpu.vector_load %arg7[%get3A_1537, %get3A_1538] {strides = array<i32>} : memref<32x256xf32, #tpu.memory_space<vmem>>, vector<16xf32>,
      %broadcast_in_dim3A_1540 = arith.constant 22 : i32
      %broadcast_in_dim3A_1541 = vector.broadcast %broadcast_in_dim3A_1540 : i32 to vector<16xi32>
      %add3A_1542 = arith.addi %mul3A_1381, %broadcast_in_dim3A_1541 : vector<16xi32>
      tpu.vector_store_idx %arg8[%add3A_1542], %get3A_1539 {add = true} : memref<16416xf32, #tpu.memory_space<vmem>>[vector<16xi32>], vector<16xf32>,
      %get3A_1543 = arith.constant 23 : i32
      %get3A_1544 = arith.index_cast %get3A_1543 : i32 to index
      %get3A_1545 = arith.constant 96 : index
      %get3A_1546 = tpu.vector_load %arg7[%get3A_1544, %get3A_1545] {strides = array<i32>} : memref<32x256xf32, #tpu.memory_space<vmem>>, vector<16xf32>,
      %broadcast_in_dim3A_1547 = arith.constant 23 : i32
      %broadcast_in_dim3A_1548 = vector.broadcast %broadcast_in_dim3A_1547 : i32 to vector<16xi32>
      %add3A_1549 = arith.addi %mul3A_1381, %broadcast_in_dim3A_1548 : vector<16xi32>
      tpu.vector_store_idx %arg8[%add3A_1549], %get3A_1546 {add = true} : memref<16416xf32, #tpu.memory_space<vmem>>[vector<16xi32>], vector<16xf32>,
      %get3A_1550 = arith.constant 24 : i32
      %get3A_1551 = arith.index_cast %get3A_1550 : i32 to index
      %get3A_1552 = arith.constant 96 : index
      %get3A_1553 = tpu.vector_load %arg7[%get3A_1551, %get3A_1552] {strides = array<i32>} : memref<32x256xf32, #tpu.memory_space<vmem>>, vector<16xf32>,
      %broadcast_in_dim3A_1554 = arith.constant 24 : i32
      %broadcast_in_dim3A_1555 = vector.broadcast %broadcast_in_dim3A_1554 : i32 to vector<16xi32>
      %add3A_1556 = arith.addi %mul3A_1381, %broadcast_in_dim3A_1555 : vector<16xi32>
      tpu.vector_store_idx %arg8[%add3A_1556], %get3A_1553 {add = true} : memref<16416xf32, #tpu.memory_space<vmem>>[vector<16xi32>], vector<16xf32>,
      %get3A_1557 = arith.constant 25 : i32
      %get3A_1558 = arith.index_cast %get3A_1557 : i32 to index
      %get3A_1559 = arith.constant 96 : index
      %get3A_1560 = tpu.vector_load %arg7[%get3A_1558, %get3A_1559] {strides = array<i32>} : memref<32x256xf32, #tpu.memory_space<vmem>>, vector<16xf32>,
      %broadcast_in_dim3A_1561 = arith.constant 25 : i32
      %broadcast_in_dim3A_1562 = vector.broadcast %broadcast_in_dim3A_1561 : i32 to vector<16xi32>
      %add3A_1563 = arith.addi %mul3A_1381, %broadcast_in_dim3A_1562 : vector<16xi32>
      tpu.vector_store_idx %arg8[%add3A_1563], %get3A_1560 {add = true} : memref<16416xf32, #tpu.memory_space<vmem>>[vector<16xi32>], vector<16xf32>,
      %get3A_1564 = arith.constant 26 : i32
      %get3A_1565 = arith.index_cast %get3A_1564 : i32 to index
      %get3A_1566 = arith.constant 96 : index
      %get3A_1567 = tpu.vector_load %arg7[%get3A_1565, %get3A_1566] {strides = array<i32>} : memref<32x256xf32, #tpu.memory_space<vmem>>, vector<16xf32>,
      %broadcast_in_dim3A_1568 = arith.constant 26 : i32
      %broadcast_in_dim3A_1569 = vector.broadcast %broadcast_in_dim3A_1568 : i32 to vector<16xi32>
      %add3A_1570 = arith.addi %mul3A_1381, %broadcast_in_dim3A_1569 : vector<16xi32>
      tpu.vector_store_idx %arg8[%add3A_1570], %get3A_1567 {add = true} : memref<16416xf32, #tpu.memory_space<vmem>>[vector<16xi32>], vector<16xf32>,
      %get3A_1571 = arith.constant 27 : i32
      %get3A_1572 = arith.index_cast %get3A_1571 : i32 to index
      %get3A_1573 = arith.constant 96 : index
      %get3A_1574 = tpu.vector_load %arg7[%get3A_1572, %get3A_1573] {strides = array<i32>} : memref<32x256xf32, #tpu.memory_space<vmem>>, vector<16xf32>,
      %broadcast_in_dim3A_1575 = arith.constant 27 : i32
      %broadcast_in_dim3A_1576 = vector.broadcast %broadcast_in_dim3A_1575 : i32 to vector<16xi32>
      %add3A_1577 = arith.addi %mul3A_1381, %broadcast_in_dim3A_1576 : vector<16xi32>
      tpu.vector_store_idx %arg8[%add3A_1577], %get3A_1574 {add = true} : memref<16416xf32, #tpu.memory_space<vmem>>[vector<16xi32>], vector<16xf32>,
      %get3A_1578 = arith.constant 28 : i32
      %get3A_1579 = arith.index_cast %get3A_1578 : i32 to index
      %get3A_1580 = arith.constant 96 : index
      %get3A_1581 = tpu.vector_load %arg7[%get3A_1579, %get3A_1580] {strides = array<i32>} : memref<32x256xf32, #tpu.memory_space<vmem>>, vector<16xf32>,
      %broadcast_in_dim3A_1582 = arith.constant 28 : i32
      %broadcast_in_dim3A_1583 = vector.broadcast %broadcast_in_dim3A_1582 : i32 to vector<16xi32>
      %add3A_1584 = arith.addi %mul3A_1381, %broadcast_in_dim3A_1583 : vector<16xi32>
      tpu.vector_store_idx %arg8[%add3A_1584], %get3A_1581 {add = true} : memref<16416xf32, #tpu.memory_space<vmem>>[vector<16xi32>], vector<16xf32>,
      %get3A_1585 = arith.constant 29 : i32
      %get3A_1586 = arith.index_cast %get3A_1585 : i32 to index
      %get3A_1587 = arith.constant 96 : index
      %get3A_1588 = tpu.vector_load %arg7[%get3A_1586, %get3A_1587] {strides = array<i32>} : memref<32x256xf32, #tpu.memory_space<vmem>>, vector<16xf32>,
      %broadcast_in_dim3A_1589 = arith.constant 29 : i32
      %broadcast_in_dim3A_1590 = vector.broadcast %broadcast_in_dim3A_1589 : i32 to vector<16xi32>
      %add3A_1591 = arith.addi %mul3A_1381, %broadcast_in_dim3A_1590 : vector<16xi32>
      tpu.vector_store_idx %arg8[%add3A_1591], %get3A_1588 {add = true} : memref<16416xf32, #tpu.memory_space<vmem>>[vector<16xi32>], vector<16xf32>,
      %get3A_1592 = arith.constant 30 : i32
      %get3A_1593 = arith.index_cast %get3A_1592 : i32 to index
      %get3A_1594 = arith.constant 96 : index
      %get3A_1595 = tpu.vector_load %arg7[%get3A_1593, %get3A_1594] {strides = array<i32>} : memref<32x256xf32, #tpu.memory_space<vmem>>, vector<16xf32>,
      %broadcast_in_dim3A_1596 = arith.constant 30 : i32
      %broadcast_in_dim3A_1597 = vector.broadcast %broadcast_in_dim3A_1596 : i32 to vector<16xi32>
      %add3A_1598 = arith.addi %mul3A_1381, %broadcast_in_dim3A_1597 : vector<16xi32>
      tpu.vector_store_idx %arg8[%add3A_1598], %get3A_1595 {add = true} : memref<16416xf32, #tpu.memory_space<vmem>>[vector<16xi32>], vector<16xf32>,
      %get3A_1599 = arith.constant 31 : i32
      %get3A_1600 = arith.index_cast %get3A_1599 : i32 to index
      %get3A_1601 = arith.constant 96 : index
      %get3A_1602 = tpu.vector_load %arg7[%get3A_1600, %get3A_1601] {strides = array<i32>} : memref<32x256xf32, #tpu.memory_space<vmem>>, vector<16xf32>,
      %broadcast_in_dim3A_1603 = arith.constant 31 : i32
      %broadcast_in_dim3A_1604 = vector.broadcast %broadcast_in_dim3A_1603 : i32 to vector<16xi32>
      %add3A_1605 = arith.addi %mul3A_1381, %broadcast_in_dim3A_1604 : vector<16xi32>
      tpu.vector_store_idx %arg8[%add3A_1605], %get3A_1602 {add = true} : memref<16416xf32, #tpu.memory_space<vmem>>[vector<16xi32>], vector<16xf32>,
      %get3A_1606 = arith.constant 112 : index
      %get3A_1607 = tpu.vector_load %arg6[%get3A_1606] {strides = array<i32>} : memref<256xi32, #tpu.memory_space<vmem>>, vector<16xi32>,
      %mul3A_1608 = arith.constant 32 : i32
      %mul3A_1609 = vector.broadcast %mul3A_1608 : i32 to vector<16xi32>
      %mul3A_1610 = arith.muli %get3A_1607, %mul3A_1609 : vector<16xi32>
      %get3A_1611 = arith.constant 0 : i32
      %get3A_1612 = arith.index_cast %get3A_1611 : i32 to index
      %get3A_1613 = arith.constant 112 : index
      %get3A_1614 = tpu.vector_load %arg7[%get3A_1612, %get3A_1613] {strides = array<i32>} : memref<32x256xf32, #tpu.memory_space<vmem>>, vector<16xf32>,
      %broadcast_in_dim3A_1615 = arith.constant 0 : i32
      %broadcast_in_dim3A_1616 = vector.broadcast %broadcast_in_dim3A_1615 : i32 to vector<16xi32>
      %add3A_1617 = arith.addi %mul3A_1610, %broadcast_in_dim3A_1616 : vector<16xi32>
      tpu.vector_store_idx %arg8[%add3A_1617], %get3A_1614 {add = true} : memref<16416xf32, #tpu.memory_space<vmem>>[vector<16xi32>], vector<16xf32>,
      %get3A_1618 = arith.constant 1 : i32
      %get3A_1619 = arith.index_cast %get3A_1618 : i32 to index
      %get3A_1620 = arith.constant 112 : index
      %get3A_1621 = tpu.vector_load %arg7[%get3A_1619, %get3A_1620] {strides = array<i32>} : memref<32x256xf32, #tpu.memory_space<vmem>>, vector<16xf32>,
      %broadcast_in_dim3A_1622 = arith.constant 1 : i32
      %broadcast_in_dim3A_1623 = vector.broadcast %broadcast_in_dim3A_1622 : i32 to vector<16xi32>
      %add3A_1624 = arith.addi %mul3A_1610, %broadcast_in_dim3A_1623 : vector<16xi32>
      tpu.vector_store_idx %arg8[%add3A_1624], %get3A_1621 {add = true} : memref<16416xf32, #tpu.memory_space<vmem>>[vector<16xi32>], vector<16xf32>,
      %get3A_1625 = arith.constant 2 : i32
      %get3A_1626 = arith.index_cast %get3A_1625 : i32 to index
      %get3A_1627 = arith.constant 112 : index
      %get3A_1628 = tpu.vector_load %arg7[%get3A_1626, %get3A_1627] {strides = array<i32>} : memref<32x256xf32, #tpu.memory_space<vmem>>, vector<16xf32>,
      %broadcast_in_dim3A_1629 = arith.constant 2 : i32
      %broadcast_in_dim3A_1630 = vector.broadcast %broadcast_in_dim3A_1629 : i32 to vector<16xi32>
      %add3A_1631 = arith.addi %mul3A_1610, %broadcast_in_dim3A_1630 : vector<16xi32>
      tpu.vector_store_idx %arg8[%add3A_1631], %get3A_1628 {add = true} : memref<16416xf32, #tpu.memory_space<vmem>>[vector<16xi32>], vector<16xf32>,
      %get3A_1632 = arith.constant 3 : i32
      %get3A_1633 = arith.index_cast %get3A_1632 : i32 to index
      %get3A_1634 = arith.constant 112 : index
      %get3A_1635 = tpu.vector_load %arg7[%get3A_1633, %get3A_1634] {strides = array<i32>} : memref<32x256xf32, #tpu.memory_space<vmem>>, vector<16xf32>,
      %broadcast_in_dim3A_1636 = arith.constant 3 : i32
      %broadcast_in_dim3A_1637 = vector.broadcast %broadcast_in_dim3A_1636 : i32 to vector<16xi32>
      %add3A_1638 = arith.addi %mul3A_1610, %broadcast_in_dim3A_1637 : vector<16xi32>
      tpu.vector_store_idx %arg8[%add3A_1638], %get3A_1635 {add = true} : memref<16416xf32, #tpu.memory_space<vmem>>[vector<16xi32>], vector<16xf32>,
      %get3A_1639 = arith.constant 4 : i32
      %get3A_1640 = arith.index_cast %get3A_1639 : i32 to index
      %get3A_1641 = arith.constant 112 : index
      %get3A_1642 = tpu.vector_load %arg7[%get3A_1640, %get3A_1641] {strides = array<i32>} : memref<32x256xf32, #tpu.memory_space<vmem>>, vector<16xf32>,
      %broadcast_in_dim3A_1643 = arith.constant 4 : i32
      %broadcast_in_dim3A_1644 = vector.broadcast %broadcast_in_dim3A_1643 : i32 to vector<16xi32>
      %add3A_1645 = arith.addi %mul3A_1610, %broadcast_in_dim3A_1644 : vector<16xi32>
      tpu.vector_store_idx %arg8[%add3A_1645], %get3A_1642 {add = true} : memref<16416xf32, #tpu.memory_space<vmem>>[vector<16xi32>], vector<16xf32>,
      %get3A_1646 = arith.constant 5 : i32
      %get3A_1647 = arith.index_cast %get3A_1646 : i32 to index
      %get3A_1648 = arith.constant 112 : index
      %get3A_1649 = tpu.vector_load %arg7[%get3A_1647, %get3A_1648] {strides = array<i32>} : memref<32x256xf32, #tpu.memory_space<vmem>>, vector<16xf32>,
      %broadcast_in_dim3A_1650 = arith.constant 5 : i32
      %broadcast_in_dim3A_1651 = vector.broadcast %broadcast_in_dim3A_1650 : i32 to vector<16xi32>
      %add3A_1652 = arith.addi %mul3A_1610, %broadcast_in_dim3A_1651 : vector<16xi32>
      tpu.vector_store_idx %arg8[%add3A_1652], %get3A_1649 {add = true} : memref<16416xf32, #tpu.memory_space<vmem>>[vector<16xi32>], vector<16xf32>,
      %get3A_1653 = arith.constant 6 : i32
      %get3A_1654 = arith.index_cast %get3A_1653 : i32 to index
      %get3A_1655 = arith.constant 112 : index
      %get3A_1656 = tpu.vector_load %arg7[%get3A_1654, %get3A_1655] {strides = array<i32>} : memref<32x256xf32, #tpu.memory_space<vmem>>, vector<16xf32>,
      %broadcast_in_dim3A_1657 = arith.constant 6 : i32
      %broadcast_in_dim3A_1658 = vector.broadcast %broadcast_in_dim3A_1657 : i32 to vector<16xi32>
      %add3A_1659 = arith.addi %mul3A_1610, %broadcast_in_dim3A_1658 : vector<16xi32>
      tpu.vector_store_idx %arg8[%add3A_1659], %get3A_1656 {add = true} : memref<16416xf32, #tpu.memory_space<vmem>>[vector<16xi32>], vector<16xf32>,
      %get3A_1660 = arith.constant 7 : i32
      %get3A_1661 = arith.index_cast %get3A_1660 : i32 to index
      %get3A_1662 = arith.constant 112 : index
      %get3A_1663 = tpu.vector_load %arg7[%get3A_1661, %get3A_1662] {strides = array<i32>} : memref<32x256xf32, #tpu.memory_space<vmem>>, vector<16xf32>,
      %broadcast_in_dim3A_1664 = arith.constant 7 : i32
      %broadcast_in_dim3A_1665 = vector.broadcast %broadcast_in_dim3A_1664 : i32 to vector<16xi32>
      %add3A_1666 = arith.addi %mul3A_1610, %broadcast_in_dim3A_1665 : vector<16xi32>
      tpu.vector_store_idx %arg8[%add3A_1666], %get3A_1663 {add = true} : memref<16416xf32, #tpu.memory_space<vmem>>[vector<16xi32>], vector<16xf32>,
      %get3A_1667 = arith.constant 8 : i32
      %get3A_1668 = arith.index_cast %get3A_1667 : i32 to index
      %get3A_1669 = arith.constant 112 : index
      %get3A_1670 = tpu.vector_load %arg7[%get3A_1668, %get3A_1669] {strides = array<i32>} : memref<32x256xf32, #tpu.memory_space<vmem>>, vector<16xf32>,
      %broadcast_in_dim3A_1671 = arith.constant 8 : i32
      %broadcast_in_dim3A_1672 = vector.broadcast %broadcast_in_dim3A_1671 : i32 to vector<16xi32>
      %add3A_1673 = arith.addi %mul3A_1610, %broadcast_in_dim3A_1672 : vector<16xi32>
      tpu.vector_store_idx %arg8[%add3A_1673], %get3A_1670 {add = true} : memref<16416xf32, #tpu.memory_space<vmem>>[vector<16xi32>], vector<16xf32>,
      %get3A_1674 = arith.constant 9 : i32
      %get3A_1675 = arith.index_cast %get3A_1674 : i32 to index
      %get3A_1676 = arith.constant 112 : index
      %get3A_1677 = tpu.vector_load %arg7[%get3A_1675, %get3A_1676] {strides = array<i32>} : memref<32x256xf32, #tpu.memory_space<vmem>>, vector<16xf32>,
      %broadcast_in_dim3A_1678 = arith.constant 9 : i32
      %broadcast_in_dim3A_1679 = vector.broadcast %broadcast_in_dim3A_1678 : i32 to vector<16xi32>
      %add3A_1680 = arith.addi %mul3A_1610, %broadcast_in_dim3A_1679 : vector<16xi32>
      tpu.vector_store_idx %arg8[%add3A_1680], %get3A_1677 {add = true} : memref<16416xf32, #tpu.memory_space<vmem>>[vector<16xi32>], vector<16xf32>,
      %get3A_1681 = arith.constant 10 : i32
      %get3A_1682 = arith.index_cast %get3A_1681 : i32 to index
      %get3A_1683 = arith.constant 112 : index
      %get3A_1684 = tpu.vector_load %arg7[%get3A_1682, %get3A_1683] {strides = array<i32>} : memref<32x256xf32, #tpu.memory_space<vmem>>, vector<16xf32>,
      %broadcast_in_dim3A_1685 = arith.constant 10 : i32
      %broadcast_in_dim3A_1686 = vector.broadcast %broadcast_in_dim3A_1685 : i32 to vector<16xi32>
      %add3A_1687 = arith.addi %mul3A_1610, %broadcast_in_dim3A_1686 : vector<16xi32>
      tpu.vector_store_idx %arg8[%add3A_1687], %get3A_1684 {add = true} : memref<16416xf32, #tpu.memory_space<vmem>>[vector<16xi32>], vector<16xf32>,
      %get3A_1688 = arith.constant 11 : i32
      %get3A_1689 = arith.index_cast %get3A_1688 : i32 to index
      %get3A_1690 = arith.constant 112 : index
      %get3A_1691 = tpu.vector_load %arg7[%get3A_1689, %get3A_1690] {strides = array<i32>} : memref<32x256xf32, #tpu.memory_space<vmem>>, vector<16xf32>,
      %broadcast_in_dim3A_1692 = arith.constant 11 : i32
      %broadcast_in_dim3A_1693 = vector.broadcast %broadcast_in_dim3A_1692 : i32 to vector<16xi32>
      %add3A_1694 = arith.addi %mul3A_1610, %broadcast_in_dim3A_1693 : vector<16xi32>
      tpu.vector_store_idx %arg8[%add3A_1694], %get3A_1691 {add = true} : memref<16416xf32, #tpu.memory_space<vmem>>[vector<16xi32>], vector<16xf32>,
      %get3A_1695 = arith.constant 12 : i32
      %get3A_1696 = arith.index_cast %get3A_1695 : i32 to index
      %get3A_1697 = arith.constant 112 : index
      %get3A_1698 = tpu.vector_load %arg7[%get3A_1696, %get3A_1697] {strides = array<i32>} : memref<32x256xf32, #tpu.memory_space<vmem>>, vector<16xf32>,
      %broadcast_in_dim3A_1699 = arith.constant 12 : i32
      %broadcast_in_dim3A_1700 = vector.broadcast %broadcast_in_dim3A_1699 : i32 to vector<16xi32>
      %add3A_1701 = arith.addi %mul3A_1610, %broadcast_in_dim3A_1700 : vector<16xi32>
      tpu.vector_store_idx %arg8[%add3A_1701], %get3A_1698 {add = true} : memref<16416xf32, #tpu.memory_space<vmem>>[vector<16xi32>], vector<16xf32>,
      %get3A_1702 = arith.constant 13 : i32
      %get3A_1703 = arith.index_cast %get3A_1702 : i32 to index
      %get3A_1704 = arith.constant 112 : index
      %get3A_1705 = tpu.vector_load %arg7[%get3A_1703, %get3A_1704] {strides = array<i32>} : memref<32x256xf32, #tpu.memory_space<vmem>>, vector<16xf32>,
      %broadcast_in_dim3A_1706 = arith.constant 13 : i32
      %broadcast_in_dim3A_1707 = vector.broadcast %broadcast_in_dim3A_1706 : i32 to vector<16xi32>
      %add3A_1708 = arith.addi %mul3A_1610, %broadcast_in_dim3A_1707 : vector<16xi32>
      tpu.vector_store_idx %arg8[%add3A_1708], %get3A_1705 {add = true} : memref<16416xf32, #tpu.memory_space<vmem>>[vector<16xi32>], vector<16xf32>,
      %get3A_1709 = arith.constant 14 : i32
      %get3A_1710 = arith.index_cast %get3A_1709 : i32 to index
      %get3A_1711 = arith.constant 112 : index
      %get3A_1712 = tpu.vector_load %arg7[%get3A_1710, %get3A_1711] {strides = array<i32>} : memref<32x256xf32, #tpu.memory_space<vmem>>, vector<16xf32>,
      %broadcast_in_dim3A_1713 = arith.constant 14 : i32
      %broadcast_in_dim3A_1714 = vector.broadcast %broadcast_in_dim3A_1713 : i32 to vector<16xi32>
      %add3A_1715 = arith.addi %mul3A_1610, %broadcast_in_dim3A_1714 : vector<16xi32>
      tpu.vector_store_idx %arg8[%add3A_1715], %get3A_1712 {add = true} : memref<16416xf32, #tpu.memory_space<vmem>>[vector<16xi32>], vector<16xf32>,
      %get3A_1716 = arith.constant 15 : i32
      %get3A_1717 = arith.index_cast %get3A_1716 : i32 to index
      %get3A_1718 = arith.constant 112 : index
      %get3A_1719 = tpu.vector_load %arg7[%get3A_1717, %get3A_1718] {strides = array<i32>} : memref<32x256xf32, #tpu.memory_space<vmem>>, vector<16xf32>,
      %broadcast_in_dim3A_1720 = arith.constant 15 : i32
      %broadcast_in_dim3A_1721 = vector.broadcast %broadcast_in_dim3A_1720 : i32 to vector<16xi32>
      %add3A_1722 = arith.addi %mul3A_1610, %broadcast_in_dim3A_1721 : vector<16xi32>
      tpu.vector_store_idx %arg8[%add3A_1722], %get3A_1719 {add = true} : memref<16416xf32, #tpu.memory_space<vmem>>[vector<16xi32>], vector<16xf32>,
      %get3A_1723 = arith.constant 16 : i32
      %get3A_1724 = arith.index_cast %get3A_1723 : i32 to index
      %get3A_1725 = arith.constant 112 : index
      %get3A_1726 = tpu.vector_load %arg7[%get3A_1724, %get3A_1725] {strides = array<i32>} : memref<32x256xf32, #tpu.memory_space<vmem>>, vector<16xf32>,
      %broadcast_in_dim3A_1727 = arith.constant 16 : i32
      %broadcast_in_dim3A_1728 = vector.broadcast %broadcast_in_dim3A_1727 : i32 to vector<16xi32>
      %add3A_1729 = arith.addi %mul3A_1610, %broadcast_in_dim3A_1728 : vector<16xi32>
      tpu.vector_store_idx %arg8[%add3A_1729], %get3A_1726 {add = true} : memref<16416xf32, #tpu.memory_space<vmem>>[vector<16xi32>], vector<16xf32>,
      %get3A_1730 = arith.constant 17 : i32
      %get3A_1731 = arith.index_cast %get3A_1730 : i32 to index
      %get3A_1732 = arith.constant 112 : index
      %get3A_1733 = tpu.vector_load %arg7[%get3A_1731, %get3A_1732] {strides = array<i32>} : memref<32x256xf32, #tpu.memory_space<vmem>>, vector<16xf32>,
      %broadcast_in_dim3A_1734 = arith.constant 17 : i32
      %broadcast_in_dim3A_1735 = vector.broadcast %broadcast_in_dim3A_1734 : i32 to vector<16xi32>
      %add3A_1736 = arith.addi %mul3A_1610, %broadcast_in_dim3A_1735 : vector<16xi32>
      tpu.vector_store_idx %arg8[%add3A_1736], %get3A_1733 {add = true} : memref<16416xf32, #tpu.memory_space<vmem>>[vector<16xi32>], vector<16xf32>,
      %get3A_1737 = arith.constant 18 : i32
      %get3A_1738 = arith.index_cast %get3A_1737 : i32 to index
      %get3A_1739 = arith.constant 112 : index
      %get3A_1740 = tpu.vector_load %arg7[%get3A_1738, %get3A_1739] {strides = array<i32>} : memref<32x256xf32, #tpu.memory_space<vmem>>, vector<16xf32>,
      %broadcast_in_dim3A_1741 = arith.constant 18 : i32
      %broadcast_in_dim3A_1742 = vector.broadcast %broadcast_in_dim3A_1741 : i32 to vector<16xi32>
      %add3A_1743 = arith.addi %mul3A_1610, %broadcast_in_dim3A_1742 : vector<16xi32>
      tpu.vector_store_idx %arg8[%add3A_1743], %get3A_1740 {add = true} : memref<16416xf32, #tpu.memory_space<vmem>>[vector<16xi32>], vector<16xf32>,
      %get3A_1744 = arith.constant 19 : i32
      %get3A_1745 = arith.index_cast %get3A_1744 : i32 to index
      %get3A_1746 = arith.constant 112 : index
      %get3A_1747 = tpu.vector_load %arg7[%get3A_1745, %get3A_1746] {strides = array<i32>} : memref<32x256xf32, #tpu.memory_space<vmem>>, vector<16xf32>,
      %broadcast_in_dim3A_1748 = arith.constant 19 : i32
      %broadcast_in_dim3A_1749 = vector.broadcast %broadcast_in_dim3A_1748 : i32 to vector<16xi32>
      %add3A_1750 = arith.addi %mul3A_1610, %broadcast_in_dim3A_1749 : vector<16xi32>
      tpu.vector_store_idx %arg8[%add3A_1750], %get3A_1747 {add = true} : memref<16416xf32, #tpu.memory_space<vmem>>[vector<16xi32>], vector<16xf32>,
      %get3A_1751 = arith.constant 20 : i32
      %get3A_1752 = arith.index_cast %get3A_1751 : i32 to index
      %get3A_1753 = arith.constant 112 : index
      %get3A_1754 = tpu.vector_load %arg7[%get3A_1752, %get3A_1753] {strides = array<i32>} : memref<32x256xf32, #tpu.memory_space<vmem>>, vector<16xf32>,
      %broadcast_in_dim3A_1755 = arith.constant 20 : i32
      %broadcast_in_dim3A_1756 = vector.broadcast %broadcast_in_dim3A_1755 : i32 to vector<16xi32>
      %add3A_1757 = arith.addi %mul3A_1610, %broadcast_in_dim3A_1756 : vector<16xi32>
      tpu.vector_store_idx %arg8[%add3A_1757], %get3A_1754 {add = true} : memref<16416xf32, #tpu.memory_space<vmem>>[vector<16xi32>], vector<16xf32>,
      %get3A_1758 = arith.constant 21 : i32
      %get3A_1759 = arith.index_cast %get3A_1758 : i32 to index
      %get3A_1760 = arith.constant 112 : index
      %get3A_1761 = tpu.vector_load %arg7[%get3A_1759, %get3A_1760] {strides = array<i32>} : memref<32x256xf32, #tpu.memory_space<vmem>>, vector<16xf32>,
      %broadcast_in_dim3A_1762 = arith.constant 21 : i32
      %broadcast_in_dim3A_1763 = vector.broadcast %broadcast_in_dim3A_1762 : i32 to vector<16xi32>
      %add3A_1764 = arith.addi %mul3A_1610, %broadcast_in_dim3A_1763 : vector<16xi32>
      tpu.vector_store_idx %arg8[%add3A_1764], %get3A_1761 {add = true} : memref<16416xf32, #tpu.memory_space<vmem>>[vector<16xi32>], vector<16xf32>,
      %get3A_1765 = arith.constant 22 : i32
      %get3A_1766 = arith.index_cast %get3A_1765 : i32 to index
      %get3A_1767 = arith.constant 112 : index
      %get3A_1768 = tpu.vector_load %arg7[%get3A_1766, %get3A_1767] {strides = array<i32>} : memref<32x256xf32, #tpu.memory_space<vmem>>, vector<16xf32>,
      %broadcast_in_dim3A_1769 = arith.constant 22 : i32
      %broadcast_in_dim3A_1770 = vector.broadcast %broadcast_in_dim3A_1769 : i32 to vector<16xi32>
      %add3A_1771 = arith.addi %mul3A_1610, %broadcast_in_dim3A_1770 : vector<16xi32>
      tpu.vector_store_idx %arg8[%add3A_1771], %get3A_1768 {add = true} : memref<16416xf32, #tpu.memory_space<vmem>>[vector<16xi32>], vector<16xf32>,
      %get3A_1772 = arith.constant 23 : i32
      %get3A_1773 = arith.index_cast %get3A_1772 : i32 to index
      %get3A_1774 = arith.constant 112 : index
      %get3A_1775 = tpu.vector_load %arg7[%get3A_1773, %get3A_1774] {strides = array<i32>} : memref<32x256xf32, #tpu.memory_space<vmem>>, vector<16xf32>,
      %broadcast_in_dim3A_1776 = arith.constant 23 : i32
      %broadcast_in_dim3A_1777 = vector.broadcast %broadcast_in_dim3A_1776 : i32 to vector<16xi32>
      %add3A_1778 = arith.addi %mul3A_1610, %broadcast_in_dim3A_1777 : vector<16xi32>
      tpu.vector_store_idx %arg8[%add3A_1778], %get3A_1775 {add = true} : memref<16416xf32, #tpu.memory_space<vmem>>[vector<16xi32>], vector<16xf32>,
      %get3A_1779 = arith.constant 24 : i32
      %get3A_1780 = arith.index_cast %get3A_1779 : i32 to index
      %get3A_1781 = arith.constant 112 : index
      %get3A_1782 = tpu.vector_load %arg7[%get3A_1780, %get3A_1781] {strides = array<i32>} : memref<32x256xf32, #tpu.memory_space<vmem>>, vector<16xf32>,
      %broadcast_in_dim3A_1783 = arith.constant 24 : i32
      %broadcast_in_dim3A_1784 = vector.broadcast %broadcast_in_dim3A_1783 : i32 to vector<16xi32>
      %add3A_1785 = arith.addi %mul3A_1610, %broadcast_in_dim3A_1784 : vector<16xi32>
      tpu.vector_store_idx %arg8[%add3A_1785], %get3A_1782 {add = true} : memref<16416xf32, #tpu.memory_space<vmem>>[vector<16xi32>], vector<16xf32>,
      %get3A_1786 = arith.constant 25 : i32
      %get3A_1787 = arith.index_cast %get3A_1786 : i32 to index
      %get3A_1788 = arith.constant 112 : index
      %get3A_1789 = tpu.vector_load %arg7[%get3A_1787, %get3A_1788] {strides = array<i32>} : memref<32x256xf32, #tpu.memory_space<vmem>>, vector<16xf32>,
      %broadcast_in_dim3A_1790 = arith.constant 25 : i32
      %broadcast_in_dim3A_1791 = vector.broadcast %broadcast_in_dim3A_1790 : i32 to vector<16xi32>
      %add3A_1792 = arith.addi %mul3A_1610, %broadcast_in_dim3A_1791 : vector<16xi32>
      tpu.vector_store_idx %arg8[%add3A_1792], %get3A_1789 {add = true} : memref<16416xf32, #tpu.memory_space<vmem>>[vector<16xi32>], vector<16xf32>,
      %get3A_1793 = arith.constant 26 : i32
      %get3A_1794 = arith.index_cast %get3A_1793 : i32 to index
      %get3A_1795 = arith.constant 112 : index
      %get3A_1796 = tpu.vector_load %arg7[%get3A_1794, %get3A_1795] {strides = array<i32>} : memref<32x256xf32, #tpu.memory_space<vmem>>, vector<16xf32>,
      %broadcast_in_dim3A_1797 = arith.constant 26 : i32
      %broadcast_in_dim3A_1798 = vector.broadcast %broadcast_in_dim3A_1797 : i32 to vector<16xi32>
      %add3A_1799 = arith.addi %mul3A_1610, %broadcast_in_dim3A_1798 : vector<16xi32>
      tpu.vector_store_idx %arg8[%add3A_1799], %get3A_1796 {add = true} : memref<16416xf32, #tpu.memory_space<vmem>>[vector<16xi32>], vector<16xf32>,
      %get3A_1800 = arith.constant 27 : i32
      %get3A_1801 = arith.index_cast %get3A_1800 : i32 to index
      %get3A_1802 = arith.constant 112 : index
      %get3A_1803 = tpu.vector_load %arg7[%get3A_1801, %get3A_1802] {strides = array<i32>} : memref<32x256xf32, #tpu.memory_space<vmem>>, vector<16xf32>,
      %broadcast_in_dim3A_1804 = arith.constant 27 : i32
      %broadcast_in_dim3A_1805 = vector.broadcast %broadcast_in_dim3A_1804 : i32 to vector<16xi32>
      %add3A_1806 = arith.addi %mul3A_1610, %broadcast_in_dim3A_1805 : vector<16xi32>
      tpu.vector_store_idx %arg8[%add3A_1806], %get3A_1803 {add = true} : memref<16416xf32, #tpu.memory_space<vmem>>[vector<16xi32>], vector<16xf32>,
      %get3A_1807 = arith.constant 28 : i32
      %get3A_1808 = arith.index_cast %get3A_1807 : i32 to index
      %get3A_1809 = arith.constant 112 : index
      %get3A_1810 = tpu.vector_load %arg7[%get3A_1808, %get3A_1809] {strides = array<i32>} : memref<32x256xf32, #tpu.memory_space<vmem>>, vector<16xf32>,
      %broadcast_in_dim3A_1811 = arith.constant 28 : i32
      %broadcast_in_dim3A_1812 = vector.broadcast %broadcast_in_dim3A_1811 : i32 to vector<16xi32>
      %add3A_1813 = arith.addi %mul3A_1610, %broadcast_in_dim3A_1812 : vector<16xi32>
      tpu.vector_store_idx %arg8[%add3A_1813], %get3A_1810 {add = true} : memref<16416xf32, #tpu.memory_space<vmem>>[vector<16xi32>], vector<16xf32>,
      %get3A_1814 = arith.constant 29 : i32
      %get3A_1815 = arith.index_cast %get3A_1814 : i32 to index
      %get3A_1816 = arith.constant 112 : index
      %get3A_1817 = tpu.vector_load %arg7[%get3A_1815, %get3A_1816] {strides = array<i32>} : memref<32x256xf32, #tpu.memory_space<vmem>>, vector<16xf32>,
      %broadcast_in_dim3A_1818 = arith.constant 29 : i32
      %broadcast_in_dim3A_1819 = vector.broadcast %broadcast_in_dim3A_1818 : i32 to vector<16xi32>
      %add3A_1820 = arith.addi %mul3A_1610, %broadcast_in_dim3A_1819 : vector<16xi32>
      tpu.vector_store_idx %arg8[%add3A_1820], %get3A_1817 {add = true} : memref<16416xf32, #tpu.memory_space<vmem>>[vector<16xi32>], vector<16xf32>,
      %get3A_1821 = arith.constant 30 : i32
      %get3A_1822 = arith.index_cast %get3A_1821 : i32 to index
      %get3A_1823 = arith.constant 112 : index
      %get3A_1824 = tpu.vector_load %arg7[%get3A_1822, %get3A_1823] {strides = array<i32>} : memref<32x256xf32, #tpu.memory_space<vmem>>, vector<16xf32>,
      %broadcast_in_dim3A_1825 = arith.constant 30 : i32
      %broadcast_in_dim3A_1826 = vector.broadcast %broadcast_in_dim3A_1825 : i32 to vector<16xi32>
      %add3A_1827 = arith.addi %mul3A_1610, %broadcast_in_dim3A_1826 : vector<16xi32>
      tpu.vector_store_idx %arg8[%add3A_1827], %get3A_1824 {add = true} : memref<16416xf32, #tpu.memory_space<vmem>>[vector<16xi32>], vector<16xf32>,
      %get3A_1828 = arith.constant 31 : i32
      %get3A_1829 = arith.index_cast %get3A_1828 : i32 to index
      %get3A_1830 = arith.constant 112 : index
      %get3A_1831 = tpu.vector_load %arg7[%get3A_1829, %get3A_1830] {strides = array<i32>} : memref<32x256xf32, #tpu.memory_space<vmem>>, vector<16xf32>,
      %broadcast_in_dim3A_1832 = arith.constant 31 : i32
      %broadcast_in_dim3A_1833 = vector.broadcast %broadcast_in_dim3A_1832 : i32 to vector<16xi32>
      %add3A_1834 = arith.addi %mul3A_1610, %broadcast_in_dim3A_1833 : vector<16xi32>
      tpu.vector_store_idx %arg8[%add3A_1834], %get3A_1831 {add = true} : memref<16416xf32, #tpu.memory_space<vmem>>[vector<16xi32>], vector<16xf32>,
      %get3A_1835 = arith.constant 128 : index
      %get3A_1836 = tpu.vector_load %arg6[%get3A_1835] {strides = array<i32>} : memref<256xi32, #tpu.memory_space<vmem>>, vector<16xi32>,
      %mul3A_1837 = arith.constant 32 : i32
      %mul3A_1838 = vector.broadcast %mul3A_1837 : i32 to vector<16xi32>
      %mul3A_1839 = arith.muli %get3A_1836, %mul3A_1838 : vector<16xi32>
      %get3A_1840 = arith.constant 0 : i32
      %get3A_1841 = arith.index_cast %get3A_1840 : i32 to index
      %get3A_1842 = arith.constant 128 : index
      %get3A_1843 = tpu.vector_load %arg7[%get3A_1841, %get3A_1842] {strides = array<i32>} : memref<32x256xf32, #tpu.memory_space<vmem>>, vector<16xf32>,
      %broadcast_in_dim3A_1844 = arith.constant 0 : i32
      %broadcast_in_dim3A_1845 = vector.broadcast %broadcast_in_dim3A_1844 : i32 to vector<16xi32>
      %add3A_1846 = arith.addi %mul3A_1839, %broadcast_in_dim3A_1845 : vector<16xi32>
      tpu.vector_store_idx %arg8[%add3A_1846], %get3A_1843 {add = true} : memref<16416xf32, #tpu.memory_space<vmem>>[vector<16xi32>], vector<16xf32>,
      %get3A_1847 = arith.constant 1 : i32
      %get3A_1848 = arith.index_cast %get3A_1847 : i32 to index
      %get3A_1849 = arith.constant 128 : index
      %get3A_1850 = tpu.vector_load %arg7[%get3A_1848, %get3A_1849] {strides = array<i32>} : memref<32x256xf32, #tpu.memory_space<vmem>>, vector<16xf32>,
      %broadcast_in_dim3A_1851 = arith.constant 1 : i32
      %broadcast_in_dim3A_1852 = vector.broadcast %broadcast_in_dim3A_1851 : i32 to vector<16xi32>
      %add3A_1853 = arith.addi %mul3A_1839, %broadcast_in_dim3A_1852 : vector<16xi32>
      tpu.vector_store_idx %arg8[%add3A_1853], %get3A_1850 {add = true} : memref<16416xf32, #tpu.memory_space<vmem>>[vector<16xi32>], vector<16xf32>,
      %get3A_1854 = arith.constant 2 : i32
      %get3A_1855 = arith.index_cast %get3A_1854 : i32 to index
      %get3A_1856 = arith.constant 128 : index
      %get3A_1857 = tpu.vector_load %arg7[%get3A_1855, %get3A_1856] {strides = array<i32>} : memref<32x256xf32, #tpu.memory_space<vmem>>, vector<16xf32>,
      %broadcast_in_dim3A_1858 = arith.constant 2 : i32
      %broadcast_in_dim3A_1859 = vector.broadcast %broadcast_in_dim3A_1858 : i32 to vector<16xi32>
      %add3A_1860 = arith.addi %mul3A_1839, %broadcast_in_dim3A_1859 : vector<16xi32>
      tpu.vector_store_idx %arg8[%add3A_1860], %get3A_1857 {add = true} : memref<16416xf32, #tpu.memory_space<vmem>>[vector<16xi32>], vector<16xf32>,
      %get3A_1861 = arith.constant 3 : i32
      %get3A_1862 = arith.index_cast %get3A_1861 : i32 to index
      %get3A_1863 = arith.constant 128 : index
      %get3A_1864 = tpu.vector_load %arg7[%get3A_1862, %get3A_1863] {strides = array<i32>} : memref<32x256xf32, #tpu.memory_space<vmem>>, vector<16xf32>,
      %broadcast_in_dim3A_1865 = arith.constant 3 : i32
      %broadcast_in_dim3A_1866 = vector.broadcast %broadcast_in_dim3A_1865 : i32 to vector<16xi32>
      %add3A_1867 = arith.addi %mul3A_1839, %broadcast_in_dim3A_1866 : vector<16xi32>
      tpu.vector_store_idx %arg8[%add3A_1867], %get3A_1864 {add = true} : memref<16416xf32, #tpu.memory_space<vmem>>[vector<16xi32>], vector<16xf32>,
      %get3A_1868 = arith.constant 4 : i32
      %get3A_1869 = arith.index_cast %get3A_1868 : i32 to index
      %get3A_1870 = arith.constant 128 : index
      %get3A_1871 = tpu.vector_load %arg7[%get3A_1869, %get3A_1870] {strides = array<i32>} : memref<32x256xf32, #tpu.memory_space<vmem>>, vector<16xf32>,
      %broadcast_in_dim3A_1872 = arith.constant 4 : i32
      %broadcast_in_dim3A_1873 = vector.broadcast %broadcast_in_dim3A_1872 : i32 to vector<16xi32>
      %add3A_1874 = arith.addi %mul3A_1839, %broadcast_in_dim3A_1873 : vector<16xi32>
      tpu.vector_store_idx %arg8[%add3A_1874], %get3A_1871 {add = true} : memref<16416xf32, #tpu.memory_space<vmem>>[vector<16xi32>], vector<16xf32>,
      %get3A_1875 = arith.constant 5 : i32
      %get3A_1876 = arith.index_cast %get3A_1875 : i32 to index
      %get3A_1877 = arith.constant 128 : index
      %get3A_1878 = tpu.vector_load %arg7[%get3A_1876, %get3A_1877] {strides = array<i32>} : memref<32x256xf32, #tpu.memory_space<vmem>>, vector<16xf32>,
      %broadcast_in_dim3A_1879 = arith.constant 5 : i32
      %broadcast_in_dim3A_1880 = vector.broadcast %broadcast_in_dim3A_1879 : i32 to vector<16xi32>
      %add3A_1881 = arith.addi %mul3A_1839, %broadcast_in_dim3A_1880 : vector<16xi32>
      tpu.vector_store_idx %arg8[%add3A_1881], %get3A_1878 {add = true} : memref<16416xf32, #tpu.memory_space<vmem>>[vector<16xi32>], vector<16xf32>,
      %get3A_1882 = arith.constant 6 : i32
      %get3A_1883 = arith.index_cast %get3A_1882 : i32 to index
      %get3A_1884 = arith.constant 128 : index
      %get3A_1885 = tpu.vector_load %arg7[%get3A_1883, %get3A_1884] {strides = array<i32>} : memref<32x256xf32, #tpu.memory_space<vmem>>, vector<16xf32>,
      %broadcast_in_dim3A_1886 = arith.constant 6 : i32
      %broadcast_in_dim3A_1887 = vector.broadcast %broadcast_in_dim3A_1886 : i32 to vector<16xi32>
      %add3A_1888 = arith.addi %mul3A_1839, %broadcast_in_dim3A_1887 : vector<16xi32>
      tpu.vector_store_idx %arg8[%add3A_1888], %get3A_1885 {add = true} : memref<16416xf32, #tpu.memory_space<vmem>>[vector<16xi32>], vector<16xf32>,
      %get3A_1889 = arith.constant 7 : i32
      %get3A_1890 = arith.index_cast %get3A_1889 : i32 to index
      %get3A_1891 = arith.constant 128 : index
      %get3A_1892 = tpu.vector_load %arg7[%get3A_1890, %get3A_1891] {strides = array<i32>} : memref<32x256xf32, #tpu.memory_space<vmem>>, vector<16xf32>,
      %broadcast_in_dim3A_1893 = arith.constant 7 : i32
      %broadcast_in_dim3A_1894 = vector.broadcast %broadcast_in_dim3A_1893 : i32 to vector<16xi32>
      %add3A_1895 = arith.addi %mul3A_1839, %broadcast_in_dim3A_1894 : vector<16xi32>
      tpu.vector_store_idx %arg8[%add3A_1895], %get3A_1892 {add = true} : memref<16416xf32, #tpu.memory_space<vmem>>[vector<16xi32>], vector<16xf32>,
      %get3A_1896 = arith.constant 8 : i32
      %get3A_1897 = arith.index_cast %get3A_1896 : i32 to index
      %get3A_1898 = arith.constant 128 : index
      %get3A_1899 = tpu.vector_load %arg7[%get3A_1897, %get3A_1898] {strides = array<i32>} : memref<32x256xf32, #tpu.memory_space<vmem>>, vector<16xf32>,
      %broadcast_in_dim3A_1900 = arith.constant 8 : i32
      %broadcast_in_dim3A_1901 = vector.broadcast %broadcast_in_dim3A_1900 : i32 to vector<16xi32>
      %add3A_1902 = arith.addi %mul3A_1839, %broadcast_in_dim3A_1901 : vector<16xi32>
      tpu.vector_store_idx %arg8[%add3A_1902], %get3A_1899 {add = true} : memref<16416xf32, #tpu.memory_space<vmem>>[vector<16xi32>], vector<16xf32>,
      %get3A_1903 = arith.constant 9 : i32
      %get3A_1904 = arith.index_cast %get3A_1903 : i32 to index
      %get3A_1905 = arith.constant 128 : index
      %get3A_1906 = tpu.vector_load %arg7[%get3A_1904, %get3A_1905] {strides = array<i32>} : memref<32x256xf32, #tpu.memory_space<vmem>>, vector<16xf32>,
      %broadcast_in_dim3A_1907 = arith.constant 9 : i32
      %broadcast_in_dim3A_1908 = vector.broadcast %broadcast_in_dim3A_1907 : i32 to vector<16xi32>
      %add3A_1909 = arith.addi %mul3A_1839, %broadcast_in_dim3A_1908 : vector<16xi32>
      tpu.vector_store_idx %arg8[%add3A_1909], %get3A_1906 {add = true} : memref<16416xf32, #tpu.memory_space<vmem>>[vector<16xi32>], vector<16xf32>,
      %get3A_1910 = arith.constant 10 : i32
      %get3A_1911 = arith.index_cast %get3A_1910 : i32 to index
      %get3A_1912 = arith.constant 128 : index
      %get3A_1913 = tpu.vector_load %arg7[%get3A_1911, %get3A_1912] {strides = array<i32>} : memref<32x256xf32, #tpu.memory_space<vmem>>, vector<16xf32>,
      %broadcast_in_dim3A_1914 = arith.constant 10 : i32
      %broadcast_in_dim3A_1915 = vector.broadcast %broadcast_in_dim3A_1914 : i32 to vector<16xi32>
      %add3A_1916 = arith.addi %mul3A_1839, %broadcast_in_dim3A_1915 : vector<16xi32>
      tpu.vector_store_idx %arg8[%add3A_1916], %get3A_1913 {add = true} : memref<16416xf32, #tpu.memory_space<vmem>>[vector<16xi32>], vector<16xf32>,
      %get3A_1917 = arith.constant 11 : i32
      %get3A_1918 = arith.index_cast %get3A_1917 : i32 to index
      %get3A_1919 = arith.constant 128 : index
      %get3A_1920 = tpu.vector_load %arg7[%get3A_1918, %get3A_1919] {strides = array<i32>} : memref<32x256xf32, #tpu.memory_space<vmem>>, vector<16xf32>,
      %broadcast_in_dim3A_1921 = arith.constant 11 : i32
      %broadcast_in_dim3A_1922 = vector.broadcast %broadcast_in_dim3A_1921 : i32 to vector<16xi32>
      %add3A_1923 = arith.addi %mul3A_1839, %broadcast_in_dim3A_1922 : vector<16xi32>
      tpu.vector_store_idx %arg8[%add3A_1923], %get3A_1920 {add = true} : memref<16416xf32, #tpu.memory_space<vmem>>[vector<16xi32>], vector<16xf32>,
      %get3A_1924 = arith.constant 12 : i32
      %get3A_1925 = arith.index_cast %get3A_1924 : i32 to index
      %get3A_1926 = arith.constant 128 : index
      %get3A_1927 = tpu.vector_load %arg7[%get3A_1925, %get3A_1926] {strides = array<i32>} : memref<32x256xf32, #tpu.memory_space<vmem>>, vector<16xf32>,
      %broadcast_in_dim3A_1928 = arith.constant 12 : i32
      %broadcast_in_dim3A_1929 = vector.broadcast %broadcast_in_dim3A_1928 : i32 to vector<16xi32>
      %add3A_1930 = arith.addi %mul3A_1839, %broadcast_in_dim3A_1929 : vector<16xi32>
      tpu.vector_store_idx %arg8[%add3A_1930], %get3A_1927 {add = true} : memref<16416xf32, #tpu.memory_space<vmem>>[vector<16xi32>], vector<16xf32>,
      %get3A_1931 = arith.constant 13 : i32
      %get3A_1932 = arith.index_cast %get3A_1931 : i32 to index
      %get3A_1933 = arith.constant 128 : index
      %get3A_1934 = tpu.vector_load %arg7[%get3A_1932, %get3A_1933] {strides = array<i32>} : memref<32x256xf32, #tpu.memory_space<vmem>>, vector<16xf32>,
      %broadcast_in_dim3A_1935 = arith.constant 13 : i32
      %broadcast_in_dim3A_1936 = vector.broadcast %broadcast_in_dim3A_1935 : i32 to vector<16xi32>
      %add3A_1937 = arith.addi %mul3A_1839, %broadcast_in_dim3A_1936 : vector<16xi32>
      tpu.vector_store_idx %arg8[%add3A_1937], %get3A_1934 {add = true} : memref<16416xf32, #tpu.memory_space<vmem>>[vector<16xi32>], vector<16xf32>,
      %get3A_1938 = arith.constant 14 : i32
      %get3A_1939 = arith.index_cast %get3A_1938 : i32 to index
      %get3A_1940 = arith.constant 128 : index
      %get3A_1941 = tpu.vector_load %arg7[%get3A_1939, %get3A_1940] {strides = array<i32>} : memref<32x256xf32, #tpu.memory_space<vmem>>, vector<16xf32>,
      %broadcast_in_dim3A_1942 = arith.constant 14 : i32
      %broadcast_in_dim3A_1943 = vector.broadcast %broadcast_in_dim3A_1942 : i32 to vector<16xi32>
      %add3A_1944 = arith.addi %mul3A_1839, %broadcast_in_dim3A_1943 : vector<16xi32>
      tpu.vector_store_idx %arg8[%add3A_1944], %get3A_1941 {add = true} : memref<16416xf32, #tpu.memory_space<vmem>>[vector<16xi32>], vector<16xf32>,
      %get3A_1945 = arith.constant 15 : i32
      %get3A_1946 = arith.index_cast %get3A_1945 : i32 to index
      %get3A_1947 = arith.constant 128 : index
      %get3A_1948 = tpu.vector_load %arg7[%get3A_1946, %get3A_1947] {strides = array<i32>} : memref<32x256xf32, #tpu.memory_space<vmem>>, vector<16xf32>,
      %broadcast_in_dim3A_1949 = arith.constant 15 : i32
      %broadcast_in_dim3A_1950 = vector.broadcast %broadcast_in_dim3A_1949 : i32 to vector<16xi32>
      %add3A_1951 = arith.addi %mul3A_1839, %broadcast_in_dim3A_1950 : vector<16xi32>
      tpu.vector_store_idx %arg8[%add3A_1951], %get3A_1948 {add = true} : memref<16416xf32, #tpu.memory_space<vmem>>[vector<16xi32>], vector<16xf32>,
      %get3A_1952 = arith.constant 16 : i32
      %get3A_1953 = arith.index_cast %get3A_1952 : i32 to index
      %get3A_1954 = arith.constant 128 : index
      %get3A_1955 = tpu.vector_load %arg7[%get3A_1953, %get3A_1954] {strides = array<i32>} : memref<32x256xf32, #tpu.memory_space<vmem>>, vector<16xf32>,
      %broadcast_in_dim3A_1956 = arith.constant 16 : i32
      %broadcast_in_dim3A_1957 = vector.broadcast %broadcast_in_dim3A_1956 : i32 to vector<16xi32>
      %add3A_1958 = arith.addi %mul3A_1839, %broadcast_in_dim3A_1957 : vector<16xi32>
      tpu.vector_store_idx %arg8[%add3A_1958], %get3A_1955 {add = true} : memref<16416xf32, #tpu.memory_space<vmem>>[vector<16xi32>], vector<16xf32>,
      %get3A_1959 = arith.constant 17 : i32
      %get3A_1960 = arith.index_cast %get3A_1959 : i32 to index
      %get3A_1961 = arith.constant 128 : index
      %get3A_1962 = tpu.vector_load %arg7[%get3A_1960, %get3A_1961] {strides = array<i32>} : memref<32x256xf32, #tpu.memory_space<vmem>>, vector<16xf32>,
      %broadcast_in_dim3A_1963 = arith.constant 17 : i32
      %broadcast_in_dim3A_1964 = vector.broadcast %broadcast_in_dim3A_1963 : i32 to vector<16xi32>
      %add3A_1965 = arith.addi %mul3A_1839, %broadcast_in_dim3A_1964 : vector<16xi32>
      tpu.vector_store_idx %arg8[%add3A_1965], %get3A_1962 {add = true} : memref<16416xf32, #tpu.memory_space<vmem>>[vector<16xi32>], vector<16xf32>,
      %get3A_1966 = arith.constant 18 : i32
      %get3A_1967 = arith.index_cast %get3A_1966 : i32 to index
      %get3A_1968 = arith.constant 128 : index
      %get3A_1969 = tpu.vector_load %arg7[%get3A_1967, %get3A_1968] {strides = array<i32>} : memref<32x256xf32, #tpu.memory_space<vmem>>, vector<16xf32>,
      %broadcast_in_dim3A_1970 = arith.constant 18 : i32
      %broadcast_in_dim3A_1971 = vector.broadcast %broadcast_in_dim3A_1970 : i32 to vector<16xi32>
      %add3A_1972 = arith.addi %mul3A_1839, %broadcast_in_dim3A_1971 : vector<16xi32>
      tpu.vector_store_idx %arg8[%add3A_1972], %get3A_1969 {add = true} : memref<16416xf32, #tpu.memory_space<vmem>>[vector<16xi32>], vector<16xf32>,
      %get3A_1973 = arith.constant 19 : i32
      %get3A_1974 = arith.index_cast %get3A_1973 : i32 to index
      %get3A_1975 = arith.constant 128 : index
      %get3A_1976 = tpu.vector_load %arg7[%get3A_1974, %get3A_1975] {strides = array<i32>} : memref<32x256xf32, #tpu.memory_space<vmem>>, vector<16xf32>,
      %broadcast_in_dim3A_1977 = arith.constant 19 : i32
      %broadcast_in_dim3A_1978 = vector.broadcast %broadcast_in_dim3A_1977 : i32 to vector<16xi32>
      %add3A_1979 = arith.addi %mul3A_1839, %broadcast_in_dim3A_1978 : vector<16xi32>
      tpu.vector_store_idx %arg8[%add3A_1979], %get3A_1976 {add = true} : memref<16416xf32, #tpu.memory_space<vmem>>[vector<16xi32>], vector<16xf32>,
      %get3A_1980 = arith.constant 20 : i32
      %get3A_1981 = arith.index_cast %get3A_1980 : i32 to index
      %get3A_1982 = arith.constant 128 : index
      %get3A_1983 = tpu.vector_load %arg7[%get3A_1981, %get3A_1982] {strides = array<i32>} : memref<32x256xf32, #tpu.memory_space<vmem>>, vector<16xf32>,
      %broadcast_in_dim3A_1984 = arith.constant 20 : i32
      %broadcast_in_dim3A_1985 = vector.broadcast %broadcast_in_dim3A_1984 : i32 to vector<16xi32>
      %add3A_1986 = arith.addi %mul3A_1839, %broadcast_in_dim3A_1985 : vector<16xi32>
      tpu.vector_store_idx %arg8[%add3A_1986], %get3A_1983 {add = true} : memref<16416xf32, #tpu.memory_space<vmem>>[vector<16xi32>], vector<16xf32>,
      %get3A_1987 = arith.constant 21 : i32
      %get3A_1988 = arith.index_cast %get3A_1987 : i32 to index
      %get3A_1989 = arith.constant 128 : index
      %get3A_1990 = tpu.vector_load %arg7[%get3A_1988, %get3A_1989] {strides = array<i32>} : memref<32x256xf32, #tpu.memory_space<vmem>>, vector<16xf32>,
      %broadcast_in_dim3A_1991 = arith.constant 21 : i32
      %broadcast_in_dim3A_1992 = vector.broadcast %broadcast_in_dim3A_1991 : i32 to vector<16xi32>
      %add3A_1993 = arith.addi %mul3A_1839, %broadcast_in_dim3A_1992 : vector<16xi32>
      tpu.vector_store_idx %arg8[%add3A_1993], %get3A_1990 {add = true} : memref<16416xf32, #tpu.memory_space<vmem>>[vector<16xi32>], vector<16xf32>,
      %get3A_1994 = arith.constant 22 : i32
      %get3A_1995 = arith.index_cast %get3A_1994 : i32 to index
      %get3A_1996 = arith.constant 128 : index
      %get3A_1997 = tpu.vector_load %arg7[%get3A_1995, %get3A_1996] {strides = array<i32>} : memref<32x256xf32, #tpu.memory_space<vmem>>, vector<16xf32>,
      %broadcast_in_dim3A_1998 = arith.constant 22 : i32
      %broadcast_in_dim3A_1999 = vector.broadcast %broadcast_in_dim3A_1998 : i32 to vector<16xi32>
      %add3A_2000 = arith.addi %mul3A_1839, %broadcast_in_dim3A_1999 : vector<16xi32>
      tpu.vector_store_idx %arg8[%add3A_2000], %get3A_1997 {add = true} : memref<16416xf32, #tpu.memory_space<vmem>>[vector<16xi32>], vector<16xf32>,
      %get3A_2001 = arith.constant 23 : i32
      %get3A_2002 = arith.index_cast %get3A_2001 : i32 to index
      %get3A_2003 = arith.constant 128 : index
      %get3A_2004 = tpu.vector_load %arg7[%get3A_2002, %get3A_2003] {strides = array<i32>} : memref<32x256xf32, #tpu.memory_space<vmem>>, vector<16xf32>,
      %broadcast_in_dim3A_2005 = arith.constant 23 : i32
      %broadcast_in_dim3A_2006 = vector.broadcast %broadcast_in_dim3A_2005 : i32 to vector<16xi32>
      %add3A_2007 = arith.addi %mul3A_1839, %broadcast_in_dim3A_2006 : vector<16xi32>
      tpu.vector_store_idx %arg8[%add3A_2007], %get3A_2004 {add = true} : memref<16416xf32, #tpu.memory_space<vmem>>[vector<16xi32>], vector<16xf32>,
      %get3A_2008 = arith.constant 24 : i32
      %get3A_2009 = arith.index_cast %get3A_2008 : i32 to index
      %get3A_2010 = arith.constant 128 : index
      %get3A_2011 = tpu.vector_load %arg7[%get3A_2009, %get3A_2010] {strides = array<i32>} : memref<32x256xf32, #tpu.memory_space<vmem>>, vector<16xf32>,
      %broadcast_in_dim3A_2012 = arith.constant 24 : i32
      %broadcast_in_dim3A_2013 = vector.broadcast %broadcast_in_dim3A_2012 : i32 to vector<16xi32>
      %add3A_2014 = arith.addi %mul3A_1839, %broadcast_in_dim3A_2013 : vector<16xi32>
      tpu.vector_store_idx %arg8[%add3A_2014], %get3A_2011 {add = true} : memref<16416xf32, #tpu.memory_space<vmem>>[vector<16xi32>], vector<16xf32>,
      %get3A_2015 = arith.constant 25 : i32
      %get3A_2016 = arith.index_cast %get3A_2015 : i32 to index
      %get3A_2017 = arith.constant 128 : index
      %get3A_2018 = tpu.vector_load %arg7[%get3A_2016, %get3A_2017] {strides = array<i32>} : memref<32x256xf32, #tpu.memory_space<vmem>>, vector<16xf32>,
      %broadcast_in_dim3A_2019 = arith.constant 25 : i32
      %broadcast_in_dim3A_2020 = vector.broadcast %broadcast_in_dim3A_2019 : i32 to vector<16xi32>
      %add3A_2021 = arith.addi %mul3A_1839, %broadcast_in_dim3A_2020 : vector<16xi32>
      tpu.vector_store_idx %arg8[%add3A_2021], %get3A_2018 {add = true} : memref<16416xf32, #tpu.memory_space<vmem>>[vector<16xi32>], vector<16xf32>,
      %get3A_2022 = arith.constant 26 : i32
      %get3A_2023 = arith.index_cast %get3A_2022 : i32 to index
      %get3A_2024 = arith.constant 128 : index
      %get3A_2025 = tpu.vector_load %arg7[%get3A_2023, %get3A_2024] {strides = array<i32>} : memref<32x256xf32, #tpu.memory_space<vmem>>, vector<16xf32>,
      %broadcast_in_dim3A_2026 = arith.constant 26 : i32
      %broadcast_in_dim3A_2027 = vector.broadcast %broadcast_in_dim3A_2026 : i32 to vector<16xi32>
      %add3A_2028 = arith.addi %mul3A_1839, %broadcast_in_dim3A_2027 : vector<16xi32>
      tpu.vector_store_idx %arg8[%add3A_2028], %get3A_2025 {add = true} : memref<16416xf32, #tpu.memory_space<vmem>>[vector<16xi32>], vector<16xf32>,
      %get3A_2029 = arith.constant 27 : i32
      %get3A_2030 = arith.index_cast %get3A_2029 : i32 to index
      %get3A_2031 = arith.constant 128 : index
      %get3A_2032 = tpu.vector_load %arg7[%get3A_2030, %get3A_2031] {strides = array<i32>} : memref<32x256xf32, #tpu.memory_space<vmem>>, vector<16xf32>,
      %broadcast_in_dim3A_2033 = arith.constant 27 : i32
      %broadcast_in_dim3A_2034 = vector.broadcast %broadcast_in_dim3A_2033 : i32 to vector<16xi32>
      %add3A_2035 = arith.addi %mul3A_1839, %broadcast_in_dim3A_2034 : vector<16xi32>
      tpu.vector_store_idx %arg8[%add3A_2035], %get3A_2032 {add = true} : memref<16416xf32, #tpu.memory_space<vmem>>[vector<16xi32>], vector<16xf32>,
      %get3A_2036 = arith.constant 28 : i32
      %get3A_2037 = arith.index_cast %get3A_2036 : i32 to index
      %get3A_2038 = arith.constant 128 : index
      %get3A_2039 = tpu.vector_load %arg7[%get3A_2037, %get3A_2038] {strides = array<i32>} : memref<32x256xf32, #tpu.memory_space<vmem>>, vector<16xf32>,
      %broadcast_in_dim3A_2040 = arith.constant 28 : i32
      %broadcast_in_dim3A_2041 = vector.broadcast %broadcast_in_dim3A_2040 : i32 to vector<16xi32>
      %add3A_2042 = arith.addi %mul3A_1839, %broadcast_in_dim3A_2041 : vector<16xi32>
      tpu.vector_store_idx %arg8[%add3A_2042], %get3A_2039 {add = true} : memref<16416xf32, #tpu.memory_space<vmem>>[vector<16xi32>], vector<16xf32>,
      %get3A_2043 = arith.constant 29 : i32
      %get3A_2044 = arith.index_cast %get3A_2043 : i32 to index
      %get3A_2045 = arith.constant 128 : index
      %get3A_2046 = tpu.vector_load %arg7[%get3A_2044, %get3A_2045] {strides = array<i32>} : memref<32x256xf32, #tpu.memory_space<vmem>>, vector<16xf32>,
      %broadcast_in_dim3A_2047 = arith.constant 29 : i32
      %broadcast_in_dim3A_2048 = vector.broadcast %broadcast_in_dim3A_2047 : i32 to vector<16xi32>
      %add3A_2049 = arith.addi %mul3A_1839, %broadcast_in_dim3A_2048 : vector<16xi32>
      tpu.vector_store_idx %arg8[%add3A_2049], %get3A_2046 {add = true} : memref<16416xf32, #tpu.memory_space<vmem>>[vector<16xi32>], vector<16xf32>,
      %get3A_2050 = arith.constant 30 : i32
      %get3A_2051 = arith.index_cast %get3A_2050 : i32 to index
      %get3A_2052 = arith.constant 128 : index
      %get3A_2053 = tpu.vector_load %arg7[%get3A_2051, %get3A_2052] {strides = array<i32>} : memref<32x256xf32, #tpu.memory_space<vmem>>, vector<16xf32>,
      %broadcast_in_dim3A_2054 = arith.constant 30 : i32
      %broadcast_in_dim3A_2055 = vector.broadcast %broadcast_in_dim3A_2054 : i32 to vector<16xi32>
      %add3A_2056 = arith.addi %mul3A_1839, %broadcast_in_dim3A_2055 : vector<16xi32>
      tpu.vector_store_idx %arg8[%add3A_2056], %get3A_2053 {add = true} : memref<16416xf32, #tpu.memory_space<vmem>>[vector<16xi32>], vector<16xf32>,
      %get3A_2057 = arith.constant 31 : i32
      %get3A_2058 = arith.index_cast %get3A_2057 : i32 to index
      %get3A_2059 = arith.constant 128 : index
      %get3A_2060 = tpu.vector_load %arg7[%get3A_2058, %get3A_2059] {strides = array<i32>} : memref<32x256xf32, #tpu.memory_space<vmem>>, vector<16xf32>,
      %broadcast_in_dim3A_2061 = arith.constant 31 : i32
      %broadcast_in_dim3A_2062 = vector.broadcast %broadcast_in_dim3A_2061 : i32 to vector<16xi32>
      %add3A_2063 = arith.addi %mul3A_1839, %broadcast_in_dim3A_2062 : vector<16xi32>
      tpu.vector_store_idx %arg8[%add3A_2063], %get3A_2060 {add = true} : memref<16416xf32, #tpu.memory_space<vmem>>[vector<16xi32>], vector<16xf32>,
      %get3A_2064 = arith.constant 144 : index
      %get3A_2065 = tpu.vector_load %arg6[%get3A_2064] {strides = array<i32>} : memref<256xi32, #tpu.memory_space<vmem>>, vector<16xi32>,
      %mul3A_2066 = arith.constant 32 : i32
      %mul3A_2067 = vector.broadcast %mul3A_2066 : i32 to vector<16xi32>
      %mul3A_2068 = arith.muli %get3A_2065, %mul3A_2067 : vector<16xi32>
      %get3A_2069 = arith.constant 0 : i32
      %get3A_2070 = arith.index_cast %get3A_2069 : i32 to index
      %get3A_2071 = arith.constant 144 : index
      %get3A_2072 = tpu.vector_load %arg7[%get3A_2070, %get3A_2071] {strides = array<i32>} : memref<32x256xf32, #tpu.memory_space<vmem>>, vector<16xf32>,
      %broadcast_in_dim3A_2073 = arith.constant 0 : i32
      %broadcast_in_dim3A_2074 = vector.broadcast %broadcast_in_dim3A_2073 : i32 to vector<16xi32>
      %add3A_2075 = arith.addi %mul3A_2068, %broadcast_in_dim3A_2074 : vector<16xi32>
      tpu.vector_store_idx %arg8[%add3A_2075], %get3A_2072 {add = true} : memref<16416xf32, #tpu.memory_space<vmem>>[vector<16xi32>], vector<16xf32>,
      %get3A_2076 = arith.constant 1 : i32
      %get3A_2077 = arith.index_cast %get3A_2076 : i32 to index
      %get3A_2078 = arith.constant 144 : index
      %get3A_2079 = tpu.vector_load %arg7[%get3A_2077, %get3A_2078] {strides = array<i32>} : memref<32x256xf32, #tpu.memory_space<vmem>>, vector<16xf32>,
      %broadcast_in_dim3A_2080 = arith.constant 1 : i32
      %broadcast_in_dim3A_2081 = vector.broadcast %broadcast_in_dim3A_2080 : i32 to vector<16xi32>
      %add3A_2082 = arith.addi %mul3A_2068, %broadcast_in_dim3A_2081 : vector<16xi32>
      tpu.vector_store_idx %arg8[%add3A_2082], %get3A_2079 {add = true} : memref<16416xf32, #tpu.memory_space<vmem>>[vector<16xi32>], vector<16xf32>,
      %get3A_2083 = arith.constant 2 : i32
      %get3A_2084 = arith.index_cast %get3A_2083 : i32 to index
      %get3A_2085 = arith.constant 144 : index
      %get3A_2086 = tpu.vector_load %arg7[%get3A_2084, %get3A_2085] {strides = array<i32>} : memref<32x256xf32, #tpu.memory_space<vmem>>, vector<16xf32>,
      %broadcast_in_dim3A_2087 = arith.constant 2 : i32
      %broadcast_in_dim3A_2088 = vector.broadcast %broadcast_in_dim3A_2087 : i32 to vector<16xi32>
      %add3A_2089 = arith.addi %mul3A_2068, %broadcast_in_dim3A_2088 : vector<16xi32>
      tpu.vector_store_idx %arg8[%add3A_2089], %get3A_2086 {add = true} : memref<16416xf32, #tpu.memory_space<vmem>>[vector<16xi32>], vector<16xf32>,
      %get3A_2090 = arith.constant 3 : i32
      %get3A_2091 = arith.index_cast %get3A_2090 : i32 to index
      %get3A_2092 = arith.constant 144 : index
      %get3A_2093 = tpu.vector_load %arg7[%get3A_2091, %get3A_2092] {strides = array<i32>} : memref<32x256xf32, #tpu.memory_space<vmem>>, vector<16xf32>,
      %broadcast_in_dim3A_2094 = arith.constant 3 : i32
      %broadcast_in_dim3A_2095 = vector.broadcast %broadcast_in_dim3A_2094 : i32 to vector<16xi32>
      %add3A_2096 = arith.addi %mul3A_2068, %broadcast_in_dim3A_2095 : vector<16xi32>
      tpu.vector_store_idx %arg8[%add3A_2096], %get3A_2093 {add = true} : memref<16416xf32, #tpu.memory_space<vmem>>[vector<16xi32>], vector<16xf32>,
      %get3A_2097 = arith.constant 4 : i32
      %get3A_2098 = arith.index_cast %get3A_2097 : i32 to index
      %get3A_2099 = arith.constant 144 : index
      %get3A_2100 = tpu.vector_load %arg7[%get3A_2098, %get3A_2099] {strides = array<i32>} : memref<32x256xf32, #tpu.memory_space<vmem>>, vector<16xf32>,
      %broadcast_in_dim3A_2101 = arith.constant 4 : i32
      %broadcast_in_dim3A_2102 = vector.broadcast %broadcast_in_dim3A_2101 : i32 to vector<16xi32>
      %add3A_2103 = arith.addi %mul3A_2068, %broadcast_in_dim3A_2102 : vector<16xi32>
      tpu.vector_store_idx %arg8[%add3A_2103], %get3A_2100 {add = true} : memref<16416xf32, #tpu.memory_space<vmem>>[vector<16xi32>], vector<16xf32>,
      %get3A_2104 = arith.constant 5 : i32
      %get3A_2105 = arith.index_cast %get3A_2104 : i32 to index
      %get3A_2106 = arith.constant 144 : index
      %get3A_2107 = tpu.vector_load %arg7[%get3A_2105, %get3A_2106] {strides = array<i32>} : memref<32x256xf32, #tpu.memory_space<vmem>>, vector<16xf32>,
      %broadcast_in_dim3A_2108 = arith.constant 5 : i32
      %broadcast_in_dim3A_2109 = vector.broadcast %broadcast_in_dim3A_2108 : i32 to vector<16xi32>
      %add3A_2110 = arith.addi %mul3A_2068, %broadcast_in_dim3A_2109 : vector<16xi32>
      tpu.vector_store_idx %arg8[%add3A_2110], %get3A_2107 {add = true} : memref<16416xf32, #tpu.memory_space<vmem>>[vector<16xi32>], vector<16xf32>,
      %get3A_2111 = arith.constant 6 : i32
      %get3A_2112 = arith.index_cast %get3A_2111 : i32 to index
      %get3A_2113 = arith.constant 144 : index
      %get3A_2114 = tpu.vector_load %arg7[%get3A_2112, %get3A_2113] {strides = array<i32>} : memref<32x256xf32, #tpu.memory_space<vmem>>, vector<16xf32>,
      %broadcast_in_dim3A_2115 = arith.constant 6 : i32
      %broadcast_in_dim3A_2116 = vector.broadcast %broadcast_in_dim3A_2115 : i32 to vector<16xi32>
      %add3A_2117 = arith.addi %mul3A_2068, %broadcast_in_dim3A_2116 : vector<16xi32>
      tpu.vector_store_idx %arg8[%add3A_2117], %get3A_2114 {add = true} : memref<16416xf32, #tpu.memory_space<vmem>>[vector<16xi32>], vector<16xf32>,
      %get3A_2118 = arith.constant 7 : i32
      %get3A_2119 = arith.index_cast %get3A_2118 : i32 to index
      %get3A_2120 = arith.constant 144 : index
      %get3A_2121 = tpu.vector_load %arg7[%get3A_2119, %get3A_2120] {strides = array<i32>} : memref<32x256xf32, #tpu.memory_space<vmem>>, vector<16xf32>,
      %broadcast_in_dim3A_2122 = arith.constant 7 : i32
      %broadcast_in_dim3A_2123 = vector.broadcast %broadcast_in_dim3A_2122 : i32 to vector<16xi32>
      %add3A_2124 = arith.addi %mul3A_2068, %broadcast_in_dim3A_2123 : vector<16xi32>
      tpu.vector_store_idx %arg8[%add3A_2124], %get3A_2121 {add = true} : memref<16416xf32, #tpu.memory_space<vmem>>[vector<16xi32>], vector<16xf32>,
      %get3A_2125 = arith.constant 8 : i32
      %get3A_2126 = arith.index_cast %get3A_2125 : i32 to index
      %get3A_2127 = arith.constant 144 : index
      %get3A_2128 = tpu.vector_load %arg7[%get3A_2126, %get3A_2127] {strides = array<i32>} : memref<32x256xf32, #tpu.memory_space<vmem>>, vector<16xf32>,
      %broadcast_in_dim3A_2129 = arith.constant 8 : i32
      %broadcast_in_dim3A_2130 = vector.broadcast %broadcast_in_dim3A_2129 : i32 to vector<16xi32>
      %add3A_2131 = arith.addi %mul3A_2068, %broadcast_in_dim3A_2130 : vector<16xi32>
      tpu.vector_store_idx %arg8[%add3A_2131], %get3A_2128 {add = true} : memref<16416xf32, #tpu.memory_space<vmem>>[vector<16xi32>], vector<16xf32>,
      %get3A_2132 = arith.constant 9 : i32
      %get3A_2133 = arith.index_cast %get3A_2132 : i32 to index
      %get3A_2134 = arith.constant 144 : index
      %get3A_2135 = tpu.vector_load %arg7[%get3A_2133, %get3A_2134] {strides = array<i32>} : memref<32x256xf32, #tpu.memory_space<vmem>>, vector<16xf32>,
      %broadcast_in_dim3A_2136 = arith.constant 9 : i32
      %broadcast_in_dim3A_2137 = vector.broadcast %broadcast_in_dim3A_2136 : i32 to vector<16xi32>
      %add3A_2138 = arith.addi %mul3A_2068, %broadcast_in_dim3A_2137 : vector<16xi32>
      tpu.vector_store_idx %arg8[%add3A_2138], %get3A_2135 {add = true} : memref<16416xf32, #tpu.memory_space<vmem>>[vector<16xi32>], vector<16xf32>,
      %get3A_2139 = arith.constant 10 : i32
      %get3A_2140 = arith.index_cast %get3A_2139 : i32 to index
      %get3A_2141 = arith.constant 144 : index
      %get3A_2142 = tpu.vector_load %arg7[%get3A_2140, %get3A_2141] {strides = array<i32>} : memref<32x256xf32, #tpu.memory_space<vmem>>, vector<16xf32>,
      %broadcast_in_dim3A_2143 = arith.constant 10 : i32
      %broadcast_in_dim3A_2144 = vector.broadcast %broadcast_in_dim3A_2143 : i32 to vector<16xi32>
      %add3A_2145 = arith.addi %mul3A_2068, %broadcast_in_dim3A_2144 : vector<16xi32>
      tpu.vector_store_idx %arg8[%add3A_2145], %get3A_2142 {add = true} : memref<16416xf32, #tpu.memory_space<vmem>>[vector<16xi32>], vector<16xf32>,
      %get3A_2146 = arith.constant 11 : i32
      %get3A_2147 = arith.index_cast %get3A_2146 : i32 to index
      %get3A_2148 = arith.constant 144 : index
      %get3A_2149 = tpu.vector_load %arg7[%get3A_2147, %get3A_2148] {strides = array<i32>} : memref<32x256xf32, #tpu.memory_space<vmem>>, vector<16xf32>,
      %broadcast_in_dim3A_2150 = arith.constant 11 : i32
      %broadcast_in_dim3A_2151 = vector.broadcast %broadcast_in_dim3A_2150 : i32 to vector<16xi32>
      %add3A_2152 = arith.addi %mul3A_2068, %broadcast_in_dim3A_2151 : vector<16xi32>
      tpu.vector_store_idx %arg8[%add3A_2152], %get3A_2149 {add = true} : memref<16416xf32, #tpu.memory_space<vmem>>[vector<16xi32>], vector<16xf32>,
      %get3A_2153 = arith.constant 12 : i32
      %get3A_2154 = arith.index_cast %get3A_2153 : i32 to index
      %get3A_2155 = arith.constant 144 : index
      %get3A_2156 = tpu.vector_load %arg7[%get3A_2154, %get3A_2155] {strides = array<i32>} : memref<32x256xf32, #tpu.memory_space<vmem>>, vector<16xf32>,
      %broadcast_in_dim3A_2157 = arith.constant 12 : i32
      %broadcast_in_dim3A_2158 = vector.broadcast %broadcast_in_dim3A_2157 : i32 to vector<16xi32>
      %add3A_2159 = arith.addi %mul3A_2068, %broadcast_in_dim3A_2158 : vector<16xi32>
      tpu.vector_store_idx %arg8[%add3A_2159], %get3A_2156 {add = true} : memref<16416xf32, #tpu.memory_space<vmem>>[vector<16xi32>], vector<16xf32>,
      %get3A_2160 = arith.constant 13 : i32
      %get3A_2161 = arith.index_cast %get3A_2160 : i32 to index
      %get3A_2162 = arith.constant 144 : index
      %get3A_2163 = tpu.vector_load %arg7[%get3A_2161, %get3A_2162] {strides = array<i32>} : memref<32x256xf32, #tpu.memory_space<vmem>>, vector<16xf32>,
      %broadcast_in_dim3A_2164 = arith.constant 13 : i32
      %broadcast_in_dim3A_2165 = vector.broadcast %broadcast_in_dim3A_2164 : i32 to vector<16xi32>
      %add3A_2166 = arith.addi %mul3A_2068, %broadcast_in_dim3A_2165 : vector<16xi32>
      tpu.vector_store_idx %arg8[%add3A_2166], %get3A_2163 {add = true} : memref<16416xf32, #tpu.memory_space<vmem>>[vector<16xi32>], vector<16xf32>,
      %get3A_2167 = arith.constant 14 : i32
      %get3A_2168 = arith.index_cast %get3A_2167 : i32 to index
      %get3A_2169 = arith.constant 144 : index
      %get3A_2170 = tpu.vector_load %arg7[%get3A_2168, %get3A_2169] {strides = array<i32>} : memref<32x256xf32, #tpu.memory_space<vmem>>, vector<16xf32>,
      %broadcast_in_dim3A_2171 = arith.constant 14 : i32
      %broadcast_in_dim3A_2172 = vector.broadcast %broadcast_in_dim3A_2171 : i32 to vector<16xi32>
      %add3A_2173 = arith.addi %mul3A_2068, %broadcast_in_dim3A_2172 : vector<16xi32>
      tpu.vector_store_idx %arg8[%add3A_2173], %get3A_2170 {add = true} : memref<16416xf32, #tpu.memory_space<vmem>>[vector<16xi32>], vector<16xf32>,
      %get3A_2174 = arith.constant 15 : i32
      %get3A_2175 = arith.index_cast %get3A_2174 : i32 to index
      %get3A_2176 = arith.constant 144 : index
      %get3A_2177 = tpu.vector_load %arg7[%get3A_2175, %get3A_2176] {strides = array<i32>} : memref<32x256xf32, #tpu.memory_space<vmem>>, vector<16xf32>,
      %broadcast_in_dim3A_2178 = arith.constant 15 : i32
      %broadcast_in_dim3A_2179 = vector.broadcast %broadcast_in_dim3A_2178 : i32 to vector<16xi32>
      %add3A_2180 = arith.addi %mul3A_2068, %broadcast_in_dim3A_2179 : vector<16xi32>
      tpu.vector_store_idx %arg8[%add3A_2180], %get3A_2177 {add = true} : memref<16416xf32, #tpu.memory_space<vmem>>[vector<16xi32>], vector<16xf32>,
      %get3A_2181 = arith.constant 16 : i32
      %get3A_2182 = arith.index_cast %get3A_2181 : i32 to index
      %get3A_2183 = arith.constant 144 : index
      %get3A_2184 = tpu.vector_load %arg7[%get3A_2182, %get3A_2183] {strides = array<i32>} : memref<32x256xf32, #tpu.memory_space<vmem>>, vector<16xf32>,
      %broadcast_in_dim3A_2185 = arith.constant 16 : i32
      %broadcast_in_dim3A_2186 = vector.broadcast %broadcast_in_dim3A_2185 : i32 to vector<16xi32>
      %add3A_2187 = arith.addi %mul3A_2068, %broadcast_in_dim3A_2186 : vector<16xi32>
      tpu.vector_store_idx %arg8[%add3A_2187], %get3A_2184 {add = true} : memref<16416xf32, #tpu.memory_space<vmem>>[vector<16xi32>], vector<16xf32>,
      %get3A_2188 = arith.constant 17 : i32
      %get3A_2189 = arith.index_cast %get3A_2188 : i32 to index
      %get3A_2190 = arith.constant 144 : index
      %get3A_2191 = tpu.vector_load %arg7[%get3A_2189, %get3A_2190] {strides = array<i32>} : memref<32x256xf32, #tpu.memory_space<vmem>>, vector<16xf32>,
      %broadcast_in_dim3A_2192 = arith.constant 17 : i32
      %broadcast_in_dim3A_2193 = vector.broadcast %broadcast_in_dim3A_2192 : i32 to vector<16xi32>
      %add3A_2194 = arith.addi %mul3A_2068, %broadcast_in_dim3A_2193 : vector<16xi32>
      tpu.vector_store_idx %arg8[%add3A_2194], %get3A_2191 {add = true} : memref<16416xf32, #tpu.memory_space<vmem>>[vector<16xi32>], vector<16xf32>,
      %get3A_2195 = arith.constant 18 : i32
      %get3A_2196 = arith.index_cast %get3A_2195 : i32 to index
      %get3A_2197 = arith.constant 144 : index
      %get3A_2198 = tpu.vector_load %arg7[%get3A_2196, %get3A_2197] {strides = array<i32>} : memref<32x256xf32, #tpu.memory_space<vmem>>, vector<16xf32>,
      %broadcast_in_dim3A_2199 = arith.constant 18 : i32
      %broadcast_in_dim3A_2200 = vector.broadcast %broadcast_in_dim3A_2199 : i32 to vector<16xi32>
      %add3A_2201 = arith.addi %mul3A_2068, %broadcast_in_dim3A_2200 : vector<16xi32>
      tpu.vector_store_idx %arg8[%add3A_2201], %get3A_2198 {add = true} : memref<16416xf32, #tpu.memory_space<vmem>>[vector<16xi32>], vector<16xf32>,
      %get3A_2202 = arith.constant 19 : i32
      %get3A_2203 = arith.index_cast %get3A_2202 : i32 to index
      %get3A_2204 = arith.constant 144 : index
      %get3A_2205 = tpu.vector_load %arg7[%get3A_2203, %get3A_2204] {strides = array<i32>} : memref<32x256xf32, #tpu.memory_space<vmem>>, vector<16xf32>,
      %broadcast_in_dim3A_2206 = arith.constant 19 : i32
      %broadcast_in_dim3A_2207 = vector.broadcast %broadcast_in_dim3A_2206 : i32 to vector<16xi32>
      %add3A_2208 = arith.addi %mul3A_2068, %broadcast_in_dim3A_2207 : vector<16xi32>
      tpu.vector_store_idx %arg8[%add3A_2208], %get3A_2205 {add = true} : memref<16416xf32, #tpu.memory_space<vmem>>[vector<16xi32>], vector<16xf32>,
      %get3A_2209 = arith.constant 20 : i32
      %get3A_2210 = arith.index_cast %get3A_2209 : i32 to index
      %get3A_2211 = arith.constant 144 : index
      %get3A_2212 = tpu.vector_load %arg7[%get3A_2210, %get3A_2211] {strides = array<i32>} : memref<32x256xf32, #tpu.memory_space<vmem>>, vector<16xf32>,
      %broadcast_in_dim3A_2213 = arith.constant 20 : i32
      %broadcast_in_dim3A_2214 = vector.broadcast %broadcast_in_dim3A_2213 : i32 to vector<16xi32>
      %add3A_2215 = arith.addi %mul3A_2068, %broadcast_in_dim3A_2214 : vector<16xi32>
      tpu.vector_store_idx %arg8[%add3A_2215], %get3A_2212 {add = true} : memref<16416xf32, #tpu.memory_space<vmem>>[vector<16xi32>], vector<16xf32>,
      %get3A_2216 = arith.constant 21 : i32
      %get3A_2217 = arith.index_cast %get3A_2216 : i32 to index
      %get3A_2218 = arith.constant 144 : index
      %get3A_2219 = tpu.vector_load %arg7[%get3A_2217, %get3A_2218] {strides = array<i32>} : memref<32x256xf32, #tpu.memory_space<vmem>>, vector<16xf32>,
      %broadcast_in_dim3A_2220 = arith.constant 21 : i32
      %broadcast_in_dim3A_2221 = vector.broadcast %broadcast_in_dim3A_2220 : i32 to vector<16xi32>
      %add3A_2222 = arith.addi %mul3A_2068, %broadcast_in_dim3A_2221 : vector<16xi32>
      tpu.vector_store_idx %arg8[%add3A_2222], %get3A_2219 {add = true} : memref<16416xf32, #tpu.memory_space<vmem>>[vector<16xi32>], vector<16xf32>,
      %get3A_2223 = arith.constant 22 : i32
      %get3A_2224 = arith.index_cast %get3A_2223 : i32 to index
      %get3A_2225 = arith.constant 144 : index
      %get3A_2226 = tpu.vector_load %arg7[%get3A_2224, %get3A_2225] {strides = array<i32>} : memref<32x256xf32, #tpu.memory_space<vmem>>, vector<16xf32>,
      %broadcast_in_dim3A_2227 = arith.constant 22 : i32
      %broadcast_in_dim3A_2228 = vector.broadcast %broadcast_in_dim3A_2227 : i32 to vector<16xi32>
      %add3A_2229 = arith.addi %mul3A_2068, %broadcast_in_dim3A_2228 : vector<16xi32>
      tpu.vector_store_idx %arg8[%add3A_2229], %get3A_2226 {add = true} : memref<16416xf32, #tpu.memory_space<vmem>>[vector<16xi32>], vector<16xf32>,
      %get3A_2230 = arith.constant 23 : i32
      %get3A_2231 = arith.index_cast %get3A_2230 : i32 to index
      %get3A_2232 = arith.constant 144 : index
      %get3A_2233 = tpu.vector_load %arg7[%get3A_2231, %get3A_2232] {strides = array<i32>} : memref<32x256xf32, #tpu.memory_space<vmem>>, vector<16xf32>,
      %broadcast_in_dim3A_2234 = arith.constant 23 : i32
      %broadcast_in_dim3A_2235 = vector.broadcast %broadcast_in_dim3A_2234 : i32 to vector<16xi32>
      %add3A_2236 = arith.addi %mul3A_2068, %broadcast_in_dim3A_2235 : vector<16xi32>
      tpu.vector_store_idx %arg8[%add3A_2236], %get3A_2233 {add = true} : memref<16416xf32, #tpu.memory_space<vmem>>[vector<16xi32>], vector<16xf32>,
      %get3A_2237 = arith.constant 24 : i32
      %get3A_2238 = arith.index_cast %get3A_2237 : i32 to index
      %get3A_2239 = arith.constant 144 : index
      %get3A_2240 = tpu.vector_load %arg7[%get3A_2238, %get3A_2239] {strides = array<i32>} : memref<32x256xf32, #tpu.memory_space<vmem>>, vector<16xf32>,
      %broadcast_in_dim3A_2241 = arith.constant 24 : i32
      %broadcast_in_dim3A_2242 = vector.broadcast %broadcast_in_dim3A_2241 : i32 to vector<16xi32>
      %add3A_2243 = arith.addi %mul3A_2068, %broadcast_in_dim3A_2242 : vector<16xi32>
      tpu.vector_store_idx %arg8[%add3A_2243], %get3A_2240 {add = true} : memref<16416xf32, #tpu.memory_space<vmem>>[vector<16xi32>], vector<16xf32>,
      %get3A_2244 = arith.constant 25 : i32
      %get3A_2245 = arith.index_cast %get3A_2244 : i32 to index
      %get3A_2246 = arith.constant 144 : index
      %get3A_2247 = tpu.vector_load %arg7[%get3A_2245, %get3A_2246] {strides = array<i32>} : memref<32x256xf32, #tpu.memory_space<vmem>>, vector<16xf32>,
      %broadcast_in_dim3A_2248 = arith.constant 25 : i32
      %broadcast_in_dim3A_2249 = vector.broadcast %broadcast_in_dim3A_2248 : i32 to vector<16xi32>
      %add3A_2250 = arith.addi %mul3A_2068, %broadcast_in_dim3A_2249 : vector<16xi32>
      tpu.vector_store_idx %arg8[%add3A_2250], %get3A_2247 {add = true} : memref<16416xf32, #tpu.memory_space<vmem>>[vector<16xi32>], vector<16xf32>,
      %get3A_2251 = arith.constant 26 : i32
      %get3A_2252 = arith.index_cast %get3A_2251 : i32 to index
      %get3A_2253 = arith.constant 144 : index
      %get3A_2254 = tpu.vector_load %arg7[%get3A_2252, %get3A_2253] {strides = array<i32>} : memref<32x256xf32, #tpu.memory_space<vmem>>, vector<16xf32>,
      %broadcast_in_dim3A_2255 = arith.constant 26 : i32
      %broadcast_in_dim3A_2256 = vector.broadcast %broadcast_in_dim3A_2255 : i32 to vector<16xi32>
      %add3A_2257 = arith.addi %mul3A_2068, %broadcast_in_dim3A_2256 : vector<16xi32>
      tpu.vector_store_idx %arg8[%add3A_2257], %get3A_2254 {add = true} : memref<16416xf32, #tpu.memory_space<vmem>>[vector<16xi32>], vector<16xf32>,
      %get3A_2258 = arith.constant 27 : i32
      %get3A_2259 = arith.index_cast %get3A_2258 : i32 to index
      %get3A_2260 = arith.constant 144 : index
      %get3A_2261 = tpu.vector_load %arg7[%get3A_2259, %get3A_2260] {strides = array<i32>} : memref<32x256xf32, #tpu.memory_space<vmem>>, vector<16xf32>,
      %broadcast_in_dim3A_2262 = arith.constant 27 : i32
      %broadcast_in_dim3A_2263 = vector.broadcast %broadcast_in_dim3A_2262 : i32 to vector<16xi32>
      %add3A_2264 = arith.addi %mul3A_2068, %broadcast_in_dim3A_2263 : vector<16xi32>
      tpu.vector_store_idx %arg8[%add3A_2264], %get3A_2261 {add = true} : memref<16416xf32, #tpu.memory_space<vmem>>[vector<16xi32>], vector<16xf32>,
      %get3A_2265 = arith.constant 28 : i32
      %get3A_2266 = arith.index_cast %get3A_2265 : i32 to index
      %get3A_2267 = arith.constant 144 : index
      %get3A_2268 = tpu.vector_load %arg7[%get3A_2266, %get3A_2267] {strides = array<i32>} : memref<32x256xf32, #tpu.memory_space<vmem>>, vector<16xf32>,
      %broadcast_in_dim3A_2269 = arith.constant 28 : i32
      %broadcast_in_dim3A_2270 = vector.broadcast %broadcast_in_dim3A_2269 : i32 to vector<16xi32>
      %add3A_2271 = arith.addi %mul3A_2068, %broadcast_in_dim3A_2270 : vector<16xi32>
      tpu.vector_store_idx %arg8[%add3A_2271], %get3A_2268 {add = true} : memref<16416xf32, #tpu.memory_space<vmem>>[vector<16xi32>], vector<16xf32>,
      %get3A_2272 = arith.constant 29 : i32
      %get3A_2273 = arith.index_cast %get3A_2272 : i32 to index
      %get3A_2274 = arith.constant 144 : index
      %get3A_2275 = tpu.vector_load %arg7[%get3A_2273, %get3A_2274] {strides = array<i32>} : memref<32x256xf32, #tpu.memory_space<vmem>>, vector<16xf32>,
      %broadcast_in_dim3A_2276 = arith.constant 29 : i32
      %broadcast_in_dim3A_2277 = vector.broadcast %broadcast_in_dim3A_2276 : i32 to vector<16xi32>
      %add3A_2278 = arith.addi %mul3A_2068, %broadcast_in_dim3A_2277 : vector<16xi32>
      tpu.vector_store_idx %arg8[%add3A_2278], %get3A_2275 {add = true} : memref<16416xf32, #tpu.memory_space<vmem>>[vector<16xi32>], vector<16xf32>,
      %get3A_2279 = arith.constant 30 : i32
      %get3A_2280 = arith.index_cast %get3A_2279 : i32 to index
      %get3A_2281 = arith.constant 144 : index
      %get3A_2282 = tpu.vector_load %arg7[%get3A_2280, %get3A_2281] {strides = array<i32>} : memref<32x256xf32, #tpu.memory_space<vmem>>, vector<16xf32>,
      %broadcast_in_dim3A_2283 = arith.constant 30 : i32
      %broadcast_in_dim3A_2284 = vector.broadcast %broadcast_in_dim3A_2283 : i32 to vector<16xi32>
      %add3A_2285 = arith.addi %mul3A_2068, %broadcast_in_dim3A_2284 : vector<16xi32>
      tpu.vector_store_idx %arg8[%add3A_2285], %get3A_2282 {add = true} : memref<16416xf32, #tpu.memory_space<vmem>>[vector<16xi32>], vector<16xf32>,
      %get3A_2286 = arith.constant 31 : i32
      %get3A_2287 = arith.index_cast %get3A_2286 : i32 to index
      %get3A_2288 = arith.constant 144 : index
      %get3A_2289 = tpu.vector_load %arg7[%get3A_2287, %get3A_2288] {strides = array<i32>} : memref<32x256xf32, #tpu.memory_space<vmem>>, vector<16xf32>,
      %broadcast_in_dim3A_2290 = arith.constant 31 : i32
      %broadcast_in_dim3A_2291 = vector.broadcast %broadcast_in_dim3A_2290 : i32 to vector<16xi32>
      %add3A_2292 = arith.addi %mul3A_2068, %broadcast_in_dim3A_2291 : vector<16xi32>
      tpu.vector_store_idx %arg8[%add3A_2292], %get3A_2289 {add = true} : memref<16416xf32, #tpu.memory_space<vmem>>[vector<16xi32>], vector<16xf32>,
      %get3A_2293 = arith.constant 160 : index
      %get3A_2294 = tpu.vector_load %arg6[%get3A_2293] {strides = array<i32>} : memref<256xi32, #tpu.memory_space<vmem>>, vector<16xi32>,
      %mul3A_2295 = arith.constant 32 : i32
      %mul3A_2296 = vector.broadcast %mul3A_2295 : i32 to vector<16xi32>
      %mul3A_2297 = arith.muli %get3A_2294, %mul3A_2296 : vector<16xi32>
      %get3A_2298 = arith.constant 0 : i32
      %get3A_2299 = arith.index_cast %get3A_2298 : i32 to index
      %get3A_2300 = arith.constant 160 : index
      %get3A_2301 = tpu.vector_load %arg7[%get3A_2299, %get3A_2300] {strides = array<i32>} : memref<32x256xf32, #tpu.memory_space<vmem>>, vector<16xf32>,
      %broadcast_in_dim3A_2302 = arith.constant 0 : i32
      %broadcast_in_dim3A_2303 = vector.broadcast %broadcast_in_dim3A_2302 : i32 to vector<16xi32>
      %add3A_2304 = arith.addi %mul3A_2297, %broadcast_in_dim3A_2303 : vector<16xi32>
      tpu.vector_store_idx %arg8[%add3A_2304], %get3A_2301 {add = true} : memref<16416xf32, #tpu.memory_space<vmem>>[vector<16xi32>], vector<16xf32>,
      %get3A_2305 = arith.constant 1 : i32
      %get3A_2306 = arith.index_cast %get3A_2305 : i32 to index
      %get3A_2307 = arith.constant 160 : index
      %get3A_2308 = tpu.vector_load %arg7[%get3A_2306, %get3A_2307] {strides = array<i32>} : memref<32x256xf32, #tpu.memory_space<vmem>>, vector<16xf32>,
      %broadcast_in_dim3A_2309 = arith.constant 1 : i32
      %broadcast_in_dim3A_2310 = vector.broadcast %broadcast_in_dim3A_2309 : i32 to vector<16xi32>
      %add3A_2311 = arith.addi %mul3A_2297, %broadcast_in_dim3A_2310 : vector<16xi32>
      tpu.vector_store_idx %arg8[%add3A_2311], %get3A_2308 {add = true} : memref<16416xf32, #tpu.memory_space<vmem>>[vector<16xi32>], vector<16xf32>,
      %get3A_2312 = arith.constant 2 : i32
      %get3A_2313 = arith.index_cast %get3A_2312 : i32 to index
      %get3A_2314 = arith.constant 160 : index
      %get3A_2315 = tpu.vector_load %arg7[%get3A_2313, %get3A_2314] {strides = array<i32>} : memref<32x256xf32, #tpu.memory_space<vmem>>, vector<16xf32>,
      %broadcast_in_dim3A_2316 = arith.constant 2 : i32
      %broadcast_in_dim3A_2317 = vector.broadcast %broadcast_in_dim3A_2316 : i32 to vector<16xi32>
      %add3A_2318 = arith.addi %mul3A_2297, %broadcast_in_dim3A_2317 : vector<16xi32>
      tpu.vector_store_idx %arg8[%add3A_2318], %get3A_2315 {add = true} : memref<16416xf32, #tpu.memory_space<vmem>>[vector<16xi32>], vector<16xf32>,
      %get3A_2319 = arith.constant 3 : i32
      %get3A_2320 = arith.index_cast %get3A_2319 : i32 to index
      %get3A_2321 = arith.constant 160 : index
      %get3A_2322 = tpu.vector_load %arg7[%get3A_2320, %get3A_2321] {strides = array<i32>} : memref<32x256xf32, #tpu.memory_space<vmem>>, vector<16xf32>,
      %broadcast_in_dim3A_2323 = arith.constant 3 : i32
      %broadcast_in_dim3A_2324 = vector.broadcast %broadcast_in_dim3A_2323 : i32 to vector<16xi32>
      %add3A_2325 = arith.addi %mul3A_2297, %broadcast_in_dim3A_2324 : vector<16xi32>
      tpu.vector_store_idx %arg8[%add3A_2325], %get3A_2322 {add = true} : memref<16416xf32, #tpu.memory_space<vmem>>[vector<16xi32>], vector<16xf32>,
      %get3A_2326 = arith.constant 4 : i32
      %get3A_2327 = arith.index_cast %get3A_2326 : i32 to index
      %get3A_2328 = arith.constant 160 : index
      %get3A_2329 = tpu.vector_load %arg7[%get3A_2327, %get3A_2328] {strides = array<i32>} : memref<32x256xf32, #tpu.memory_space<vmem>>, vector<16xf32>,
      %broadcast_in_dim3A_2330 = arith.constant 4 : i32
      %broadcast_in_dim3A_2331 = vector.broadcast %broadcast_in_dim3A_2330 : i32 to vector<16xi32>
      %add3A_2332 = arith.addi %mul3A_2297, %broadcast_in_dim3A_2331 : vector<16xi32>
      tpu.vector_store_idx %arg8[%add3A_2332], %get3A_2329 {add = true} : memref<16416xf32, #tpu.memory_space<vmem>>[vector<16xi32>], vector<16xf32>,
      %get3A_2333 = arith.constant 5 : i32
      %get3A_2334 = arith.index_cast %get3A_2333 : i32 to index
      %get3A_2335 = arith.constant 160 : index
      %get3A_2336 = tpu.vector_load %arg7[%get3A_2334, %get3A_2335] {strides = array<i32>} : memref<32x256xf32, #tpu.memory_space<vmem>>, vector<16xf32>,
      %broadcast_in_dim3A_2337 = arith.constant 5 : i32
      %broadcast_in_dim3A_2338 = vector.broadcast %broadcast_in_dim3A_2337 : i32 to vector<16xi32>
      %add3A_2339 = arith.addi %mul3A_2297, %broadcast_in_dim3A_2338 : vector<16xi32>
      tpu.vector_store_idx %arg8[%add3A_2339], %get3A_2336 {add = true} : memref<16416xf32, #tpu.memory_space<vmem>>[vector<16xi32>], vector<16xf32>,
      %get3A_2340 = arith.constant 6 : i32
      %get3A_2341 = arith.index_cast %get3A_2340 : i32 to index
      %get3A_2342 = arith.constant 160 : index
      %get3A_2343 = tpu.vector_load %arg7[%get3A_2341, %get3A_2342] {strides = array<i32>} : memref<32x256xf32, #tpu.memory_space<vmem>>, vector<16xf32>,
      %broadcast_in_dim3A_2344 = arith.constant 6 : i32
      %broadcast_in_dim3A_2345 = vector.broadcast %broadcast_in_dim3A_2344 : i32 to vector<16xi32>
      %add3A_2346 = arith.addi %mul3A_2297, %broadcast_in_dim3A_2345 : vector<16xi32>
      tpu.vector_store_idx %arg8[%add3A_2346], %get3A_2343 {add = true} : memref<16416xf32, #tpu.memory_space<vmem>>[vector<16xi32>], vector<16xf32>,
      %get3A_2347 = arith.constant 7 : i32
      %get3A_2348 = arith.index_cast %get3A_2347 : i32 to index
      %get3A_2349 = arith.constant 160 : index
      %get3A_2350 = tpu.vector_load %arg7[%get3A_2348, %get3A_2349] {strides = array<i32>} : memref<32x256xf32, #tpu.memory_space<vmem>>, vector<16xf32>,
      %broadcast_in_dim3A_2351 = arith.constant 7 : i32
      %broadcast_in_dim3A_2352 = vector.broadcast %broadcast_in_dim3A_2351 : i32 to vector<16xi32>
      %add3A_2353 = arith.addi %mul3A_2297, %broadcast_in_dim3A_2352 : vector<16xi32>
      tpu.vector_store_idx %arg8[%add3A_2353], %get3A_2350 {add = true} : memref<16416xf32, #tpu.memory_space<vmem>>[vector<16xi32>], vector<16xf32>,
      %get3A_2354 = arith.constant 8 : i32
      %get3A_2355 = arith.index_cast %get3A_2354 : i32 to index
      %get3A_2356 = arith.constant 160 : index
      %get3A_2357 = tpu.vector_load %arg7[%get3A_2355, %get3A_2356] {strides = array<i32>} : memref<32x256xf32, #tpu.memory_space<vmem>>, vector<16xf32>,
      %broadcast_in_dim3A_2358 = arith.constant 8 : i32
      %broadcast_in_dim3A_2359 = vector.broadcast %broadcast_in_dim3A_2358 : i32 to vector<16xi32>
      %add3A_2360 = arith.addi %mul3A_2297, %broadcast_in_dim3A_2359 : vector<16xi32>
      tpu.vector_store_idx %arg8[%add3A_2360], %get3A_2357 {add = true} : memref<16416xf32, #tpu.memory_space<vmem>>[vector<16xi32>], vector<16xf32>,
      %get3A_2361 = arith.constant 9 : i32
      %get3A_2362 = arith.index_cast %get3A_2361 : i32 to index
      %get3A_2363 = arith.constant 160 : index
      %get3A_2364 = tpu.vector_load %arg7[%get3A_2362, %get3A_2363] {strides = array<i32>} : memref<32x256xf32, #tpu.memory_space<vmem>>, vector<16xf32>,
      %broadcast_in_dim3A_2365 = arith.constant 9 : i32
      %broadcast_in_dim3A_2366 = vector.broadcast %broadcast_in_dim3A_2365 : i32 to vector<16xi32>
      %add3A_2367 = arith.addi %mul3A_2297, %broadcast_in_dim3A_2366 : vector<16xi32>
      tpu.vector_store_idx %arg8[%add3A_2367], %get3A_2364 {add = true} : memref<16416xf32, #tpu.memory_space<vmem>>[vector<16xi32>], vector<16xf32>,
      %get3A_2368 = arith.constant 10 : i32
      %get3A_2369 = arith.index_cast %get3A_2368 : i32 to index
      %get3A_2370 = arith.constant 160 : index
      %get3A_2371 = tpu.vector_load %arg7[%get3A_2369, %get3A_2370] {strides = array<i32>} : memref<32x256xf32, #tpu.memory_space<vmem>>, vector<16xf32>,
      %broadcast_in_dim3A_2372 = arith.constant 10 : i32
      %broadcast_in_dim3A_2373 = vector.broadcast %broadcast_in_dim3A_2372 : i32 to vector<16xi32>
      %add3A_2374 = arith.addi %mul3A_2297, %broadcast_in_dim3A_2373 : vector<16xi32>
      tpu.vector_store_idx %arg8[%add3A_2374], %get3A_2371 {add = true} : memref<16416xf32, #tpu.memory_space<vmem>>[vector<16xi32>], vector<16xf32>,
      %get3A_2375 = arith.constant 11 : i32
      %get3A_2376 = arith.index_cast %get3A_2375 : i32 to index
      %get3A_2377 = arith.constant 160 : index
      %get3A_2378 = tpu.vector_load %arg7[%get3A_2376, %get3A_2377] {strides = array<i32>} : memref<32x256xf32, #tpu.memory_space<vmem>>, vector<16xf32>,
      %broadcast_in_dim3A_2379 = arith.constant 11 : i32
      %broadcast_in_dim3A_2380 = vector.broadcast %broadcast_in_dim3A_2379 : i32 to vector<16xi32>
      %add3A_2381 = arith.addi %mul3A_2297, %broadcast_in_dim3A_2380 : vector<16xi32>
      tpu.vector_store_idx %arg8[%add3A_2381], %get3A_2378 {add = true} : memref<16416xf32, #tpu.memory_space<vmem>>[vector<16xi32>], vector<16xf32>,
      %get3A_2382 = arith.constant 12 : i32
      %get3A_2383 = arith.index_cast %get3A_2382 : i32 to index
      %get3A_2384 = arith.constant 160 : index
      %get3A_2385 = tpu.vector_load %arg7[%get3A_2383, %get3A_2384] {strides = array<i32>} : memref<32x256xf32, #tpu.memory_space<vmem>>, vector<16xf32>,
      %broadcast_in_dim3A_2386 = arith.constant 12 : i32
      %broadcast_in_dim3A_2387 = vector.broadcast %broadcast_in_dim3A_2386 : i32 to vector<16xi32>
      %add3A_2388 = arith.addi %mul3A_2297, %broadcast_in_dim3A_2387 : vector<16xi32>
      tpu.vector_store_idx %arg8[%add3A_2388], %get3A_2385 {add = true} : memref<16416xf32, #tpu.memory_space<vmem>>[vector<16xi32>], vector<16xf32>,
      %get3A_2389 = arith.constant 13 : i32
      %get3A_2390 = arith.index_cast %get3A_2389 : i32 to index
      %get3A_2391 = arith.constant 160 : index
      %get3A_2392 = tpu.vector_load %arg7[%get3A_2390, %get3A_2391] {strides = array<i32>} : memref<32x256xf32, #tpu.memory_space<vmem>>, vector<16xf32>,
      %broadcast_in_dim3A_2393 = arith.constant 13 : i32
      %broadcast_in_dim3A_2394 = vector.broadcast %broadcast_in_dim3A_2393 : i32 to vector<16xi32>
      %add3A_2395 = arith.addi %mul3A_2297, %broadcast_in_dim3A_2394 : vector<16xi32>
      tpu.vector_store_idx %arg8[%add3A_2395], %get3A_2392 {add = true} : memref<16416xf32, #tpu.memory_space<vmem>>[vector<16xi32>], vector<16xf32>,
      %get3A_2396 = arith.constant 14 : i32
      %get3A_2397 = arith.index_cast %get3A_2396 : i32 to index
      %get3A_2398 = arith.constant 160 : index
      %get3A_2399 = tpu.vector_load %arg7[%get3A_2397, %get3A_2398] {strides = array<i32>} : memref<32x256xf32, #tpu.memory_space<vmem>>, vector<16xf32>,
      %broadcast_in_dim3A_2400 = arith.constant 14 : i32
      %broadcast_in_dim3A_2401 = vector.broadcast %broadcast_in_dim3A_2400 : i32 to vector<16xi32>
      %add3A_2402 = arith.addi %mul3A_2297, %broadcast_in_dim3A_2401 : vector<16xi32>
      tpu.vector_store_idx %arg8[%add3A_2402], %get3A_2399 {add = true} : memref<16416xf32, #tpu.memory_space<vmem>>[vector<16xi32>], vector<16xf32>,
      %get3A_2403 = arith.constant 15 : i32
      %get3A_2404 = arith.index_cast %get3A_2403 : i32 to index
      %get3A_2405 = arith.constant 160 : index
      %get3A_2406 = tpu.vector_load %arg7[%get3A_2404, %get3A_2405] {strides = array<i32>} : memref<32x256xf32, #tpu.memory_space<vmem>>, vector<16xf32>,
      %broadcast_in_dim3A_2407 = arith.constant 15 : i32
      %broadcast_in_dim3A_2408 = vector.broadcast %broadcast_in_dim3A_2407 : i32 to vector<16xi32>
      %add3A_2409 = arith.addi %mul3A_2297, %broadcast_in_dim3A_2408 : vector<16xi32>
      tpu.vector_store_idx %arg8[%add3A_2409], %get3A_2406 {add = true} : memref<16416xf32, #tpu.memory_space<vmem>>[vector<16xi32>], vector<16xf32>,
      %get3A_2410 = arith.constant 16 : i32
      %get3A_2411 = arith.index_cast %get3A_2410 : i32 to index
      %get3A_2412 = arith.constant 160 : index
      %get3A_2413 = tpu.vector_load %arg7[%get3A_2411, %get3A_2412] {strides = array<i32>} : memref<32x256xf32, #tpu.memory_space<vmem>>, vector<16xf32>,
      %broadcast_in_dim3A_2414 = arith.constant 16 : i32
      %broadcast_in_dim3A_2415 = vector.broadcast %broadcast_in_dim3A_2414 : i32 to vector<16xi32>
      %add3A_2416 = arith.addi %mul3A_2297, %broadcast_in_dim3A_2415 : vector<16xi32>
      tpu.vector_store_idx %arg8[%add3A_2416], %get3A_2413 {add = true} : memref<16416xf32, #tpu.memory_space<vmem>>[vector<16xi32>], vector<16xf32>,
      %get3A_2417 = arith.constant 17 : i32
      %get3A_2418 = arith.index_cast %get3A_2417 : i32 to index
      %get3A_2419 = arith.constant 160 : index
      %get3A_2420 = tpu.vector_load %arg7[%get3A_2418, %get3A_2419] {strides = array<i32>} : memref<32x256xf32, #tpu.memory_space<vmem>>, vector<16xf32>,
      %broadcast_in_dim3A_2421 = arith.constant 17 : i32
      %broadcast_in_dim3A_2422 = vector.broadcast %broadcast_in_dim3A_2421 : i32 to vector<16xi32>
      %add3A_2423 = arith.addi %mul3A_2297, %broadcast_in_dim3A_2422 : vector<16xi32>
      tpu.vector_store_idx %arg8[%add3A_2423], %get3A_2420 {add = true} : memref<16416xf32, #tpu.memory_space<vmem>>[vector<16xi32>], vector<16xf32>,
      %get3A_2424 = arith.constant 18 : i32
      %get3A_2425 = arith.index_cast %get3A_2424 : i32 to index
      %get3A_2426 = arith.constant 160 : index
      %get3A_2427 = tpu.vector_load %arg7[%get3A_2425, %get3A_2426] {strides = array<i32>} : memref<32x256xf32, #tpu.memory_space<vmem>>, vector<16xf32>,
      %broadcast_in_dim3A_2428 = arith.constant 18 : i32
      %broadcast_in_dim3A_2429 = vector.broadcast %broadcast_in_dim3A_2428 : i32 to vector<16xi32>
      %add3A_2430 = arith.addi %mul3A_2297, %broadcast_in_dim3A_2429 : vector<16xi32>
      tpu.vector_store_idx %arg8[%add3A_2430], %get3A_2427 {add = true} : memref<16416xf32, #tpu.memory_space<vmem>>[vector<16xi32>], vector<16xf32>,
      %get3A_2431 = arith.constant 19 : i32
      %get3A_2432 = arith.index_cast %get3A_2431 : i32 to index
      %get3A_2433 = arith.constant 160 : index
      %get3A_2434 = tpu.vector_load %arg7[%get3A_2432, %get3A_2433] {strides = array<i32>} : memref<32x256xf32, #tpu.memory_space<vmem>>, vector<16xf32>,
      %broadcast_in_dim3A_2435 = arith.constant 19 : i32
      %broadcast_in_dim3A_2436 = vector.broadcast %broadcast_in_dim3A_2435 : i32 to vector<16xi32>
      %add3A_2437 = arith.addi %mul3A_2297, %broadcast_in_dim3A_2436 : vector<16xi32>
      tpu.vector_store_idx %arg8[%add3A_2437], %get3A_2434 {add = true} : memref<16416xf32, #tpu.memory_space<vmem>>[vector<16xi32>], vector<16xf32>,
      %get3A_2438 = arith.constant 20 : i32
      %get3A_2439 = arith.index_cast %get3A_2438 : i32 to index
      %get3A_2440 = arith.constant 160 : index
      %get3A_2441 = tpu.vector_load %arg7[%get3A_2439, %get3A_2440] {strides = array<i32>} : memref<32x256xf32, #tpu.memory_space<vmem>>, vector<16xf32>,
      %broadcast_in_dim3A_2442 = arith.constant 20 : i32
      %broadcast_in_dim3A_2443 = vector.broadcast %broadcast_in_dim3A_2442 : i32 to vector<16xi32>
      %add3A_2444 = arith.addi %mul3A_2297, %broadcast_in_dim3A_2443 : vector<16xi32>
      tpu.vector_store_idx %arg8[%add3A_2444], %get3A_2441 {add = true} : memref<16416xf32, #tpu.memory_space<vmem>>[vector<16xi32>], vector<16xf32>,
      %get3A_2445 = arith.constant 21 : i32
      %get3A_2446 = arith.index_cast %get3A_2445 : i32 to index
      %get3A_2447 = arith.constant 160 : index
      %get3A_2448 = tpu.vector_load %arg7[%get3A_2446, %get3A_2447] {strides = array<i32>} : memref<32x256xf32, #tpu.memory_space<vmem>>, vector<16xf32>,
      %broadcast_in_dim3A_2449 = arith.constant 21 : i32
      %broadcast_in_dim3A_2450 = vector.broadcast %broadcast_in_dim3A_2449 : i32 to vector<16xi32>
      %add3A_2451 = arith.addi %mul3A_2297, %broadcast_in_dim3A_2450 : vector<16xi32>
      tpu.vector_store_idx %arg8[%add3A_2451], %get3A_2448 {add = true} : memref<16416xf32, #tpu.memory_space<vmem>>[vector<16xi32>], vector<16xf32>,
      %get3A_2452 = arith.constant 22 : i32
      %get3A_2453 = arith.index_cast %get3A_2452 : i32 to index
      %get3A_2454 = arith.constant 160 : index
      %get3A_2455 = tpu.vector_load %arg7[%get3A_2453, %get3A_2454] {strides = array<i32>} : memref<32x256xf32, #tpu.memory_space<vmem>>, vector<16xf32>,
      %broadcast_in_dim3A_2456 = arith.constant 22 : i32
      %broadcast_in_dim3A_2457 = vector.broadcast %broadcast_in_dim3A_2456 : i32 to vector<16xi32>
      %add3A_2458 = arith.addi %mul3A_2297, %broadcast_in_dim3A_2457 : vector<16xi32>
      tpu.vector_store_idx %arg8[%add3A_2458], %get3A_2455 {add = true} : memref<16416xf32, #tpu.memory_space<vmem>>[vector<16xi32>], vector<16xf32>,
      %get3A_2459 = arith.constant 23 : i32
      %get3A_2460 = arith.index_cast %get3A_2459 : i32 to index
      %get3A_2461 = arith.constant 160 : index
      %get3A_2462 = tpu.vector_load %arg7[%get3A_2460, %get3A_2461] {strides = array<i32>} : memref<32x256xf32, #tpu.memory_space<vmem>>, vector<16xf32>,
      %broadcast_in_dim3A_2463 = arith.constant 23 : i32
      %broadcast_in_dim3A_2464 = vector.broadcast %broadcast_in_dim3A_2463 : i32 to vector<16xi32>
      %add3A_2465 = arith.addi %mul3A_2297, %broadcast_in_dim3A_2464 : vector<16xi32>
      tpu.vector_store_idx %arg8[%add3A_2465], %get3A_2462 {add = true} : memref<16416xf32, #tpu.memory_space<vmem>>[vector<16xi32>], vector<16xf32>,
      %get3A_2466 = arith.constant 24 : i32
      %get3A_2467 = arith.index_cast %get3A_2466 : i32 to index
      %get3A_2468 = arith.constant 160 : index
      %get3A_2469 = tpu.vector_load %arg7[%get3A_2467, %get3A_2468] {strides = array<i32>} : memref<32x256xf32, #tpu.memory_space<vmem>>, vector<16xf32>,
      %broadcast_in_dim3A_2470 = arith.constant 24 : i32
      %broadcast_in_dim3A_2471 = vector.broadcast %broadcast_in_dim3A_2470 : i32 to vector<16xi32>
      %add3A_2472 = arith.addi %mul3A_2297, %broadcast_in_dim3A_2471 : vector<16xi32>
      tpu.vector_store_idx %arg8[%add3A_2472], %get3A_2469 {add = true} : memref<16416xf32, #tpu.memory_space<vmem>>[vector<16xi32>], vector<16xf32>,
      %get3A_2473 = arith.constant 25 : i32
      %get3A_2474 = arith.index_cast %get3A_2473 : i32 to index
      %get3A_2475 = arith.constant 160 : index
      %get3A_2476 = tpu.vector_load %arg7[%get3A_2474, %get3A_2475] {strides = array<i32>} : memref<32x256xf32, #tpu.memory_space<vmem>>, vector<16xf32>,
      %broadcast_in_dim3A_2477 = arith.constant 25 : i32
      %broadcast_in_dim3A_2478 = vector.broadcast %broadcast_in_dim3A_2477 : i32 to vector<16xi32>
      %add3A_2479 = arith.addi %mul3A_2297, %broadcast_in_dim3A_2478 : vector<16xi32>
      tpu.vector_store_idx %arg8[%add3A_2479], %get3A_2476 {add = true} : memref<16416xf32, #tpu.memory_space<vmem>>[vector<16xi32>], vector<16xf32>,
      %get3A_2480 = arith.constant 26 : i32
      %get3A_2481 = arith.index_cast %get3A_2480 : i32 to index
      %get3A_2482 = arith.constant 160 : index
      %get3A_2483 = tpu.vector_load %arg7[%get3A_2481, %get3A_2482] {strides = array<i32>} : memref<32x256xf32, #tpu.memory_space<vmem>>, vector<16xf32>,
      %broadcast_in_dim3A_2484 = arith.constant 26 : i32
      %broadcast_in_dim3A_2485 = vector.broadcast %broadcast_in_dim3A_2484 : i32 to vector<16xi32>
      %add3A_2486 = arith.addi %mul3A_2297, %broadcast_in_dim3A_2485 : vector<16xi32>
      tpu.vector_store_idx %arg8[%add3A_2486], %get3A_2483 {add = true} : memref<16416xf32, #tpu.memory_space<vmem>>[vector<16xi32>], vector<16xf32>,
      %get3A_2487 = arith.constant 27 : i32
      %get3A_2488 = arith.index_cast %get3A_2487 : i32 to index
      %get3A_2489 = arith.constant 160 : index
      %get3A_2490 = tpu.vector_load %arg7[%get3A_2488, %get3A_2489] {strides = array<i32>} : memref<32x256xf32, #tpu.memory_space<vmem>>, vector<16xf32>,
      %broadcast_in_dim3A_2491 = arith.constant 27 : i32
      %broadcast_in_dim3A_2492 = vector.broadcast %broadcast_in_dim3A_2491 : i32 to vector<16xi32>
      %add3A_2493 = arith.addi %mul3A_2297, %broadcast_in_dim3A_2492 : vector<16xi32>
      tpu.vector_store_idx %arg8[%add3A_2493], %get3A_2490 {add = true} : memref<16416xf32, #tpu.memory_space<vmem>>[vector<16xi32>], vector<16xf32>,
      %get3A_2494 = arith.constant 28 : i32
      %get3A_2495 = arith.index_cast %get3A_2494 : i32 to index
      %get3A_2496 = arith.constant 160 : index
      %get3A_2497 = tpu.vector_load %arg7[%get3A_2495, %get3A_2496] {strides = array<i32>} : memref<32x256xf32, #tpu.memory_space<vmem>>, vector<16xf32>,
      %broadcast_in_dim3A_2498 = arith.constant 28 : i32
      %broadcast_in_dim3A_2499 = vector.broadcast %broadcast_in_dim3A_2498 : i32 to vector<16xi32>
      %add3A_2500 = arith.addi %mul3A_2297, %broadcast_in_dim3A_2499 : vector<16xi32>
      tpu.vector_store_idx %arg8[%add3A_2500], %get3A_2497 {add = true} : memref<16416xf32, #tpu.memory_space<vmem>>[vector<16xi32>], vector<16xf32>,
      %get3A_2501 = arith.constant 29 : i32
      %get3A_2502 = arith.index_cast %get3A_2501 : i32 to index
      %get3A_2503 = arith.constant 160 : index
      %get3A_2504 = tpu.vector_load %arg7[%get3A_2502, %get3A_2503] {strides = array<i32>} : memref<32x256xf32, #tpu.memory_space<vmem>>, vector<16xf32>,
      %broadcast_in_dim3A_2505 = arith.constant 29 : i32
      %broadcast_in_dim3A_2506 = vector.broadcast %broadcast_in_dim3A_2505 : i32 to vector<16xi32>
      %add3A_2507 = arith.addi %mul3A_2297, %broadcast_in_dim3A_2506 : vector<16xi32>
      tpu.vector_store_idx %arg8[%add3A_2507], %get3A_2504 {add = true} : memref<16416xf32, #tpu.memory_space<vmem>>[vector<16xi32>], vector<16xf32>,
      %get3A_2508 = arith.constant 30 : i32
      %get3A_2509 = arith.index_cast %get3A_2508 : i32 to index
      %get3A_2510 = arith.constant 160 : index
      %get3A_2511 = tpu.vector_load %arg7[%get3A_2509, %get3A_2510] {strides = array<i32>} : memref<32x256xf32, #tpu.memory_space<vmem>>, vector<16xf32>,
      %broadcast_in_dim3A_2512 = arith.constant 30 : i32
      %broadcast_in_dim3A_2513 = vector.broadcast %broadcast_in_dim3A_2512 : i32 to vector<16xi32>
      %add3A_2514 = arith.addi %mul3A_2297, %broadcast_in_dim3A_2513 : vector<16xi32>
      tpu.vector_store_idx %arg8[%add3A_2514], %get3A_2511 {add = true} : memref<16416xf32, #tpu.memory_space<vmem>>[vector<16xi32>], vector<16xf32>,
      %get3A_2515 = arith.constant 31 : i32
      %get3A_2516 = arith.index_cast %get3A_2515 : i32 to index
      %get3A_2517 = arith.constant 160 : index
      %get3A_2518 = tpu.vector_load %arg7[%get3A_2516, %get3A_2517] {strides = array<i32>} : memref<32x256xf32, #tpu.memory_space<vmem>>, vector<16xf32>,
      %broadcast_in_dim3A_2519 = arith.constant 31 : i32
      %broadcast_in_dim3A_2520 = vector.broadcast %broadcast_in_dim3A_2519 : i32 to vector<16xi32>
      %add3A_2521 = arith.addi %mul3A_2297, %broadcast_in_dim3A_2520 : vector<16xi32>
      tpu.vector_store_idx %arg8[%add3A_2521], %get3A_2518 {add = true} : memref<16416xf32, #tpu.memory_space<vmem>>[vector<16xi32>], vector<16xf32>,
      %get3A_2522 = arith.constant 176 : index
      %get3A_2523 = tpu.vector_load %arg6[%get3A_2522] {strides = array<i32>} : memref<256xi32, #tpu.memory_space<vmem>>, vector<16xi32>,
      %mul3A_2524 = arith.constant 32 : i32
      %mul3A_2525 = vector.broadcast %mul3A_2524 : i32 to vector<16xi32>
      %mul3A_2526 = arith.muli %get3A_2523, %mul3A_2525 : vector<16xi32>
      %get3A_2527 = arith.constant 0 : i32
      %get3A_2528 = arith.index_cast %get3A_2527 : i32 to index
      %get3A_2529 = arith.constant 176 : index
      %get3A_2530 = tpu.vector_load %arg7[%get3A_2528, %get3A_2529] {strides = array<i32>} : memref<32x256xf32, #tpu.memory_space<vmem>>, vector<16xf32>,
      %broadcast_in_dim3A_2531 = arith.constant 0 : i32
      %broadcast_in_dim3A_2532 = vector.broadcast %broadcast_in_dim3A_2531 : i32 to vector<16xi32>
      %add3A_2533 = arith.addi %mul3A_2526, %broadcast_in_dim3A_2532 : vector<16xi32>
      tpu.vector_store_idx %arg8[%add3A_2533], %get3A_2530 {add = true} : memref<16416xf32, #tpu.memory_space<vmem>>[vector<16xi32>], vector<16xf32>,
      %get3A_2534 = arith.constant 1 : i32
      %get3A_2535 = arith.index_cast %get3A_2534 : i32 to index
      %get3A_2536 = arith.constant 176 : index
      %get3A_2537 = tpu.vector_load %arg7[%get3A_2535, %get3A_2536] {strides = array<i32>} : memref<32x256xf32, #tpu.memory_space<vmem>>, vector<16xf32>,
      %broadcast_in_dim3A_2538 = arith.constant 1 : i32
      %broadcast_in_dim3A_2539 = vector.broadcast %broadcast_in_dim3A_2538 : i32 to vector<16xi32>
      %add3A_2540 = arith.addi %mul3A_2526, %broadcast_in_dim3A_2539 : vector<16xi32>
      tpu.vector_store_idx %arg8[%add3A_2540], %get3A_2537 {add = true} : memref<16416xf32, #tpu.memory_space<vmem>>[vector<16xi32>], vector<16xf32>,
      %get3A_2541 = arith.constant 2 : i32
      %get3A_2542 = arith.index_cast %get3A_2541 : i32 to index
      %get3A_2543 = arith.constant 176 : index
      %get3A_2544 = tpu.vector_load %arg7[%get3A_2542, %get3A_2543] {strides = array<i32>} : memref<32x256xf32, #tpu.memory_space<vmem>>, vector<16xf32>,
      %broadcast_in_dim3A_2545 = arith.constant 2 : i32
      %broadcast_in_dim3A_2546 = vector.broadcast %broadcast_in_dim3A_2545 : i32 to vector<16xi32>
      %add3A_2547 = arith.addi %mul3A_2526, %broadcast_in_dim3A_2546 : vector<16xi32>
      tpu.vector_store_idx %arg8[%add3A_2547], %get3A_2544 {add = true} : memref<16416xf32, #tpu.memory_space<vmem>>[vector<16xi32>], vector<16xf32>,
      %get3A_2548 = arith.constant 3 : i32
      %get3A_2549 = arith.index_cast %get3A_2548 : i32 to index
      %get3A_2550 = arith.constant 176 : index
      %get3A_2551 = tpu.vector_load %arg7[%get3A_2549, %get3A_2550] {strides = array<i32>} : memref<32x256xf32, #tpu.memory_space<vmem>>, vector<16xf32>,
      %broadcast_in_dim3A_2552 = arith.constant 3 : i32
      %broadcast_in_dim3A_2553 = vector.broadcast %broadcast_in_dim3A_2552 : i32 to vector<16xi32>
      %add3A_2554 = arith.addi %mul3A_2526, %broadcast_in_dim3A_2553 : vector<16xi32>
      tpu.vector_store_idx %arg8[%add3A_2554], %get3A_2551 {add = true} : memref<16416xf32, #tpu.memory_space<vmem>>[vector<16xi32>], vector<16xf32>,
      %get3A_2555 = arith.constant 4 : i32
      %get3A_2556 = arith.index_cast %get3A_2555 : i32 to index
      %get3A_2557 = arith.constant 176 : index
      %get3A_2558 = tpu.vector_load %arg7[%get3A_2556, %get3A_2557] {strides = array<i32>} : memref<32x256xf32, #tpu.memory_space<vmem>>, vector<16xf32>,
      %broadcast_in_dim3A_2559 = arith.constant 4 : i32
      %broadcast_in_dim3A_2560 = vector.broadcast %broadcast_in_dim3A_2559 : i32 to vector<16xi32>
      %add3A_2561 = arith.addi %mul3A_2526, %broadcast_in_dim3A_2560 : vector<16xi32>
      tpu.vector_store_idx %arg8[%add3A_2561], %get3A_2558 {add = true} : memref<16416xf32, #tpu.memory_space<vmem>>[vector<16xi32>], vector<16xf32>,
      %get3A_2562 = arith.constant 5 : i32
      %get3A_2563 = arith.index_cast %get3A_2562 : i32 to index
      %get3A_2564 = arith.constant 176 : index
      %get3A_2565 = tpu.vector_load %arg7[%get3A_2563, %get3A_2564] {strides = array<i32>} : memref<32x256xf32, #tpu.memory_space<vmem>>, vector<16xf32>,
      %broadcast_in_dim3A_2566 = arith.constant 5 : i32
      %broadcast_in_dim3A_2567 = vector.broadcast %broadcast_in_dim3A_2566 : i32 to vector<16xi32>
      %add3A_2568 = arith.addi %mul3A_2526, %broadcast_in_dim3A_2567 : vector<16xi32>
      tpu.vector_store_idx %arg8[%add3A_2568], %get3A_2565 {add = true} : memref<16416xf32, #tpu.memory_space<vmem>>[vector<16xi32>], vector<16xf32>,
      %get3A_2569 = arith.constant 6 : i32
      %get3A_2570 = arith.index_cast %get3A_2569 : i32 to index
      %get3A_2571 = arith.constant 176 : index
      %get3A_2572 = tpu.vector_load %arg7[%get3A_2570, %get3A_2571] {strides = array<i32>} : memref<32x256xf32, #tpu.memory_space<vmem>>, vector<16xf32>,
      %broadcast_in_dim3A_2573 = arith.constant 6 : i32
      %broadcast_in_dim3A_2574 = vector.broadcast %broadcast_in_dim3A_2573 : i32 to vector<16xi32>
      %add3A_2575 = arith.addi %mul3A_2526, %broadcast_in_dim3A_2574 : vector<16xi32>
      tpu.vector_store_idx %arg8[%add3A_2575], %get3A_2572 {add = true} : memref<16416xf32, #tpu.memory_space<vmem>>[vector<16xi32>], vector<16xf32>,
      %get3A_2576 = arith.constant 7 : i32
      %get3A_2577 = arith.index_cast %get3A_2576 : i32 to index
      %get3A_2578 = arith.constant 176 : index
      %get3A_2579 = tpu.vector_load %arg7[%get3A_2577, %get3A_2578] {strides = array<i32>} : memref<32x256xf32, #tpu.memory_space<vmem>>, vector<16xf32>,
      %broadcast_in_dim3A_2580 = arith.constant 7 : i32
      %broadcast_in_dim3A_2581 = vector.broadcast %broadcast_in_dim3A_2580 : i32 to vector<16xi32>
      %add3A_2582 = arith.addi %mul3A_2526, %broadcast_in_dim3A_2581 : vector<16xi32>
      tpu.vector_store_idx %arg8[%add3A_2582], %get3A_2579 {add = true} : memref<16416xf32, #tpu.memory_space<vmem>>[vector<16xi32>], vector<16xf32>,
      %get3A_2583 = arith.constant 8 : i32
      %get3A_2584 = arith.index_cast %get3A_2583 : i32 to index
      %get3A_2585 = arith.constant 176 : index
      %get3A_2586 = tpu.vector_load %arg7[%get3A_2584, %get3A_2585] {strides = array<i32>} : memref<32x256xf32, #tpu.memory_space<vmem>>, vector<16xf32>,
      %broadcast_in_dim3A_2587 = arith.constant 8 : i32
      %broadcast_in_dim3A_2588 = vector.broadcast %broadcast_in_dim3A_2587 : i32 to vector<16xi32>
      %add3A_2589 = arith.addi %mul3A_2526, %broadcast_in_dim3A_2588 : vector<16xi32>
      tpu.vector_store_idx %arg8[%add3A_2589], %get3A_2586 {add = true} : memref<16416xf32, #tpu.memory_space<vmem>>[vector<16xi32>], vector<16xf32>,
      %get3A_2590 = arith.constant 9 : i32
      %get3A_2591 = arith.index_cast %get3A_2590 : i32 to index
      %get3A_2592 = arith.constant 176 : index
      %get3A_2593 = tpu.vector_load %arg7[%get3A_2591, %get3A_2592] {strides = array<i32>} : memref<32x256xf32, #tpu.memory_space<vmem>>, vector<16xf32>,
      %broadcast_in_dim3A_2594 = arith.constant 9 : i32
      %broadcast_in_dim3A_2595 = vector.broadcast %broadcast_in_dim3A_2594 : i32 to vector<16xi32>
      %add3A_2596 = arith.addi %mul3A_2526, %broadcast_in_dim3A_2595 : vector<16xi32>
      tpu.vector_store_idx %arg8[%add3A_2596], %get3A_2593 {add = true} : memref<16416xf32, #tpu.memory_space<vmem>>[vector<16xi32>], vector<16xf32>,
      %get3A_2597 = arith.constant 10 : i32
      %get3A_2598 = arith.index_cast %get3A_2597 : i32 to index
      %get3A_2599 = arith.constant 176 : index
      %get3A_2600 = tpu.vector_load %arg7[%get3A_2598, %get3A_2599] {strides = array<i32>} : memref<32x256xf32, #tpu.memory_space<vmem>>, vector<16xf32>,
      %broadcast_in_dim3A_2601 = arith.constant 10 : i32
      %broadcast_in_dim3A_2602 = vector.broadcast %broadcast_in_dim3A_2601 : i32 to vector<16xi32>
      %add3A_2603 = arith.addi %mul3A_2526, %broadcast_in_dim3A_2602 : vector<16xi32>
      tpu.vector_store_idx %arg8[%add3A_2603], %get3A_2600 {add = true} : memref<16416xf32, #tpu.memory_space<vmem>>[vector<16xi32>], vector<16xf32>,
      %get3A_2604 = arith.constant 11 : i32
      %get3A_2605 = arith.index_cast %get3A_2604 : i32 to index
      %get3A_2606 = arith.constant 176 : index
      %get3A_2607 = tpu.vector_load %arg7[%get3A_2605, %get3A_2606] {strides = array<i32>} : memref<32x256xf32, #tpu.memory_space<vmem>>, vector<16xf32>,
      %broadcast_in_dim3A_2608 = arith.constant 11 : i32
      %broadcast_in_dim3A_2609 = vector.broadcast %broadcast_in_dim3A_2608 : i32 to vector<16xi32>
      %add3A_2610 = arith.addi %mul3A_2526, %broadcast_in_dim3A_2609 : vector<16xi32>
      tpu.vector_store_idx %arg8[%add3A_2610], %get3A_2607 {add = true} : memref<16416xf32, #tpu.memory_space<vmem>>[vector<16xi32>], vector<16xf32>,
      %get3A_2611 = arith.constant 12 : i32
      %get3A_2612 = arith.index_cast %get3A_2611 : i32 to index
      %get3A_2613 = arith.constant 176 : index
      %get3A_2614 = tpu.vector_load %arg7[%get3A_2612, %get3A_2613] {strides = array<i32>} : memref<32x256xf32, #tpu.memory_space<vmem>>, vector<16xf32>,
      %broadcast_in_dim3A_2615 = arith.constant 12 : i32
      %broadcast_in_dim3A_2616 = vector.broadcast %broadcast_in_dim3A_2615 : i32 to vector<16xi32>
      %add3A_2617 = arith.addi %mul3A_2526, %broadcast_in_dim3A_2616 : vector<16xi32>
      tpu.vector_store_idx %arg8[%add3A_2617], %get3A_2614 {add = true} : memref<16416xf32, #tpu.memory_space<vmem>>[vector<16xi32>], vector<16xf32>,
      %get3A_2618 = arith.constant 13 : i32
      %get3A_2619 = arith.index_cast %get3A_2618 : i32 to index
      %get3A_2620 = arith.constant 176 : index
      %get3A_2621 = tpu.vector_load %arg7[%get3A_2619, %get3A_2620] {strides = array<i32>} : memref<32x256xf32, #tpu.memory_space<vmem>>, vector<16xf32>,
      %broadcast_in_dim3A_2622 = arith.constant 13 : i32
      %broadcast_in_dim3A_2623 = vector.broadcast %broadcast_in_dim3A_2622 : i32 to vector<16xi32>
      %add3A_2624 = arith.addi %mul3A_2526, %broadcast_in_dim3A_2623 : vector<16xi32>
      tpu.vector_store_idx %arg8[%add3A_2624], %get3A_2621 {add = true} : memref<16416xf32, #tpu.memory_space<vmem>>[vector<16xi32>], vector<16xf32>,
      %get3A_2625 = arith.constant 14 : i32
      %get3A_2626 = arith.index_cast %get3A_2625 : i32 to index
      %get3A_2627 = arith.constant 176 : index
      %get3A_2628 = tpu.vector_load %arg7[%get3A_2626, %get3A_2627] {strides = array<i32>} : memref<32x256xf32, #tpu.memory_space<vmem>>, vector<16xf32>,
      %broadcast_in_dim3A_2629 = arith.constant 14 : i32
      %broadcast_in_dim3A_2630 = vector.broadcast %broadcast_in_dim3A_2629 : i32 to vector<16xi32>
      %add3A_2631 = arith.addi %mul3A_2526, %broadcast_in_dim3A_2630 : vector<16xi32>
      tpu.vector_store_idx %arg8[%add3A_2631], %get3A_2628 {add = true} : memref<16416xf32, #tpu.memory_space<vmem>>[vector<16xi32>], vector<16xf32>,
      %get3A_2632 = arith.constant 15 : i32
      %get3A_2633 = arith.index_cast %get3A_2632 : i32 to index
      %get3A_2634 = arith.constant 176 : index
      %get3A_2635 = tpu.vector_load %arg7[%get3A_2633, %get3A_2634] {strides = array<i32>} : memref<32x256xf32, #tpu.memory_space<vmem>>, vector<16xf32>,
      %broadcast_in_dim3A_2636 = arith.constant 15 : i32
      %broadcast_in_dim3A_2637 = vector.broadcast %broadcast_in_dim3A_2636 : i32 to vector<16xi32>
      %add3A_2638 = arith.addi %mul3A_2526, %broadcast_in_dim3A_2637 : vector<16xi32>
      tpu.vector_store_idx %arg8[%add3A_2638], %get3A_2635 {add = true} : memref<16416xf32, #tpu.memory_space<vmem>>[vector<16xi32>], vector<16xf32>,
      %get3A_2639 = arith.constant 16 : i32
      %get3A_2640 = arith.index_cast %get3A_2639 : i32 to index
      %get3A_2641 = arith.constant 176 : index
      %get3A_2642 = tpu.vector_load %arg7[%get3A_2640, %get3A_2641] {strides = array<i32>} : memref<32x256xf32, #tpu.memory_space<vmem>>, vector<16xf32>,
      %broadcast_in_dim3A_2643 = arith.constant 16 : i32
      %broadcast_in_dim3A_2644 = vector.broadcast %broadcast_in_dim3A_2643 : i32 to vector<16xi32>
      %add3A_2645 = arith.addi %mul3A_2526, %broadcast_in_dim3A_2644 : vector<16xi32>
      tpu.vector_store_idx %arg8[%add3A_2645], %get3A_2642 {add = true} : memref<16416xf32, #tpu.memory_space<vmem>>[vector<16xi32>], vector<16xf32>,
      %get3A_2646 = arith.constant 17 : i32
      %get3A_2647 = arith.index_cast %get3A_2646 : i32 to index
      %get3A_2648 = arith.constant 176 : index
      %get3A_2649 = tpu.vector_load %arg7[%get3A_2647, %get3A_2648] {strides = array<i32>} : memref<32x256xf32, #tpu.memory_space<vmem>>, vector<16xf32>,
      %broadcast_in_dim3A_2650 = arith.constant 17 : i32
      %broadcast_in_dim3A_2651 = vector.broadcast %broadcast_in_dim3A_2650 : i32 to vector<16xi32>
      %add3A_2652 = arith.addi %mul3A_2526, %broadcast_in_dim3A_2651 : vector<16xi32>
      tpu.vector_store_idx %arg8[%add3A_2652], %get3A_2649 {add = true} : memref<16416xf32, #tpu.memory_space<vmem>>[vector<16xi32>], vector<16xf32>,
      %get3A_2653 = arith.constant 18 : i32
      %get3A_2654 = arith.index_cast %get3A_2653 : i32 to index
      %get3A_2655 = arith.constant 176 : index
      %get3A_2656 = tpu.vector_load %arg7[%get3A_2654, %get3A_2655] {strides = array<i32>} : memref<32x256xf32, #tpu.memory_space<vmem>>, vector<16xf32>,
      %broadcast_in_dim3A_2657 = arith.constant 18 : i32
      %broadcast_in_dim3A_2658 = vector.broadcast %broadcast_in_dim3A_2657 : i32 to vector<16xi32>
      %add3A_2659 = arith.addi %mul3A_2526, %broadcast_in_dim3A_2658 : vector<16xi32>
      tpu.vector_store_idx %arg8[%add3A_2659], %get3A_2656 {add = true} : memref<16416xf32, #tpu.memory_space<vmem>>[vector<16xi32>], vector<16xf32>,
      %get3A_2660 = arith.constant 19 : i32
      %get3A_2661 = arith.index_cast %get3A_2660 : i32 to index
      %get3A_2662 = arith.constant 176 : index
      %get3A_2663 = tpu.vector_load %arg7[%get3A_2661, %get3A_2662] {strides = array<i32>} : memref<32x256xf32, #tpu.memory_space<vmem>>, vector<16xf32>,
      %broadcast_in_dim3A_2664 = arith.constant 19 : i32
      %broadcast_in_dim3A_2665 = vector.broadcast %broadcast_in_dim3A_2664 : i32 to vector<16xi32>
      %add3A_2666 = arith.addi %mul3A_2526, %broadcast_in_dim3A_2665 : vector<16xi32>
      tpu.vector_store_idx %arg8[%add3A_2666], %get3A_2663 {add = true} : memref<16416xf32, #tpu.memory_space<vmem>>[vector<16xi32>], vector<16xf32>,
      %get3A_2667 = arith.constant 20 : i32
      %get3A_2668 = arith.index_cast %get3A_2667 : i32 to index
      %get3A_2669 = arith.constant 176 : index
      %get3A_2670 = tpu.vector_load %arg7[%get3A_2668, %get3A_2669] {strides = array<i32>} : memref<32x256xf32, #tpu.memory_space<vmem>>, vector<16xf32>,
      %broadcast_in_dim3A_2671 = arith.constant 20 : i32
      %broadcast_in_dim3A_2672 = vector.broadcast %broadcast_in_dim3A_2671 : i32 to vector<16xi32>
      %add3A_2673 = arith.addi %mul3A_2526, %broadcast_in_dim3A_2672 : vector<16xi32>
      tpu.vector_store_idx %arg8[%add3A_2673], %get3A_2670 {add = true} : memref<16416xf32, #tpu.memory_space<vmem>>[vector<16xi32>], vector<16xf32>,
      %get3A_2674 = arith.constant 21 : i32
      %get3A_2675 = arith.index_cast %get3A_2674 : i32 to index
      %get3A_2676 = arith.constant 176 : index
      %get3A_2677 = tpu.vector_load %arg7[%get3A_2675, %get3A_2676] {strides = array<i32>} : memref<32x256xf32, #tpu.memory_space<vmem>>, vector<16xf32>,
      %broadcast_in_dim3A_2678 = arith.constant 21 : i32
      %broadcast_in_dim3A_2679 = vector.broadcast %broadcast_in_dim3A_2678 : i32 to vector<16xi32>
      %add3A_2680 = arith.addi %mul3A_2526, %broadcast_in_dim3A_2679 : vector<16xi32>
      tpu.vector_store_idx %arg8[%add3A_2680], %get3A_2677 {add = true} : memref<16416xf32, #tpu.memory_space<vmem>>[vector<16xi32>], vector<16xf32>,
      %get3A_2681 = arith.constant 22 : i32
      %get3A_2682 = arith.index_cast %get3A_2681 : i32 to index
      %get3A_2683 = arith.constant 176 : index
      %get3A_2684 = tpu.vector_load %arg7[%get3A_2682, %get3A_2683] {strides = array<i32>} : memref<32x256xf32, #tpu.memory_space<vmem>>, vector<16xf32>,
      %broadcast_in_dim3A_2685 = arith.constant 22 : i32
      %broadcast_in_dim3A_2686 = vector.broadcast %broadcast_in_dim3A_2685 : i32 to vector<16xi32>
      %add3A_2687 = arith.addi %mul3A_2526, %broadcast_in_dim3A_2686 : vector<16xi32>
      tpu.vector_store_idx %arg8[%add3A_2687], %get3A_2684 {add = true} : memref<16416xf32, #tpu.memory_space<vmem>>[vector<16xi32>], vector<16xf32>,
      %get3A_2688 = arith.constant 23 : i32
      %get3A_2689 = arith.index_cast %get3A_2688 : i32 to index
      %get3A_2690 = arith.constant 176 : index
      %get3A_2691 = tpu.vector_load %arg7[%get3A_2689, %get3A_2690] {strides = array<i32>} : memref<32x256xf32, #tpu.memory_space<vmem>>, vector<16xf32>,
      %broadcast_in_dim3A_2692 = arith.constant 23 : i32
      %broadcast_in_dim3A_2693 = vector.broadcast %broadcast_in_dim3A_2692 : i32 to vector<16xi32>
      %add3A_2694 = arith.addi %mul3A_2526, %broadcast_in_dim3A_2693 : vector<16xi32>
      tpu.vector_store_idx %arg8[%add3A_2694], %get3A_2691 {add = true} : memref<16416xf32, #tpu.memory_space<vmem>>[vector<16xi32>], vector<16xf32>,
      %get3A_2695 = arith.constant 24 : i32
      %get3A_2696 = arith.index_cast %get3A_2695 : i32 to index
      %get3A_2697 = arith.constant 176 : index
      %get3A_2698 = tpu.vector_load %arg7[%get3A_2696, %get3A_2697] {strides = array<i32>} : memref<32x256xf32, #tpu.memory_space<vmem>>, vector<16xf32>,
      %broadcast_in_dim3A_2699 = arith.constant 24 : i32
      %broadcast_in_dim3A_2700 = vector.broadcast %broadcast_in_dim3A_2699 : i32 to vector<16xi32>
      %add3A_2701 = arith.addi %mul3A_2526, %broadcast_in_dim3A_2700 : vector<16xi32>
      tpu.vector_store_idx %arg8[%add3A_2701], %get3A_2698 {add = true} : memref<16416xf32, #tpu.memory_space<vmem>>[vector<16xi32>], vector<16xf32>,
      %get3A_2702 = arith.constant 25 : i32
      %get3A_2703 = arith.index_cast %get3A_2702 : i32 to index
      %get3A_2704 = arith.constant 176 : index
      %get3A_2705 = tpu.vector_load %arg7[%get3A_2703, %get3A_2704] {strides = array<i32>} : memref<32x256xf32, #tpu.memory_space<vmem>>, vector<16xf32>,
      %broadcast_in_dim3A_2706 = arith.constant 25 : i32
      %broadcast_in_dim3A_2707 = vector.broadcast %broadcast_in_dim3A_2706 : i32 to vector<16xi32>
      %add3A_2708 = arith.addi %mul3A_2526, %broadcast_in_dim3A_2707 : vector<16xi32>
      tpu.vector_store_idx %arg8[%add3A_2708], %get3A_2705 {add = true} : memref<16416xf32, #tpu.memory_space<vmem>>[vector<16xi32>], vector<16xf32>,
      %get3A_2709 = arith.constant 26 : i32
      %get3A_2710 = arith.index_cast %get3A_2709 : i32 to index
      %get3A_2711 = arith.constant 176 : index
      %get3A_2712 = tpu.vector_load %arg7[%get3A_2710, %get3A_2711] {strides = array<i32>} : memref<32x256xf32, #tpu.memory_space<vmem>>, vector<16xf32>,
      %broadcast_in_dim3A_2713 = arith.constant 26 : i32
      %broadcast_in_dim3A_2714 = vector.broadcast %broadcast_in_dim3A_2713 : i32 to vector<16xi32>
      %add3A_2715 = arith.addi %mul3A_2526, %broadcast_in_dim3A_2714 : vector<16xi32>
      tpu.vector_store_idx %arg8[%add3A_2715], %get3A_2712 {add = true} : memref<16416xf32, #tpu.memory_space<vmem>>[vector<16xi32>], vector<16xf32>,
      %get3A_2716 = arith.constant 27 : i32
      %get3A_2717 = arith.index_cast %get3A_2716 : i32 to index
      %get3A_2718 = arith.constant 176 : index
      %get3A_2719 = tpu.vector_load %arg7[%get3A_2717, %get3A_2718] {strides = array<i32>} : memref<32x256xf32, #tpu.memory_space<vmem>>, vector<16xf32>,
      %broadcast_in_dim3A_2720 = arith.constant 27 : i32
      %broadcast_in_dim3A_2721 = vector.broadcast %broadcast_in_dim3A_2720 : i32 to vector<16xi32>
      %add3A_2722 = arith.addi %mul3A_2526, %broadcast_in_dim3A_2721 : vector<16xi32>
      tpu.vector_store_idx %arg8[%add3A_2722], %get3A_2719 {add = true} : memref<16416xf32, #tpu.memory_space<vmem>>[vector<16xi32>], vector<16xf32>,
      %get3A_2723 = arith.constant 28 : i32
      %get3A_2724 = arith.index_cast %get3A_2723 : i32 to index
      %get3A_2725 = arith.constant 176 : index
      %get3A_2726 = tpu.vector_load %arg7[%get3A_2724, %get3A_2725] {strides = array<i32>} : memref<32x256xf32, #tpu.memory_space<vmem>>, vector<16xf32>,
      %broadcast_in_dim3A_2727 = arith.constant 28 : i32
      %broadcast_in_dim3A_2728 = vector.broadcast %broadcast_in_dim3A_2727 : i32 to vector<16xi32>
      %add3A_2729 = arith.addi %mul3A_2526, %broadcast_in_dim3A_2728 : vector<16xi32>
      tpu.vector_store_idx %arg8[%add3A_2729], %get3A_2726 {add = true} : memref<16416xf32, #tpu.memory_space<vmem>>[vector<16xi32>], vector<16xf32>,
      %get3A_2730 = arith.constant 29 : i32
      %get3A_2731 = arith.index_cast %get3A_2730 : i32 to index
      %get3A_2732 = arith.constant 176 : index
      %get3A_2733 = tpu.vector_load %arg7[%get3A_2731, %get3A_2732] {strides = array<i32>} : memref<32x256xf32, #tpu.memory_space<vmem>>, vector<16xf32>,
      %broadcast_in_dim3A_2734 = arith.constant 29 : i32
      %broadcast_in_dim3A_2735 = vector.broadcast %broadcast_in_dim3A_2734 : i32 to vector<16xi32>
      %add3A_2736 = arith.addi %mul3A_2526, %broadcast_in_dim3A_2735 : vector<16xi32>
      tpu.vector_store_idx %arg8[%add3A_2736], %get3A_2733 {add = true} : memref<16416xf32, #tpu.memory_space<vmem>>[vector<16xi32>], vector<16xf32>,
      %get3A_2737 = arith.constant 30 : i32
      %get3A_2738 = arith.index_cast %get3A_2737 : i32 to index
      %get3A_2739 = arith.constant 176 : index
      %get3A_2740 = tpu.vector_load %arg7[%get3A_2738, %get3A_2739] {strides = array<i32>} : memref<32x256xf32, #tpu.memory_space<vmem>>, vector<16xf32>,
      %broadcast_in_dim3A_2741 = arith.constant 30 : i32
      %broadcast_in_dim3A_2742 = vector.broadcast %broadcast_in_dim3A_2741 : i32 to vector<16xi32>
      %add3A_2743 = arith.addi %mul3A_2526, %broadcast_in_dim3A_2742 : vector<16xi32>
      tpu.vector_store_idx %arg8[%add3A_2743], %get3A_2740 {add = true} : memref<16416xf32, #tpu.memory_space<vmem>>[vector<16xi32>], vector<16xf32>,
      %get3A_2744 = arith.constant 31 : i32
      %get3A_2745 = arith.index_cast %get3A_2744 : i32 to index
      %get3A_2746 = arith.constant 176 : index
      %get3A_2747 = tpu.vector_load %arg7[%get3A_2745, %get3A_2746] {strides = array<i32>} : memref<32x256xf32, #tpu.memory_space<vmem>>, vector<16xf32>,
      %broadcast_in_dim3A_2748 = arith.constant 31 : i32
      %broadcast_in_dim3A_2749 = vector.broadcast %broadcast_in_dim3A_2748 : i32 to vector<16xi32>
      %add3A_2750 = arith.addi %mul3A_2526, %broadcast_in_dim3A_2749 : vector<16xi32>
      tpu.vector_store_idx %arg8[%add3A_2750], %get3A_2747 {add = true} : memref<16416xf32, #tpu.memory_space<vmem>>[vector<16xi32>], vector<16xf32>,
      %get3A_2751 = arith.constant 192 : index
      %get3A_2752 = tpu.vector_load %arg6[%get3A_2751] {strides = array<i32>} : memref<256xi32, #tpu.memory_space<vmem>>, vector<16xi32>,
      %mul3A_2753 = arith.constant 32 : i32
      %mul3A_2754 = vector.broadcast %mul3A_2753 : i32 to vector<16xi32>
      %mul3A_2755 = arith.muli %get3A_2752, %mul3A_2754 : vector<16xi32>
      %get3A_2756 = arith.constant 0 : i32
      %get3A_2757 = arith.index_cast %get3A_2756 : i32 to index
      %get3A_2758 = arith.constant 192 : index
      %get3A_2759 = tpu.vector_load %arg7[%get3A_2757, %get3A_2758] {strides = array<i32>} : memref<32x256xf32, #tpu.memory_space<vmem>>, vector<16xf32>,
      %broadcast_in_dim3A_2760 = arith.constant 0 : i32
      %broadcast_in_dim3A_2761 = vector.broadcast %broadcast_in_dim3A_2760 : i32 to vector<16xi32>
      %add3A_2762 = arith.addi %mul3A_2755, %broadcast_in_dim3A_2761 : vector<16xi32>
      tpu.vector_store_idx %arg8[%add3A_2762], %get3A_2759 {add = true} : memref<16416xf32, #tpu.memory_space<vmem>>[vector<16xi32>], vector<16xf32>,
      %get3A_2763 = arith.constant 1 : i32
      %get3A_2764 = arith.index_cast %get3A_2763 : i32 to index
      %get3A_2765 = arith.constant 192 : index
      %get3A_2766 = tpu.vector_load %arg7[%get3A_2764, %get3A_2765] {strides = array<i32>} : memref<32x256xf32, #tpu.memory_space<vmem>>, vector<16xf32>,
      %broadcast_in_dim3A_2767 = arith.constant 1 : i32
      %broadcast_in_dim3A_2768 = vector.broadcast %broadcast_in_dim3A_2767 : i32 to vector<16xi32>
      %add3A_2769 = arith.addi %mul3A_2755, %broadcast_in_dim3A_2768 : vector<16xi32>
      tpu.vector_store_idx %arg8[%add3A_2769], %get3A_2766 {add = true} : memref<16416xf32, #tpu.memory_space<vmem>>[vector<16xi32>], vector<16xf32>,
      %get3A_2770 = arith.constant 2 : i32
      %get3A_2771 = arith.index_cast %get3A_2770 : i32 to index
      %get3A_2772 = arith.constant 192 : index
      %get3A_2773 = tpu.vector_load %arg7[%get3A_2771, %get3A_2772] {strides = array<i32>} : memref<32x256xf32, #tpu.memory_space<vmem>>, vector<16xf32>,
      %broadcast_in_dim3A_2774 = arith.constant 2 : i32
      %broadcast_in_dim3A_2775 = vector.broadcast %broadcast_in_dim3A_2774 : i32 to vector<16xi32>
      %add3A_2776 = arith.addi %mul3A_2755, %broadcast_in_dim3A_2775 : vector<16xi32>
      tpu.vector_store_idx %arg8[%add3A_2776], %get3A_2773 {add = true} : memref<16416xf32, #tpu.memory_space<vmem>>[vector<16xi32>], vector<16xf32>,
      %get3A_2777 = arith.constant 3 : i32
      %get3A_2778 = arith.index_cast %get3A_2777 : i32 to index
      %get3A_2779 = arith.constant 192 : index
      %get3A_2780 = tpu.vector_load %arg7[%get3A_2778, %get3A_2779] {strides = array<i32>} : memref<32x256xf32, #tpu.memory_space<vmem>>, vector<16xf32>,
      %broadcast_in_dim3A_2781 = arith.constant 3 : i32
      %broadcast_in_dim3A_2782 = vector.broadcast %broadcast_in_dim3A_2781 : i32 to vector<16xi32>
      %add3A_2783 = arith.addi %mul3A_2755, %broadcast_in_dim3A_2782 : vector<16xi32>
      tpu.vector_store_idx %arg8[%add3A_2783], %get3A_2780 {add = true} : memref<16416xf32, #tpu.memory_space<vmem>>[vector<16xi32>], vector<16xf32>,
      %get3A_2784 = arith.constant 4 : i32
      %get3A_2785 = arith.index_cast %get3A_2784 : i32 to index
      %get3A_2786 = arith.constant 192 : index
      %get3A_2787 = tpu.vector_load %arg7[%get3A_2785, %get3A_2786] {strides = array<i32>} : memref<32x256xf32, #tpu.memory_space<vmem>>, vector<16xf32>,
      %broadcast_in_dim3A_2788 = arith.constant 4 : i32
      %broadcast_in_dim3A_2789 = vector.broadcast %broadcast_in_dim3A_2788 : i32 to vector<16xi32>
      %add3A_2790 = arith.addi %mul3A_2755, %broadcast_in_dim3A_2789 : vector<16xi32>
      tpu.vector_store_idx %arg8[%add3A_2790], %get3A_2787 {add = true} : memref<16416xf32, #tpu.memory_space<vmem>>[vector<16xi32>], vector<16xf32>,
      %get3A_2791 = arith.constant 5 : i32
      %get3A_2792 = arith.index_cast %get3A_2791 : i32 to index
      %get3A_2793 = arith.constant 192 : index
      %get3A_2794 = tpu.vector_load %arg7[%get3A_2792, %get3A_2793] {strides = array<i32>} : memref<32x256xf32, #tpu.memory_space<vmem>>, vector<16xf32>,
      %broadcast_in_dim3A_2795 = arith.constant 5 : i32
      %broadcast_in_dim3A_2796 = vector.broadcast %broadcast_in_dim3A_2795 : i32 to vector<16xi32>
      %add3A_2797 = arith.addi %mul3A_2755, %broadcast_in_dim3A_2796 : vector<16xi32>
      tpu.vector_store_idx %arg8[%add3A_2797], %get3A_2794 {add = true} : memref<16416xf32, #tpu.memory_space<vmem>>[vector<16xi32>], vector<16xf32>,
      %get3A_2798 = arith.constant 6 : i32
      %get3A_2799 = arith.index_cast %get3A_2798 : i32 to index
      %get3A_2800 = arith.constant 192 : index
      %get3A_2801 = tpu.vector_load %arg7[%get3A_2799, %get3A_2800] {strides = array<i32>} : memref<32x256xf32, #tpu.memory_space<vmem>>, vector<16xf32>,
      %broadcast_in_dim3A_2802 = arith.constant 6 : i32
      %broadcast_in_dim3A_2803 = vector.broadcast %broadcast_in_dim3A_2802 : i32 to vector<16xi32>
      %add3A_2804 = arith.addi %mul3A_2755, %broadcast_in_dim3A_2803 : vector<16xi32>
      tpu.vector_store_idx %arg8[%add3A_2804], %get3A_2801 {add = true} : memref<16416xf32, #tpu.memory_space<vmem>>[vector<16xi32>], vector<16xf32>,
      %get3A_2805 = arith.constant 7 : i32
      %get3A_2806 = arith.index_cast %get3A_2805 : i32 to index
      %get3A_2807 = arith.constant 192 : index
      %get3A_2808 = tpu.vector_load %arg7[%get3A_2806, %get3A_2807] {strides = array<i32>} : memref<32x256xf32, #tpu.memory_space<vmem>>, vector<16xf32>,
      %broadcast_in_dim3A_2809 = arith.constant 7 : i32
      %broadcast_in_dim3A_2810 = vector.broadcast %broadcast_in_dim3A_2809 : i32 to vector<16xi32>
      %add3A_2811 = arith.addi %mul3A_2755, %broadcast_in_dim3A_2810 : vector<16xi32>
      tpu.vector_store_idx %arg8[%add3A_2811], %get3A_2808 {add = true} : memref<16416xf32, #tpu.memory_space<vmem>>[vector<16xi32>], vector<16xf32>,
      %get3A_2812 = arith.constant 8 : i32
      %get3A_2813 = arith.index_cast %get3A_2812 : i32 to index
      %get3A_2814 = arith.constant 192 : index
      %get3A_2815 = tpu.vector_load %arg7[%get3A_2813, %get3A_2814] {strides = array<i32>} : memref<32x256xf32, #tpu.memory_space<vmem>>, vector<16xf32>,
      %broadcast_in_dim3A_2816 = arith.constant 8 : i32
      %broadcast_in_dim3A_2817 = vector.broadcast %broadcast_in_dim3A_2816 : i32 to vector<16xi32>
      %add3A_2818 = arith.addi %mul3A_2755, %broadcast_in_dim3A_2817 : vector<16xi32>
      tpu.vector_store_idx %arg8[%add3A_2818], %get3A_2815 {add = true} : memref<16416xf32, #tpu.memory_space<vmem>>[vector<16xi32>], vector<16xf32>,
      %get3A_2819 = arith.constant 9 : i32
      %get3A_2820 = arith.index_cast %get3A_2819 : i32 to index
      %get3A_2821 = arith.constant 192 : index
      %get3A_2822 = tpu.vector_load %arg7[%get3A_2820, %get3A_2821] {strides = array<i32>} : memref<32x256xf32, #tpu.memory_space<vmem>>, vector<16xf32>,
      %broadcast_in_dim3A_2823 = arith.constant 9 : i32
      %broadcast_in_dim3A_2824 = vector.broadcast %broadcast_in_dim3A_2823 : i32 to vector<16xi32>
      %add3A_2825 = arith.addi %mul3A_2755, %broadcast_in_dim3A_2824 : vector<16xi32>
      tpu.vector_store_idx %arg8[%add3A_2825], %get3A_2822 {add = true} : memref<16416xf32, #tpu.memory_space<vmem>>[vector<16xi32>], vector<16xf32>,
      %get3A_2826 = arith.constant 10 : i32
      %get3A_2827 = arith.index_cast %get3A_2826 : i32 to index
      %get3A_2828 = arith.constant 192 : index
      %get3A_2829 = tpu.vector_load %arg7[%get3A_2827, %get3A_2828] {strides = array<i32>} : memref<32x256xf32, #tpu.memory_space<vmem>>, vector<16xf32>,
      %broadcast_in_dim3A_2830 = arith.constant 10 : i32
      %broadcast_in_dim3A_2831 = vector.broadcast %broadcast_in_dim3A_2830 : i32 to vector<16xi32>
      %add3A_2832 = arith.addi %mul3A_2755, %broadcast_in_dim3A_2831 : vector<16xi32>
      tpu.vector_store_idx %arg8[%add3A_2832], %get3A_2829 {add = true} : memref<16416xf32, #tpu.memory_space<vmem>>[vector<16xi32>], vector<16xf32>,
      %get3A_2833 = arith.constant 11 : i32
      %get3A_2834 = arith.index_cast %get3A_2833 : i32 to index
      %get3A_2835 = arith.constant 192 : index
      %get3A_2836 = tpu.vector_load %arg7[%get3A_2834, %get3A_2835] {strides = array<i32>} : memref<32x256xf32, #tpu.memory_space<vmem>>, vector<16xf32>,
      %broadcast_in_dim3A_2837 = arith.constant 11 : i32
      %broadcast_in_dim3A_2838 = vector.broadcast %broadcast_in_dim3A_2837 : i32 to vector<16xi32>
      %add3A_2839 = arith.addi %mul3A_2755, %broadcast_in_dim3A_2838 : vector<16xi32>
      tpu.vector_store_idx %arg8[%add3A_2839], %get3A_2836 {add = true} : memref<16416xf32, #tpu.memory_space<vmem>>[vector<16xi32>], vector<16xf32>,
      %get3A_2840 = arith.constant 12 : i32
      %get3A_2841 = arith.index_cast %get3A_2840 : i32 to index
      %get3A_2842 = arith.constant 192 : index
      %get3A_2843 = tpu.vector_load %arg7[%get3A_2841, %get3A_2842] {strides = array<i32>} : memref<32x256xf32, #tpu.memory_space<vmem>>, vector<16xf32>,
      %broadcast_in_dim3A_2844 = arith.constant 12 : i32
      %broadcast_in_dim3A_2845 = vector.broadcast %broadcast_in_dim3A_2844 : i32 to vector<16xi32>
      %add3A_2846 = arith.addi %mul3A_2755, %broadcast_in_dim3A_2845 : vector<16xi32>
      tpu.vector_store_idx %arg8[%add3A_2846], %get3A_2843 {add = true} : memref<16416xf32, #tpu.memory_space<vmem>>[vector<16xi32>], vector<16xf32>,
      %get3A_2847 = arith.constant 13 : i32
      %get3A_2848 = arith.index_cast %get3A_2847 : i32 to index
      %get3A_2849 = arith.constant 192 : index
      %get3A_2850 = tpu.vector_load %arg7[%get3A_2848, %get3A_2849] {strides = array<i32>} : memref<32x256xf32, #tpu.memory_space<vmem>>, vector<16xf32>,
      %broadcast_in_dim3A_2851 = arith.constant 13 : i32
      %broadcast_in_dim3A_2852 = vector.broadcast %broadcast_in_dim3A_2851 : i32 to vector<16xi32>
      %add3A_2853 = arith.addi %mul3A_2755, %broadcast_in_dim3A_2852 : vector<16xi32>
      tpu.vector_store_idx %arg8[%add3A_2853], %get3A_2850 {add = true} : memref<16416xf32, #tpu.memory_space<vmem>>[vector<16xi32>], vector<16xf32>,
      %get3A_2854 = arith.constant 14 : i32
      %get3A_2855 = arith.index_cast %get3A_2854 : i32 to index
      %get3A_2856 = arith.constant 192 : index
      %get3A_2857 = tpu.vector_load %arg7[%get3A_2855, %get3A_2856] {strides = array<i32>} : memref<32x256xf32, #tpu.memory_space<vmem>>, vector<16xf32>,
      %broadcast_in_dim3A_2858 = arith.constant 14 : i32
      %broadcast_in_dim3A_2859 = vector.broadcast %broadcast_in_dim3A_2858 : i32 to vector<16xi32>
      %add3A_2860 = arith.addi %mul3A_2755, %broadcast_in_dim3A_2859 : vector<16xi32>
      tpu.vector_store_idx %arg8[%add3A_2860], %get3A_2857 {add = true} : memref<16416xf32, #tpu.memory_space<vmem>>[vector<16xi32>], vector<16xf32>,
      %get3A_2861 = arith.constant 15 : i32
      %get3A_2862 = arith.index_cast %get3A_2861 : i32 to index
      %get3A_2863 = arith.constant 192 : index
      %get3A_2864 = tpu.vector_load %arg7[%get3A_2862, %get3A_2863] {strides = array<i32>} : memref<32x256xf32, #tpu.memory_space<vmem>>, vector<16xf32>,
      %broadcast_in_dim3A_2865 = arith.constant 15 : i32
      %broadcast_in_dim3A_2866 = vector.broadcast %broadcast_in_dim3A_2865 : i32 to vector<16xi32>
      %add3A_2867 = arith.addi %mul3A_2755, %broadcast_in_dim3A_2866 : vector<16xi32>
      tpu.vector_store_idx %arg8[%add3A_2867], %get3A_2864 {add = true} : memref<16416xf32, #tpu.memory_space<vmem>>[vector<16xi32>], vector<16xf32>,
      %get3A_2868 = arith.constant 16 : i32
      %get3A_2869 = arith.index_cast %get3A_2868 : i32 to index
      %get3A_2870 = arith.constant 192 : index
      %get3A_2871 = tpu.vector_load %arg7[%get3A_2869, %get3A_2870] {strides = array<i32>} : memref<32x256xf32, #tpu.memory_space<vmem>>, vector<16xf32>,
      %broadcast_in_dim3A_2872 = arith.constant 16 : i32
      %broadcast_in_dim3A_2873 = vector.broadcast %broadcast_in_dim3A_2872 : i32 to vector<16xi32>
      %add3A_2874 = arith.addi %mul3A_2755, %broadcast_in_dim3A_2873 : vector<16xi32>
      tpu.vector_store_idx %arg8[%add3A_2874], %get3A_2871 {add = true} : memref<16416xf32, #tpu.memory_space<vmem>>[vector<16xi32>], vector<16xf32>,
      %get3A_2875 = arith.constant 17 : i32
      %get3A_2876 = arith.index_cast %get3A_2875 : i32 to index
      %get3A_2877 = arith.constant 192 : index
      %get3A_2878 = tpu.vector_load %arg7[%get3A_2876, %get3A_2877] {strides = array<i32>} : memref<32x256xf32, #tpu.memory_space<vmem>>, vector<16xf32>,
      %broadcast_in_dim3A_2879 = arith.constant 17 : i32
      %broadcast_in_dim3A_2880 = vector.broadcast %broadcast_in_dim3A_2879 : i32 to vector<16xi32>
      %add3A_2881 = arith.addi %mul3A_2755, %broadcast_in_dim3A_2880 : vector<16xi32>
      tpu.vector_store_idx %arg8[%add3A_2881], %get3A_2878 {add = true} : memref<16416xf32, #tpu.memory_space<vmem>>[vector<16xi32>], vector<16xf32>,
      %get3A_2882 = arith.constant 18 : i32
      %get3A_2883 = arith.index_cast %get3A_2882 : i32 to index
      %get3A_2884 = arith.constant 192 : index
      %get3A_2885 = tpu.vector_load %arg7[%get3A_2883, %get3A_2884] {strides = array<i32>} : memref<32x256xf32, #tpu.memory_space<vmem>>, vector<16xf32>,
      %broadcast_in_dim3A_2886 = arith.constant 18 : i32
      %broadcast_in_dim3A_2887 = vector.broadcast %broadcast_in_dim3A_2886 : i32 to vector<16xi32>
      %add3A_2888 = arith.addi %mul3A_2755, %broadcast_in_dim3A_2887 : vector<16xi32>
      tpu.vector_store_idx %arg8[%add3A_2888], %get3A_2885 {add = true} : memref<16416xf32, #tpu.memory_space<vmem>>[vector<16xi32>], vector<16xf32>,
      %get3A_2889 = arith.constant 19 : i32
      %get3A_2890 = arith.index_cast %get3A_2889 : i32 to index
      %get3A_2891 = arith.constant 192 : index
      %get3A_2892 = tpu.vector_load %arg7[%get3A_2890, %get3A_2891] {strides = array<i32>} : memref<32x256xf32, #tpu.memory_space<vmem>>, vector<16xf32>,
      %broadcast_in_dim3A_2893 = arith.constant 19 : i32
      %broadcast_in_dim3A_2894 = vector.broadcast %broadcast_in_dim3A_2893 : i32 to vector<16xi32>
      %add3A_2895 = arith.addi %mul3A_2755, %broadcast_in_dim3A_2894 : vector<16xi32>
      tpu.vector_store_idx %arg8[%add3A_2895], %get3A_2892 {add = true} : memref<16416xf32, #tpu.memory_space<vmem>>[vector<16xi32>], vector<16xf32>,
      %get3A_2896 = arith.constant 20 : i32
      %get3A_2897 = arith.index_cast %get3A_2896 : i32 to index
      %get3A_2898 = arith.constant 192 : index
      %get3A_2899 = tpu.vector_load %arg7[%get3A_2897, %get3A_2898] {strides = array<i32>} : memref<32x256xf32, #tpu.memory_space<vmem>>, vector<16xf32>,
      %broadcast_in_dim3A_2900 = arith.constant 20 : i32
      %broadcast_in_dim3A_2901 = vector.broadcast %broadcast_in_dim3A_2900 : i32 to vector<16xi32>
      %add3A_2902 = arith.addi %mul3A_2755, %broadcast_in_dim3A_2901 : vector<16xi32>
      tpu.vector_store_idx %arg8[%add3A_2902], %get3A_2899 {add = true} : memref<16416xf32, #tpu.memory_space<vmem>>[vector<16xi32>], vector<16xf32>,
      %get3A_2903 = arith.constant 21 : i32
      %get3A_2904 = arith.index_cast %get3A_2903 : i32 to index
      %get3A_2905 = arith.constant 192 : index
      %get3A_2906 = tpu.vector_load %arg7[%get3A_2904, %get3A_2905] {strides = array<i32>} : memref<32x256xf32, #tpu.memory_space<vmem>>, vector<16xf32>,
      %broadcast_in_dim3A_2907 = arith.constant 21 : i32
      %broadcast_in_dim3A_2908 = vector.broadcast %broadcast_in_dim3A_2907 : i32 to vector<16xi32>
      %add3A_2909 = arith.addi %mul3A_2755, %broadcast_in_dim3A_2908 : vector<16xi32>
      tpu.vector_store_idx %arg8[%add3A_2909], %get3A_2906 {add = true} : memref<16416xf32, #tpu.memory_space<vmem>>[vector<16xi32>], vector<16xf32>,
      %get3A_2910 = arith.constant 22 : i32
      %get3A_2911 = arith.index_cast %get3A_2910 : i32 to index
      %get3A_2912 = arith.constant 192 : index
      %get3A_2913 = tpu.vector_load %arg7[%get3A_2911, %get3A_2912] {strides = array<i32>} : memref<32x256xf32, #tpu.memory_space<vmem>>, vector<16xf32>,
      %broadcast_in_dim3A_2914 = arith.constant 22 : i32
      %broadcast_in_dim3A_2915 = vector.broadcast %broadcast_in_dim3A_2914 : i32 to vector<16xi32>
      %add3A_2916 = arith.addi %mul3A_2755, %broadcast_in_dim3A_2915 : vector<16xi32>
      tpu.vector_store_idx %arg8[%add3A_2916], %get3A_2913 {add = true} : memref<16416xf32, #tpu.memory_space<vmem>>[vector<16xi32>], vector<16xf32>,
      %get3A_2917 = arith.constant 23 : i32
      %get3A_2918 = arith.index_cast %get3A_2917 : i32 to index
      %get3A_2919 = arith.constant 192 : index
      %get3A_2920 = tpu.vector_load %arg7[%get3A_2918, %get3A_2919] {strides = array<i32>} : memref<32x256xf32, #tpu.memory_space<vmem>>, vector<16xf32>,
      %broadcast_in_dim3A_2921 = arith.constant 23 : i32
      %broadcast_in_dim3A_2922 = vector.broadcast %broadcast_in_dim3A_2921 : i32 to vector<16xi32>
      %add3A_2923 = arith.addi %mul3A_2755, %broadcast_in_dim3A_2922 : vector<16xi32>
      tpu.vector_store_idx %arg8[%add3A_2923], %get3A_2920 {add = true} : memref<16416xf32, #tpu.memory_space<vmem>>[vector<16xi32>], vector<16xf32>,
      %get3A_2924 = arith.constant 24 : i32
      %get3A_2925 = arith.index_cast %get3A_2924 : i32 to index
      %get3A_2926 = arith.constant 192 : index
      %get3A_2927 = tpu.vector_load %arg7[%get3A_2925, %get3A_2926] {strides = array<i32>} : memref<32x256xf32, #tpu.memory_space<vmem>>, vector<16xf32>,
      %broadcast_in_dim3A_2928 = arith.constant 24 : i32
      %broadcast_in_dim3A_2929 = vector.broadcast %broadcast_in_dim3A_2928 : i32 to vector<16xi32>
      %add3A_2930 = arith.addi %mul3A_2755, %broadcast_in_dim3A_2929 : vector<16xi32>
      tpu.vector_store_idx %arg8[%add3A_2930], %get3A_2927 {add = true} : memref<16416xf32, #tpu.memory_space<vmem>>[vector<16xi32>], vector<16xf32>,
      %get3A_2931 = arith.constant 25 : i32
      %get3A_2932 = arith.index_cast %get3A_2931 : i32 to index
      %get3A_2933 = arith.constant 192 : index
      %get3A_2934 = tpu.vector_load %arg7[%get3A_2932, %get3A_2933] {strides = array<i32>} : memref<32x256xf32, #tpu.memory_space<vmem>>, vector<16xf32>,
      %broadcast_in_dim3A_2935 = arith.constant 25 : i32
      %broadcast_in_dim3A_2936 = vector.broadcast %broadcast_in_dim3A_2935 : i32 to vector<16xi32>
      %add3A_2937 = arith.addi %mul3A_2755, %broadcast_in_dim3A_2936 : vector<16xi32>
      tpu.vector_store_idx %arg8[%add3A_2937], %get3A_2934 {add = true} : memref<16416xf32, #tpu.memory_space<vmem>>[vector<16xi32>], vector<16xf32>,
      %get3A_2938 = arith.constant 26 : i32
      %get3A_2939 = arith.index_cast %get3A_2938 : i32 to index
      %get3A_2940 = arith.constant 192 : index
      %get3A_2941 = tpu.vector_load %arg7[%get3A_2939, %get3A_2940] {strides = array<i32>} : memref<32x256xf32, #tpu.memory_space<vmem>>, vector<16xf32>,
      %broadcast_in_dim3A_2942 = arith.constant 26 : i32
      %broadcast_in_dim3A_2943 = vector.broadcast %broadcast_in_dim3A_2942 : i32 to vector<16xi32>
      %add3A_2944 = arith.addi %mul3A_2755, %broadcast_in_dim3A_2943 : vector<16xi32>
      tpu.vector_store_idx %arg8[%add3A_2944], %get3A_2941 {add = true} : memref<16416xf32, #tpu.memory_space<vmem>>[vector<16xi32>], vector<16xf32>,
      %get3A_2945 = arith.constant 27 : i32
      %get3A_2946 = arith.index_cast %get3A_2945 : i32 to index
      %get3A_2947 = arith.constant 192 : index
      %get3A_2948 = tpu.vector_load %arg7[%get3A_2946, %get3A_2947] {strides = array<i32>} : memref<32x256xf32, #tpu.memory_space<vmem>>, vector<16xf32>,
      %broadcast_in_dim3A_2949 = arith.constant 27 : i32
      %broadcast_in_dim3A_2950 = vector.broadcast %broadcast_in_dim3A_2949 : i32 to vector<16xi32>
      %add3A_2951 = arith.addi %mul3A_2755, %broadcast_in_dim3A_2950 : vector<16xi32>
      tpu.vector_store_idx %arg8[%add3A_2951], %get3A_2948 {add = true} : memref<16416xf32, #tpu.memory_space<vmem>>[vector<16xi32>], vector<16xf32>,
      %get3A_2952 = arith.constant 28 : i32
      %get3A_2953 = arith.index_cast %get3A_2952 : i32 to index
      %get3A_2954 = arith.constant 192 : index
      %get3A_2955 = tpu.vector_load %arg7[%get3A_2953, %get3A_2954] {strides = array<i32>} : memref<32x256xf32, #tpu.memory_space<vmem>>, vector<16xf32>,
      %broadcast_in_dim3A_2956 = arith.constant 28 : i32
      %broadcast_in_dim3A_2957 = vector.broadcast %broadcast_in_dim3A_2956 : i32 to vector<16xi32>
      %add3A_2958 = arith.addi %mul3A_2755, %broadcast_in_dim3A_2957 : vector<16xi32>
      tpu.vector_store_idx %arg8[%add3A_2958], %get3A_2955 {add = true} : memref<16416xf32, #tpu.memory_space<vmem>>[vector<16xi32>], vector<16xf32>,
      %get3A_2959 = arith.constant 29 : i32
      %get3A_2960 = arith.index_cast %get3A_2959 : i32 to index
      %get3A_2961 = arith.constant 192 : index
      %get3A_2962 = tpu.vector_load %arg7[%get3A_2960, %get3A_2961] {strides = array<i32>} : memref<32x256xf32, #tpu.memory_space<vmem>>, vector<16xf32>,
      %broadcast_in_dim3A_2963 = arith.constant 29 : i32
      %broadcast_in_dim3A_2964 = vector.broadcast %broadcast_in_dim3A_2963 : i32 to vector<16xi32>
      %add3A_2965 = arith.addi %mul3A_2755, %broadcast_in_dim3A_2964 : vector<16xi32>
      tpu.vector_store_idx %arg8[%add3A_2965], %get3A_2962 {add = true} : memref<16416xf32, #tpu.memory_space<vmem>>[vector<16xi32>], vector<16xf32>,
      %get3A_2966 = arith.constant 30 : i32
      %get3A_2967 = arith.index_cast %get3A_2966 : i32 to index
      %get3A_2968 = arith.constant 192 : index
      %get3A_2969 = tpu.vector_load %arg7[%get3A_2967, %get3A_2968] {strides = array<i32>} : memref<32x256xf32, #tpu.memory_space<vmem>>, vector<16xf32>,
      %broadcast_in_dim3A_2970 = arith.constant 30 : i32
      %broadcast_in_dim3A_2971 = vector.broadcast %broadcast_in_dim3A_2970 : i32 to vector<16xi32>
      %add3A_2972 = arith.addi %mul3A_2755, %broadcast_in_dim3A_2971 : vector<16xi32>
      tpu.vector_store_idx %arg8[%add3A_2972], %get3A_2969 {add = true} : memref<16416xf32, #tpu.memory_space<vmem>>[vector<16xi32>], vector<16xf32>,
      %get3A_2973 = arith.constant 31 : i32
      %get3A_2974 = arith.index_cast %get3A_2973 : i32 to index
      %get3A_2975 = arith.constant 192 : index
      %get3A_2976 = tpu.vector_load %arg7[%get3A_2974, %get3A_2975] {strides = array<i32>} : memref<32x256xf32, #tpu.memory_space<vmem>>, vector<16xf32>,
      %broadcast_in_dim3A_2977 = arith.constant 31 : i32
      %broadcast_in_dim3A_2978 = vector.broadcast %broadcast_in_dim3A_2977 : i32 to vector<16xi32>
      %add3A_2979 = arith.addi %mul3A_2755, %broadcast_in_dim3A_2978 : vector<16xi32>
      tpu.vector_store_idx %arg8[%add3A_2979], %get3A_2976 {add = true} : memref<16416xf32, #tpu.memory_space<vmem>>[vector<16xi32>], vector<16xf32>,
      %get3A_2980 = arith.constant 208 : index
      %get3A_2981 = tpu.vector_load %arg6[%get3A_2980] {strides = array<i32>} : memref<256xi32, #tpu.memory_space<vmem>>, vector<16xi32>,
      %mul3A_2982 = arith.constant 32 : i32
      %mul3A_2983 = vector.broadcast %mul3A_2982 : i32 to vector<16xi32>
      %mul3A_2984 = arith.muli %get3A_2981, %mul3A_2983 : vector<16xi32>
      %get3A_2985 = arith.constant 0 : i32
      %get3A_2986 = arith.index_cast %get3A_2985 : i32 to index
      %get3A_2987 = arith.constant 208 : index
      %get3A_2988 = tpu.vector_load %arg7[%get3A_2986, %get3A_2987] {strides = array<i32>} : memref<32x256xf32, #tpu.memory_space<vmem>>, vector<16xf32>,
      %broadcast_in_dim3A_2989 = arith.constant 0 : i32
      %broadcast_in_dim3A_2990 = vector.broadcast %broadcast_in_dim3A_2989 : i32 to vector<16xi32>
      %add3A_2991 = arith.addi %mul3A_2984, %broadcast_in_dim3A_2990 : vector<16xi32>
      tpu.vector_store_idx %arg8[%add3A_2991], %get3A_2988 {add = true} : memref<16416xf32, #tpu.memory_space<vmem>>[vector<16xi32>], vector<16xf32>,
      %get3A_2992 = arith.constant 1 : i32
      %get3A_2993 = arith.index_cast %get3A_2992 : i32 to index
      %get3A_2994 = arith.constant 208 : index
      %get3A_2995 = tpu.vector_load %arg7[%get3A_2993, %get3A_2994] {strides = array<i32>} : memref<32x256xf32, #tpu.memory_space<vmem>>, vector<16xf32>,
      %broadcast_in_dim3A_2996 = arith.constant 1 : i32
      %broadcast_in_dim3A_2997 = vector.broadcast %broadcast_in_dim3A_2996 : i32 to vector<16xi32>
      %add3A_2998 = arith.addi %mul3A_2984, %broadcast_in_dim3A_2997 : vector<16xi32>
      tpu.vector_store_idx %arg8[%add3A_2998], %get3A_2995 {add = true} : memref<16416xf32, #tpu.memory_space<vmem>>[vector<16xi32>], vector<16xf32>,
      %get3A_2999 = arith.constant 2 : i32
      %get3A_3000 = arith.index_cast %get3A_2999 : i32 to index
      %get3A_3001 = arith.constant 208 : index
      %get3A_3002 = tpu.vector_load %arg7[%get3A_3000, %get3A_3001] {strides = array<i32>} : memref<32x256xf32, #tpu.memory_space<vmem>>, vector<16xf32>,
      %broadcast_in_dim3A_3003 = arith.constant 2 : i32
      %broadcast_in_dim3A_3004 = vector.broadcast %broadcast_in_dim3A_3003 : i32 to vector<16xi32>
      %add3A_3005 = arith.addi %mul3A_2984, %broadcast_in_dim3A_3004 : vector<16xi32>
      tpu.vector_store_idx %arg8[%add3A_3005], %get3A_3002 {add = true} : memref<16416xf32, #tpu.memory_space<vmem>>[vector<16xi32>], vector<16xf32>,
      %get3A_3006 = arith.constant 3 : i32
      %get3A_3007 = arith.index_cast %get3A_3006 : i32 to index
      %get3A_3008 = arith.constant 208 : index
      %get3A_3009 = tpu.vector_load %arg7[%get3A_3007, %get3A_3008] {strides = array<i32>} : memref<32x256xf32, #tpu.memory_space<vmem>>, vector<16xf32>,
      %broadcast_in_dim3A_3010 = arith.constant 3 : i32
      %broadcast_in_dim3A_3011 = vector.broadcast %broadcast_in_dim3A_3010 : i32 to vector<16xi32>
      %add3A_3012 = arith.addi %mul3A_2984, %broadcast_in_dim3A_3011 : vector<16xi32>
      tpu.vector_store_idx %arg8[%add3A_3012], %get3A_3009 {add = true} : memref<16416xf32, #tpu.memory_space<vmem>>[vector<16xi32>], vector<16xf32>,
      %get3A_3013 = arith.constant 4 : i32
      %get3A_3014 = arith.index_cast %get3A_3013 : i32 to index
      %get3A_3015 = arith.constant 208 : index
      %get3A_3016 = tpu.vector_load %arg7[%get3A_3014, %get3A_3015] {strides = array<i32>} : memref<32x256xf32, #tpu.memory_space<vmem>>, vector<16xf32>,
      %broadcast_in_dim3A_3017 = arith.constant 4 : i32
      %broadcast_in_dim3A_3018 = vector.broadcast %broadcast_in_dim3A_3017 : i32 to vector<16xi32>
      %add3A_3019 = arith.addi %mul3A_2984, %broadcast_in_dim3A_3018 : vector<16xi32>
      tpu.vector_store_idx %arg8[%add3A_3019], %get3A_3016 {add = true} : memref<16416xf32, #tpu.memory_space<vmem>>[vector<16xi32>], vector<16xf32>,
      %get3A_3020 = arith.constant 5 : i32
      %get3A_3021 = arith.index_cast %get3A_3020 : i32 to index
      %get3A_3022 = arith.constant 208 : index
      %get3A_3023 = tpu.vector_load %arg7[%get3A_3021, %get3A_3022] {strides = array<i32>} : memref<32x256xf32, #tpu.memory_space<vmem>>, vector<16xf32>,
      %broadcast_in_dim3A_3024 = arith.constant 5 : i32
      %broadcast_in_dim3A_3025 = vector.broadcast %broadcast_in_dim3A_3024 : i32 to vector<16xi32>
      %add3A_3026 = arith.addi %mul3A_2984, %broadcast_in_dim3A_3025 : vector<16xi32>
      tpu.vector_store_idx %arg8[%add3A_3026], %get3A_3023 {add = true} : memref<16416xf32, #tpu.memory_space<vmem>>[vector<16xi32>], vector<16xf32>,
      %get3A_3027 = arith.constant 6 : i32
      %get3A_3028 = arith.index_cast %get3A_3027 : i32 to index
      %get3A_3029 = arith.constant 208 : index
      %get3A_3030 = tpu.vector_load %arg7[%get3A_3028, %get3A_3029] {strides = array<i32>} : memref<32x256xf32, #tpu.memory_space<vmem>>, vector<16xf32>,
      %broadcast_in_dim3A_3031 = arith.constant 6 : i32
      %broadcast_in_dim3A_3032 = vector.broadcast %broadcast_in_dim3A_3031 : i32 to vector<16xi32>
      %add3A_3033 = arith.addi %mul3A_2984, %broadcast_in_dim3A_3032 : vector<16xi32>
      tpu.vector_store_idx %arg8[%add3A_3033], %get3A_3030 {add = true} : memref<16416xf32, #tpu.memory_space<vmem>>[vector<16xi32>], vector<16xf32>,
      %get3A_3034 = arith.constant 7 : i32
      %get3A_3035 = arith.index_cast %get3A_3034 : i32 to index
      %get3A_3036 = arith.constant 208 : index
      %get3A_3037 = tpu.vector_load %arg7[%get3A_3035, %get3A_3036] {strides = array<i32>} : memref<32x256xf32, #tpu.memory_space<vmem>>, vector<16xf32>,
      %broadcast_in_dim3A_3038 = arith.constant 7 : i32
      %broadcast_in_dim3A_3039 = vector.broadcast %broadcast_in_dim3A_3038 : i32 to vector<16xi32>
      %add3A_3040 = arith.addi %mul3A_2984, %broadcast_in_dim3A_3039 : vector<16xi32>
      tpu.vector_store_idx %arg8[%add3A_3040], %get3A_3037 {add = true} : memref<16416xf32, #tpu.memory_space<vmem>>[vector<16xi32>], vector<16xf32>,
      %get3A_3041 = arith.constant 8 : i32
      %get3A_3042 = arith.index_cast %get3A_3041 : i32 to index
      %get3A_3043 = arith.constant 208 : index
      %get3A_3044 = tpu.vector_load %arg7[%get3A_3042, %get3A_3043] {strides = array<i32>} : memref<32x256xf32, #tpu.memory_space<vmem>>, vector<16xf32>,
      %broadcast_in_dim3A_3045 = arith.constant 8 : i32
      %broadcast_in_dim3A_3046 = vector.broadcast %broadcast_in_dim3A_3045 : i32 to vector<16xi32>
      %add3A_3047 = arith.addi %mul3A_2984, %broadcast_in_dim3A_3046 : vector<16xi32>
      tpu.vector_store_idx %arg8[%add3A_3047], %get3A_3044 {add = true} : memref<16416xf32, #tpu.memory_space<vmem>>[vector<16xi32>], vector<16xf32>,
      %get3A_3048 = arith.constant 9 : i32
      %get3A_3049 = arith.index_cast %get3A_3048 : i32 to index
      %get3A_3050 = arith.constant 208 : index
      %get3A_3051 = tpu.vector_load %arg7[%get3A_3049, %get3A_3050] {strides = array<i32>} : memref<32x256xf32, #tpu.memory_space<vmem>>, vector<16xf32>,
      %broadcast_in_dim3A_3052 = arith.constant 9 : i32
      %broadcast_in_dim3A_3053 = vector.broadcast %broadcast_in_dim3A_3052 : i32 to vector<16xi32>
      %add3A_3054 = arith.addi %mul3A_2984, %broadcast_in_dim3A_3053 : vector<16xi32>
      tpu.vector_store_idx %arg8[%add3A_3054], %get3A_3051 {add = true} : memref<16416xf32, #tpu.memory_space<vmem>>[vector<16xi32>], vector<16xf32>,
      %get3A_3055 = arith.constant 10 : i32
      %get3A_3056 = arith.index_cast %get3A_3055 : i32 to index
      %get3A_3057 = arith.constant 208 : index
      %get3A_3058 = tpu.vector_load %arg7[%get3A_3056, %get3A_3057] {strides = array<i32>} : memref<32x256xf32, #tpu.memory_space<vmem>>, vector<16xf32>,
      %broadcast_in_dim3A_3059 = arith.constant 10 : i32
      %broadcast_in_dim3A_3060 = vector.broadcast %broadcast_in_dim3A_3059 : i32 to vector<16xi32>
      %add3A_3061 = arith.addi %mul3A_2984, %broadcast_in_dim3A_3060 : vector<16xi32>
      tpu.vector_store_idx %arg8[%add3A_3061], %get3A_3058 {add = true} : memref<16416xf32, #tpu.memory_space<vmem>>[vector<16xi32>], vector<16xf32>,
      %get3A_3062 = arith.constant 11 : i32
      %get3A_3063 = arith.index_cast %get3A_3062 : i32 to index
      %get3A_3064 = arith.constant 208 : index
      %get3A_3065 = tpu.vector_load %arg7[%get3A_3063, %get3A_3064] {strides = array<i32>} : memref<32x256xf32, #tpu.memory_space<vmem>>, vector<16xf32>,
      %broadcast_in_dim3A_3066 = arith.constant 11 : i32
      %broadcast_in_dim3A_3067 = vector.broadcast %broadcast_in_dim3A_3066 : i32 to vector<16xi32>
      %add3A_3068 = arith.addi %mul3A_2984, %broadcast_in_dim3A_3067 : vector<16xi32>
      tpu.vector_store_idx %arg8[%add3A_3068], %get3A_3065 {add = true} : memref<16416xf32, #tpu.memory_space<vmem>>[vector<16xi32>], vector<16xf32>,
      %get3A_3069 = arith.constant 12 : i32
      %get3A_3070 = arith.index_cast %get3A_3069 : i32 to index
      %get3A_3071 = arith.constant 208 : index
      %get3A_3072 = tpu.vector_load %arg7[%get3A_3070, %get3A_3071] {strides = array<i32>} : memref<32x256xf32, #tpu.memory_space<vmem>>, vector<16xf32>,
      %broadcast_in_dim3A_3073 = arith.constant 12 : i32
      %broadcast_in_dim3A_3074 = vector.broadcast %broadcast_in_dim3A_3073 : i32 to vector<16xi32>
      %add3A_3075 = arith.addi %mul3A_2984, %broadcast_in_dim3A_3074 : vector<16xi32>
      tpu.vector_store_idx %arg8[%add3A_3075], %get3A_3072 {add = true} : memref<16416xf32, #tpu.memory_space<vmem>>[vector<16xi32>], vector<16xf32>,
      %get3A_3076 = arith.constant 13 : i32
      %get3A_3077 = arith.index_cast %get3A_3076 : i32 to index
      %get3A_3078 = arith.constant 208 : index
      %get3A_3079 = tpu.vector_load %arg7[%get3A_3077, %get3A_3078] {strides = array<i32>} : memref<32x256xf32, #tpu.memory_space<vmem>>, vector<16xf32>,
      %broadcast_in_dim3A_3080 = arith.constant 13 : i32
      %broadcast_in_dim3A_3081 = vector.broadcast %broadcast_in_dim3A_3080 : i32 to vector<16xi32>
      %add3A_3082 = arith.addi %mul3A_2984, %broadcast_in_dim3A_3081 : vector<16xi32>
      tpu.vector_store_idx %arg8[%add3A_3082], %get3A_3079 {add = true} : memref<16416xf32, #tpu.memory_space<vmem>>[vector<16xi32>], vector<16xf32>,
      %get3A_3083 = arith.constant 14 : i32
      %get3A_3084 = arith.index_cast %get3A_3083 : i32 to index
      %get3A_3085 = arith.constant 208 : index
      %get3A_3086 = tpu.vector_load %arg7[%get3A_3084, %get3A_3085] {strides = array<i32>} : memref<32x256xf32, #tpu.memory_space<vmem>>, vector<16xf32>,
      %broadcast_in_dim3A_3087 = arith.constant 14 : i32
      %broadcast_in_dim3A_3088 = vector.broadcast %broadcast_in_dim3A_3087 : i32 to vector<16xi32>
      %add3A_3089 = arith.addi %mul3A_2984, %broadcast_in_dim3A_3088 : vector<16xi32>
      tpu.vector_store_idx %arg8[%add3A_3089], %get3A_3086 {add = true} : memref<16416xf32, #tpu.memory_space<vmem>>[vector<16xi32>], vector<16xf32>,
      %get3A_3090 = arith.constant 15 : i32
      %get3A_3091 = arith.index_cast %get3A_3090 : i32 to index
      %get3A_3092 = arith.constant 208 : index
      %get3A_3093 = tpu.vector_load %arg7[%get3A_3091, %get3A_3092] {strides = array<i32>} : memref<32x256xf32, #tpu.memory_space<vmem>>, vector<16xf32>,
      %broadcast_in_dim3A_3094 = arith.constant 15 : i32
      %broadcast_in_dim3A_3095 = vector.broadcast %broadcast_in_dim3A_3094 : i32 to vector<16xi32>
      %add3A_3096 = arith.addi %mul3A_2984, %broadcast_in_dim3A_3095 : vector<16xi32>
      tpu.vector_store_idx %arg8[%add3A_3096], %get3A_3093 {add = true} : memref<16416xf32, #tpu.memory_space<vmem>>[vector<16xi32>], vector<16xf32>,
      %get3A_3097 = arith.constant 16 : i32
      %get3A_3098 = arith.index_cast %get3A_3097 : i32 to index
      %get3A_3099 = arith.constant 208 : index
      %get3A_3100 = tpu.vector_load %arg7[%get3A_3098, %get3A_3099] {strides = array<i32>} : memref<32x256xf32, #tpu.memory_space<vmem>>, vector<16xf32>,
      %broadcast_in_dim3A_3101 = arith.constant 16 : i32
      %broadcast_in_dim3A_3102 = vector.broadcast %broadcast_in_dim3A_3101 : i32 to vector<16xi32>
      %add3A_3103 = arith.addi %mul3A_2984, %broadcast_in_dim3A_3102 : vector<16xi32>
      tpu.vector_store_idx %arg8[%add3A_3103], %get3A_3100 {add = true} : memref<16416xf32, #tpu.memory_space<vmem>>[vector<16xi32>], vector<16xf32>,
      %get3A_3104 = arith.constant 17 : i32
      %get3A_3105 = arith.index_cast %get3A_3104 : i32 to index
      %get3A_3106 = arith.constant 208 : index
      %get3A_3107 = tpu.vector_load %arg7[%get3A_3105, %get3A_3106] {strides = array<i32>} : memref<32x256xf32, #tpu.memory_space<vmem>>, vector<16xf32>,
      %broadcast_in_dim3A_3108 = arith.constant 17 : i32
      %broadcast_in_dim3A_3109 = vector.broadcast %broadcast_in_dim3A_3108 : i32 to vector<16xi32>
      %add3A_3110 = arith.addi %mul3A_2984, %broadcast_in_dim3A_3109 : vector<16xi32>
      tpu.vector_store_idx %arg8[%add3A_3110], %get3A_3107 {add = true} : memref<16416xf32, #tpu.memory_space<vmem>>[vector<16xi32>], vector<16xf32>,
      %get3A_3111 = arith.constant 18 : i32
      %get3A_3112 = arith.index_cast %get3A_3111 : i32 to index
      %get3A_3113 = arith.constant 208 : index
      %get3A_3114 = tpu.vector_load %arg7[%get3A_3112, %get3A_3113] {strides = array<i32>} : memref<32x256xf32, #tpu.memory_space<vmem>>, vector<16xf32>,
      %broadcast_in_dim3A_3115 = arith.constant 18 : i32
      %broadcast_in_dim3A_3116 = vector.broadcast %broadcast_in_dim3A_3115 : i32 to vector<16xi32>
      %add3A_3117 = arith.addi %mul3A_2984, %broadcast_in_dim3A_3116 : vector<16xi32>
      tpu.vector_store_idx %arg8[%add3A_3117], %get3A_3114 {add = true} : memref<16416xf32, #tpu.memory_space<vmem>>[vector<16xi32>], vector<16xf32>,
      %get3A_3118 = arith.constant 19 : i32
      %get3A_3119 = arith.index_cast %get3A_3118 : i32 to index
      %get3A_3120 = arith.constant 208 : index
      %get3A_3121 = tpu.vector_load %arg7[%get3A_3119, %get3A_3120] {strides = array<i32>} : memref<32x256xf32, #tpu.memory_space<vmem>>, vector<16xf32>,
      %broadcast_in_dim3A_3122 = arith.constant 19 : i32
      %broadcast_in_dim3A_3123 = vector.broadcast %broadcast_in_dim3A_3122 : i32 to vector<16xi32>
      %add3A_3124 = arith.addi %mul3A_2984, %broadcast_in_dim3A_3123 : vector<16xi32>
      tpu.vector_store_idx %arg8[%add3A_3124], %get3A_3121 {add = true} : memref<16416xf32, #tpu.memory_space<vmem>>[vector<16xi32>], vector<16xf32>,
      %get3A_3125 = arith.constant 20 : i32
      %get3A_3126 = arith.index_cast %get3A_3125 : i32 to index
      %get3A_3127 = arith.constant 208 : index
      %get3A_3128 = tpu.vector_load %arg7[%get3A_3126, %get3A_3127] {strides = array<i32>} : memref<32x256xf32, #tpu.memory_space<vmem>>, vector<16xf32>,
      %broadcast_in_dim3A_3129 = arith.constant 20 : i32
      %broadcast_in_dim3A_3130 = vector.broadcast %broadcast_in_dim3A_3129 : i32 to vector<16xi32>
      %add3A_3131 = arith.addi %mul3A_2984, %broadcast_in_dim3A_3130 : vector<16xi32>
      tpu.vector_store_idx %arg8[%add3A_3131], %get3A_3128 {add = true} : memref<16416xf32, #tpu.memory_space<vmem>>[vector<16xi32>], vector<16xf32>,
      %get3A_3132 = arith.constant 21 : i32
      %get3A_3133 = arith.index_cast %get3A_3132 : i32 to index
      %get3A_3134 = arith.constant 208 : index
      %get3A_3135 = tpu.vector_load %arg7[%get3A_3133, %get3A_3134] {strides = array<i32>} : memref<32x256xf32, #tpu.memory_space<vmem>>, vector<16xf32>,
      %broadcast_in_dim3A_3136 = arith.constant 21 : i32
      %broadcast_in_dim3A_3137 = vector.broadcast %broadcast_in_dim3A_3136 : i32 to vector<16xi32>
      %add3A_3138 = arith.addi %mul3A_2984, %broadcast_in_dim3A_3137 : vector<16xi32>
      tpu.vector_store_idx %arg8[%add3A_3138], %get3A_3135 {add = true} : memref<16416xf32, #tpu.memory_space<vmem>>[vector<16xi32>], vector<16xf32>,
      %get3A_3139 = arith.constant 22 : i32
      %get3A_3140 = arith.index_cast %get3A_3139 : i32 to index
      %get3A_3141 = arith.constant 208 : index
      %get3A_3142 = tpu.vector_load %arg7[%get3A_3140, %get3A_3141] {strides = array<i32>} : memref<32x256xf32, #tpu.memory_space<vmem>>, vector<16xf32>,
      %broadcast_in_dim3A_3143 = arith.constant 22 : i32
      %broadcast_in_dim3A_3144 = vector.broadcast %broadcast_in_dim3A_3143 : i32 to vector<16xi32>
      %add3A_3145 = arith.addi %mul3A_2984, %broadcast_in_dim3A_3144 : vector<16xi32>
      tpu.vector_store_idx %arg8[%add3A_3145], %get3A_3142 {add = true} : memref<16416xf32, #tpu.memory_space<vmem>>[vector<16xi32>], vector<16xf32>,
      %get3A_3146 = arith.constant 23 : i32
      %get3A_3147 = arith.index_cast %get3A_3146 : i32 to index
      %get3A_3148 = arith.constant 208 : index
      %get3A_3149 = tpu.vector_load %arg7[%get3A_3147, %get3A_3148] {strides = array<i32>} : memref<32x256xf32, #tpu.memory_space<vmem>>, vector<16xf32>,
      %broadcast_in_dim3A_3150 = arith.constant 23 : i32
      %broadcast_in_dim3A_3151 = vector.broadcast %broadcast_in_dim3A_3150 : i32 to vector<16xi32>
      %add3A_3152 = arith.addi %mul3A_2984, %broadcast_in_dim3A_3151 : vector<16xi32>
      tpu.vector_store_idx %arg8[%add3A_3152], %get3A_3149 {add = true} : memref<16416xf32, #tpu.memory_space<vmem>>[vector<16xi32>], vector<16xf32>,
      %get3A_3153 = arith.constant 24 : i32
      %get3A_3154 = arith.index_cast %get3A_3153 : i32 to index
      %get3A_3155 = arith.constant 208 : index
      %get3A_3156 = tpu.vector_load %arg7[%get3A_3154, %get3A_3155] {strides = array<i32>} : memref<32x256xf32, #tpu.memory_space<vmem>>, vector<16xf32>,
      %broadcast_in_dim3A_3157 = arith.constant 24 : i32
      %broadcast_in_dim3A_3158 = vector.broadcast %broadcast_in_dim3A_3157 : i32 to vector<16xi32>
      %add3A_3159 = arith.addi %mul3A_2984, %broadcast_in_dim3A_3158 : vector<16xi32>
      tpu.vector_store_idx %arg8[%add3A_3159], %get3A_3156 {add = true} : memref<16416xf32, #tpu.memory_space<vmem>>[vector<16xi32>], vector<16xf32>,
      %get3A_3160 = arith.constant 25 : i32
      %get3A_3161 = arith.index_cast %get3A_3160 : i32 to index
      %get3A_3162 = arith.constant 208 : index
      %get3A_3163 = tpu.vector_load %arg7[%get3A_3161, %get3A_3162] {strides = array<i32>} : memref<32x256xf32, #tpu.memory_space<vmem>>, vector<16xf32>,
      %broadcast_in_dim3A_3164 = arith.constant 25 : i32
      %broadcast_in_dim3A_3165 = vector.broadcast %broadcast_in_dim3A_3164 : i32 to vector<16xi32>
      %add3A_3166 = arith.addi %mul3A_2984, %broadcast_in_dim3A_3165 : vector<16xi32>
      tpu.vector_store_idx %arg8[%add3A_3166], %get3A_3163 {add = true} : memref<16416xf32, #tpu.memory_space<vmem>>[vector<16xi32>], vector<16xf32>,
      %get3A_3167 = arith.constant 26 : i32
      %get3A_3168 = arith.index_cast %get3A_3167 : i32 to index
      %get3A_3169 = arith.constant 208 : index
      %get3A_3170 = tpu.vector_load %arg7[%get3A_3168, %get3A_3169] {strides = array<i32>} : memref<32x256xf32, #tpu.memory_space<vmem>>, vector<16xf32>,
      %broadcast_in_dim3A_3171 = arith.constant 26 : i32
      %broadcast_in_dim3A_3172 = vector.broadcast %broadcast_in_dim3A_3171 : i32 to vector<16xi32>
      %add3A_3173 = arith.addi %mul3A_2984, %broadcast_in_dim3A_3172 : vector<16xi32>
      tpu.vector_store_idx %arg8[%add3A_3173], %get3A_3170 {add = true} : memref<16416xf32, #tpu.memory_space<vmem>>[vector<16xi32>], vector<16xf32>,
      %get3A_3174 = arith.constant 27 : i32
      %get3A_3175 = arith.index_cast %get3A_3174 : i32 to index
      %get3A_3176 = arith.constant 208 : index
      %get3A_3177 = tpu.vector_load %arg7[%get3A_3175, %get3A_3176] {strides = array<i32>} : memref<32x256xf32, #tpu.memory_space<vmem>>, vector<16xf32>,
      %broadcast_in_dim3A_3178 = arith.constant 27 : i32
      %broadcast_in_dim3A_3179 = vector.broadcast %broadcast_in_dim3A_3178 : i32 to vector<16xi32>
      %add3A_3180 = arith.addi %mul3A_2984, %broadcast_in_dim3A_3179 : vector<16xi32>
      tpu.vector_store_idx %arg8[%add3A_3180], %get3A_3177 {add = true} : memref<16416xf32, #tpu.memory_space<vmem>>[vector<16xi32>], vector<16xf32>,
      %get3A_3181 = arith.constant 28 : i32
      %get3A_3182 = arith.index_cast %get3A_3181 : i32 to index
      %get3A_3183 = arith.constant 208 : index
      %get3A_3184 = tpu.vector_load %arg7[%get3A_3182, %get3A_3183] {strides = array<i32>} : memref<32x256xf32, #tpu.memory_space<vmem>>, vector<16xf32>,
      %broadcast_in_dim3A_3185 = arith.constant 28 : i32
      %broadcast_in_dim3A_3186 = vector.broadcast %broadcast_in_dim3A_3185 : i32 to vector<16xi32>
      %add3A_3187 = arith.addi %mul3A_2984, %broadcast_in_dim3A_3186 : vector<16xi32>
      tpu.vector_store_idx %arg8[%add3A_3187], %get3A_3184 {add = true} : memref<16416xf32, #tpu.memory_space<vmem>>[vector<16xi32>], vector<16xf32>,
      %get3A_3188 = arith.constant 29 : i32
      %get3A_3189 = arith.index_cast %get3A_3188 : i32 to index
      %get3A_3190 = arith.constant 208 : index
      %get3A_3191 = tpu.vector_load %arg7[%get3A_3189, %get3A_3190] {strides = array<i32>} : memref<32x256xf32, #tpu.memory_space<vmem>>, vector<16xf32>,
      %broadcast_in_dim3A_3192 = arith.constant 29 : i32
      %broadcast_in_dim3A_3193 = vector.broadcast %broadcast_in_dim3A_3192 : i32 to vector<16xi32>
      %add3A_3194 = arith.addi %mul3A_2984, %broadcast_in_dim3A_3193 : vector<16xi32>
      tpu.vector_store_idx %arg8[%add3A_3194], %get3A_3191 {add = true} : memref<16416xf32, #tpu.memory_space<vmem>>[vector<16xi32>], vector<16xf32>,
      %get3A_3195 = arith.constant 30 : i32
      %get3A_3196 = arith.index_cast %get3A_3195 : i32 to index
      %get3A_3197 = arith.constant 208 : index
      %get3A_3198 = tpu.vector_load %arg7[%get3A_3196, %get3A_3197] {strides = array<i32>} : memref<32x256xf32, #tpu.memory_space<vmem>>, vector<16xf32>,
      %broadcast_in_dim3A_3199 = arith.constant 30 : i32
      %broadcast_in_dim3A_3200 = vector.broadcast %broadcast_in_dim3A_3199 : i32 to vector<16xi32>
      %add3A_3201 = arith.addi %mul3A_2984, %broadcast_in_dim3A_3200 : vector<16xi32>
      tpu.vector_store_idx %arg8[%add3A_3201], %get3A_3198 {add = true} : memref<16416xf32, #tpu.memory_space<vmem>>[vector<16xi32>], vector<16xf32>,
      %get3A_3202 = arith.constant 31 : i32
      %get3A_3203 = arith.index_cast %get3A_3202 : i32 to index
      %get3A_3204 = arith.constant 208 : index
      %get3A_3205 = tpu.vector_load %arg7[%get3A_3203, %get3A_3204] {strides = array<i32>} : memref<32x256xf32, #tpu.memory_space<vmem>>, vector<16xf32>,
      %broadcast_in_dim3A_3206 = arith.constant 31 : i32
      %broadcast_in_dim3A_3207 = vector.broadcast %broadcast_in_dim3A_3206 : i32 to vector<16xi32>
      %add3A_3208 = arith.addi %mul3A_2984, %broadcast_in_dim3A_3207 : vector<16xi32>
      tpu.vector_store_idx %arg8[%add3A_3208], %get3A_3205 {add = true} : memref<16416xf32, #tpu.memory_space<vmem>>[vector<16xi32>], vector<16xf32>,
      %get3A_3209 = arith.constant 224 : index
      %get3A_3210 = tpu.vector_load %arg6[%get3A_3209] {strides = array<i32>} : memref<256xi32, #tpu.memory_space<vmem>>, vector<16xi32>,
      %mul3A_3211 = arith.constant 32 : i32
      %mul3A_3212 = vector.broadcast %mul3A_3211 : i32 to vector<16xi32>
      %mul3A_3213 = arith.muli %get3A_3210, %mul3A_3212 : vector<16xi32>
      %get3A_3214 = arith.constant 0 : i32
      %get3A_3215 = arith.index_cast %get3A_3214 : i32 to index
      %get3A_3216 = arith.constant 224 : index
      %get3A_3217 = tpu.vector_load %arg7[%get3A_3215, %get3A_3216] {strides = array<i32>} : memref<32x256xf32, #tpu.memory_space<vmem>>, vector<16xf32>,
      %broadcast_in_dim3A_3218 = arith.constant 0 : i32
      %broadcast_in_dim3A_3219 = vector.broadcast %broadcast_in_dim3A_3218 : i32 to vector<16xi32>
      %add3A_3220 = arith.addi %mul3A_3213, %broadcast_in_dim3A_3219 : vector<16xi32>
      tpu.vector_store_idx %arg8[%add3A_3220], %get3A_3217 {add = true} : memref<16416xf32, #tpu.memory_space<vmem>>[vector<16xi32>], vector<16xf32>,
      %get3A_3221 = arith.constant 1 : i32
      %get3A_3222 = arith.index_cast %get3A_3221 : i32 to index
      %get3A_3223 = arith.constant 224 : index
      %get3A_3224 = tpu.vector_load %arg7[%get3A_3222, %get3A_3223] {strides = array<i32>} : memref<32x256xf32, #tpu.memory_space<vmem>>, vector<16xf32>,
      %broadcast_in_dim3A_3225 = arith.constant 1 : i32
      %broadcast_in_dim3A_3226 = vector.broadcast %broadcast_in_dim3A_3225 : i32 to vector<16xi32>
      %add3A_3227 = arith.addi %mul3A_3213, %broadcast_in_dim3A_3226 : vector<16xi32>
      tpu.vector_store_idx %arg8[%add3A_3227], %get3A_3224 {add = true} : memref<16416xf32, #tpu.memory_space<vmem>>[vector<16xi32>], vector<16xf32>,
      %get3A_3228 = arith.constant 2 : i32
      %get3A_3229 = arith.index_cast %get3A_3228 : i32 to index
      %get3A_3230 = arith.constant 224 : index
      %get3A_3231 = tpu.vector_load %arg7[%get3A_3229, %get3A_3230] {strides = array<i32>} : memref<32x256xf32, #tpu.memory_space<vmem>>, vector<16xf32>,
      %broadcast_in_dim3A_3232 = arith.constant 2 : i32
      %broadcast_in_dim3A_3233 = vector.broadcast %broadcast_in_dim3A_3232 : i32 to vector<16xi32>
      %add3A_3234 = arith.addi %mul3A_3213, %broadcast_in_dim3A_3233 : vector<16xi32>
      tpu.vector_store_idx %arg8[%add3A_3234], %get3A_3231 {add = true} : memref<16416xf32, #tpu.memory_space<vmem>>[vector<16xi32>], vector<16xf32>,
      %get3A_3235 = arith.constant 3 : i32
      %get3A_3236 = arith.index_cast %get3A_3235 : i32 to index
      %get3A_3237 = arith.constant 224 : index
      %get3A_3238 = tpu.vector_load %arg7[%get3A_3236, %get3A_3237] {strides = array<i32>} : memref<32x256xf32, #tpu.memory_space<vmem>>, vector<16xf32>,
      %broadcast_in_dim3A_3239 = arith.constant 3 : i32
      %broadcast_in_dim3A_3240 = vector.broadcast %broadcast_in_dim3A_3239 : i32 to vector<16xi32>
      %add3A_3241 = arith.addi %mul3A_3213, %broadcast_in_dim3A_3240 : vector<16xi32>
      tpu.vector_store_idx %arg8[%add3A_3241], %get3A_3238 {add = true} : memref<16416xf32, #tpu.memory_space<vmem>>[vector<16xi32>], vector<16xf32>,
      %get3A_3242 = arith.constant 4 : i32
      %get3A_3243 = arith.index_cast %get3A_3242 : i32 to index
      %get3A_3244 = arith.constant 224 : index
      %get3A_3245 = tpu.vector_load %arg7[%get3A_3243, %get3A_3244] {strides = array<i32>} : memref<32x256xf32, #tpu.memory_space<vmem>>, vector<16xf32>,
      %broadcast_in_dim3A_3246 = arith.constant 4 : i32
      %broadcast_in_dim3A_3247 = vector.broadcast %broadcast_in_dim3A_3246 : i32 to vector<16xi32>
      %add3A_3248 = arith.addi %mul3A_3213, %broadcast_in_dim3A_3247 : vector<16xi32>
      tpu.vector_store_idx %arg8[%add3A_3248], %get3A_3245 {add = true} : memref<16416xf32, #tpu.memory_space<vmem>>[vector<16xi32>], vector<16xf32>,
      %get3A_3249 = arith.constant 5 : i32
      %get3A_3250 = arith.index_cast %get3A_3249 : i32 to index
      %get3A_3251 = arith.constant 224 : index
      %get3A_3252 = tpu.vector_load %arg7[%get3A_3250, %get3A_3251] {strides = array<i32>} : memref<32x256xf32, #tpu.memory_space<vmem>>, vector<16xf32>,
      %broadcast_in_dim3A_3253 = arith.constant 5 : i32
      %broadcast_in_dim3A_3254 = vector.broadcast %broadcast_in_dim3A_3253 : i32 to vector<16xi32>
      %add3A_3255 = arith.addi %mul3A_3213, %broadcast_in_dim3A_3254 : vector<16xi32>
      tpu.vector_store_idx %arg8[%add3A_3255], %get3A_3252 {add = true} : memref<16416xf32, #tpu.memory_space<vmem>>[vector<16xi32>], vector<16xf32>,
      %get3A_3256 = arith.constant 6 : i32
      %get3A_3257 = arith.index_cast %get3A_3256 : i32 to index
      %get3A_3258 = arith.constant 224 : index
      %get3A_3259 = tpu.vector_load %arg7[%get3A_3257, %get3A_3258] {strides = array<i32>} : memref<32x256xf32, #tpu.memory_space<vmem>>, vector<16xf32>,
      %broadcast_in_dim3A_3260 = arith.constant 6 : i32
      %broadcast_in_dim3A_3261 = vector.broadcast %broadcast_in_dim3A_3260 : i32 to vector<16xi32>
      %add3A_3262 = arith.addi %mul3A_3213, %broadcast_in_dim3A_3261 : vector<16xi32>
      tpu.vector_store_idx %arg8[%add3A_3262], %get3A_3259 {add = true} : memref<16416xf32, #tpu.memory_space<vmem>>[vector<16xi32>], vector<16xf32>,
      %get3A_3263 = arith.constant 7 : i32
      %get3A_3264 = arith.index_cast %get3A_3263 : i32 to index
      %get3A_3265 = arith.constant 224 : index
      %get3A_3266 = tpu.vector_load %arg7[%get3A_3264, %get3A_3265] {strides = array<i32>} : memref<32x256xf32, #tpu.memory_space<vmem>>, vector<16xf32>,
      %broadcast_in_dim3A_3267 = arith.constant 7 : i32
      %broadcast_in_dim3A_3268 = vector.broadcast %broadcast_in_dim3A_3267 : i32 to vector<16xi32>
      %add3A_3269 = arith.addi %mul3A_3213, %broadcast_in_dim3A_3268 : vector<16xi32>
      tpu.vector_store_idx %arg8[%add3A_3269], %get3A_3266 {add = true} : memref<16416xf32, #tpu.memory_space<vmem>>[vector<16xi32>], vector<16xf32>,
      %get3A_3270 = arith.constant 8 : i32
      %get3A_3271 = arith.index_cast %get3A_3270 : i32 to index
      %get3A_3272 = arith.constant 224 : index
      %get3A_3273 = tpu.vector_load %arg7[%get3A_3271, %get3A_3272] {strides = array<i32>} : memref<32x256xf32, #tpu.memory_space<vmem>>, vector<16xf32>,
      %broadcast_in_dim3A_3274 = arith.constant 8 : i32
      %broadcast_in_dim3A_3275 = vector.broadcast %broadcast_in_dim3A_3274 : i32 to vector<16xi32>
      %add3A_3276 = arith.addi %mul3A_3213, %broadcast_in_dim3A_3275 : vector<16xi32>
      tpu.vector_store_idx %arg8[%add3A_3276], %get3A_3273 {add = true} : memref<16416xf32, #tpu.memory_space<vmem>>[vector<16xi32>], vector<16xf32>,
      %get3A_3277 = arith.constant 9 : i32
      %get3A_3278 = arith.index_cast %get3A_3277 : i32 to index
      %get3A_3279 = arith.constant 224 : index
      %get3A_3280 = tpu.vector_load %arg7[%get3A_3278, %get3A_3279] {strides = array<i32>} : memref<32x256xf32, #tpu.memory_space<vmem>>, vector<16xf32>,
      %broadcast_in_dim3A_3281 = arith.constant 9 : i32
      %broadcast_in_dim3A_3282 = vector.broadcast %broadcast_in_dim3A_3281 : i32 to vector<16xi32>
      %add3A_3283 = arith.addi %mul3A_3213, %broadcast_in_dim3A_3282 : vector<16xi32>
      tpu.vector_store_idx %arg8[%add3A_3283], %get3A_3280 {add = true} : memref<16416xf32, #tpu.memory_space<vmem>>[vector<16xi32>], vector<16xf32>,
      %get3A_3284 = arith.constant 10 : i32
      %get3A_3285 = arith.index_cast %get3A_3284 : i32 to index
      %get3A_3286 = arith.constant 224 : index
      %get3A_3287 = tpu.vector_load %arg7[%get3A_3285, %get3A_3286] {strides = array<i32>} : memref<32x256xf32, #tpu.memory_space<vmem>>, vector<16xf32>,
      %broadcast_in_dim3A_3288 = arith.constant 10 : i32
      %broadcast_in_dim3A_3289 = vector.broadcast %broadcast_in_dim3A_3288 : i32 to vector<16xi32>
      %add3A_3290 = arith.addi %mul3A_3213, %broadcast_in_dim3A_3289 : vector<16xi32>
      tpu.vector_store_idx %arg8[%add3A_3290], %get3A_3287 {add = true} : memref<16416xf32, #tpu.memory_space<vmem>>[vector<16xi32>], vector<16xf32>,
      %get3A_3291 = arith.constant 11 : i32
      %get3A_3292 = arith.index_cast %get3A_3291 : i32 to index
      %get3A_3293 = arith.constant 224 : index
      %get3A_3294 = tpu.vector_load %arg7[%get3A_3292, %get3A_3293] {strides = array<i32>} : memref<32x256xf32, #tpu.memory_space<vmem>>, vector<16xf32>,
      %broadcast_in_dim3A_3295 = arith.constant 11 : i32
      %broadcast_in_dim3A_3296 = vector.broadcast %broadcast_in_dim3A_3295 : i32 to vector<16xi32>
      %add3A_3297 = arith.addi %mul3A_3213, %broadcast_in_dim3A_3296 : vector<16xi32>
      tpu.vector_store_idx %arg8[%add3A_3297], %get3A_3294 {add = true} : memref<16416xf32, #tpu.memory_space<vmem>>[vector<16xi32>], vector<16xf32>,
      %get3A_3298 = arith.constant 12 : i32
      %get3A_3299 = arith.index_cast %get3A_3298 : i32 to index
      %get3A_3300 = arith.constant 224 : index
      %get3A_3301 = tpu.vector_load %arg7[%get3A_3299, %get3A_3300] {strides = array<i32>} : memref<32x256xf32, #tpu.memory_space<vmem>>, vector<16xf32>,
      %broadcast_in_dim3A_3302 = arith.constant 12 : i32
      %broadcast_in_dim3A_3303 = vector.broadcast %broadcast_in_dim3A_3302 : i32 to vector<16xi32>
      %add3A_3304 = arith.addi %mul3A_3213, %broadcast_in_dim3A_3303 : vector<16xi32>
      tpu.vector_store_idx %arg8[%add3A_3304], %get3A_3301 {add = true} : memref<16416xf32, #tpu.memory_space<vmem>>[vector<16xi32>], vector<16xf32>,
      %get3A_3305 = arith.constant 13 : i32
      %get3A_3306 = arith.index_cast %get3A_3305 : i32 to index
      %get3A_3307 = arith.constant 224 : index
      %get3A_3308 = tpu.vector_load %arg7[%get3A_3306, %get3A_3307] {strides = array<i32>} : memref<32x256xf32, #tpu.memory_space<vmem>>, vector<16xf32>,
      %broadcast_in_dim3A_3309 = arith.constant 13 : i32
      %broadcast_in_dim3A_3310 = vector.broadcast %broadcast_in_dim3A_3309 : i32 to vector<16xi32>
      %add3A_3311 = arith.addi %mul3A_3213, %broadcast_in_dim3A_3310 : vector<16xi32>
      tpu.vector_store_idx %arg8[%add3A_3311], %get3A_3308 {add = true} : memref<16416xf32, #tpu.memory_space<vmem>>[vector<16xi32>], vector<16xf32>,
      %get3A_3312 = arith.constant 14 : i32
      %get3A_3313 = arith.index_cast %get3A_3312 : i32 to index
      %get3A_3314 = arith.constant 224 : index
      %get3A_3315 = tpu.vector_load %arg7[%get3A_3313, %get3A_3314] {strides = array<i32>} : memref<32x256xf32, #tpu.memory_space<vmem>>, vector<16xf32>,
      %broadcast_in_dim3A_3316 = arith.constant 14 : i32
      %broadcast_in_dim3A_3317 = vector.broadcast %broadcast_in_dim3A_3316 : i32 to vector<16xi32>
      %add3A_3318 = arith.addi %mul3A_3213, %broadcast_in_dim3A_3317 : vector<16xi32>
      tpu.vector_store_idx %arg8[%add3A_3318], %get3A_3315 {add = true} : memref<16416xf32, #tpu.memory_space<vmem>>[vector<16xi32>], vector<16xf32>,
      %get3A_3319 = arith.constant 15 : i32
      %get3A_3320 = arith.index_cast %get3A_3319 : i32 to index
      %get3A_3321 = arith.constant 224 : index
      %get3A_3322 = tpu.vector_load %arg7[%get3A_3320, %get3A_3321] {strides = array<i32>} : memref<32x256xf32, #tpu.memory_space<vmem>>, vector<16xf32>,
      %broadcast_in_dim3A_3323 = arith.constant 15 : i32
      %broadcast_in_dim3A_3324 = vector.broadcast %broadcast_in_dim3A_3323 : i32 to vector<16xi32>
      %add3A_3325 = arith.addi %mul3A_3213, %broadcast_in_dim3A_3324 : vector<16xi32>
      tpu.vector_store_idx %arg8[%add3A_3325], %get3A_3322 {add = true} : memref<16416xf32, #tpu.memory_space<vmem>>[vector<16xi32>], vector<16xf32>,
      %get3A_3326 = arith.constant 16 : i32
      %get3A_3327 = arith.index_cast %get3A_3326 : i32 to index
      %get3A_3328 = arith.constant 224 : index
      %get3A_3329 = tpu.vector_load %arg7[%get3A_3327, %get3A_3328] {strides = array<i32>} : memref<32x256xf32, #tpu.memory_space<vmem>>, vector<16xf32>,
      %broadcast_in_dim3A_3330 = arith.constant 16 : i32
      %broadcast_in_dim3A_3331 = vector.broadcast %broadcast_in_dim3A_3330 : i32 to vector<16xi32>
      %add3A_3332 = arith.addi %mul3A_3213, %broadcast_in_dim3A_3331 : vector<16xi32>
      tpu.vector_store_idx %arg8[%add3A_3332], %get3A_3329 {add = true} : memref<16416xf32, #tpu.memory_space<vmem>>[vector<16xi32>], vector<16xf32>,
      %get3A_3333 = arith.constant 17 : i32
      %get3A_3334 = arith.index_cast %get3A_3333 : i32 to index
      %get3A_3335 = arith.constant 224 : index
      %get3A_3336 = tpu.vector_load %arg7[%get3A_3334, %get3A_3335] {strides = array<i32>} : memref<32x256xf32, #tpu.memory_space<vmem>>, vector<16xf32>,
      %broadcast_in_dim3A_3337 = arith.constant 17 : i32
      %broadcast_in_dim3A_3338 = vector.broadcast %broadcast_in_dim3A_3337 : i32 to vector<16xi32>
      %add3A_3339 = arith.addi %mul3A_3213, %broadcast_in_dim3A_3338 : vector<16xi32>
      tpu.vector_store_idx %arg8[%add3A_3339], %get3A_3336 {add = true} : memref<16416xf32, #tpu.memory_space<vmem>>[vector<16xi32>], vector<16xf32>,
      %get3A_3340 = arith.constant 18 : i32
      %get3A_3341 = arith.index_cast %get3A_3340 : i32 to index
      %get3A_3342 = arith.constant 224 : index
      %get3A_3343 = tpu.vector_load %arg7[%get3A_3341, %get3A_3342] {strides = array<i32>} : memref<32x256xf32, #tpu.memory_space<vmem>>, vector<16xf32>,
      %broadcast_in_dim3A_3344 = arith.constant 18 : i32
      %broadcast_in_dim3A_3345 = vector.broadcast %broadcast_in_dim3A_3344 : i32 to vector<16xi32>
      %add3A_3346 = arith.addi %mul3A_3213, %broadcast_in_dim3A_3345 : vector<16xi32>
      tpu.vector_store_idx %arg8[%add3A_3346], %get3A_3343 {add = true} : memref<16416xf32, #tpu.memory_space<vmem>>[vector<16xi32>], vector<16xf32>,
      %get3A_3347 = arith.constant 19 : i32
      %get3A_3348 = arith.index_cast %get3A_3347 : i32 to index
      %get3A_3349 = arith.constant 224 : index
      %get3A_3350 = tpu.vector_load %arg7[%get3A_3348, %get3A_3349] {strides = array<i32>} : memref<32x256xf32, #tpu.memory_space<vmem>>, vector<16xf32>,
      %broadcast_in_dim3A_3351 = arith.constant 19 : i32
      %broadcast_in_dim3A_3352 = vector.broadcast %broadcast_in_dim3A_3351 : i32 to vector<16xi32>
      %add3A_3353 = arith.addi %mul3A_3213, %broadcast_in_dim3A_3352 : vector<16xi32>
      tpu.vector_store_idx %arg8[%add3A_3353], %get3A_3350 {add = true} : memref<16416xf32, #tpu.memory_space<vmem>>[vector<16xi32>], vector<16xf32>,
      %get3A_3354 = arith.constant 20 : i32
      %get3A_3355 = arith.index_cast %get3A_3354 : i32 to index
      %get3A_3356 = arith.constant 224 : index
      %get3A_3357 = tpu.vector_load %arg7[%get3A_3355, %get3A_3356] {strides = array<i32>} : memref<32x256xf32, #tpu.memory_space<vmem>>, vector<16xf32>,
      %broadcast_in_dim3A_3358 = arith.constant 20 : i32
      %broadcast_in_dim3A_3359 = vector.broadcast %broadcast_in_dim3A_3358 : i32 to vector<16xi32>
      %add3A_3360 = arith.addi %mul3A_3213, %broadcast_in_dim3A_3359 : vector<16xi32>
      tpu.vector_store_idx %arg8[%add3A_3360], %get3A_3357 {add = true} : memref<16416xf32, #tpu.memory_space<vmem>>[vector<16xi32>], vector<16xf32>,
      %get3A_3361 = arith.constant 21 : i32
      %get3A_3362 = arith.index_cast %get3A_3361 : i32 to index
      %get3A_3363 = arith.constant 224 : index
      %get3A_3364 = tpu.vector_load %arg7[%get3A_3362, %get3A_3363] {strides = array<i32>} : memref<32x256xf32, #tpu.memory_space<vmem>>, vector<16xf32>,
      %broadcast_in_dim3A_3365 = arith.constant 21 : i32
      %broadcast_in_dim3A_3366 = vector.broadcast %broadcast_in_dim3A_3365 : i32 to vector<16xi32>
      %add3A_3367 = arith.addi %mul3A_3213, %broadcast_in_dim3A_3366 : vector<16xi32>
      tpu.vector_store_idx %arg8[%add3A_3367], %get3A_3364 {add = true} : memref<16416xf32, #tpu.memory_space<vmem>>[vector<16xi32>], vector<16xf32>,
      %get3A_3368 = arith.constant 22 : i32
      %get3A_3369 = arith.index_cast %get3A_3368 : i32 to index
      %get3A_3370 = arith.constant 224 : index
      %get3A_3371 = tpu.vector_load %arg7[%get3A_3369, %get3A_3370] {strides = array<i32>} : memref<32x256xf32, #tpu.memory_space<vmem>>, vector<16xf32>,
      %broadcast_in_dim3A_3372 = arith.constant 22 : i32
      %broadcast_in_dim3A_3373 = vector.broadcast %broadcast_in_dim3A_3372 : i32 to vector<16xi32>
      %add3A_3374 = arith.addi %mul3A_3213, %broadcast_in_dim3A_3373 : vector<16xi32>
      tpu.vector_store_idx %arg8[%add3A_3374], %get3A_3371 {add = true} : memref<16416xf32, #tpu.memory_space<vmem>>[vector<16xi32>], vector<16xf32>,
      %get3A_3375 = arith.constant 23 : i32
      %get3A_3376 = arith.index_cast %get3A_3375 : i32 to index
      %get3A_3377 = arith.constant 224 : index
      %get3A_3378 = tpu.vector_load %arg7[%get3A_3376, %get3A_3377] {strides = array<i32>} : memref<32x256xf32, #tpu.memory_space<vmem>>, vector<16xf32>,
      %broadcast_in_dim3A_3379 = arith.constant 23 : i32
      %broadcast_in_dim3A_3380 = vector.broadcast %broadcast_in_dim3A_3379 : i32 to vector<16xi32>
      %add3A_3381 = arith.addi %mul3A_3213, %broadcast_in_dim3A_3380 : vector<16xi32>
      tpu.vector_store_idx %arg8[%add3A_3381], %get3A_3378 {add = true} : memref<16416xf32, #tpu.memory_space<vmem>>[vector<16xi32>], vector<16xf32>,
      %get3A_3382 = arith.constant 24 : i32
      %get3A_3383 = arith.index_cast %get3A_3382 : i32 to index
      %get3A_3384 = arith.constant 224 : index
      %get3A_3385 = tpu.vector_load %arg7[%get3A_3383, %get3A_3384] {strides = array<i32>} : memref<32x256xf32, #tpu.memory_space<vmem>>, vector<16xf32>,
      %broadcast_in_dim3A_3386 = arith.constant 24 : i32
      %broadcast_in_dim3A_3387 = vector.broadcast %broadcast_in_dim3A_3386 : i32 to vector<16xi32>
      %add3A_3388 = arith.addi %mul3A_3213, %broadcast_in_dim3A_3387 : vector<16xi32>
      tpu.vector_store_idx %arg8[%add3A_3388], %get3A_3385 {add = true} : memref<16416xf32, #tpu.memory_space<vmem>>[vector<16xi32>], vector<16xf32>,
      %get3A_3389 = arith.constant 25 : i32
      %get3A_3390 = arith.index_cast %get3A_3389 : i32 to index
      %get3A_3391 = arith.constant 224 : index
      %get3A_3392 = tpu.vector_load %arg7[%get3A_3390, %get3A_3391] {strides = array<i32>} : memref<32x256xf32, #tpu.memory_space<vmem>>, vector<16xf32>,
      %broadcast_in_dim3A_3393 = arith.constant 25 : i32
      %broadcast_in_dim3A_3394 = vector.broadcast %broadcast_in_dim3A_3393 : i32 to vector<16xi32>
      %add3A_3395 = arith.addi %mul3A_3213, %broadcast_in_dim3A_3394 : vector<16xi32>
      tpu.vector_store_idx %arg8[%add3A_3395], %get3A_3392 {add = true} : memref<16416xf32, #tpu.memory_space<vmem>>[vector<16xi32>], vector<16xf32>,
      %get3A_3396 = arith.constant 26 : i32
      %get3A_3397 = arith.index_cast %get3A_3396 : i32 to index
      %get3A_3398 = arith.constant 224 : index
      %get3A_3399 = tpu.vector_load %arg7[%get3A_3397, %get3A_3398] {strides = array<i32>} : memref<32x256xf32, #tpu.memory_space<vmem>>, vector<16xf32>,
      %broadcast_in_dim3A_3400 = arith.constant 26 : i32
      %broadcast_in_dim3A_3401 = vector.broadcast %broadcast_in_dim3A_3400 : i32 to vector<16xi32>
      %add3A_3402 = arith.addi %mul3A_3213, %broadcast_in_dim3A_3401 : vector<16xi32>
      tpu.vector_store_idx %arg8[%add3A_3402], %get3A_3399 {add = true} : memref<16416xf32, #tpu.memory_space<vmem>>[vector<16xi32>], vector<16xf32>,
      %get3A_3403 = arith.constant 27 : i32
      %get3A_3404 = arith.index_cast %get3A_3403 : i32 to index
      %get3A_3405 = arith.constant 224 : index
      %get3A_3406 = tpu.vector_load %arg7[%get3A_3404, %get3A_3405] {strides = array<i32>} : memref<32x256xf32, #tpu.memory_space<vmem>>, vector<16xf32>,
      %broadcast_in_dim3A_3407 = arith.constant 27 : i32
      %broadcast_in_dim3A_3408 = vector.broadcast %broadcast_in_dim3A_3407 : i32 to vector<16xi32>
      %add3A_3409 = arith.addi %mul3A_3213, %broadcast_in_dim3A_3408 : vector<16xi32>
      tpu.vector_store_idx %arg8[%add3A_3409], %get3A_3406 {add = true} : memref<16416xf32, #tpu.memory_space<vmem>>[vector<16xi32>], vector<16xf32>,
      %get3A_3410 = arith.constant 28 : i32
      %get3A_3411 = arith.index_cast %get3A_3410 : i32 to index
      %get3A_3412 = arith.constant 224 : index
      %get3A_3413 = tpu.vector_load %arg7[%get3A_3411, %get3A_3412] {strides = array<i32>} : memref<32x256xf32, #tpu.memory_space<vmem>>, vector<16xf32>,
      %broadcast_in_dim3A_3414 = arith.constant 28 : i32
      %broadcast_in_dim3A_3415 = vector.broadcast %broadcast_in_dim3A_3414 : i32 to vector<16xi32>
      %add3A_3416 = arith.addi %mul3A_3213, %broadcast_in_dim3A_3415 : vector<16xi32>
      tpu.vector_store_idx %arg8[%add3A_3416], %get3A_3413 {add = true} : memref<16416xf32, #tpu.memory_space<vmem>>[vector<16xi32>], vector<16xf32>,
      %get3A_3417 = arith.constant 29 : i32
      %get3A_3418 = arith.index_cast %get3A_3417 : i32 to index
      %get3A_3419 = arith.constant 224 : index
      %get3A_3420 = tpu.vector_load %arg7[%get3A_3418, %get3A_3419] {strides = array<i32>} : memref<32x256xf32, #tpu.memory_space<vmem>>, vector<16xf32>,
      %broadcast_in_dim3A_3421 = arith.constant 29 : i32
      %broadcast_in_dim3A_3422 = vector.broadcast %broadcast_in_dim3A_3421 : i32 to vector<16xi32>
      %add3A_3423 = arith.addi %mul3A_3213, %broadcast_in_dim3A_3422 : vector<16xi32>
      tpu.vector_store_idx %arg8[%add3A_3423], %get3A_3420 {add = true} : memref<16416xf32, #tpu.memory_space<vmem>>[vector<16xi32>], vector<16xf32>,
      %get3A_3424 = arith.constant 30 : i32
      %get3A_3425 = arith.index_cast %get3A_3424 : i32 to index
      %get3A_3426 = arith.constant 224 : index
      %get3A_3427 = tpu.vector_load %arg7[%get3A_3425, %get3A_3426] {strides = array<i32>} : memref<32x256xf32, #tpu.memory_space<vmem>>, vector<16xf32>,
      %broadcast_in_dim3A_3428 = arith.constant 30 : i32
      %broadcast_in_dim3A_3429 = vector.broadcast %broadcast_in_dim3A_3428 : i32 to vector<16xi32>
      %add3A_3430 = arith.addi %mul3A_3213, %broadcast_in_dim3A_3429 : vector<16xi32>
      tpu.vector_store_idx %arg8[%add3A_3430], %get3A_3427 {add = true} : memref<16416xf32, #tpu.memory_space<vmem>>[vector<16xi32>], vector<16xf32>,
      %get3A_3431 = arith.constant 31 : i32
      %get3A_3432 = arith.index_cast %get3A_3431 : i32 to index
      %get3A_3433 = arith.constant 224 : index
      %get3A_3434 = tpu.vector_load %arg7[%get3A_3432, %get3A_3433] {strides = array<i32>} : memref<32x256xf32, #tpu.memory_space<vmem>>, vector<16xf32>,
      %broadcast_in_dim3A_3435 = arith.constant 31 : i32
      %broadcast_in_dim3A_3436 = vector.broadcast %broadcast_in_dim3A_3435 : i32 to vector<16xi32>
      %add3A_3437 = arith.addi %mul3A_3213, %broadcast_in_dim3A_3436 : vector<16xi32>
      tpu.vector_store_idx %arg8[%add3A_3437], %get3A_3434 {add = true} : memref<16416xf32, #tpu.memory_space<vmem>>[vector<16xi32>], vector<16xf32>,
      %get3A_3438 = arith.constant 240 : index
      %get3A_3439 = tpu.vector_load %arg6[%get3A_3438] {strides = array<i32>} : memref<256xi32, #tpu.memory_space<vmem>>, vector<16xi32>,
      %mul3A_3440 = arith.constant 32 : i32
      %mul3A_3441 = vector.broadcast %mul3A_3440 : i32 to vector<16xi32>
      %mul3A_3442 = arith.muli %get3A_3439, %mul3A_3441 : vector<16xi32>
      %get3A_3443 = arith.constant 0 : i32
      %get3A_3444 = arith.index_cast %get3A_3443 : i32 to index
      %get3A_3445 = arith.constant 240 : index
      %get3A_3446 = tpu.vector_load %arg7[%get3A_3444, %get3A_3445] {strides = array<i32>} : memref<32x256xf32, #tpu.memory_space<vmem>>, vector<16xf32>,
      %broadcast_in_dim3A_3447 = arith.constant 0 : i32
      %broadcast_in_dim3A_3448 = vector.broadcast %broadcast_in_dim3A_3447 : i32 to vector<16xi32>
      %add3A_3449 = arith.addi %mul3A_3442, %broadcast_in_dim3A_3448 : vector<16xi32>
      tpu.vector_store_idx %arg8[%add3A_3449], %get3A_3446 {add = true} : memref<16416xf32, #tpu.memory_space<vmem>>[vector<16xi32>], vector<16xf32>,
      %get3A_3450 = arith.constant 1 : i32
      %get3A_3451 = arith.index_cast %get3A_3450 : i32 to index
      %get3A_3452 = arith.constant 240 : index
      %get3A_3453 = tpu.vector_load %arg7[%get3A_3451, %get3A_3452] {strides = array<i32>} : memref<32x256xf32, #tpu.memory_space<vmem>>, vector<16xf32>,
      %broadcast_in_dim3A_3454 = arith.constant 1 : i32
      %broadcast_in_dim3A_3455 = vector.broadcast %broadcast_in_dim3A_3454 : i32 to vector<16xi32>
      %add3A_3456 = arith.addi %mul3A_3442, %broadcast_in_dim3A_3455 : vector<16xi32>
      tpu.vector_store_idx %arg8[%add3A_3456], %get3A_3453 {add = true} : memref<16416xf32, #tpu.memory_space<vmem>>[vector<16xi32>], vector<16xf32>,
      %get3A_3457 = arith.constant 2 : i32
      %get3A_3458 = arith.index_cast %get3A_3457 : i32 to index
      %get3A_3459 = arith.constant 240 : index
      %get3A_3460 = tpu.vector_load %arg7[%get3A_3458, %get3A_3459] {strides = array<i32>} : memref<32x256xf32, #tpu.memory_space<vmem>>, vector<16xf32>,
      %broadcast_in_dim3A_3461 = arith.constant 2 : i32
      %broadcast_in_dim3A_3462 = vector.broadcast %broadcast_in_dim3A_3461 : i32 to vector<16xi32>
      %add3A_3463 = arith.addi %mul3A_3442, %broadcast_in_dim3A_3462 : vector<16xi32>
      tpu.vector_store_idx %arg8[%add3A_3463], %get3A_3460 {add = true} : memref<16416xf32, #tpu.memory_space<vmem>>[vector<16xi32>], vector<16xf32>,
      %get3A_3464 = arith.constant 3 : i32
      %get3A_3465 = arith.index_cast %get3A_3464 : i32 to index
      %get3A_3466 = arith.constant 240 : index
      %get3A_3467 = tpu.vector_load %arg7[%get3A_3465, %get3A_3466] {strides = array<i32>} : memref<32x256xf32, #tpu.memory_space<vmem>>, vector<16xf32>,
      %broadcast_in_dim3A_3468 = arith.constant 3 : i32
      %broadcast_in_dim3A_3469 = vector.broadcast %broadcast_in_dim3A_3468 : i32 to vector<16xi32>
      %add3A_3470 = arith.addi %mul3A_3442, %broadcast_in_dim3A_3469 : vector<16xi32>
      tpu.vector_store_idx %arg8[%add3A_3470], %get3A_3467 {add = true} : memref<16416xf32, #tpu.memory_space<vmem>>[vector<16xi32>], vector<16xf32>,
      %get3A_3471 = arith.constant 4 : i32
      %get3A_3472 = arith.index_cast %get3A_3471 : i32 to index
      %get3A_3473 = arith.constant 240 : index
      %get3A_3474 = tpu.vector_load %arg7[%get3A_3472, %get3A_3473] {strides = array<i32>} : memref<32x256xf32, #tpu.memory_space<vmem>>, vector<16xf32>,
      %broadcast_in_dim3A_3475 = arith.constant 4 : i32
      %broadcast_in_dim3A_3476 = vector.broadcast %broadcast_in_dim3A_3475 : i32 to vector<16xi32>
      %add3A_3477 = arith.addi %mul3A_3442, %broadcast_in_dim3A_3476 : vector<16xi32>
      tpu.vector_store_idx %arg8[%add3A_3477], %get3A_3474 {add = true} : memref<16416xf32, #tpu.memory_space<vmem>>[vector<16xi32>], vector<16xf32>,
      %get3A_3478 = arith.constant 5 : i32
      %get3A_3479 = arith.index_cast %get3A_3478 : i32 to index
      %get3A_3480 = arith.constant 240 : index
      %get3A_3481 = tpu.vector_load %arg7[%get3A_3479, %get3A_3480] {strides = array<i32>} : memref<32x256xf32, #tpu.memory_space<vmem>>, vector<16xf32>,
      %broadcast_in_dim3A_3482 = arith.constant 5 : i32
      %broadcast_in_dim3A_3483 = vector.broadcast %broadcast_in_dim3A_3482 : i32 to vector<16xi32>
      %add3A_3484 = arith.addi %mul3A_3442, %broadcast_in_dim3A_3483 : vector<16xi32>
      tpu.vector_store_idx %arg8[%add3A_3484], %get3A_3481 {add = true} : memref<16416xf32, #tpu.memory_space<vmem>>[vector<16xi32>], vector<16xf32>,
      %get3A_3485 = arith.constant 6 : i32
      %get3A_3486 = arith.index_cast %get3A_3485 : i32 to index
      %get3A_3487 = arith.constant 240 : index
      %get3A_3488 = tpu.vector_load %arg7[%get3A_3486, %get3A_3487] {strides = array<i32>} : memref<32x256xf32, #tpu.memory_space<vmem>>, vector<16xf32>,
      %broadcast_in_dim3A_3489 = arith.constant 6 : i32
      %broadcast_in_dim3A_3490 = vector.broadcast %broadcast_in_dim3A_3489 : i32 to vector<16xi32>
      %add3A_3491 = arith.addi %mul3A_3442, %broadcast_in_dim3A_3490 : vector<16xi32>
      tpu.vector_store_idx %arg8[%add3A_3491], %get3A_3488 {add = true} : memref<16416xf32, #tpu.memory_space<vmem>>[vector<16xi32>], vector<16xf32>,
      %get3A_3492 = arith.constant 7 : i32
      %get3A_3493 = arith.index_cast %get3A_3492 : i32 to index
      %get3A_3494 = arith.constant 240 : index
      %get3A_3495 = tpu.vector_load %arg7[%get3A_3493, %get3A_3494] {strides = array<i32>} : memref<32x256xf32, #tpu.memory_space<vmem>>, vector<16xf32>,
      %broadcast_in_dim3A_3496 = arith.constant 7 : i32
      %broadcast_in_dim3A_3497 = vector.broadcast %broadcast_in_dim3A_3496 : i32 to vector<16xi32>
      %add3A_3498 = arith.addi %mul3A_3442, %broadcast_in_dim3A_3497 : vector<16xi32>
      tpu.vector_store_idx %arg8[%add3A_3498], %get3A_3495 {add = true} : memref<16416xf32, #tpu.memory_space<vmem>>[vector<16xi32>], vector<16xf32>,
      %get3A_3499 = arith.constant 8 : i32
      %get3A_3500 = arith.index_cast %get3A_3499 : i32 to index
      %get3A_3501 = arith.constant 240 : index
      %get3A_3502 = tpu.vector_load %arg7[%get3A_3500, %get3A_3501] {strides = array<i32>} : memref<32x256xf32, #tpu.memory_space<vmem>>, vector<16xf32>,
      %broadcast_in_dim3A_3503 = arith.constant 8 : i32
      %broadcast_in_dim3A_3504 = vector.broadcast %broadcast_in_dim3A_3503 : i32 to vector<16xi32>
      %add3A_3505 = arith.addi %mul3A_3442, %broadcast_in_dim3A_3504 : vector<16xi32>
      tpu.vector_store_idx %arg8[%add3A_3505], %get3A_3502 {add = true} : memref<16416xf32, #tpu.memory_space<vmem>>[vector<16xi32>], vector<16xf32>,
      %get3A_3506 = arith.constant 9 : i32
      %get3A_3507 = arith.index_cast %get3A_3506 : i32 to index
      %get3A_3508 = arith.constant 240 : index
      %get3A_3509 = tpu.vector_load %arg7[%get3A_3507, %get3A_3508] {strides = array<i32>} : memref<32x256xf32, #tpu.memory_space<vmem>>, vector<16xf32>,
      %broadcast_in_dim3A_3510 = arith.constant 9 : i32
      %broadcast_in_dim3A_3511 = vector.broadcast %broadcast_in_dim3A_3510 : i32 to vector<16xi32>
      %add3A_3512 = arith.addi %mul3A_3442, %broadcast_in_dim3A_3511 : vector<16xi32>
      tpu.vector_store_idx %arg8[%add3A_3512], %get3A_3509 {add = true} : memref<16416xf32, #tpu.memory_space<vmem>>[vector<16xi32>], vector<16xf32>,
      %get3A_3513 = arith.constant 10 : i32
      %get3A_3514 = arith.index_cast %get3A_3513 : i32 to index
      %get3A_3515 = arith.constant 240 : index
      %get3A_3516 = tpu.vector_load %arg7[%get3A_3514, %get3A_3515] {strides = array<i32>} : memref<32x256xf32, #tpu.memory_space<vmem>>, vector<16xf32>,
      %broadcast_in_dim3A_3517 = arith.constant 10 : i32
      %broadcast_in_dim3A_3518 = vector.broadcast %broadcast_in_dim3A_3517 : i32 to vector<16xi32>
      %add3A_3519 = arith.addi %mul3A_3442, %broadcast_in_dim3A_3518 : vector<16xi32>
      tpu.vector_store_idx %arg8[%add3A_3519], %get3A_3516 {add = true} : memref<16416xf32, #tpu.memory_space<vmem>>[vector<16xi32>], vector<16xf32>,
      %get3A_3520 = arith.constant 11 : i32
      %get3A_3521 = arith.index_cast %get3A_3520 : i32 to index
      %get3A_3522 = arith.constant 240 : index
      %get3A_3523 = tpu.vector_load %arg7[%get3A_3521, %get3A_3522] {strides = array<i32>} : memref<32x256xf32, #tpu.memory_space<vmem>>, vector<16xf32>,
      %broadcast_in_dim3A_3524 = arith.constant 11 : i32
      %broadcast_in_dim3A_3525 = vector.broadcast %broadcast_in_dim3A_3524 : i32 to vector<16xi32>
      %add3A_3526 = arith.addi %mul3A_3442, %broadcast_in_dim3A_3525 : vector<16xi32>
      tpu.vector_store_idx %arg8[%add3A_3526], %get3A_3523 {add = true} : memref<16416xf32, #tpu.memory_space<vmem>>[vector<16xi32>], vector<16xf32>,
      %get3A_3527 = arith.constant 12 : i32
      %get3A_3528 = arith.index_cast %get3A_3527 : i32 to index
      %get3A_3529 = arith.constant 240 : index
      %get3A_3530 = tpu.vector_load %arg7[%get3A_3528, %get3A_3529] {strides = array<i32>} : memref<32x256xf32, #tpu.memory_space<vmem>>, vector<16xf32>,
      %broadcast_in_dim3A_3531 = arith.constant 12 : i32
      %broadcast_in_dim3A_3532 = vector.broadcast %broadcast_in_dim3A_3531 : i32 to vector<16xi32>
      %add3A_3533 = arith.addi %mul3A_3442, %broadcast_in_dim3A_3532 : vector<16xi32>
      tpu.vector_store_idx %arg8[%add3A_3533], %get3A_3530 {add = true} : memref<16416xf32, #tpu.memory_space<vmem>>[vector<16xi32>], vector<16xf32>,
      %get3A_3534 = arith.constant 13 : i32
      %get3A_3535 = arith.index_cast %get3A_3534 : i32 to index
      %get3A_3536 = arith.constant 240 : index
      %get3A_3537 = tpu.vector_load %arg7[%get3A_3535, %get3A_3536] {strides = array<i32>} : memref<32x256xf32, #tpu.memory_space<vmem>>, vector<16xf32>,
      %broadcast_in_dim3A_3538 = arith.constant 13 : i32
      %broadcast_in_dim3A_3539 = vector.broadcast %broadcast_in_dim3A_3538 : i32 to vector<16xi32>
      %add3A_3540 = arith.addi %mul3A_3442, %broadcast_in_dim3A_3539 : vector<16xi32>
      tpu.vector_store_idx %arg8[%add3A_3540], %get3A_3537 {add = true} : memref<16416xf32, #tpu.memory_space<vmem>>[vector<16xi32>], vector<16xf32>,
      %get3A_3541 = arith.constant 14 : i32
      %get3A_3542 = arith.index_cast %get3A_3541 : i32 to index
      %get3A_3543 = arith.constant 240 : index
      %get3A_3544 = tpu.vector_load %arg7[%get3A_3542, %get3A_3543] {strides = array<i32>} : memref<32x256xf32, #tpu.memory_space<vmem>>, vector<16xf32>,
      %broadcast_in_dim3A_3545 = arith.constant 14 : i32
      %broadcast_in_dim3A_3546 = vector.broadcast %broadcast_in_dim3A_3545 : i32 to vector<16xi32>
      %add3A_3547 = arith.addi %mul3A_3442, %broadcast_in_dim3A_3546 : vector<16xi32>
      tpu.vector_store_idx %arg8[%add3A_3547], %get3A_3544 {add = true} : memref<16416xf32, #tpu.memory_space<vmem>>[vector<16xi32>], vector<16xf32>,
      %get3A_3548 = arith.constant 15 : i32
      %get3A_3549 = arith.index_cast %get3A_3548 : i32 to index
      %get3A_3550 = arith.constant 240 : index
      %get3A_3551 = tpu.vector_load %arg7[%get3A_3549, %get3A_3550] {strides = array<i32>} : memref<32x256xf32, #tpu.memory_space<vmem>>, vector<16xf32>,
      %broadcast_in_dim3A_3552 = arith.constant 15 : i32
      %broadcast_in_dim3A_3553 = vector.broadcast %broadcast_in_dim3A_3552 : i32 to vector<16xi32>
      %add3A_3554 = arith.addi %mul3A_3442, %broadcast_in_dim3A_3553 : vector<16xi32>
      tpu.vector_store_idx %arg8[%add3A_3554], %get3A_3551 {add = true} : memref<16416xf32, #tpu.memory_space<vmem>>[vector<16xi32>], vector<16xf32>,
      %get3A_3555 = arith.constant 16 : i32
      %get3A_3556 = arith.index_cast %get3A_3555 : i32 to index
      %get3A_3557 = arith.constant 240 : index
      %get3A_3558 = tpu.vector_load %arg7[%get3A_3556, %get3A_3557] {strides = array<i32>} : memref<32x256xf32, #tpu.memory_space<vmem>>, vector<16xf32>,
      %broadcast_in_dim3A_3559 = arith.constant 16 : i32
      %broadcast_in_dim3A_3560 = vector.broadcast %broadcast_in_dim3A_3559 : i32 to vector<16xi32>
      %add3A_3561 = arith.addi %mul3A_3442, %broadcast_in_dim3A_3560 : vector<16xi32>
      tpu.vector_store_idx %arg8[%add3A_3561], %get3A_3558 {add = true} : memref<16416xf32, #tpu.memory_space<vmem>>[vector<16xi32>], vector<16xf32>,
      %get3A_3562 = arith.constant 17 : i32
      %get3A_3563 = arith.index_cast %get3A_3562 : i32 to index
      %get3A_3564 = arith.constant 240 : index
      %get3A_3565 = tpu.vector_load %arg7[%get3A_3563, %get3A_3564] {strides = array<i32>} : memref<32x256xf32, #tpu.memory_space<vmem>>, vector<16xf32>,
      %broadcast_in_dim3A_3566 = arith.constant 17 : i32
      %broadcast_in_dim3A_3567 = vector.broadcast %broadcast_in_dim3A_3566 : i32 to vector<16xi32>
      %add3A_3568 = arith.addi %mul3A_3442, %broadcast_in_dim3A_3567 : vector<16xi32>
      tpu.vector_store_idx %arg8[%add3A_3568], %get3A_3565 {add = true} : memref<16416xf32, #tpu.memory_space<vmem>>[vector<16xi32>], vector<16xf32>,
      %get3A_3569 = arith.constant 18 : i32
      %get3A_3570 = arith.index_cast %get3A_3569 : i32 to index
      %get3A_3571 = arith.constant 240 : index
      %get3A_3572 = tpu.vector_load %arg7[%get3A_3570, %get3A_3571] {strides = array<i32>} : memref<32x256xf32, #tpu.memory_space<vmem>>, vector<16xf32>,
      %broadcast_in_dim3A_3573 = arith.constant 18 : i32
      %broadcast_in_dim3A_3574 = vector.broadcast %broadcast_in_dim3A_3573 : i32 to vector<16xi32>
      %add3A_3575 = arith.addi %mul3A_3442, %broadcast_in_dim3A_3574 : vector<16xi32>
      tpu.vector_store_idx %arg8[%add3A_3575], %get3A_3572 {add = true} : memref<16416xf32, #tpu.memory_space<vmem>>[vector<16xi32>], vector<16xf32>,
      %get3A_3576 = arith.constant 19 : i32
      %get3A_3577 = arith.index_cast %get3A_3576 : i32 to index
      %get3A_3578 = arith.constant 240 : index
      %get3A_3579 = tpu.vector_load %arg7[%get3A_3577, %get3A_3578] {strides = array<i32>} : memref<32x256xf32, #tpu.memory_space<vmem>>, vector<16xf32>,
      %broadcast_in_dim3A_3580 = arith.constant 19 : i32
      %broadcast_in_dim3A_3581 = vector.broadcast %broadcast_in_dim3A_3580 : i32 to vector<16xi32>
      %add3A_3582 = arith.addi %mul3A_3442, %broadcast_in_dim3A_3581 : vector<16xi32>
      tpu.vector_store_idx %arg8[%add3A_3582], %get3A_3579 {add = true} : memref<16416xf32, #tpu.memory_space<vmem>>[vector<16xi32>], vector<16xf32>,
      %get3A_3583 = arith.constant 20 : i32
      %get3A_3584 = arith.index_cast %get3A_3583 : i32 to index
      %get3A_3585 = arith.constant 240 : index
      %get3A_3586 = tpu.vector_load %arg7[%get3A_3584, %get3A_3585] {strides = array<i32>} : memref<32x256xf32, #tpu.memory_space<vmem>>, vector<16xf32>,
      %broadcast_in_dim3A_3587 = arith.constant 20 : i32
      %broadcast_in_dim3A_3588 = vector.broadcast %broadcast_in_dim3A_3587 : i32 to vector<16xi32>
      %add3A_3589 = arith.addi %mul3A_3442, %broadcast_in_dim3A_3588 : vector<16xi32>
      tpu.vector_store_idx %arg8[%add3A_3589], %get3A_3586 {add = true} : memref<16416xf32, #tpu.memory_space<vmem>>[vector<16xi32>], vector<16xf32>,
      %get3A_3590 = arith.constant 21 : i32
      %get3A_3591 = arith.index_cast %get3A_3590 : i32 to index
      %get3A_3592 = arith.constant 240 : index
      %get3A_3593 = tpu.vector_load %arg7[%get3A_3591, %get3A_3592] {strides = array<i32>} : memref<32x256xf32, #tpu.memory_space<vmem>>, vector<16xf32>,
      %broadcast_in_dim3A_3594 = arith.constant 21 : i32
      %broadcast_in_dim3A_3595 = vector.broadcast %broadcast_in_dim3A_3594 : i32 to vector<16xi32>
      %add3A_3596 = arith.addi %mul3A_3442, %broadcast_in_dim3A_3595 : vector<16xi32>
      tpu.vector_store_idx %arg8[%add3A_3596], %get3A_3593 {add = true} : memref<16416xf32, #tpu.memory_space<vmem>>[vector<16xi32>], vector<16xf32>,
      %get3A_3597 = arith.constant 22 : i32
      %get3A_3598 = arith.index_cast %get3A_3597 : i32 to index
      %get3A_3599 = arith.constant 240 : index
      %get3A_3600 = tpu.vector_load %arg7[%get3A_3598, %get3A_3599] {strides = array<i32>} : memref<32x256xf32, #tpu.memory_space<vmem>>, vector<16xf32>,
      %broadcast_in_dim3A_3601 = arith.constant 22 : i32
      %broadcast_in_dim3A_3602 = vector.broadcast %broadcast_in_dim3A_3601 : i32 to vector<16xi32>
      %add3A_3603 = arith.addi %mul3A_3442, %broadcast_in_dim3A_3602 : vector<16xi32>
      tpu.vector_store_idx %arg8[%add3A_3603], %get3A_3600 {add = true} : memref<16416xf32, #tpu.memory_space<vmem>>[vector<16xi32>], vector<16xf32>,
      %get3A_3604 = arith.constant 23 : i32
      %get3A_3605 = arith.index_cast %get3A_3604 : i32 to index
      %get3A_3606 = arith.constant 240 : index
      %get3A_3607 = tpu.vector_load %arg7[%get3A_3605, %get3A_3606] {strides = array<i32>} : memref<32x256xf32, #tpu.memory_space<vmem>>, vector<16xf32>,
      %broadcast_in_dim3A_3608 = arith.constant 23 : i32
      %broadcast_in_dim3A_3609 = vector.broadcast %broadcast_in_dim3A_3608 : i32 to vector<16xi32>
      %add3A_3610 = arith.addi %mul3A_3442, %broadcast_in_dim3A_3609 : vector<16xi32>
      tpu.vector_store_idx %arg8[%add3A_3610], %get3A_3607 {add = true} : memref<16416xf32, #tpu.memory_space<vmem>>[vector<16xi32>], vector<16xf32>,
      %get3A_3611 = arith.constant 24 : i32
      %get3A_3612 = arith.index_cast %get3A_3611 : i32 to index
      %get3A_3613 = arith.constant 240 : index
      %get3A_3614 = tpu.vector_load %arg7[%get3A_3612, %get3A_3613] {strides = array<i32>} : memref<32x256xf32, #tpu.memory_space<vmem>>, vector<16xf32>,
      %broadcast_in_dim3A_3615 = arith.constant 24 : i32
      %broadcast_in_dim3A_3616 = vector.broadcast %broadcast_in_dim3A_3615 : i32 to vector<16xi32>
      %add3A_3617 = arith.addi %mul3A_3442, %broadcast_in_dim3A_3616 : vector<16xi32>
      tpu.vector_store_idx %arg8[%add3A_3617], %get3A_3614 {add = true} : memref<16416xf32, #tpu.memory_space<vmem>>[vector<16xi32>], vector<16xf32>,
      %get3A_3618 = arith.constant 25 : i32
      %get3A_3619 = arith.index_cast %get3A_3618 : i32 to index
      %get3A_3620 = arith.constant 240 : index
      %get3A_3621 = tpu.vector_load %arg7[%get3A_3619, %get3A_3620] {strides = array<i32>} : memref<32x256xf32, #tpu.memory_space<vmem>>, vector<16xf32>,
      %broadcast_in_dim3A_3622 = arith.constant 25 : i32
      %broadcast_in_dim3A_3623 = vector.broadcast %broadcast_in_dim3A_3622 : i32 to vector<16xi32>
      %add3A_3624 = arith.addi %mul3A_3442, %broadcast_in_dim3A_3623 : vector<16xi32>
      tpu.vector_store_idx %arg8[%add3A_3624], %get3A_3621 {add = true} : memref<16416xf32, #tpu.memory_space<vmem>>[vector<16xi32>], vector<16xf32>,
      %get3A_3625 = arith.constant 26 : i32
      %get3A_3626 = arith.index_cast %get3A_3625 : i32 to index
      %get3A_3627 = arith.constant 240 : index
      %get3A_3628 = tpu.vector_load %arg7[%get3A_3626, %get3A_3627] {strides = array<i32>} : memref<32x256xf32, #tpu.memory_space<vmem>>, vector<16xf32>,
      %broadcast_in_dim3A_3629 = arith.constant 26 : i32
      %broadcast_in_dim3A_3630 = vector.broadcast %broadcast_in_dim3A_3629 : i32 to vector<16xi32>
      %add3A_3631 = arith.addi %mul3A_3442, %broadcast_in_dim3A_3630 : vector<16xi32>
      tpu.vector_store_idx %arg8[%add3A_3631], %get3A_3628 {add = true} : memref<16416xf32, #tpu.memory_space<vmem>>[vector<16xi32>], vector<16xf32>,
      %get3A_3632 = arith.constant 27 : i32
      %get3A_3633 = arith.index_cast %get3A_3632 : i32 to index
      %get3A_3634 = arith.constant 240 : index
      %get3A_3635 = tpu.vector_load %arg7[%get3A_3633, %get3A_3634] {strides = array<i32>} : memref<32x256xf32, #tpu.memory_space<vmem>>, vector<16xf32>,
      %broadcast_in_dim3A_3636 = arith.constant 27 : i32
      %broadcast_in_dim3A_3637 = vector.broadcast %broadcast_in_dim3A_3636 : i32 to vector<16xi32>
      %add3A_3638 = arith.addi %mul3A_3442, %broadcast_in_dim3A_3637 : vector<16xi32>
      tpu.vector_store_idx %arg8[%add3A_3638], %get3A_3635 {add = true} : memref<16416xf32, #tpu.memory_space<vmem>>[vector<16xi32>], vector<16xf32>,
      %get3A_3639 = arith.constant 28 : i32
      %get3A_3640 = arith.index_cast %get3A_3639 : i32 to index
      %get3A_3641 = arith.constant 240 : index
      %get3A_3642 = tpu.vector_load %arg7[%get3A_3640, %get3A_3641] {strides = array<i32>} : memref<32x256xf32, #tpu.memory_space<vmem>>, vector<16xf32>,
      %broadcast_in_dim3A_3643 = arith.constant 28 : i32
      %broadcast_in_dim3A_3644 = vector.broadcast %broadcast_in_dim3A_3643 : i32 to vector<16xi32>
      %add3A_3645 = arith.addi %mul3A_3442, %broadcast_in_dim3A_3644 : vector<16xi32>
      tpu.vector_store_idx %arg8[%add3A_3645], %get3A_3642 {add = true} : memref<16416xf32, #tpu.memory_space<vmem>>[vector<16xi32>], vector<16xf32>,
      %get3A_3646 = arith.constant 29 : i32
      %get3A_3647 = arith.index_cast %get3A_3646 : i32 to index
      %get3A_3648 = arith.constant 240 : index
      %get3A_3649 = tpu.vector_load %arg7[%get3A_3647, %get3A_3648] {strides = array<i32>} : memref<32x256xf32, #tpu.memory_space<vmem>>, vector<16xf32>,
      %broadcast_in_dim3A_3650 = arith.constant 29 : i32
      %broadcast_in_dim3A_3651 = vector.broadcast %broadcast_in_dim3A_3650 : i32 to vector<16xi32>
      %add3A_3652 = arith.addi %mul3A_3442, %broadcast_in_dim3A_3651 : vector<16xi32>
      tpu.vector_store_idx %arg8[%add3A_3652], %get3A_3649 {add = true} : memref<16416xf32, #tpu.memory_space<vmem>>[vector<16xi32>], vector<16xf32>,
      %get3A_3653 = arith.constant 30 : i32
      %get3A_3654 = arith.index_cast %get3A_3653 : i32 to index
      %get3A_3655 = arith.constant 240 : index
      %get3A_3656 = tpu.vector_load %arg7[%get3A_3654, %get3A_3655] {strides = array<i32>} : memref<32x256xf32, #tpu.memory_space<vmem>>, vector<16xf32>,
      %broadcast_in_dim3A_3657 = arith.constant 30 : i32
      %broadcast_in_dim3A_3658 = vector.broadcast %broadcast_in_dim3A_3657 : i32 to vector<16xi32>
      %add3A_3659 = arith.addi %mul3A_3442, %broadcast_in_dim3A_3658 : vector<16xi32>
      tpu.vector_store_idx %arg8[%add3A_3659], %get3A_3656 {add = true} : memref<16416xf32, #tpu.memory_space<vmem>>[vector<16xi32>], vector<16xf32>,
      %get3A_3660 = arith.constant 31 : i32
      %get3A_3661 = arith.index_cast %get3A_3660 : i32 to index
      %get3A_3662 = arith.constant 240 : index
      %get3A_3663 = tpu.vector_load %arg7[%get3A_3661, %get3A_3662] {strides = array<i32>} : memref<32x256xf32, #tpu.memory_space<vmem>>, vector<16xf32>,
      %broadcast_in_dim3A_3664 = arith.constant 31 : i32
      %broadcast_in_dim3A_3665 = vector.broadcast %broadcast_in_dim3A_3664 : i32 to vector<16xi32>
      %add3A_3666 = arith.addi %mul3A_3442, %broadcast_in_dim3A_3665 : vector<16xi32>
      tpu.vector_store_idx %arg8[%add3A_3666], %get3A_3663 {add = true} : memref<16416xf32, #tpu.memory_space<vmem>>[vector<16xi32>], vector<16xf32>,
      "tpu.region"() ({
        %run_scoped3A = tpu.sem_alloc : memref<!tpu.dma_semaphore, #tpu.memory_space<semaphore_mem>>
        %dma_start3A = arith.constant 0 : i32
        %dma_start3A_3667 = tpu.memref_slice %arg5[%add3A, %dma_start3A] : memref<13x16416xf32, #tpu.memory_space<hbm>> -> memref<1x16416xf32, #tpu.memory_space<hbm>>
        %dma_start3A_3668 = tpu.memref_squeeze %dma_start3A_3667 : memref<1x16416xf32, #tpu.memory_space<hbm>> -> memref<16416xf32, #tpu.memory_space<hbm>>
        %dma_start3A_3669 = arith.constant 0 : i32
        %dma_start3A_3670 = tpu.memref_slice %arg5[%add3A, %dma_start3A_3669] : memref<13x16416xf32, #tpu.memory_space<hbm>> -> memref<1x16416xf32, #tpu.memory_space<hbm>>
        %dma_start3A_3671 = tpu.memref_squeeze %dma_start3A_3670 : memref<1x16416xf32, #tpu.memory_space<hbm>> -> memref<16416xf32, #tpu.memory_space<hbm>>
        tpu.enqueue_dma source(%arg8 : memref<16416xf32, #tpu.memory_space<vmem>>) target(%dma_start3A_3671 : memref<16416xf32, #tpu.memory_space<hbm>>) target_semaphore(%run_scoped3A : memref<!tpu.dma_semaphore, #tpu.memory_space<semaphore_mem>>)
        %dma_wait3A = arith.constant 0 : i32
        %dma_wait3A_3672 = tpu.memref_slice %arg5[%add3A, %dma_wait3A] : memref<13x16416xf32, #tpu.memory_space<hbm>> -> memref<1x16416xf32, #tpu.memory_space<hbm>>
        %dma_wait3A_3673 = tpu.memref_squeeze %dma_wait3A_3672 : memref<1x16416xf32, #tpu.memory_space<hbm>> -> memref<16416xf32, #tpu.memory_space<hbm>>
        %dma_wait3A_3674 = arith.constant 0 : i32
        %dma_wait3A_3675 = tpu.memref_slice %arg5[%add3A, %dma_wait3A_3674] : memref<13x16416xf32, #tpu.memory_space<hbm>> -> memref<1x16416xf32, #tpu.memory_space<hbm>>
        %dma_wait3A_3676 = tpu.memref_squeeze %dma_wait3A_3675 : memref<1x16416xf32, #tpu.memory_space<hbm>> -> memref<16416xf32, #tpu.memory_space<hbm>>
        tpu.wait_dma2 semaphore(%run_scoped3A : memref<!tpu.dma_semaphore, #tpu.memory_space<semaphore_mem>>) src(%arg8 : memref<16416xf32, #tpu.memory_space<vmem>>) dst(%dma_wait3A_3676 : memref<16416xf32, #tpu.memory_space<hbm>>)
        tpu.yield
      }) : () -> ()
    } else {
    }
    return
  }
}

module attributes {stable_mosaic.version = 14 : i64} {
  func.func @_assign_kernel(%arg0: memref<16x48x196xf32, #tpu.memory_space<vmem>>, %arg1: memref<512x16xf32, #tpu.memory_space<vmem>>, %arg2: memref<1x3328xi32, #tpu.memory_space<vmem>>, %arg3: memref<3136x16xf32, #tpu.memory_space<vmem>>, %arg4: memref<32x3328xf32, #tpu.memory_space<vmem>>, %arg5: memref<17x3136xf32, #tpu.memory_space<vmem>>) attributes {dimension_semantics = [], scalar_prefetch = 0 : i64, scratch_operands = 1 : i64, tpu.core_type = #tpu.core_type<tc>} {
    %broadcast_in_dim3A = arith.constant 0.000000e+00 : f32
    %broadcast_in_dim3A_0 = vector.broadcast %broadcast_in_dim3A : f32 to vector<32x3328xf32>
    %swap3A = arith.constant 0 : index
    %swap3A_1 = arith.constant 0 : index
    %swap3A_2 = vector.load %arg4[%swap3A, %swap3A_1] : memref<32x3328xf32, #tpu.memory_space<vmem>>, vector<32x3328xf32>
    tpu.vector_store %arg4[%swap3A, %swap3A_1], %broadcast_in_dim3A_0 {strides = array<i32>} : memref<32x3328xf32, #tpu.memory_space<vmem>>, vector<32x3328xf32>,
    %get3A = arith.constant 0 : index
    %get3A_3 = arith.constant 0 : index
    %get3A_4 = arith.constant 0 : index
    %get3A_5 = vector.load %arg0[%get3A, %get3A_3, %get3A_4] : memref<16x48x196xf32, #tpu.memory_space<vmem>>, vector<1x48x196xf32>
    %get3A_6 = vector.shape_cast %get3A_5 : vector<1x48x196xf32> to vector<48x196xf32>
    %slice3A = vector.extract_strided_slice %get3A_6 {offsets = [0, 0], sizes = [16, 196], strides = [1, 1]} : vector<48x196xf32> to vector<16x196xf32>
    %transpose3A = tpu.transpose %slice3A, [1, 0] : vector<16x196xf32> -> vector<196x16xf32>
    %swap3A_7 = arith.constant 0 : index
    %swap3A_8 = arith.constant 0 : index
    %swap3A_9 = vector.load %arg3[%swap3A_7, %swap3A_8] : memref<3136x16xf32, #tpu.memory_space<vmem>>, vector<196x16xf32>
    tpu.vector_store %arg3[%swap3A_7, %swap3A_8], %transpose3A {strides = array<i32>} : memref<3136x16xf32, #tpu.memory_space<vmem>>, vector<196x16xf32>,
    %slice3A_10 = vector.extract_strided_slice %get3A_6 {offsets = [16, 0], sizes = [16, 196], strides = [1, 1]} : vector<48x196xf32> to vector<16x196xf32>
    %swap3A_11 = arith.constant 0 : index
    %swap3A_12 = arith.constant 0 : index
    %swap3A_13 = vector.load %arg5[%swap3A_11, %swap3A_12] : memref<17x3136xf32, #tpu.memory_space<vmem>>, vector<16x196xf32>
    tpu.vector_store %arg5[%swap3A_11, %swap3A_12], %slice3A_10 {strides = array<i32>} : memref<17x3136xf32, #tpu.memory_space<vmem>>, vector<16x196xf32>,
    %slice3A_14 = vector.extract_strided_slice %get3A_6 {offsets = [32, 0], sizes = [16, 196], strides = [1, 1]} : vector<48x196xf32> to vector<16x196xf32>
    %swap3A_15 = arith.constant 0 : index
    %swap3A_16 = arith.constant 0 : index
    %swap3A_17 = vector.load %arg4[%swap3A_15, %swap3A_16] : memref<32x3328xf32, #tpu.memory_space<vmem>>, vector<16x196xf32>
    tpu.vector_store %arg4[%swap3A_15, %swap3A_16], %slice3A_14 {strides = array<i32>} : memref<32x3328xf32, #tpu.memory_space<vmem>>, vector<16x196xf32>,
    %get3A_18 = arith.constant 1 : index
    %get3A_19 = arith.constant 0 : index
    %get3A_20 = arith.constant 0 : index
    %get3A_21 = vector.load %arg0[%get3A_18, %get3A_19, %get3A_20] : memref<16x48x196xf32, #tpu.memory_space<vmem>>, vector<1x48x196xf32>
    %get3A_22 = vector.shape_cast %get3A_21 : vector<1x48x196xf32> to vector<48x196xf32>
    %slice3A_23 = vector.extract_strided_slice %get3A_22 {offsets = [0, 0], sizes = [16, 196], strides = [1, 1]} : vector<48x196xf32> to vector<16x196xf32>
    %transpose3A_24 = tpu.transpose %slice3A_23, [1, 0] : vector<16x196xf32> -> vector<196x16xf32>
    %swap3A_25 = arith.constant 196 : index
    %swap3A_26 = arith.constant 0 : index
    %swap3A_27 = vector.load %arg3[%swap3A_25, %swap3A_26] : memref<3136x16xf32, #tpu.memory_space<vmem>>, vector<196x16xf32>
    tpu.vector_store %arg3[%swap3A_25, %swap3A_26], %transpose3A_24 {strides = array<i32>} : memref<3136x16xf32, #tpu.memory_space<vmem>>, vector<196x16xf32>,
    %slice3A_28 = vector.extract_strided_slice %get3A_22 {offsets = [16, 0], sizes = [16, 196], strides = [1, 1]} : vector<48x196xf32> to vector<16x196xf32>
    %swap3A_29 = arith.constant 0 : index
    %swap3A_30 = arith.constant 196 : index
    %swap3A_31 = vector.load %arg5[%swap3A_29, %swap3A_30] : memref<17x3136xf32, #tpu.memory_space<vmem>>, vector<16x196xf32>
    tpu.vector_store %arg5[%swap3A_29, %swap3A_30], %slice3A_28 {strides = array<i32>} : memref<17x3136xf32, #tpu.memory_space<vmem>>, vector<16x196xf32>,
    %slice3A_32 = vector.extract_strided_slice %get3A_22 {offsets = [32, 0], sizes = [16, 196], strides = [1, 1]} : vector<48x196xf32> to vector<16x196xf32>
    %swap3A_33 = arith.constant 0 : index
    %swap3A_34 = arith.constant 196 : index
    %swap3A_35 = vector.load %arg4[%swap3A_33, %swap3A_34] : memref<32x3328xf32, #tpu.memory_space<vmem>>, vector<16x196xf32>
    tpu.vector_store %arg4[%swap3A_33, %swap3A_34], %slice3A_32 {strides = array<i32>} : memref<32x3328xf32, #tpu.memory_space<vmem>>, vector<16x196xf32>,
    %get3A_36 = arith.constant 2 : index
    %get3A_37 = arith.constant 0 : index
    %get3A_38 = arith.constant 0 : index
    %get3A_39 = vector.load %arg0[%get3A_36, %get3A_37, %get3A_38] : memref<16x48x196xf32, #tpu.memory_space<vmem>>, vector<1x48x196xf32>
    %get3A_40 = vector.shape_cast %get3A_39 : vector<1x48x196xf32> to vector<48x196xf32>
    %slice3A_41 = vector.extract_strided_slice %get3A_40 {offsets = [0, 0], sizes = [16, 196], strides = [1, 1]} : vector<48x196xf32> to vector<16x196xf32>
    %transpose3A_42 = tpu.transpose %slice3A_41, [1, 0] : vector<16x196xf32> -> vector<196x16xf32>
    %swap3A_43 = arith.constant 392 : index
    %swap3A_44 = arith.constant 0 : index
    %swap3A_45 = vector.load %arg3[%swap3A_43, %swap3A_44] : memref<3136x16xf32, #tpu.memory_space<vmem>>, vector<196x16xf32>
    tpu.vector_store %arg3[%swap3A_43, %swap3A_44], %transpose3A_42 {strides = array<i32>} : memref<3136x16xf32, #tpu.memory_space<vmem>>, vector<196x16xf32>,
    %slice3A_46 = vector.extract_strided_slice %get3A_40 {offsets = [16, 0], sizes = [16, 196], strides = [1, 1]} : vector<48x196xf32> to vector<16x196xf32>
    %swap3A_47 = arith.constant 0 : index
    %swap3A_48 = arith.constant 392 : index
    %swap3A_49 = vector.load %arg5[%swap3A_47, %swap3A_48] : memref<17x3136xf32, #tpu.memory_space<vmem>>, vector<16x196xf32>
    tpu.vector_store %arg5[%swap3A_47, %swap3A_48], %slice3A_46 {strides = array<i32>} : memref<17x3136xf32, #tpu.memory_space<vmem>>, vector<16x196xf32>,
    %slice3A_50 = vector.extract_strided_slice %get3A_40 {offsets = [32, 0], sizes = [16, 196], strides = [1, 1]} : vector<48x196xf32> to vector<16x196xf32>
    %swap3A_51 = arith.constant 0 : index
    %swap3A_52 = arith.constant 392 : index
    %swap3A_53 = vector.load %arg4[%swap3A_51, %swap3A_52] : memref<32x3328xf32, #tpu.memory_space<vmem>>, vector<16x196xf32>
    tpu.vector_store %arg4[%swap3A_51, %swap3A_52], %slice3A_50 {strides = array<i32>} : memref<32x3328xf32, #tpu.memory_space<vmem>>, vector<16x196xf32>,
    %get3A_54 = arith.constant 3 : index
    %get3A_55 = arith.constant 0 : index
    %get3A_56 = arith.constant 0 : index
    %get3A_57 = vector.load %arg0[%get3A_54, %get3A_55, %get3A_56] : memref<16x48x196xf32, #tpu.memory_space<vmem>>, vector<1x48x196xf32>
    %get3A_58 = vector.shape_cast %get3A_57 : vector<1x48x196xf32> to vector<48x196xf32>
    %slice3A_59 = vector.extract_strided_slice %get3A_58 {offsets = [0, 0], sizes = [16, 196], strides = [1, 1]} : vector<48x196xf32> to vector<16x196xf32>
    %transpose3A_60 = tpu.transpose %slice3A_59, [1, 0] : vector<16x196xf32> -> vector<196x16xf32>
    %swap3A_61 = arith.constant 588 : index
    %swap3A_62 = arith.constant 0 : index
    %swap3A_63 = vector.load %arg3[%swap3A_61, %swap3A_62] : memref<3136x16xf32, #tpu.memory_space<vmem>>, vector<196x16xf32>
    tpu.vector_store %arg3[%swap3A_61, %swap3A_62], %transpose3A_60 {strides = array<i32>} : memref<3136x16xf32, #tpu.memory_space<vmem>>, vector<196x16xf32>,
    %slice3A_64 = vector.extract_strided_slice %get3A_58 {offsets = [16, 0], sizes = [16, 196], strides = [1, 1]} : vector<48x196xf32> to vector<16x196xf32>
    %swap3A_65 = arith.constant 0 : index
    %swap3A_66 = arith.constant 588 : index
    %swap3A_67 = vector.load %arg5[%swap3A_65, %swap3A_66] : memref<17x3136xf32, #tpu.memory_space<vmem>>, vector<16x196xf32>
    tpu.vector_store %arg5[%swap3A_65, %swap3A_66], %slice3A_64 {strides = array<i32>} : memref<17x3136xf32, #tpu.memory_space<vmem>>, vector<16x196xf32>,
    %slice3A_68 = vector.extract_strided_slice %get3A_58 {offsets = [32, 0], sizes = [16, 196], strides = [1, 1]} : vector<48x196xf32> to vector<16x196xf32>
    %swap3A_69 = arith.constant 0 : index
    %swap3A_70 = arith.constant 588 : index
    %swap3A_71 = vector.load %arg4[%swap3A_69, %swap3A_70] : memref<32x3328xf32, #tpu.memory_space<vmem>>, vector<16x196xf32>
    tpu.vector_store %arg4[%swap3A_69, %swap3A_70], %slice3A_68 {strides = array<i32>} : memref<32x3328xf32, #tpu.memory_space<vmem>>, vector<16x196xf32>,
    %get3A_72 = arith.constant 4 : index
    %get3A_73 = arith.constant 0 : index
    %get3A_74 = arith.constant 0 : index
    %get3A_75 = vector.load %arg0[%get3A_72, %get3A_73, %get3A_74] : memref<16x48x196xf32, #tpu.memory_space<vmem>>, vector<1x48x196xf32>
    %get3A_76 = vector.shape_cast %get3A_75 : vector<1x48x196xf32> to vector<48x196xf32>
    %slice3A_77 = vector.extract_strided_slice %get3A_76 {offsets = [0, 0], sizes = [16, 196], strides = [1, 1]} : vector<48x196xf32> to vector<16x196xf32>
    %transpose3A_78 = tpu.transpose %slice3A_77, [1, 0] : vector<16x196xf32> -> vector<196x16xf32>
    %swap3A_79 = arith.constant 784 : index
    %swap3A_80 = arith.constant 0 : index
    %swap3A_81 = vector.load %arg3[%swap3A_79, %swap3A_80] : memref<3136x16xf32, #tpu.memory_space<vmem>>, vector<196x16xf32>
    tpu.vector_store %arg3[%swap3A_79, %swap3A_80], %transpose3A_78 {strides = array<i32>} : memref<3136x16xf32, #tpu.memory_space<vmem>>, vector<196x16xf32>,
    %slice3A_82 = vector.extract_strided_slice %get3A_76 {offsets = [16, 0], sizes = [16, 196], strides = [1, 1]} : vector<48x196xf32> to vector<16x196xf32>
    %swap3A_83 = arith.constant 0 : index
    %swap3A_84 = arith.constant 784 : index
    %swap3A_85 = vector.load %arg5[%swap3A_83, %swap3A_84] : memref<17x3136xf32, #tpu.memory_space<vmem>>, vector<16x196xf32>
    tpu.vector_store %arg5[%swap3A_83, %swap3A_84], %slice3A_82 {strides = array<i32>} : memref<17x3136xf32, #tpu.memory_space<vmem>>, vector<16x196xf32>,
    %slice3A_86 = vector.extract_strided_slice %get3A_76 {offsets = [32, 0], sizes = [16, 196], strides = [1, 1]} : vector<48x196xf32> to vector<16x196xf32>
    %swap3A_87 = arith.constant 0 : index
    %swap3A_88 = arith.constant 784 : index
    %swap3A_89 = vector.load %arg4[%swap3A_87, %swap3A_88] : memref<32x3328xf32, #tpu.memory_space<vmem>>, vector<16x196xf32>
    tpu.vector_store %arg4[%swap3A_87, %swap3A_88], %slice3A_86 {strides = array<i32>} : memref<32x3328xf32, #tpu.memory_space<vmem>>, vector<16x196xf32>,
    %get3A_90 = arith.constant 5 : index
    %get3A_91 = arith.constant 0 : index
    %get3A_92 = arith.constant 0 : index
    %get3A_93 = vector.load %arg0[%get3A_90, %get3A_91, %get3A_92] : memref<16x48x196xf32, #tpu.memory_space<vmem>>, vector<1x48x196xf32>
    %get3A_94 = vector.shape_cast %get3A_93 : vector<1x48x196xf32> to vector<48x196xf32>
    %slice3A_95 = vector.extract_strided_slice %get3A_94 {offsets = [0, 0], sizes = [16, 196], strides = [1, 1]} : vector<48x196xf32> to vector<16x196xf32>
    %transpose3A_96 = tpu.transpose %slice3A_95, [1, 0] : vector<16x196xf32> -> vector<196x16xf32>
    %swap3A_97 = arith.constant 980 : index
    %swap3A_98 = arith.constant 0 : index
    %swap3A_99 = vector.load %arg3[%swap3A_97, %swap3A_98] : memref<3136x16xf32, #tpu.memory_space<vmem>>, vector<196x16xf32>
    tpu.vector_store %arg3[%swap3A_97, %swap3A_98], %transpose3A_96 {strides = array<i32>} : memref<3136x16xf32, #tpu.memory_space<vmem>>, vector<196x16xf32>,
    %slice3A_100 = vector.extract_strided_slice %get3A_94 {offsets = [16, 0], sizes = [16, 196], strides = [1, 1]} : vector<48x196xf32> to vector<16x196xf32>
    %swap3A_101 = arith.constant 0 : index
    %swap3A_102 = arith.constant 980 : index
    %swap3A_103 = vector.load %arg5[%swap3A_101, %swap3A_102] : memref<17x3136xf32, #tpu.memory_space<vmem>>, vector<16x196xf32>
    tpu.vector_store %arg5[%swap3A_101, %swap3A_102], %slice3A_100 {strides = array<i32>} : memref<17x3136xf32, #tpu.memory_space<vmem>>, vector<16x196xf32>,
    %slice3A_104 = vector.extract_strided_slice %get3A_94 {offsets = [32, 0], sizes = [16, 196], strides = [1, 1]} : vector<48x196xf32> to vector<16x196xf32>
    %swap3A_105 = arith.constant 0 : index
    %swap3A_106 = arith.constant 980 : index
    %swap3A_107 = vector.load %arg4[%swap3A_105, %swap3A_106] : memref<32x3328xf32, #tpu.memory_space<vmem>>, vector<16x196xf32>
    tpu.vector_store %arg4[%swap3A_105, %swap3A_106], %slice3A_104 {strides = array<i32>} : memref<32x3328xf32, #tpu.memory_space<vmem>>, vector<16x196xf32>,
    %get3A_108 = arith.constant 6 : index
    %get3A_109 = arith.constant 0 : index
    %get3A_110 = arith.constant 0 : index
    %get3A_111 = vector.load %arg0[%get3A_108, %get3A_109, %get3A_110] : memref<16x48x196xf32, #tpu.memory_space<vmem>>, vector<1x48x196xf32>
    %get3A_112 = vector.shape_cast %get3A_111 : vector<1x48x196xf32> to vector<48x196xf32>
    %slice3A_113 = vector.extract_strided_slice %get3A_112 {offsets = [0, 0], sizes = [16, 196], strides = [1, 1]} : vector<48x196xf32> to vector<16x196xf32>
    %transpose3A_114 = tpu.transpose %slice3A_113, [1, 0] : vector<16x196xf32> -> vector<196x16xf32>
    %swap3A_115 = arith.constant 1176 : index
    %swap3A_116 = arith.constant 0 : index
    %swap3A_117 = vector.load %arg3[%swap3A_115, %swap3A_116] : memref<3136x16xf32, #tpu.memory_space<vmem>>, vector<196x16xf32>
    tpu.vector_store %arg3[%swap3A_115, %swap3A_116], %transpose3A_114 {strides = array<i32>} : memref<3136x16xf32, #tpu.memory_space<vmem>>, vector<196x16xf32>,
    %slice3A_118 = vector.extract_strided_slice %get3A_112 {offsets = [16, 0], sizes = [16, 196], strides = [1, 1]} : vector<48x196xf32> to vector<16x196xf32>
    %swap3A_119 = arith.constant 0 : index
    %swap3A_120 = arith.constant 1176 : index
    %swap3A_121 = vector.load %arg5[%swap3A_119, %swap3A_120] : memref<17x3136xf32, #tpu.memory_space<vmem>>, vector<16x196xf32>
    tpu.vector_store %arg5[%swap3A_119, %swap3A_120], %slice3A_118 {strides = array<i32>} : memref<17x3136xf32, #tpu.memory_space<vmem>>, vector<16x196xf32>,
    %slice3A_122 = vector.extract_strided_slice %get3A_112 {offsets = [32, 0], sizes = [16, 196], strides = [1, 1]} : vector<48x196xf32> to vector<16x196xf32>
    %swap3A_123 = arith.constant 0 : index
    %swap3A_124 = arith.constant 1176 : index
    %swap3A_125 = vector.load %arg4[%swap3A_123, %swap3A_124] : memref<32x3328xf32, #tpu.memory_space<vmem>>, vector<16x196xf32>
    tpu.vector_store %arg4[%swap3A_123, %swap3A_124], %slice3A_122 {strides = array<i32>} : memref<32x3328xf32, #tpu.memory_space<vmem>>, vector<16x196xf32>,
    %get3A_126 = arith.constant 7 : index
    %get3A_127 = arith.constant 0 : index
    %get3A_128 = arith.constant 0 : index
    %get3A_129 = vector.load %arg0[%get3A_126, %get3A_127, %get3A_128] : memref<16x48x196xf32, #tpu.memory_space<vmem>>, vector<1x48x196xf32>
    %get3A_130 = vector.shape_cast %get3A_129 : vector<1x48x196xf32> to vector<48x196xf32>
    %slice3A_131 = vector.extract_strided_slice %get3A_130 {offsets = [0, 0], sizes = [16, 196], strides = [1, 1]} : vector<48x196xf32> to vector<16x196xf32>
    %transpose3A_132 = tpu.transpose %slice3A_131, [1, 0] : vector<16x196xf32> -> vector<196x16xf32>
    %swap3A_133 = arith.constant 1372 : index
    %swap3A_134 = arith.constant 0 : index
    %swap3A_135 = vector.load %arg3[%swap3A_133, %swap3A_134] : memref<3136x16xf32, #tpu.memory_space<vmem>>, vector<196x16xf32>
    tpu.vector_store %arg3[%swap3A_133, %swap3A_134], %transpose3A_132 {strides = array<i32>} : memref<3136x16xf32, #tpu.memory_space<vmem>>, vector<196x16xf32>,
    %slice3A_136 = vector.extract_strided_slice %get3A_130 {offsets = [16, 0], sizes = [16, 196], strides = [1, 1]} : vector<48x196xf32> to vector<16x196xf32>
    %swap3A_137 = arith.constant 0 : index
    %swap3A_138 = arith.constant 1372 : index
    %swap3A_139 = vector.load %arg5[%swap3A_137, %swap3A_138] : memref<17x3136xf32, #tpu.memory_space<vmem>>, vector<16x196xf32>
    tpu.vector_store %arg5[%swap3A_137, %swap3A_138], %slice3A_136 {strides = array<i32>} : memref<17x3136xf32, #tpu.memory_space<vmem>>, vector<16x196xf32>,
    %slice3A_140 = vector.extract_strided_slice %get3A_130 {offsets = [32, 0], sizes = [16, 196], strides = [1, 1]} : vector<48x196xf32> to vector<16x196xf32>
    %swap3A_141 = arith.constant 0 : index
    %swap3A_142 = arith.constant 1372 : index
    %swap3A_143 = vector.load %arg4[%swap3A_141, %swap3A_142] : memref<32x3328xf32, #tpu.memory_space<vmem>>, vector<16x196xf32>
    tpu.vector_store %arg4[%swap3A_141, %swap3A_142], %slice3A_140 {strides = array<i32>} : memref<32x3328xf32, #tpu.memory_space<vmem>>, vector<16x196xf32>,
    %get3A_144 = arith.constant 8 : index
    %get3A_145 = arith.constant 0 : index
    %get3A_146 = arith.constant 0 : index
    %get3A_147 = vector.load %arg0[%get3A_144, %get3A_145, %get3A_146] : memref<16x48x196xf32, #tpu.memory_space<vmem>>, vector<1x48x196xf32>
    %get3A_148 = vector.shape_cast %get3A_147 : vector<1x48x196xf32> to vector<48x196xf32>
    %slice3A_149 = vector.extract_strided_slice %get3A_148 {offsets = [0, 0], sizes = [16, 196], strides = [1, 1]} : vector<48x196xf32> to vector<16x196xf32>
    %transpose3A_150 = tpu.transpose %slice3A_149, [1, 0] : vector<16x196xf32> -> vector<196x16xf32>
    %swap3A_151 = arith.constant 1568 : index
    %swap3A_152 = arith.constant 0 : index
    %swap3A_153 = vector.load %arg3[%swap3A_151, %swap3A_152] : memref<3136x16xf32, #tpu.memory_space<vmem>>, vector<196x16xf32>
    tpu.vector_store %arg3[%swap3A_151, %swap3A_152], %transpose3A_150 {strides = array<i32>} : memref<3136x16xf32, #tpu.memory_space<vmem>>, vector<196x16xf32>,
    %slice3A_154 = vector.extract_strided_slice %get3A_148 {offsets = [16, 0], sizes = [16, 196], strides = [1, 1]} : vector<48x196xf32> to vector<16x196xf32>
    %swap3A_155 = arith.constant 0 : index
    %swap3A_156 = arith.constant 1568 : index
    %swap3A_157 = vector.load %arg5[%swap3A_155, %swap3A_156] : memref<17x3136xf32, #tpu.memory_space<vmem>>, vector<16x196xf32>
    tpu.vector_store %arg5[%swap3A_155, %swap3A_156], %slice3A_154 {strides = array<i32>} : memref<17x3136xf32, #tpu.memory_space<vmem>>, vector<16x196xf32>,
    %slice3A_158 = vector.extract_strided_slice %get3A_148 {offsets = [32, 0], sizes = [16, 196], strides = [1, 1]} : vector<48x196xf32> to vector<16x196xf32>
    %swap3A_159 = arith.constant 0 : index
    %swap3A_160 = arith.constant 1568 : index
    %swap3A_161 = vector.load %arg4[%swap3A_159, %swap3A_160] : memref<32x3328xf32, #tpu.memory_space<vmem>>, vector<16x196xf32>
    tpu.vector_store %arg4[%swap3A_159, %swap3A_160], %slice3A_158 {strides = array<i32>} : memref<32x3328xf32, #tpu.memory_space<vmem>>, vector<16x196xf32>,
    %get3A_162 = arith.constant 9 : index
    %get3A_163 = arith.constant 0 : index
    %get3A_164 = arith.constant 0 : index
    %get3A_165 = vector.load %arg0[%get3A_162, %get3A_163, %get3A_164] : memref<16x48x196xf32, #tpu.memory_space<vmem>>, vector<1x48x196xf32>
    %get3A_166 = vector.shape_cast %get3A_165 : vector<1x48x196xf32> to vector<48x196xf32>
    %slice3A_167 = vector.extract_strided_slice %get3A_166 {offsets = [0, 0], sizes = [16, 196], strides = [1, 1]} : vector<48x196xf32> to vector<16x196xf32>
    %transpose3A_168 = tpu.transpose %slice3A_167, [1, 0] : vector<16x196xf32> -> vector<196x16xf32>
    %swap3A_169 = arith.constant 1764 : index
    %swap3A_170 = arith.constant 0 : index
    %swap3A_171 = vector.load %arg3[%swap3A_169, %swap3A_170] : memref<3136x16xf32, #tpu.memory_space<vmem>>, vector<196x16xf32>
    tpu.vector_store %arg3[%swap3A_169, %swap3A_170], %transpose3A_168 {strides = array<i32>} : memref<3136x16xf32, #tpu.memory_space<vmem>>, vector<196x16xf32>,
    %slice3A_172 = vector.extract_strided_slice %get3A_166 {offsets = [16, 0], sizes = [16, 196], strides = [1, 1]} : vector<48x196xf32> to vector<16x196xf32>
    %swap3A_173 = arith.constant 0 : index
    %swap3A_174 = arith.constant 1764 : index
    %swap3A_175 = vector.load %arg5[%swap3A_173, %swap3A_174] : memref<17x3136xf32, #tpu.memory_space<vmem>>, vector<16x196xf32>
    tpu.vector_store %arg5[%swap3A_173, %swap3A_174], %slice3A_172 {strides = array<i32>} : memref<17x3136xf32, #tpu.memory_space<vmem>>, vector<16x196xf32>,
    %slice3A_176 = vector.extract_strided_slice %get3A_166 {offsets = [32, 0], sizes = [16, 196], strides = [1, 1]} : vector<48x196xf32> to vector<16x196xf32>
    %swap3A_177 = arith.constant 0 : index
    %swap3A_178 = arith.constant 1764 : index
    %swap3A_179 = vector.load %arg4[%swap3A_177, %swap3A_178] : memref<32x3328xf32, #tpu.memory_space<vmem>>, vector<16x196xf32>
    tpu.vector_store %arg4[%swap3A_177, %swap3A_178], %slice3A_176 {strides = array<i32>} : memref<32x3328xf32, #tpu.memory_space<vmem>>, vector<16x196xf32>,
    %get3A_180 = arith.constant 10 : index
    %get3A_181 = arith.constant 0 : index
    %get3A_182 = arith.constant 0 : index
    %get3A_183 = vector.load %arg0[%get3A_180, %get3A_181, %get3A_182] : memref<16x48x196xf32, #tpu.memory_space<vmem>>, vector<1x48x196xf32>
    %get3A_184 = vector.shape_cast %get3A_183 : vector<1x48x196xf32> to vector<48x196xf32>
    %slice3A_185 = vector.extract_strided_slice %get3A_184 {offsets = [0, 0], sizes = [16, 196], strides = [1, 1]} : vector<48x196xf32> to vector<16x196xf32>
    %transpose3A_186 = tpu.transpose %slice3A_185, [1, 0] : vector<16x196xf32> -> vector<196x16xf32>
    %swap3A_187 = arith.constant 1960 : index
    %swap3A_188 = arith.constant 0 : index
    %swap3A_189 = vector.load %arg3[%swap3A_187, %swap3A_188] : memref<3136x16xf32, #tpu.memory_space<vmem>>, vector<196x16xf32>
    tpu.vector_store %arg3[%swap3A_187, %swap3A_188], %transpose3A_186 {strides = array<i32>} : memref<3136x16xf32, #tpu.memory_space<vmem>>, vector<196x16xf32>,
    %slice3A_190 = vector.extract_strided_slice %get3A_184 {offsets = [16, 0], sizes = [16, 196], strides = [1, 1]} : vector<48x196xf32> to vector<16x196xf32>
    %swap3A_191 = arith.constant 0 : index
    %swap3A_192 = arith.constant 1960 : index
    %swap3A_193 = vector.load %arg5[%swap3A_191, %swap3A_192] : memref<17x3136xf32, #tpu.memory_space<vmem>>, vector<16x196xf32>
    tpu.vector_store %arg5[%swap3A_191, %swap3A_192], %slice3A_190 {strides = array<i32>} : memref<17x3136xf32, #tpu.memory_space<vmem>>, vector<16x196xf32>,
    %slice3A_194 = vector.extract_strided_slice %get3A_184 {offsets = [32, 0], sizes = [16, 196], strides = [1, 1]} : vector<48x196xf32> to vector<16x196xf32>
    %swap3A_195 = arith.constant 0 : index
    %swap3A_196 = arith.constant 1960 : index
    %swap3A_197 = vector.load %arg4[%swap3A_195, %swap3A_196] : memref<32x3328xf32, #tpu.memory_space<vmem>>, vector<16x196xf32>
    tpu.vector_store %arg4[%swap3A_195, %swap3A_196], %slice3A_194 {strides = array<i32>} : memref<32x3328xf32, #tpu.memory_space<vmem>>, vector<16x196xf32>,
    %get3A_198 = arith.constant 11 : index
    %get3A_199 = arith.constant 0 : index
    %get3A_200 = arith.constant 0 : index
    %get3A_201 = vector.load %arg0[%get3A_198, %get3A_199, %get3A_200] : memref<16x48x196xf32, #tpu.memory_space<vmem>>, vector<1x48x196xf32>
    %get3A_202 = vector.shape_cast %get3A_201 : vector<1x48x196xf32> to vector<48x196xf32>
    %slice3A_203 = vector.extract_strided_slice %get3A_202 {offsets = [0, 0], sizes = [16, 196], strides = [1, 1]} : vector<48x196xf32> to vector<16x196xf32>
    %transpose3A_204 = tpu.transpose %slice3A_203, [1, 0] : vector<16x196xf32> -> vector<196x16xf32>
    %swap3A_205 = arith.constant 2156 : index
    %swap3A_206 = arith.constant 0 : index
    %swap3A_207 = vector.load %arg3[%swap3A_205, %swap3A_206] : memref<3136x16xf32, #tpu.memory_space<vmem>>, vector<196x16xf32>
    tpu.vector_store %arg3[%swap3A_205, %swap3A_206], %transpose3A_204 {strides = array<i32>} : memref<3136x16xf32, #tpu.memory_space<vmem>>, vector<196x16xf32>,
    %slice3A_208 = vector.extract_strided_slice %get3A_202 {offsets = [16, 0], sizes = [16, 196], strides = [1, 1]} : vector<48x196xf32> to vector<16x196xf32>
    %swap3A_209 = arith.constant 0 : index
    %swap3A_210 = arith.constant 2156 : index
    %swap3A_211 = vector.load %arg5[%swap3A_209, %swap3A_210] : memref<17x3136xf32, #tpu.memory_space<vmem>>, vector<16x196xf32>
    tpu.vector_store %arg5[%swap3A_209, %swap3A_210], %slice3A_208 {strides = array<i32>} : memref<17x3136xf32, #tpu.memory_space<vmem>>, vector<16x196xf32>,
    %slice3A_212 = vector.extract_strided_slice %get3A_202 {offsets = [32, 0], sizes = [16, 196], strides = [1, 1]} : vector<48x196xf32> to vector<16x196xf32>
    %swap3A_213 = arith.constant 0 : index
    %swap3A_214 = arith.constant 2156 : index
    %swap3A_215 = vector.load %arg4[%swap3A_213, %swap3A_214] : memref<32x3328xf32, #tpu.memory_space<vmem>>, vector<16x196xf32>
    tpu.vector_store %arg4[%swap3A_213, %swap3A_214], %slice3A_212 {strides = array<i32>} : memref<32x3328xf32, #tpu.memory_space<vmem>>, vector<16x196xf32>,
    %get3A_216 = arith.constant 12 : index
    %get3A_217 = arith.constant 0 : index
    %get3A_218 = arith.constant 0 : index
    %get3A_219 = vector.load %arg0[%get3A_216, %get3A_217, %get3A_218] : memref<16x48x196xf32, #tpu.memory_space<vmem>>, vector<1x48x196xf32>
    %get3A_220 = vector.shape_cast %get3A_219 : vector<1x48x196xf32> to vector<48x196xf32>
    %slice3A_221 = vector.extract_strided_slice %get3A_220 {offsets = [0, 0], sizes = [16, 196], strides = [1, 1]} : vector<48x196xf32> to vector<16x196xf32>
    %transpose3A_222 = tpu.transpose %slice3A_221, [1, 0] : vector<16x196xf32> -> vector<196x16xf32>
    %swap3A_223 = arith.constant 2352 : index
    %swap3A_224 = arith.constant 0 : index
    %swap3A_225 = vector.load %arg3[%swap3A_223, %swap3A_224] : memref<3136x16xf32, #tpu.memory_space<vmem>>, vector<196x16xf32>
    tpu.vector_store %arg3[%swap3A_223, %swap3A_224], %transpose3A_222 {strides = array<i32>} : memref<3136x16xf32, #tpu.memory_space<vmem>>, vector<196x16xf32>,
    %slice3A_226 = vector.extract_strided_slice %get3A_220 {offsets = [16, 0], sizes = [16, 196], strides = [1, 1]} : vector<48x196xf32> to vector<16x196xf32>
    %swap3A_227 = arith.constant 0 : index
    %swap3A_228 = arith.constant 2352 : index
    %swap3A_229 = vector.load %arg5[%swap3A_227, %swap3A_228] : memref<17x3136xf32, #tpu.memory_space<vmem>>, vector<16x196xf32>
    tpu.vector_store %arg5[%swap3A_227, %swap3A_228], %slice3A_226 {strides = array<i32>} : memref<17x3136xf32, #tpu.memory_space<vmem>>, vector<16x196xf32>,
    %slice3A_230 = vector.extract_strided_slice %get3A_220 {offsets = [32, 0], sizes = [16, 196], strides = [1, 1]} : vector<48x196xf32> to vector<16x196xf32>
    %swap3A_231 = arith.constant 0 : index
    %swap3A_232 = arith.constant 2352 : index
    %swap3A_233 = vector.load %arg4[%swap3A_231, %swap3A_232] : memref<32x3328xf32, #tpu.memory_space<vmem>>, vector<16x196xf32>
    tpu.vector_store %arg4[%swap3A_231, %swap3A_232], %slice3A_230 {strides = array<i32>} : memref<32x3328xf32, #tpu.memory_space<vmem>>, vector<16x196xf32>,
    %get3A_234 = arith.constant 13 : index
    %get3A_235 = arith.constant 0 : index
    %get3A_236 = arith.constant 0 : index
    %get3A_237 = vector.load %arg0[%get3A_234, %get3A_235, %get3A_236] : memref<16x48x196xf32, #tpu.memory_space<vmem>>, vector<1x48x196xf32>
    %get3A_238 = vector.shape_cast %get3A_237 : vector<1x48x196xf32> to vector<48x196xf32>
    %slice3A_239 = vector.extract_strided_slice %get3A_238 {offsets = [0, 0], sizes = [16, 196], strides = [1, 1]} : vector<48x196xf32> to vector<16x196xf32>
    %transpose3A_240 = tpu.transpose %slice3A_239, [1, 0] : vector<16x196xf32> -> vector<196x16xf32>
    %swap3A_241 = arith.constant 2548 : index
    %swap3A_242 = arith.constant 0 : index
    %swap3A_243 = vector.load %arg3[%swap3A_241, %swap3A_242] : memref<3136x16xf32, #tpu.memory_space<vmem>>, vector<196x16xf32>
    tpu.vector_store %arg3[%swap3A_241, %swap3A_242], %transpose3A_240 {strides = array<i32>} : memref<3136x16xf32, #tpu.memory_space<vmem>>, vector<196x16xf32>,
    %slice3A_244 = vector.extract_strided_slice %get3A_238 {offsets = [16, 0], sizes = [16, 196], strides = [1, 1]} : vector<48x196xf32> to vector<16x196xf32>
    %swap3A_245 = arith.constant 0 : index
    %swap3A_246 = arith.constant 2548 : index
    %swap3A_247 = vector.load %arg5[%swap3A_245, %swap3A_246] : memref<17x3136xf32, #tpu.memory_space<vmem>>, vector<16x196xf32>
    tpu.vector_store %arg5[%swap3A_245, %swap3A_246], %slice3A_244 {strides = array<i32>} : memref<17x3136xf32, #tpu.memory_space<vmem>>, vector<16x196xf32>,
    %slice3A_248 = vector.extract_strided_slice %get3A_238 {offsets = [32, 0], sizes = [16, 196], strides = [1, 1]} : vector<48x196xf32> to vector<16x196xf32>
    %swap3A_249 = arith.constant 0 : index
    %swap3A_250 = arith.constant 2548 : index
    %swap3A_251 = vector.load %arg4[%swap3A_249, %swap3A_250] : memref<32x3328xf32, #tpu.memory_space<vmem>>, vector<16x196xf32>
    tpu.vector_store %arg4[%swap3A_249, %swap3A_250], %slice3A_248 {strides = array<i32>} : memref<32x3328xf32, #tpu.memory_space<vmem>>, vector<16x196xf32>,
    %get3A_252 = arith.constant 14 : index
    %get3A_253 = arith.constant 0 : index
    %get3A_254 = arith.constant 0 : index
    %get3A_255 = vector.load %arg0[%get3A_252, %get3A_253, %get3A_254] : memref<16x48x196xf32, #tpu.memory_space<vmem>>, vector<1x48x196xf32>
    %get3A_256 = vector.shape_cast %get3A_255 : vector<1x48x196xf32> to vector<48x196xf32>
    %slice3A_257 = vector.extract_strided_slice %get3A_256 {offsets = [0, 0], sizes = [16, 196], strides = [1, 1]} : vector<48x196xf32> to vector<16x196xf32>
    %transpose3A_258 = tpu.transpose %slice3A_257, [1, 0] : vector<16x196xf32> -> vector<196x16xf32>
    %swap3A_259 = arith.constant 2744 : index
    %swap3A_260 = arith.constant 0 : index
    %swap3A_261 = vector.load %arg3[%swap3A_259, %swap3A_260] : memref<3136x16xf32, #tpu.memory_space<vmem>>, vector<196x16xf32>
    tpu.vector_store %arg3[%swap3A_259, %swap3A_260], %transpose3A_258 {strides = array<i32>} : memref<3136x16xf32, #tpu.memory_space<vmem>>, vector<196x16xf32>,
    %slice3A_262 = vector.extract_strided_slice %get3A_256 {offsets = [16, 0], sizes = [16, 196], strides = [1, 1]} : vector<48x196xf32> to vector<16x196xf32>
    %swap3A_263 = arith.constant 0 : index
    %swap3A_264 = arith.constant 2744 : index
    %swap3A_265 = vector.load %arg5[%swap3A_263, %swap3A_264] : memref<17x3136xf32, #tpu.memory_space<vmem>>, vector<16x196xf32>
    tpu.vector_store %arg5[%swap3A_263, %swap3A_264], %slice3A_262 {strides = array<i32>} : memref<17x3136xf32, #tpu.memory_space<vmem>>, vector<16x196xf32>,
    %slice3A_266 = vector.extract_strided_slice %get3A_256 {offsets = [32, 0], sizes = [16, 196], strides = [1, 1]} : vector<48x196xf32> to vector<16x196xf32>
    %swap3A_267 = arith.constant 0 : index
    %swap3A_268 = arith.constant 2744 : index
    %swap3A_269 = vector.load %arg4[%swap3A_267, %swap3A_268] : memref<32x3328xf32, #tpu.memory_space<vmem>>, vector<16x196xf32>
    tpu.vector_store %arg4[%swap3A_267, %swap3A_268], %slice3A_266 {strides = array<i32>} : memref<32x3328xf32, #tpu.memory_space<vmem>>, vector<16x196xf32>,
    %get3A_270 = arith.constant 15 : index
    %get3A_271 = arith.constant 0 : index
    %get3A_272 = arith.constant 0 : index
    %get3A_273 = vector.load %arg0[%get3A_270, %get3A_271, %get3A_272] : memref<16x48x196xf32, #tpu.memory_space<vmem>>, vector<1x48x196xf32>
    %get3A_274 = vector.shape_cast %get3A_273 : vector<1x48x196xf32> to vector<48x196xf32>
    %slice3A_275 = vector.extract_strided_slice %get3A_274 {offsets = [0, 0], sizes = [16, 196], strides = [1, 1]} : vector<48x196xf32> to vector<16x196xf32>
    %transpose3A_276 = tpu.transpose %slice3A_275, [1, 0] : vector<16x196xf32> -> vector<196x16xf32>
    %swap3A_277 = arith.constant 2940 : index
    %swap3A_278 = arith.constant 0 : index
    %swap3A_279 = vector.load %arg3[%swap3A_277, %swap3A_278] : memref<3136x16xf32, #tpu.memory_space<vmem>>, vector<196x16xf32>
    tpu.vector_store %arg3[%swap3A_277, %swap3A_278], %transpose3A_276 {strides = array<i32>} : memref<3136x16xf32, #tpu.memory_space<vmem>>, vector<196x16xf32>,
    %slice3A_280 = vector.extract_strided_slice %get3A_274 {offsets = [16, 0], sizes = [16, 196], strides = [1, 1]} : vector<48x196xf32> to vector<16x196xf32>
    %swap3A_281 = arith.constant 0 : index
    %swap3A_282 = arith.constant 2940 : index
    %swap3A_283 = vector.load %arg5[%swap3A_281, %swap3A_282] : memref<17x3136xf32, #tpu.memory_space<vmem>>, vector<16x196xf32>
    tpu.vector_store %arg5[%swap3A_281, %swap3A_282], %slice3A_280 {strides = array<i32>} : memref<17x3136xf32, #tpu.memory_space<vmem>>, vector<16x196xf32>,
    %slice3A_284 = vector.extract_strided_slice %get3A_274 {offsets = [32, 0], sizes = [16, 196], strides = [1, 1]} : vector<48x196xf32> to vector<16x196xf32>
    %swap3A_285 = arith.constant 0 : index
    %swap3A_286 = arith.constant 2940 : index
    %swap3A_287 = vector.load %arg4[%swap3A_285, %swap3A_286] : memref<32x3328xf32, #tpu.memory_space<vmem>>, vector<16x196xf32>
    tpu.vector_store %arg4[%swap3A_285, %swap3A_286], %slice3A_284 {strides = array<i32>} : memref<32x3328xf32, #tpu.memory_space<vmem>>, vector<16x196xf32>,
    %broadcast_in_dim3A_288 = arith.constant 1.000000e+00 : f32
    %broadcast_in_dim3A_289 = vector.broadcast %broadcast_in_dim3A_288 : f32 to vector<1x3136xf32>
    %swap3A_290 = arith.constant 16 : index
    %swap3A_291 = arith.constant 0 : index
    %swap3A_292 = vector.load %arg5[%swap3A_290, %swap3A_291] : memref<17x3136xf32, #tpu.memory_space<vmem>>, vector<1x3136xf32>
    tpu.vector_store %arg5[%swap3A_290, %swap3A_291], %broadcast_in_dim3A_289 {strides = array<i32>} : memref<17x3136xf32, #tpu.memory_space<vmem>>, vector<1x3136xf32>,
    %broadcast_in_dim3A_293 = arith.constant 1.000000e+00 : f32
    %broadcast_in_dim3A_294 = vector.broadcast %broadcast_in_dim3A_293 : f32 to vector<1x3136xf32>
    %swap3A_295 = arith.constant 16 : index
    %swap3A_296 = arith.constant 0 : index
    %swap3A_297 = vector.load %arg4[%swap3A_295, %swap3A_296] : memref<32x3328xf32, #tpu.memory_space<vmem>>, vector<1x3136xf32>
    tpu.vector_store %arg4[%swap3A_295, %swap3A_296], %broadcast_in_dim3A_294 {strides = array<i32>} : memref<32x3328xf32, #tpu.memory_space<vmem>>, vector<1x3136xf32>,
    %get3A_298 = arith.constant 0 : index
    %get3A_299 = arith.constant 0 : index
    %get3A_300 = vector.load %arg1[%get3A_298, %get3A_299] : memref<512x16xf32, #tpu.memory_space<vmem>>, vector<512x16xf32>
    %mul3A = arith.mulf %get3A_300, %get3A_300 : vector<512x16xf32>
    %reduce_sum3A = arith.constant dense<0.000000e+00> : vector<512xf32>
    %reduce_sum3A_301 = vector.multi_reduction <add>, %mul3A, %reduce_sum3A [1] : vector<512x16xf32> to vector<512xf32>
    %broadcast_in_dim3A_302 = vector.shape_cast %reduce_sum3A_301 : vector<512xf32> to vector<512x1xf32>
    %mul3A_303 = arith.constant -2.000000e+00 : f32
    %mul3A_304 = vector.broadcast %mul3A_303 : f32 to vector<512x16xf32>
    %mul3A_305 = arith.mulf %get3A_300, %mul3A_304 : vector<512x16xf32>
    %concatenate3A = tpu.concatenate %mul3A_305, %broadcast_in_dim3A_302 in 1 : vector<512x16xf32>, vector<512x1xf32> -> vector<512x17xf32>
    %get3A_306 = arith.constant 0 : index
    %get3A_307 = arith.constant 0 : index
    %get3A_308 = vector.load %arg5[%get3A_306, %get3A_307] : memref<17x3136xf32, #tpu.memory_space<vmem>>, vector<17x3136xf32>
    %dot_general3A = arith.constant dense<0.000000e+00> : vector<512x3136xf32>
    %dot_general3A_309 = tpu.matmul %concatenate3A, %get3A_308, %dot_general3A {dimension_numbers = #tpu.dot_dimension_numbers<[1], [0], [0], [1], [0, 0, 1, 1], [], []>, precision = #tpu.contract_precision<fp32>, transpose_lhs_hint = false} : vector<512x17xf32>, vector<17x3136xf32>, vector<512x3136xf32> -> vector<512x3136xf32>
    %reduce_min3A = arith.constant dense<0x7F800000> : vector<3136xf32>
    %reduce_min3A_310 = vector.multi_reduction <minimumf>, %dot_general3A_309, %reduce_min3A [0] : vector<512x3136xf32> to vector<3136xf32>
    %broadcast_in_dim3A_311 = vector.shape_cast %reduce_min3A_310 : vector<3136xf32> to vector<1x3136xf32>
    %iota3A = tpu.iota {dimensions = array<i32: 0>} : vector<512x3136xi32>
    %eq3A = vector.broadcast %broadcast_in_dim3A_311 : vector<1x3136xf32> to vector<512x3136xf32>
    %eq3A_312 = arith.cmpf oeq, %dot_general3A_309, %eq3A : vector<512x3136xf32>
    %jit3A = arith.constant 512 : i32
    %broadcast_in_dim3A_313 = vector.broadcast %jit3A : i32 to vector<512x3136xi32>
    %select_n3A = arith.select %eq3A_312, %iota3A, %broadcast_in_dim3A_313 : vector<512x3136xi1>, vector<512x3136xi32>
    %reduce_min3A_314 = arith.constant dense<2147483647> : vector<3136xi32>
    %reduce_min3A_315 = vector.multi_reduction <minsi>, %select_n3A, %reduce_min3A_314 [0] : vector<512x3136xi32> to vector<3136xi32>
    %broadcast_in_dim3A_316 = vector.shape_cast %reduce_min3A_315 : vector<3136xi32> to vector<1x3136xi32>
    %swap3A_317 = arith.constant 0 : index
    %swap3A_318 = arith.constant 0 : index
    %swap3A_319 = vector.load %arg2[%swap3A_317, %swap3A_318] : memref<1x3328xi32, #tpu.memory_space<vmem>>, vector<1x3136xi32>
    tpu.vector_store %arg2[%swap3A_317, %swap3A_318], %broadcast_in_dim3A_316 {strides = array<i32>} : memref<1x3328xi32, #tpu.memory_space<vmem>>, vector<1x3136xi32>,
    %broadcast_in_dim3A_320 = arith.constant 512 : i32
    %broadcast_in_dim3A_321 = vector.broadcast %broadcast_in_dim3A_320 : i32 to vector<1x192xi32>
    %swap3A_322 = arith.constant 0 : index
    %swap3A_323 = arith.constant 3136 : index
    %swap3A_324 = vector.load %arg2[%swap3A_322, %swap3A_323] : memref<1x3328xi32, #tpu.memory_space<vmem>>, vector<1x192xi32>
    tpu.vector_store %arg2[%swap3A_322, %swap3A_323], %broadcast_in_dim3A_321 {strides = array<i32>} : memref<1x3328xi32, #tpu.memory_space<vmem>>, vector<1x192xi32>,
    return
  }
}

module attributes {stable_mosaic.version = 14 : i64} {
  func.func @_combine_kernel(%arg0: memref<3136x16xf32, #tpu.memory_space<vmem>>, %arg1: memref<512x16xf32, #tpu.memory_space<vmem>>, %arg2: memref<13x513x32xf32, #tpu.memory_space<vmem>>, %arg3: memref<3136x16xf32, #tpu.memory_space<vmem>>) attributes {dimension_semantics = [], scalar_prefetch = 0 : i64, scratch_operands = 0 : i64, tpu.core_type = #tpu.core_type<tc>} {
    %get3A = arith.constant 0 : index
    %get3A_0 = arith.constant 0 : index
    %get3A_1 = arith.constant 0 : index
    %get3A_2 = vector.load %arg2[%get3A, %get3A_0, %get3A_1] : memref<13x513x32xf32, #tpu.memory_space<vmem>>, vector<1x512x17xf32>
    %get3A_3 = vector.shape_cast %get3A_2 : vector<1x512x17xf32> to vector<512x17xf32>
    %get3A_4 = arith.constant 1 : index
    %get3A_5 = arith.constant 0 : index
    %get3A_6 = arith.constant 0 : index
    %get3A_7 = vector.load %arg2[%get3A_4, %get3A_5, %get3A_6] : memref<13x513x32xf32, #tpu.memory_space<vmem>>, vector<1x512x17xf32>
    %get3A_8 = vector.shape_cast %get3A_7 : vector<1x512x17xf32> to vector<512x17xf32>
    %add3A = arith.addf %get3A_3, %get3A_8 : vector<512x17xf32>
    %get3A_9 = arith.constant 2 : index
    %get3A_10 = arith.constant 0 : index
    %get3A_11 = arith.constant 0 : index
    %get3A_12 = vector.load %arg2[%get3A_9, %get3A_10, %get3A_11] : memref<13x513x32xf32, #tpu.memory_space<vmem>>, vector<1x512x17xf32>
    %get3A_13 = vector.shape_cast %get3A_12 : vector<1x512x17xf32> to vector<512x17xf32>
    %add3A_14 = arith.addf %add3A, %get3A_13 : vector<512x17xf32>
    %get3A_15 = arith.constant 3 : index
    %get3A_16 = arith.constant 0 : index
    %get3A_17 = arith.constant 0 : index
    %get3A_18 = vector.load %arg2[%get3A_15, %get3A_16, %get3A_17] : memref<13x513x32xf32, #tpu.memory_space<vmem>>, vector<1x512x17xf32>
    %get3A_19 = vector.shape_cast %get3A_18 : vector<1x512x17xf32> to vector<512x17xf32>
    %add3A_20 = arith.addf %add3A_14, %get3A_19 : vector<512x17xf32>
    %get3A_21 = arith.constant 4 : index
    %get3A_22 = arith.constant 0 : index
    %get3A_23 = arith.constant 0 : index
    %get3A_24 = vector.load %arg2[%get3A_21, %get3A_22, %get3A_23] : memref<13x513x32xf32, #tpu.memory_space<vmem>>, vector<1x512x17xf32>
    %get3A_25 = vector.shape_cast %get3A_24 : vector<1x512x17xf32> to vector<512x17xf32>
    %add3A_26 = arith.addf %add3A_20, %get3A_25 : vector<512x17xf32>
    %get3A_27 = arith.constant 5 : index
    %get3A_28 = arith.constant 0 : index
    %get3A_29 = arith.constant 0 : index
    %get3A_30 = vector.load %arg2[%get3A_27, %get3A_28, %get3A_29] : memref<13x513x32xf32, #tpu.memory_space<vmem>>, vector<1x512x17xf32>
    %get3A_31 = vector.shape_cast %get3A_30 : vector<1x512x17xf32> to vector<512x17xf32>
    %add3A_32 = arith.addf %add3A_26, %get3A_31 : vector<512x17xf32>
    %get3A_33 = arith.constant 6 : index
    %get3A_34 = arith.constant 0 : index
    %get3A_35 = arith.constant 0 : index
    %get3A_36 = vector.load %arg2[%get3A_33, %get3A_34, %get3A_35] : memref<13x513x32xf32, #tpu.memory_space<vmem>>, vector<1x512x17xf32>
    %get3A_37 = vector.shape_cast %get3A_36 : vector<1x512x17xf32> to vector<512x17xf32>
    %add3A_38 = arith.addf %add3A_32, %get3A_37 : vector<512x17xf32>
    %get3A_39 = arith.constant 7 : index
    %get3A_40 = arith.constant 0 : index
    %get3A_41 = arith.constant 0 : index
    %get3A_42 = vector.load %arg2[%get3A_39, %get3A_40, %get3A_41] : memref<13x513x32xf32, #tpu.memory_space<vmem>>, vector<1x512x17xf32>
    %get3A_43 = vector.shape_cast %get3A_42 : vector<1x512x17xf32> to vector<512x17xf32>
    %add3A_44 = arith.addf %add3A_38, %get3A_43 : vector<512x17xf32>
    %get3A_45 = arith.constant 8 : index
    %get3A_46 = arith.constant 0 : index
    %get3A_47 = arith.constant 0 : index
    %get3A_48 = vector.load %arg2[%get3A_45, %get3A_46, %get3A_47] : memref<13x513x32xf32, #tpu.memory_space<vmem>>, vector<1x512x17xf32>
    %get3A_49 = vector.shape_cast %get3A_48 : vector<1x512x17xf32> to vector<512x17xf32>
    %add3A_50 = arith.addf %add3A_44, %get3A_49 : vector<512x17xf32>
    %get3A_51 = arith.constant 9 : index
    %get3A_52 = arith.constant 0 : index
    %get3A_53 = arith.constant 0 : index
    %get3A_54 = vector.load %arg2[%get3A_51, %get3A_52, %get3A_53] : memref<13x513x32xf32, #tpu.memory_space<vmem>>, vector<1x512x17xf32>
    %get3A_55 = vector.shape_cast %get3A_54 : vector<1x512x17xf32> to vector<512x17xf32>
    %add3A_56 = arith.addf %add3A_50, %get3A_55 : vector<512x17xf32>
    %get3A_57 = arith.constant 10 : index
    %get3A_58 = arith.constant 0 : index
    %get3A_59 = arith.constant 0 : index
    %get3A_60 = vector.load %arg2[%get3A_57, %get3A_58, %get3A_59] : memref<13x513x32xf32, #tpu.memory_space<vmem>>, vector<1x512x17xf32>
    %get3A_61 = vector.shape_cast %get3A_60 : vector<1x512x17xf32> to vector<512x17xf32>
    %add3A_62 = arith.addf %add3A_56, %get3A_61 : vector<512x17xf32>
    %get3A_63 = arith.constant 11 : index
    %get3A_64 = arith.constant 0 : index
    %get3A_65 = arith.constant 0 : index
    %get3A_66 = vector.load %arg2[%get3A_63, %get3A_64, %get3A_65] : memref<13x513x32xf32, #tpu.memory_space<vmem>>, vector<1x512x17xf32>
    %get3A_67 = vector.shape_cast %get3A_66 : vector<1x512x17xf32> to vector<512x17xf32>
    %add3A_68 = arith.addf %add3A_62, %get3A_67 : vector<512x17xf32>
    %get3A_69 = arith.constant 12 : index
    %get3A_70 = arith.constant 0 : index
    %get3A_71 = arith.constant 0 : index
    %get3A_72 = vector.load %arg2[%get3A_69, %get3A_70, %get3A_71] : memref<13x513x32xf32, #tpu.memory_space<vmem>>, vector<1x512x17xf32>
    %get3A_73 = vector.shape_cast %get3A_72 : vector<1x512x17xf32> to vector<512x17xf32>
    %add3A_74 = arith.addf %add3A_68, %get3A_73 : vector<512x17xf32>
    %get3A_75 = arith.constant 0 : index
    %get3A_76 = arith.constant 0 : index
    %get3A_77 = vector.load %arg0[%get3A_75, %get3A_76] : memref<3136x16xf32, #tpu.memory_space<vmem>>, vector<3136x16xf32>
    %get3A_78 = arith.constant 0 : index
    %get3A_79 = arith.constant 0 : index
    %get3A_80 = vector.load %arg1[%get3A_78, %get3A_79] : memref<512x16xf32, #tpu.memory_space<vmem>>, vector<512x16xf32>
    %transpose3A = tpu.transpose %get3A_80, [1, 0] : vector<512x16xf32> -> vector<16x512xf32>
    %dot_general3A = arith.constant dense<0.000000e+00> : vector<3136x512xf32>
    %dot_general3A_81 = tpu.matmul %get3A_77, %transpose3A, %dot_general3A {dimension_numbers = #tpu.dot_dimension_numbers<[1], [0], [0], [1], [0, 0, 1, 1], [], []>, precision = #tpu.contract_precision<fp32>, transpose_lhs_hint = false} : vector<3136x16xf32>, vector<16x512xf32>, vector<3136x512xf32> -> vector<3136x512xf32>
    %exp3A = math.exp %dot_general3A_81 : vector<3136x512xf32>
    %dot_general3A_82 = arith.constant dense<0.000000e+00> : vector<3136x17xf32>
    %dot_general3A_83 = tpu.matmul %exp3A, %add3A_74, %dot_general3A_82 {dimension_numbers = #tpu.dot_dimension_numbers<[1], [0], [0], [1], [0, 0, 1, 1], [], []>, precision = #tpu.contract_precision<fp32>, transpose_lhs_hint = false} : vector<3136x512xf32>, vector<512x17xf32>, vector<3136x17xf32> -> vector<3136x17xf32>
    %slice3A = vector.extract_strided_slice %dot_general3A_83 {offsets = [0, 0], sizes = [3136, 16], strides = [1, 1]} : vector<3136x17xf32> to vector<3136x16xf32>
    %slice3A_84 = vector.extract_strided_slice %dot_general3A_83 {offsets = [0, 16], sizes = [3136, 1], strides = [1, 1]} : vector<3136x17xf32> to vector<3136x1xf32>
    %add3A_85 = arith.constant 1.000000e-15 : f32
    %add3A_86 = vector.broadcast %add3A_85 : f32 to vector<3136x1xf32>
    %add3A_87 = arith.addf %slice3A_84, %add3A_86 : vector<3136x1xf32>
    %div3A = vector.broadcast %add3A_87 : vector<3136x1xf32> to vector<3136x16xf32>
    %div3A_88 = arith.divf %slice3A, %div3A : vector<3136x16xf32>
    %swap3A = arith.constant 0 : index
    %swap3A_89 = arith.constant 0 : index
    %swap3A_90 = vector.load %arg3[%swap3A, %swap3A_89] : memref<3136x16xf32, #tpu.memory_space<vmem>>, vector<3136x16xf32>
    tpu.vector_store %arg3[%swap3A, %swap3A_89], %div3A_88 {strides = array<i32>} : memref<3136x16xf32, #tpu.memory_space<vmem>>, vector<3136x16xf32>,
    return
  }
}

</mosaic_0001>

<sc_bundles>
// kernel: kernel.5.cloned.1.call-start
scs
__scs_entry_jumppad:
0x0: {  	(pc) =	sbr.rel $0x88, $3  }
0x1: {  	(tag) =	ssettag $0x0;
	lr =	simm.s32 $0x1  }
0x2: {  	[smem:$0x3F9F] =	sst lr;
	_ =	strace $0xD0000000  }
0x3: {  	_ = 	snop  }
0x4: {  	_ = 	snop  }
0x5: {  	_ = 	snop  }
0x6: {  	_ = 	snop  }
0x7: {  	_ = 	snop  }
__scs_overlays_trampoline_lowered:
0x8: {  	[smem:$0x3FAE] =	sst s0  }
0x9: {  	[smem:$0x3FAF] =	sst s1  }
0xa: {  	[smem:$0x3FB0] =	sst s2  }
0xb: {  	[smem:$0x3FB1] =	sst s3  }
0xc: {  	[smem:$0x3FB2] =	sst s4  }
0xd: {  	[smem:$0x3FB3] =	sst s5  }
0xe: {  	[smem:$0x3FB4] =	sst s6  }
0xf: {  	[smem:$0x3FB5] =	sst s7  }
0x10: {  	[smem:$0x3FB6] =	sst s8  }
0x11: {  	[smem:$0x3FB7] =	sst s9;
	s0 =	simm.s32 @!p0 $0x0  }
0x12: {  	s1 =	sld [smem:$0x3F9D];
	s0 =	simm.s32 @p0 $0x1  }
0x13: {  	[smem:$0x3FB8] =	sst s0;
	s0 =	simm.s32 @!p1 $0x0  }
0x14: {  	s2 =	sld [smem:$0x3F9C];
	s0 =	simm.s32 @p1 $0x1  }
0x15: {  	[smem:$0x3FB9] =	sst s0;
	s0 =	simm.s32 @!p2 $0x0  }
0x16: {  	s3 =	sld [smem:$0x3FDB];
	s0 =	simm.s32 @p2 $0x1  }
0x17: {  	s4 =	simm.s32 $0x1BF5;
	[smem:$0x3FBB] =	sst s0  }
0x18: {  	s0 =	sld [smem:$0x3F9E];
	_ =	swait.ge [sflag:s4], $0x0  }
0x19: {  	s7 =	sld [smem:$0x3F9F]  }
0x1a: {  	s8 =	sadd.s32 $0xFFFFE003, lr  }
0x1b: {  	s9 =	sadd.s32 $0xFFFFFEF7, lr;
	s5 =	simm.s32 $0xFFFFFFFF;
	p2 =	slt.u32 s8, $0xFFFFF086  }
0x1c: {  	p1 =	slt.u32 s9, $0xF7A;
	s5 =	simm.s32 @!p2 $0x0  }
0x1d: {  	s5 =	simm.s32 @p1 $0x1;
	p0 =	seq.s32 s7, s2  }
0x1e: {  	s7 =	smul.u32 @!p0 $0xF7A, s2;
	p2 =	seq.s32 @!p0 s5, $0x0  }
0x1f: {  	s9 =	smul.u32 $0xF7A, s1;
	s8 =	simm.s32 @!p0 $0x1BF5;
	p2 =	por !p2, p0  }
0x20: {  	[sflag:s8] =	ssyncset.s32 @!p0 $0xFFFFF086;
	s6 =	sadd.s32 @!p0 s3, s7;
	s7 =	simm.s32 @!p0 $0x108  }
0x21: {  	s3 =	sadd.s32 s3, s9;
	s6 =	sadd.s32 @!p0 $0x88, s6;
	s7 =	simm.s32 @p2 $0x1082  }
0x22: {  	[simem:s7], [sflag:s8] =	dma.local @!p0 [hbm:s6], $0xF7A  }
0x23: {  	s9 =	sor.u32 $0xD0000000, s2;
	s6 =	simm.s32 $0x108;
	_ =	swait.ge @!p0 [sflag:s8], $0x0  }
0x24: {  	s3 =	sadd.s32 $0x88, s3;
	s6 =	simm.s32 @!p1 $0x1082;
	[sflag:s4] =	ssyncset.s32 $0xFFFFF086  }
0x25: {  	[simem:s6], [sflag:s4] =	dma.local [hbm:s3], $0xF7A  }
0x26: {  	[smem:$0x3F9F] =	sst s1;
	(tag) =	ssettag s2;
	_ =	strace s9  }
0x27: {  	s1 =	sld [smem:$0x3FAF]  }
0x28: {  	s2 =	sld [smem:$0x3FB0]  }
0x29: {  	s4 =	sld [smem:$0x3FB2]  }
0x2a: {  	p0 =	seq.s32 s5, $0x0;
	s5 =	sld [smem:$0x3FB3]  }
0x2b: {  	s6 =	sld [smem:$0x3FB4]  }
0x2c: {  	s7 =	sld [smem:$0x3FB5]  }
0x2d: {  	s3 =	simm.s32 $0x108;
	s8 =	sld [smem:$0x3FB6]  }
0x2e: {  	s3 =	simm.s32 @!p0 $0x1082;
	s9 =	sld [smem:$0x3FB7]  }
0x2f: {  	lr =	sadd.s32 s0, s3;
	s0 =	sld [smem:$0x3FAE]  }
0x30: {  	s3 =	sld [smem:$0x3FB1]  }
0x31: {  	[smem:$0x3FBA] =	sst s10  }
0x32: {  	s10 =	sld [smem:$0x3FB8];
	_ =	sdelay $0x3  }
0x33: {  	p0 =	seq.s32 s10, $0x1;
	s10 =	sld [smem:$0x3FBA];
	_ =	sdelay $0x3  }
0x34: {  	[smem:$0x3FBA] =	sst s10  }
0x35: {  	s10 =	sld [smem:$0x3FB9];
	_ =	sdelay $0x3  }
0x36: {  	p1 =	seq.s32 s10, $0x1;
	s10 =	sld [smem:$0x3FBA];
	_ =	sdelay $0x3  }
0x37: {  	[smem:$0x3FBA] =	sst s10  }
0x38: {  	s10 =	sld [smem:$0x3FBB]  }
0x39: {  	_ = 	snop;
	(pc) =	sbr.ind lr, $3  }
0x3a: {  	_ = 	snop  }
0x3b: {  	_ = 	snop  }
0x3c: {  	p2 =	seq.s32 s10, $0x1;
	s10 =	sld [smem:$0x3FBA]  }
0x3d: {  	_ =	shalt  }
0x3e: {  	_ =	shalt  }
0x3f: {  	_ =	shalt  }
0x40: {  	_ =	shalt  }
0x41: {  	_ =	shalt  }
0x42: {  	_ =	shalt  }
0x43: {  	_ =	shalt  }
0x44: {  	_ =	shalt  }
0x45: {  	_ =	shalt  }
0x46: {  	_ =	shalt  }
0x47: {  	_ =	shalt  }
0x48: {  	_ =	shalt  }
0x49: {  	_ =	shalt  }
0x4a: {  	_ =	shalt  }
0x4b: {  	_ =	shalt  }
0x4c: {  	_ =	shalt  }
0x4d: {  	_ =	shalt  }
0x4e: {  	_ =	shalt  }
0x4f: {  	_ =	shalt  }
0x50: {  	_ =	shalt  }
0x51: {  	_ =	shalt  }
0x52: {  	_ =	shalt  }
0x53: {  	_ =	shalt  }
0x54: {  	_ =	shalt  }
0x55: {  	_ =	shalt  }
0x56: {  	_ =	shalt  }
0x57: {  	_ =	shalt  }
0x58: {  	_ =	shalt  }
0x59: {  	_ =	shalt  }
0x5a: {  	_ =	shalt  }
0x5b: {  	_ =	shalt  }
0x5c: {  	_ =	shalt  }
0x5d: {  	_ =	shalt  }
0x5e: {  	_ =	shalt  }
0x5f: {  	_ =	shalt  }
0x60: {  	_ =	shalt  }
0x61: {  	_ =	shalt  }
0x62: {  	_ =	shalt  }
0x63: {  	_ =	shalt  }
0x64: {  	_ =	shalt  }
0x65: {  	_ =	shalt  }
0x66: {  	_ =	shalt  }
0x67: {  	_ =	shalt  }
0x68: {  	_ =	shalt  }
0x69: {  	_ =	shalt  }
0x6a: {  	_ =	shalt  }
0x6b: {  	_ =	shalt  }
0x6c: {  	_ =	shalt  }
0x6d: {  	_ =	shalt  }
0x6e: {  	_ =	shalt  }
0x6f: {  	_ =	shalt  }
0x70: {  	_ =	shalt  }
0x71: {  	_ =	shalt  }
0x72: {  	_ =	shalt  }
0x73: {  	_ =	shalt  }
0x74: {  	_ =	shalt  }
0x75: {  	_ =	shalt  }
0x76: {  	_ =	shalt  }
0x77: {  	_ =	shalt  }
0x78: {  	_ =	shalt  }
0x79: {  	_ =	shalt  }
0x7a: {  	_ =	shalt  }
0x7b: {  	_ =	shalt  }
0x7c: {  	_ =	shalt  }
0x7d: {  	_ =	shalt  }
0x7e: {  	_ =	shalt  }
0x7f: {  	_ =	shalt  }
0x80: {  	_ =	shalt  }
0x81: {  	_ =	shalt  }
0x82: {  	_ =	shalt  }
0x83: {  	_ =	shalt  }
0x84: {  	_ =	shalt  }
0x85: {  	_ =	shalt  }
0x86: {  	_ =	shalt  }
0x87: {  	_ =	shalt  }
.Lfunc_end0:
.L_simem_size_0:
called_computation_lowered:
.L_overlay_start_0:
0x88: {  	s2 =	sld [smem:$0x3FD9]  }
0x89: {  	s3 =	sld [smem:$0x3FFE];
	_ =	sdelay $0x1  }
0x8a: {  	s1 =	srdreg.scid  }
0x8b: {  	s0 =	sand.u32 $0x1, s1  }
0x8c: {  	s17 =	sshll.u32 s0, $0xA;
	s2 =	sadd.s32 s3, s2  }
0x8d: {  	s2 =	sadd.s32 s2, s17  }
0x8e: {  	[smem:$0x3FC6] =	sst s2  }
0x8f: {  	_ = 	snop  }
0x90: {  	s2 =	sld [smem:$0x3FD0];
	(tm) =	ssettm $0x1  }
0x91: {  	s18 =	sld [smem:$0x3FFB];
	_ =	sdelay $0x3  }
0x92: {  	_ =	strace s18  }
0x93: {  	s3 =	sld [smem:$0x3FFC];
	_ =	sdelay $0x3  }
0x94: {  	_ =	strace s3  }
0x95: {  	s3 =	sld [smem:$0x3FFD];
	_ =	sdelay $0x3  }
0x96: {  	_ =	strace s3  }
0x97: {  	_ =	strace $0x8FFFFFFF  }
0x98: {  	s19 =	sld [smem:$0x3FDB];
	_ =	sdelay $0x1  }
0x99: {  	s4 =	simm.s32 $_scs_section_size  }
0x9a: {  	s5 =	simm.s32 $_size__tile_overlayer_lowered;
	s6 =	simm.s32 $_tile_overlayer_lowered  }
0x9b: {  	s22 =	simm.s32 $0x1BFF;
	s21 =	sshll.u32 s6, $0x1;
	s3 =	sadd.s32 s4, s19  }
0x9c: {  	s7 =	simm.s32 $0x0;
	s20 =	sshll.u32 s5, $0x1;
	s5 =	sadd.s32 s21, s3  }
0x9d: {  	[timem:s7], [sflag:s22] =	dma.local [hbm:s5], s20  }
0x9e: {  	_ =	swait.ge [sflag:s22], s20  }
0x9f: {  	s4 =	ssub.s32 $0x0, s20;
	[sflag:s22] =	ssyncset.done $0x0  }
0xa0: {  	[sflag:s22] =	ssyncadd.s32 s4;
	_ =	sdelay $0x1  }
0xa1: {  	s23 =	simm.s32 $0x1B8B  }
0xa2: {  	_ =	swait.ge [sflag:s23], $0x1  }
0xa3: {  	[sflag:s23] =	ssyncset.done $0x0  }
0xa4: {  	s25 =	simm.s32 $0x1B8E;
	s24 =	sld [smem:$0x3FFE];
	[sflag:s23] =	ssyncadd.s32 $0xFFFFFFFF  }
0xa5: {  	s26 =	simm.s32 $execute0_lowered;
	[smem:$0x3FD2] =	sst s25  }
0xa6: {  	s5 =	sshll.u32 s26, $0x1;
	_ =	strace $0x80000046;
	[dreg:$0x1] =	wrdreg $0xFFFFFFFF  }
0xa7: {  	s28 =	simm.s32 $_size_execute0_lowered;
	s3 =	sadd.s32 s3, s5;
	[dreg:$0x0] =	wrdreg $0x0  }
0xa8: {  	s5 =	sshll.u32 s28, $0x1;
	[dreg:$0x2] =	wrdreg s3  }
0xa9: {  	[dreg:$0x3] =	wrdreg s5  }
0xaa: {  	[dreg:$0x4] =	wrdreg $0xC0  }
0xab: {  	_ =	task [dreg:s7], $0x5FFFF  }
0xac: {  	[dreg:$0x1] =	wrdreg $0xFFFFFFFF  }
0xad: {  	[dreg:$0x0] =	wrdreg $0x60  }
0xae: {  	[dreg:$0x2] =	wrdreg s24  }
0xaf: {  	[dreg:$0x3] =	wrdreg s2  }
0xb0: {  	[dreg:$0x4] =	wrdreg $0x9  }
0xb1: {  	_ =	task.clear_ibuf [dreg:s7], $0x5FFFF;
	_ =	strace $0x90000046  }
0xb2: {  	s29 =	simm.s32 $0x9;
	_ =	strace $0x80000048  }
0xb3: {  	_ =	swait.ge [sflag:s29], $0x1  }
0xb4: {  	[sflag:s29] =	ssyncadd.s32 $0xFFFFFFFF  }
0xb5: {  	_ =	strace $0x90000048  }
0xb6: {  	_ =	sfence  }
0xb7: {  	s30 =	sld [smem:$0x0];
	_ =	sdelay $0x2  }
0xb8: {  	s31 =	sshll.u32 s1, $0xD;
	s1 =	sshrl.u32 s1, $0x2  }
0xb9: {  	s3 =	sand.u32 $0x4000, s31;
	s1 =	sadd.s32 s1, s30  }
0xba: {  	s0 =	sor.u32 s3, s0;
	s1 =	sshll.u32 s1, $0x11  }
0xbb: {  	s0 =	sor.u32 s1, s0  }
0xbc: {  	s0 =	sadd.s32 $0x8F2B, s0  }
0xbd: {  	[sflag:s0] =	ssyncadd.remote.s32 $0x1  }
0xbe: {  	_ =	sfence.sel $0xFFFF  }
0xbf: {  	[dreg:$0x0] =	wrdreg $0xFFFFFFFF;
	(pc) =	sbr.abs _section_cstart, $3  }
0xc0: {  	[dreg:$0x1] =	wrdreg $0xFFFFFFFF  }
0xc1: {  	_ =	task.clear_ibuf [dreg:s7], $0x2FFFF;
	_ =	strace $0x9FFFFFFF  }
0xc2: {  	(tm) =	ssettm $0x7FFFFFFF  }
0xc3: {  	_ =	shalt  }
tec
execute0_lowered:
.L_overlay_start_1:
0x0: {  	(tag) =	ssettag $0x1  }
0x1: {  	s1 =	srdreg.scid;
	s0 =	stileid.u32  }
0x2: {  	s5 =	sand.u32 $0x1, s1;
	s6 =	sshll.u32 s0, $0x1  }
0x3: {  	s6 =	sor.u32 s5, s6  }
0x4: {  	p0 =	sgt.u32 s6, $0xC  }
.Ltmp0:
0x5: {  	_ = 	snop;
	(pc) =	sbr.rel @p0 .LBB2_3-.Ltmp0, $4  }
0x6: {  	s4 =	rddreg [dreg:$0x0]  }
0x7: {  	s2 =	rddreg [dreg:$0x1];
	s3 =	simm.s32 $0x0  }
0x8: {  	[smem:$0x7FF] =	sst s3  }
0x9: {  	s1 =	rddreg [dreg:$0x2];
	_ =	strace $0x80000047  }
0xa: {  	s7 =	sshrl.u32 s0, $0x2  }
0xb: {  	s8 =	sshll.u32 s6, $0x7;
	s9 =	sadd.s32 $0x3800, s4;
	s10 =	sshll.u32 s6, $0x8  }
0xc: {  	s28 =	ssub.s32 $0x2, s5;
	s31 =	sshll.u32 s6, $0x5;
	s11 =	simm.s32 $0x100  }
0xd: {  	s12 =	simm.s32 $0x2100;
	s13 =	simm.s32 $0x80;
	s7 =	smul.u32 $0x20400, s7  }
0xe: {  	s14 =	simm.s32 $0x400;
	s8 =	sand.u32 $0x380, s8;
	s26 =	sadd.s32 s10, s4  }
0xf: {  	s30 =	sshrl.u32 s28, $0x1;
	s6 =	sadd.s32 s9, s31;
	s7 =	sor.u32 s7, s8  }
0x10: {  	s9 =	simm.s32 $0x800;
	s10 =	simm.s32 $0x6800;
	s7 =	sshrl.u32 s7, $0x3  }
0x11: {  	s8 =	simm.s32 $0x1;
	s29 =	sadd.s32 s7, s4;
	s7 =	ssub.s32 s28, s30  }
0x12: {  	s4 =	sadd.s32 $0x400, s26;
	s5 =	sadd.s32 $0x3A00, s29;
	s7 =	smax.u32 s7, $0x1  }
.LBB2_2:
0x13: {  	[tilespmem:s3], [sflag:$0x1] =	stream.linear.gather [hbm4b:s6+s3], $0x100, $0x38;
	[tilespmem:$0x6180] =	vst v63  }
0x14: {  	_ =	swait.ge [sflag:s8], $0x100  }
0x15: {  	[sflag:s8] =	ssyncset.done $0x0  }
0x16: {  	[sflag:s8] =	ssyncadd.s32 $0xFFFFFF00  }
0x17: {  	[tilespmem:s11], [sflag:$0x1] =	stream.strided.gather [hbm4b:s4+s9], $0x2000, s10, s9, $0x38;
	[tilespmem:$0x6180] =	vst v63  }
0x18: {  	_ =	swait.ge [sflag:s8], $0x2000  }
0x19: {  	[sflag:s8] =	ssyncset.done $0x0  }
0x1a: {  	[sflag:s8] =	ssyncadd.s32 $0xFFFFE000  }
0x1b: {  	[tilespmem:s12], [sflag:$0x1] =	stream.linear.gather [hbm4b:s2+s3], $0x4080, $0x38;
	[tilespmem:$0x6180] =	vst v63  }
0x1c: {  	_ =	swait.ge [sflag:s8], $0x4080  }
0x1d: {  	[sflag:s8] =	ssyncset.done $0x0  }
0x1e: {  	[sflag:s8] =	ssyncadd.s32 $0xFFFFBF80  }
0x1f: {  	v0 =	vld [tilespmem:$0x0];
	_ =	sdelay $0x4  }
0x20: {  	v1 =	vld [tilespmem:$0x100];
	v0 =	vshll.u32 v0, $0x5;
	_ =	sdelay $0x4  }
0x21: {  	[tilespmem:v0+s12+$0x0] =	vst.idx.add.f32.msk $0xffff, v1  }
0x22: {  	v2 =	vor.u32 $0x1, v0;
	v1 =	vld [tilespmem:$0x180];
	_ =	sdelay $0x4  }
0x23: {  	[tilespmem:v2+s12+$0x0] =	vst.idx.add.f32.msk $0xffff, v1  }
0x24: {  	v5 =	vor.u32 $0x2, v0;
	v1 =	vld [tilespmem:$0x200];
	_ =	sdelay $0x4  }
0x25: {  	[tilespmem:v5+s12+$0x0] =	vst.idx.add.f32.msk $0xffff, v1  }
0x26: {  	v6 =	vor.u32 $0x3, v0;
	v1 =	vld [tilespmem:$0x280];
	_ =	sdelay $0x4  }
0x27: {  	[tilespmem:v6+s12+$0x0] =	vst.idx.add.f32.msk $0xffff, v1  }
0x28: {  	v7 =	vor.u32 $0x4, v0;
	v1 =	vld [tilespmem:$0x300];
	_ =	sdelay $0x4  }
0x29: {  	[tilespmem:v7+s12+$0x0] =	vst.idx.add.f32.msk $0xffff, v1  }
0x2a: {  	v8 =	vor.u32 $0x5, v0;
	v1 =	vld [tilespmem:$0x380];
	_ =	sdelay $0x4  }
0x2b: {  	[tilespmem:v8+s12+$0x0] =	vst.idx.add.f32.msk $0xffff, v1  }
0x2c: {  	v9 =	vor.u32 $0x6, v0;
	v1 =	vld [tilespmem:$0x400];
	_ =	sdelay $0x4  }
0x2d: {  	[tilespmem:v9+s12+$0x0] =	vst.idx.add.f32.msk $0xffff, v1  }
0x2e: {  	v10 =	vor.u32 $0x7, v0;
	v1 =	vld [tilespmem:$0x480];
	_ =	sdelay $0x4  }
0x2f: {  	[tilespmem:v10+s12+$0x0] =	vst.idx.add.f32.msk $0xffff, v1  }
0x30: {  	v11 =	vor.u32 $0x8, v0;
	v1 =	vld [tilespmem:$0x900];
	_ =	sdelay $0x4  }
0x31: {  	[tilespmem:v11+s12+$0x0] =	vst.idx.add.f32.msk $0xffff, v1  }
0x32: {  	v12 =	vor.u32 $0x9, v0;
	v1 =	vld [tilespmem:$0x980];
	_ =	sdelay $0x4  }
0x33: {  	[tilespmem:v12+s12+$0x0] =	vst.idx.add.f32.msk $0xffff, v1  }
0x34: {  	v13 =	vor.u32 $0xA, v0;
	v1 =	vld [tilespmem:$0xA00];
	_ =	sdelay $0x4  }
0x35: {  	[tilespmem:v13+s12+$0x0] =	vst.idx.add.f32.msk $0xffff, v1  }
0x36: {  	v14 =	vor.u32 $0xB, v0;
	v1 =	vld [tilespmem:$0xA80];
	_ =	sdelay $0x4  }
0x37: {  	[tilespmem:v14+s12+$0x0] =	vst.idx.add.f32.msk $0xffff, v1  }
0x38: {  	v15 =	vor.u32 $0xC, v0;
	v1 =	vld [tilespmem:$0xB00];
	_ =	sdelay $0x4  }
0x39: {  	[tilespmem:v15+s12+$0x0] =	vst.idx.add.f32.msk $0xffff, v1  }
0x3a: {  	v16 =	vor.u32 $0xD, v0;
	v1 =	vld [tilespmem:$0xB80];
	_ =	sdelay $0x4  }
0x3b: {  	[tilespmem:v16+s12+$0x0] =	vst.idx.add.f32.msk $0xffff, v1  }
0x3c: {  	v17 =	vor.u32 $0xE, v0;
	v1 =	vld [tilespmem:$0xC00];
	_ =	sdelay $0x4  }
0x3d: {  	[tilespmem:v17+s12+$0x0] =	vst.idx.add.f32.msk $0xffff, v1  }
0x3e: {  	v18 =	vor.u32 $0xF, v0;
	v1 =	vld [tilespmem:$0xC80];
	_ =	sdelay $0x4  }
0x3f: {  	[tilespmem:v18+s12+$0x0] =	vst.idx.add.f32.msk $0xffff, v1  }
0x40: {  	v19 =	vor.u32 $0x10, v0;
	v1 =	vld [tilespmem:$0x1100];
	_ =	sdelay $0x4  }
0x41: {  	[tilespmem:v19+s12+$0x0] =	vst.idx.add.f32.msk $0xffff, v1  }
0x42: {  	v20 =	vor.u32 $0x11, v0;
	v1 =	vld [tilespmem:$0x1180];
	_ =	sdelay $0x4  }
0x43: {  	[tilespmem:v20+s12+$0x0] =	vst.idx.add.f32.msk $0xffff, v1  }
0x44: {  	v21 =	vor.u32 $0x12, v0;
	v1 =	vld [tilespmem:$0x1200];
	_ =	sdelay $0x4  }
0x45: {  	[tilespmem:v21+s12+$0x0] =	vst.idx.add.f32.msk $0xffff, v1  }
0x46: {  	v22 =	vor.u32 $0x13, v0;
	v1 =	vld [tilespmem:$0x1280];
	_ =	sdelay $0x4  }
0x47: {  	[tilespmem:v22+s12+$0x0] =	vst.idx.add.f32.msk $0xffff, v1  }
0x48: {  	v23 =	vor.u32 $0x14, v0;
	v1 =	vld [tilespmem:$0x1300];
	_ =	sdelay $0x4  }
0x49: {  	[tilespmem:v23+s12+$0x0] =	vst.idx.add.f32.msk $0xffff, v1  }
0x4a: {  	v24 =	vor.u32 $0x15, v0;
	v1 =	vld [tilespmem:$0x1380];
	_ =	sdelay $0x4  }
0x4b: {  	[tilespmem:v24+s12+$0x0] =	vst.idx.add.f32.msk $0xffff, v1  }
0x4c: {  	v25 =	vor.u32 $0x16, v0;
	v1 =	vld [tilespmem:$0x1400];
	_ =	sdelay $0x4  }
0x4d: {  	[tilespmem:v25+s12+$0x0] =	vst.idx.add.f32.msk $0xffff, v1  }
0x4e: {  	v26 =	vor.u32 $0x17, v0;
	v1 =	vld [tilespmem:$0x1480];
	_ =	sdelay $0x4  }
0x4f: {  	[tilespmem:v26+s12+$0x0] =	vst.idx.add.f32.msk $0xffff, v1  }
0x50: {  	v27 =	vor.u32 $0x18, v0;
	v1 =	vld [tilespmem:$0x1900];
	_ =	sdelay $0x4  }
0x51: {  	[tilespmem:v27+s12+$0x0] =	vst.idx.add.f32.msk $0xffff, v1  }
0x52: {  	v28 =	vor.u32 $0x19, v0;
	v1 =	vld [tilespmem:$0x1980];
	_ =	sdelay $0x4  }
0x53: {  	[tilespmem:v28+s12+$0x0] =	vst.idx.add.f32.msk $0xffff, v1  }
0x54: {  	v29 =	vor.u32 $0x1A, v0;
	v1 =	vld [tilespmem:$0x1A00];
	_ =	sdelay $0x4  }
0x55: {  	[tilespmem:v29+s12+$0x0] =	vst.idx.add.f32.msk $0xffff, v1  }
0x56: {  	v30 =	vor.u32 $0x1B, v0;
	v1 =	vld [tilespmem:$0x1A80];
	_ =	sdelay $0x4  }
0x57: {  	[tilespmem:v30+s12+$0x0] =	vst.idx.add.f32.msk $0xffff, v1  }
0x58: {  	v31 =	vor.u32 $0x1C, v0;
	v1 =	vld [tilespmem:$0x1B00];
	_ =	sdelay $0x4  }
0x59: {  	[tilespmem:v31+s12+$0x0] =	vst.idx.add.f32.msk $0xffff, v1  }
0x5a: {  	v32 =	vor.u32 $0x1D, v0;
	v1 =	vld [tilespmem:$0x1B80];
	_ =	sdelay $0x4  }
0x5b: {  	[tilespmem:v32+s12+$0x0] =	vst.idx.add.f32.msk $0xffff, v1  }
0x5c: {  	v33 =	vor.u32 $0x1E, v0;
	v1 =	vld [tilespmem:$0x1C00];
	_ =	sdelay $0x4  }
0x5d: {  	[tilespmem:v33+s12+$0x0] =	vst.idx.add.f32.msk $0xffff, v1  }
0x5e: {  	v0 =	vor.u32 $0x1F, v0;
	v1 =	vld [tilespmem:$0x1C80];
	_ =	sdelay $0x4  }
0x5f: {  	[tilespmem:v0+s12+$0x0] =	vst.idx.add.f32.msk $0xffff, v1  }
0x60: {  	v0 =	vld [tilespmem:$0x10];
	_ =	sdelay $0x4  }
0x61: {  	v1 =	vld [tilespmem:$0x110];
	v0 =	vshll.u32 v0, $0x5;
	_ =	sdelay $0x4  }
0x62: {  	[tilespmem:v0+s12+$0x0] =	vst.idx.add.f32.msk $0xffff, v1  }
0x63: {  	v34 =	vor.u32 $0x1, v0;
	v1 =	vld [tilespmem:$0x190];
	_ =	sdelay $0x4  }
0x64: {  	[tilespmem:v34+s12+$0x0] =	vst.idx.add.f32.msk $0xffff, v1  }
0x65: {  	v35 =	vor.u32 $0x2, v0;
	v1 =	vld [tilespmem:$0x210];
	_ =	sdelay $0x4  }
0x66: {  	[tilespmem:v35+s12+$0x0] =	vst.idx.add.f32.msk $0xffff, v1  }
0x67: {  	v36 =	vor.u32 $0x3, v0;
	v1 =	vld [tilespmem:$0x290];
	_ =	sdelay $0x4  }
0x68: {  	[tilespmem:v36+s12+$0x0] =	vst.idx.add.f32.msk $0xffff, v1  }
0x69: {  	v37 =	vor.u32 $0x4, v0;
	v1 =	vld [tilespmem:$0x310];
	_ =	sdelay $0x4  }
0x6a: {  	[tilespmem:v37+s12+$0x0] =	vst.idx.add.f32.msk $0xffff, v1  }
0x6b: {  	v38 =	vor.u32 $0x5, v0;
	v1 =	vld [tilespmem:$0x390];
	_ =	sdelay $0x4  }
0x6c: {  	[tilespmem:v38+s12+$0x0] =	vst.idx.add.f32.msk $0xffff, v1  }
0x6d: {  	v39 =	vor.u32 $0x6, v0;
	v1 =	vld [tilespmem:$0x410];
	_ =	sdelay $0x4  }
0x6e: {  	[tilespmem:v39+s12+$0x0] =	vst.idx.add.f32.msk $0xffff, v1  }
0x6f: {  	v40 =	vor.u32 $0x7, v0;
	v1 =	vld [tilespmem:$0x490];
	_ =	sdelay $0x4  }
0x70: {  	[tilespmem:v40+s12+$0x0] =	vst.idx.add.f32.msk $0xffff, v1  }
0x71: {  	v41 =	vor.u32 $0x8, v0;
	v1 =	vld [tilespmem:$0x910];
	_ =	sdelay $0x4  }
0x72: {  	[tilespmem:v41+s12+$0x0] =	vst.idx.add.f32.msk $0xffff, v1  }
0x73: {  	v42 =	vor.u32 $0x9, v0;
	v1 =	vld [tilespmem:$0x990];
	_ =	sdelay $0x4  }
0x74: {  	[tilespmem:v42+s12+$0x0] =	vst.idx.add.f32.msk $0xffff, v1  }
0x75: {  	v43 =	vor.u32 $0xA, v0;
	v1 =	vld [tilespmem:$0xA10];
	_ =	sdelay $0x4  }
0x76: {  	[tilespmem:v43+s12+$0x0] =	vst.idx.add.f32.msk $0xffff, v1  }
0x77: {  	v44 =	vor.u32 $0xB, v0;
	v1 =	vld [tilespmem:$0xA90];
	_ =	sdelay $0x4  }
0x78: {  	[tilespmem:v44+s12+$0x0] =	vst.idx.add.f32.msk $0xffff, v1  }
0x79: {  	v45 =	vor.u32 $0xC, v0;
	v1 =	vld [tilespmem:$0xB10];
	_ =	sdelay $0x4  }
0x7a: {  	[tilespmem:v45+s12+$0x0] =	vst.idx.add.f32.msk $0xffff, v1  }
0x7b: {  	v46 =	vor.u32 $0xD, v0;
	v1 =	vld [tilespmem:$0xB90];
	_ =	sdelay $0x4  }
0x7c: {  	[tilespmem:v46+s12+$0x0] =	vst.idx.add.f32.msk $0xffff, v1  }
0x7d: {  	v47 =	vor.u32 $0xE, v0;
	v1 =	vld [tilespmem:$0xC10];
	_ =	sdelay $0x4  }
0x7e: {  	[tilespmem:v47+s12+$0x0] =	vst.idx.add.f32.msk $0xffff, v1  }
0x7f: {  	v48 =	vor.u32 $0xF, v0;
	v1 =	vld [tilespmem:$0xC90];
	_ =	sdelay $0x4  }
0x80: {  	[tilespmem:v48+s12+$0x0] =	vst.idx.add.f32.msk $0xffff, v1  }
0x81: {  	v49 =	vor.u32 $0x10, v0;
	v1 =	vld [tilespmem:$0x1110];
	_ =	sdelay $0x4  }
0x82: {  	[tilespmem:v49+s12+$0x0] =	vst.idx.add.f32.msk $0xffff, v1  }
0x83: {  	v50 =	vor.u32 $0x11, v0;
	v1 =	vld [tilespmem:$0x1190];
	_ =	sdelay $0x4  }
0x84: {  	[tilespmem:v50+s12+$0x0] =	vst.idx.add.f32.msk $0xffff, v1  }
0x85: {  	v51 =	vor.u32 $0x12, v0;
	v1 =	vld [tilespmem:$0x1210];
	_ =	sdelay $0x4  }
0x86: {  	[tilespmem:v51+s12+$0x0] =	vst.idx.add.f32.msk $0xffff, v1  }
0x87: {  	v52 =	vor.u32 $0x13, v0;
	v1 =	vld [tilespmem:$0x1290];
	_ =	sdelay $0x4  }
0x88: {  	[tilespmem:v52+s12+$0x0] =	vst.idx.add.f32.msk $0xffff, v1  }
0x89: {  	v53 =	vor.u32 $0x14, v0;
	v1 =	vld [tilespmem:$0x1310];
	_ =	sdelay $0x4  }
0x8a: {  	[tilespmem:v53+s12+$0x0] =	vst.idx.add.f32.msk $0xffff, v1  }
0x8b: {  	v54 =	vor.u32 $0x15, v0;
	v1 =	vld [tilespmem:$0x1390];
	_ =	sdelay $0x4  }
0x8c: {  	[tilespmem:v54+s12+$0x0] =	vst.idx.add.f32.msk $0xffff, v1  }
0x8d: {  	v55 =	vor.u32 $0x16, v0;
	v1 =	vld [tilespmem:$0x1410];
	_ =	sdelay $0x4  }
0x8e: {  	[tilespmem:v55+s12+$0x0] =	vst.idx.add.f32.msk $0xffff, v1  }
0x8f: {  	v56 =	vor.u32 $0x17, v0;
	v1 =	vld [tilespmem:$0x1490];
	_ =	sdelay $0x4  }
0x90: {  	[tilespmem:v56+s12+$0x0] =	vst.idx.add.f32.msk $0xffff, v1  }
0x91: {  	v57 =	vor.u32 $0x18, v0;
	v1 =	vld [tilespmem:$0x1910];
	_ =	sdelay $0x4  }
0x92: {  	[tilespmem:v57+s12+$0x0] =	vst.idx.add.f32.msk $0xffff, v1  }
0x93: {  	v58 =	vor.u32 $0x19, v0;
	v1 =	vld [tilespmem:$0x1990];
	_ =	sdelay $0x4  }
0x94: {  	[tilespmem:v58+s12+$0x0] =	vst.idx.add.f32.msk $0xffff, v1  }
0x95: {  	v59 =	vor.u32 $0x1A, v0;
	v1 =	vld [tilespmem:$0x1A10];
	_ =	sdelay $0x4  }
0x96: {  	[tilespmem:v59+s12+$0x0] =	vst.idx.add.f32.msk $0xffff, v1  }
0x97: {  	v60 =	vor.u32 $0x1B, v0;
	v1 =	vld [tilespmem:$0x1A90];
	_ =	sdelay $0x4  }
0x98: {  	[tilespmem:v60+s12+$0x0] =	vst.idx.add.f32.msk $0xffff, v1  }
0x99: {  	v61 =	vor.u32 $0x1C, v0;
	v1 =	vld [tilespmem:$0x1B10];
	_ =	sdelay $0x4  }
0x9a: {  	[tilespmem:v61+s12+$0x0] =	vst.idx.add.f32.msk $0xffff, v1  }
0x9b: {  	v62 =	vor.u32 $0x1D, v0;
	v1 =	vld [tilespmem:$0x1B90];
	_ =	sdelay $0x4  }
0x9c: {  	[tilespmem:v62+s12+$0x0] =	vst.idx.add.f32.msk $0xffff, v1  }
0x9d: {  	v63 =	vor.u32 $0x1E, v0;
	v1 =	vld [tilespmem:$0x1C10];
	_ =	sdelay $0x4  }
0x9e: {  	[tilespmem:v63+s12+$0x0] =	vst.idx.add.f32.msk $0xffff, v1  }
0x9f: {  	v0 =	vor.u32 $0x1F, v0;
	v1 =	vld [tilespmem:$0x1C90];
	_ =	sdelay $0x4  }
0xa0: {  	[tilespmem:v0+s12+$0x0] =	vst.idx.add.f32.msk $0xffff, v1  }
0xa1: {  	v0 =	vld [tilespmem:$0x20];
	_ =	sdelay $0x4  }
0xa2: {  	v1 =	vld [tilespmem:$0x120];
	v0 =	vshll.u32 v0, $0x5;
	_ =	sdelay $0x4  }
0xa3: {  	[tilespmem:v0+s12+$0x0] =	vst.idx.add.f32.msk $0xffff, v1  }
0xa4: {  	v4 =	vor.u32 $0x1, v0;
	v1 =	vld [tilespmem:$0x1A0];
	_ =	sdelay $0x4  }
0xa5: {  	[tilespmem:v4+s12+$0x0] =	vst.idx.add.f32.msk $0xffff, v1  }
0xa6: {  	v5 =	vor.u32 $0x2, v0;
	v1 =	vld [tilespmem:$0x220];
	_ =	sdelay $0x4  }
0xa7: {  	[tilespmem:v5+s12+$0x0] =	vst.idx.add.f32.msk $0xffff, v1  }
0xa8: {  	v6 =	vor.u32 $0x3, v0;
	v1 =	vld [tilespmem:$0x2A0];
	_ =	sdelay $0x4  }
0xa9: {  	[tilespmem:v6+s12+$0x0] =	vst.idx.add.f32.msk $0xffff, v1  }
0xaa: {  	v7 =	vor.u32 $0x4, v0;
	v1 =	vld [tilespmem:$0x320];
	_ =	sdelay $0x4  }
0xab: {  	[tilespmem:v7+s12+$0x0] =	vst.idx.add.f32.msk $0xffff, v1  }
0xac: {  	v8 =	vor.u32 $0x5, v0;
	v1 =	vld [tilespmem:$0x3A0];
	_ =	sdelay $0x4  }
0xad: {  	[tilespmem:v8+s12+$0x0] =	vst.idx.add.f32.msk $0xffff, v1  }
0xae: {  	v9 =	vor.u32 $0x6, v0;
	v1 =	vld [tilespmem:$0x420];
	_ =	sdelay $0x4  }
0xaf: {  	[tilespmem:v9+s12+$0x0] =	vst.idx.add.f32.msk $0xffff, v1  }
0xb0: {  	v10 =	vor.u32 $0x7, v0;
	v1 =	vld [tilespmem:$0x4A0];
	_ =	sdelay $0x4  }
0xb1: {  	[tilespmem:v10+s12+$0x0] =	vst.idx.add.f32.msk $0xffff, v1  }
0xb2: {  	v11 =	vor.u32 $0x8, v0;
	v1 =	vld [tilespmem:$0x920];
	_ =	sdelay $0x4  }
0xb3: {  	[tilespmem:v11+s12+$0x0] =	vst.idx.add.f32.msk $0xffff, v1  }
0xb4: {  	v12 =	vor.u32 $0x9, v0;
	v1 =	vld [tilespmem:$0x9A0];
	_ =	sdelay $0x4  }
0xb5: {  	[tilespmem:v12+s12+$0x0] =	vst.idx.add.f32.msk $0xffff, v1  }
0xb6: {  	v13 =	vor.u32 $0xA, v0;
	v1 =	vld [tilespmem:$0xA20];
	_ =	sdelay $0x4  }
0xb7: {  	[tilespmem:v13+s12+$0x0] =	vst.idx.add.f32.msk $0xffff, v1  }
0xb8: {  	v14 =	vor.u32 $0xB, v0;
	v1 =	vld [tilespmem:$0xAA0];
	_ =	sdelay $0x4  }
0xb9: {  	[tilespmem:v14+s12+$0x0] =	vst.idx.add.f32.msk $0xffff, v1  }
0xba: {  	v15 =	vor.u32 $0xC, v0;
	v1 =	vld [tilespmem:$0xB20];
	_ =	sdelay $0x4  }
0xbb: {  	[tilespmem:v15+s12+$0x0] =	vst.idx.add.f32.msk $0xffff, v1  }
0xbc: {  	v16 =	vor.u32 $0xD, v0;
	v1 =	vld [tilespmem:$0xBA0];
	_ =	sdelay $0x4  }
0xbd: {  	[tilespmem:v16+s12+$0x0] =	vst.idx.add.f32.msk $0xffff, v1  }
0xbe: {  	v17 =	vor.u32 $0xE, v0;
	v1 =	vld [tilespmem:$0xC20];
	_ =	sdelay $0x4  }
0xbf: {  	[tilespmem:v17+s12+$0x0] =	vst.idx.add.f32.msk $0xffff, v1  }
0xc0: {  	v18 =	vor.u32 $0xF, v0;
	v1 =	vld [tilespmem:$0xCA0];
	_ =	sdelay $0x4  }
0xc1: {  	[tilespmem:v18+s12+$0x0] =	vst.idx.add.f32.msk $0xffff, v1  }
0xc2: {  	v19 =	vor.u32 $0x10, v0;
	v1 =	vld [tilespmem:$0x1120];
	_ =	sdelay $0x4  }
0xc3: {  	[tilespmem:v19+s12+$0x0] =	vst.idx.add.f32.msk $0xffff, v1  }
0xc4: {  	v20 =	vor.u32 $0x11, v0;
	v1 =	vld [tilespmem:$0x11A0];
	_ =	sdelay $0x4  }
0xc5: {  	[tilespmem:v20+s12+$0x0] =	vst.idx.add.f32.msk $0xffff, v1  }
0xc6: {  	v21 =	vor.u32 $0x12, v0;
	v1 =	vld [tilespmem:$0x1220];
	_ =	sdelay $0x4  }
0xc7: {  	[tilespmem:v21+s12+$0x0] =	vst.idx.add.f32.msk $0xffff, v1  }
0xc8: {  	v22 =	vor.u32 $0x13, v0;
	v1 =	vld [tilespmem:$0x12A0];
	_ =	sdelay $0x4  }
0xc9: {  	[tilespmem:v22+s12+$0x0] =	vst.idx.add.f32.msk $0xffff, v1  }
0xca: {  	v23 =	vor.u32 $0x14, v0;
	v1 =	vld [tilespmem:$0x1320];
	_ =	sdelay $0x4  }
0xcb: {  	[tilespmem:v23+s12+$0x0] =	vst.idx.add.f32.msk $0xffff, v1  }
0xcc: {  	v24 =	vor.u32 $0x15, v0;
	v1 =	vld [tilespmem:$0x13A0];
	_ =	sdelay $0x4  }
0xcd: {  	[tilespmem:v24+s12+$0x0] =	vst.idx.add.f32.msk $0xffff, v1  }
0xce: {  	v25 =	vor.u32 $0x16, v0;
	v1 =	vld [tilespmem:$0x1420];
	_ =	sdelay $0x4  }
0xcf: {  	[tilespmem:v25+s12+$0x0] =	vst.idx.add.f32.msk $0xffff, v1  }
0xd0: {  	v26 =	vor.u32 $0x17, v0;
	v1 =	vld [tilespmem:$0x14A0];
	_ =	sdelay $0x4  }
0xd1: {  	[tilespmem:v26+s12+$0x0] =	vst.idx.add.f32.msk $0xffff, v1  }
0xd2: {  	v27 =	vor.u32 $0x18, v0;
	v1 =	vld [tilespmem:$0x1920];
	_ =	sdelay $0x4  }
0xd3: {  	[tilespmem:v27+s12+$0x0] =	vst.idx.add.f32.msk $0xffff, v1  }
0xd4: {  	v28 =	vor.u32 $0x19, v0;
	v1 =	vld [tilespmem:$0x19A0];
	_ =	sdelay $0x4  }
0xd5: {  	[tilespmem:v28+s12+$0x0] =	vst.idx.add.f32.msk $0xffff, v1  }
0xd6: {  	v29 =	vor.u32 $0x1A, v0;
	v1 =	vld [tilespmem:$0x1A20];
	_ =	sdelay $0x4  }
0xd7: {  	[tilespmem:v29+s12+$0x0] =	vst.idx.add.f32.msk $0xffff, v1  }
0xd8: {  	v30 =	vor.u32 $0x1B, v0;
	v1 =	vld [tilespmem:$0x1AA0];
	_ =	sdelay $0x4  }
0xd9: {  	[tilespmem:v30+s12+$0x0] =	vst.idx.add.f32.msk $0xffff, v1  }
0xda: {  	v31 =	vor.u32 $0x1C, v0;
	v1 =	vld [tilespmem:$0x1B20];
	_ =	sdelay $0x4  }
0xdb: {  	[tilespmem:v31+s12+$0x0] =	vst.idx.add.f32.msk $0xffff, v1  }
0xdc: {  	v32 =	vor.u32 $0x1D, v0;
	v1 =	vld [tilespmem:$0x1BA0];
	_ =	sdelay $0x4  }
0xdd: {  	[tilespmem:v32+s12+$0x0] =	vst.idx.add.f32.msk $0xffff, v1  }
0xde: {  	v33 =	vor.u32 $0x1E, v0;
	v1 =	vld [tilespmem:$0x1C20];
	_ =	sdelay $0x4  }
0xdf: {  	[tilespmem:v33+s12+$0x0] =	vst.idx.add.f32.msk $0xffff, v1  }
0xe0: {  	v0 =	vor.u32 $0x1F, v0;
	v1 =	vld [tilespmem:$0x1CA0];
	_ =	sdelay $0x4  }
0xe1: {  	[tilespmem:v0+s12+$0x0] =	vst.idx.add.f32.msk $0xffff, v1  }
0xe2: {  	v0 =	vld [tilespmem:$0x30];
	_ =	sdelay $0x4  }
0xe3: {  	v1 =	vld [tilespmem:$0x130];
	v0 =	vshll.u32 v0, $0x5;
	_ =	sdelay $0x4  }
0xe4: {  	[tilespmem:v0+s12+$0x0] =	vst.idx.add.f32.msk $0xffff, v1  }
0xe5: {  	v34 =	vor.u32 $0x1, v0;
	v1 =	vld [tilespmem:$0x1B0];
	_ =	sdelay $0x4  }
0xe6: {  	[tilespmem:v34+s12+$0x0] =	vst.idx.add.f32.msk $0xffff, v1  }
0xe7: {  	v35 =	vor.u32 $0x2, v0;
	v1 =	vld [tilespmem:$0x230];
	_ =	sdelay $0x4  }
0xe8: {  	[tilespmem:v35+s12+$0x0] =	vst.idx.add.f32.msk $0xffff, v1  }
0xe9: {  	v36 =	vor.u32 $0x3, v0;
	v1 =	vld [tilespmem:$0x2B0];
	_ =	sdelay $0x4  }
0xea: {  	[tilespmem:v36+s12+$0x0] =	vst.idx.add.f32.msk $0xffff, v1  }
0xeb: {  	v37 =	vor.u32 $0x4, v0;
	v1 =	vld [tilespmem:$0x330];
	_ =	sdelay $0x4  }
0xec: {  	[tilespmem:v37+s12+$0x0] =	vst.idx.add.f32.msk $0xffff, v1  }
0xed: {  	v38 =	vor.u32 $0x5, v0;
	v1 =	vld [tilespmem:$0x3B0];
	_ =	sdelay $0x4  }
0xee: {  	[tilespmem:v38+s12+$0x0] =	vst.idx.add.f32.msk $0xffff, v1  }
0xef: {  	v39 =	vor.u32 $0x6, v0;
	v1 =	vld [tilespmem:$0x430];
	_ =	sdelay $0x4  }
0xf0: {  	[tilespmem:v39+s12+$0x0] =	vst.idx.add.f32.msk $0xffff, v1  }
0xf1: {  	v40 =	vor.u32 $0x7, v0;
	v1 =	vld [tilespmem:$0x4B0];
	_ =	sdelay $0x4  }
0xf2: {  	[tilespmem:v40+s12+$0x0] =	vst.idx.add.f32.msk $0xffff, v1  }
0xf3: {  	v41 =	vor.u32 $0x8, v0;
	v1 =	vld [tilespmem:$0x930];
	_ =	sdelay $0x4  }
0xf4: {  	[tilespmem:v41+s12+$0x0] =	vst.idx.add.f32.msk $0xffff, v1  }
0xf5: {  	v42 =	vor.u32 $0x9, v0;
	v1 =	vld [tilespmem:$0x9B0];
	_ =	sdelay $0x4  }
0xf6: {  	[tilespmem:v42+s12+$0x0] =	vst.idx.add.f32.msk $0xffff, v1  }
0xf7: {  	v43 =	vor.u32 $0xA, v0;
	v1 =	vld [tilespmem:$0xA30];
	_ =	sdelay $0x4  }
0xf8: {  	[tilespmem:v43+s12+$0x0] =	vst.idx.add.f32.msk $0xffff, v1  }
0xf9: {  	v44 =	vor.u32 $0xB, v0;
	v1 =	vld [tilespmem:$0xAB0];
	_ =	sdelay $0x4  }
0xfa: {  	[tilespmem:v44+s12+$0x0] =	vst.idx.add.f32.msk $0xffff, v1  }
0xfb: {  	v45 =	vor.u32 $0xC, v0;
	v1 =	vld [tilespmem:$0xB30];
	_ =	sdelay $0x4  }
0xfc: {  	[tilespmem:v45+s12+$0x0] =	vst.idx.add.f32.msk $0xffff, v1  }
0xfd: {  	v46 =	vor.u32 $0xD, v0;
	v1 =	vld [tilespmem:$0xBB0];
	_ =	sdelay $0x4  }
0xfe: {  	[tilespmem:v46+s12+$0x0] =	vst.idx.add.f32.msk $0xffff, v1  }
0xff: {  	v47 =	vor.u32 $0xE, v0;
	v1 =	vld [tilespmem:$0xC30];
	_ =	sdelay $0x4  }
0x100: {  	[tilespmem:v47+s12+$0x0] =	vst.idx.add.f32.msk $0xffff, v1  }
0x101: {  	v48 =	vor.u32 $0xF, v0;
	v1 =	vld [tilespmem:$0xCB0];
	_ =	sdelay $0x4  }
0x102: {  	[tilespmem:v48+s12+$0x0] =	vst.idx.add.f32.msk $0xffff, v1  }
0x103: {  	v49 =	vor.u32 $0x10, v0;
	v1 =	vld [tilespmem:$0x1130];
	_ =	sdelay $0x4  }
0x104: {  	[tilespmem:v49+s12+$0x0] =	vst.idx.add.f32.msk $0xffff, v1  }
0x105: {  	v50 =	vor.u32 $0x11, v0;
	v1 =	vld [tilespmem:$0x11B0];
	_ =	sdelay $0x4  }
0x106: {  	[tilespmem:v50+s12+$0x0] =	vst.idx.add.f32.msk $0xffff, v1  }
0x107: {  	v51 =	vor.u32 $0x12, v0;
	v1 =	vld [tilespmem:$0x1230];
	_ =	sdelay $0x4  }
0x108: {  	[tilespmem:v51+s12+$0x0] =	vst.idx.add.f32.msk $0xffff, v1  }
0x109: {  	v52 =	vor.u32 $0x13, v0;
	v1 =	vld [tilespmem:$0x12B0];
	_ =	sdelay $0x4  }
0x10a: {  	[tilespmem:v52+s12+$0x0] =	vst.idx.add.f32.msk $0xffff, v1  }
0x10b: {  	v53 =	vor.u32 $0x14, v0;
	v1 =	vld [tilespmem:$0x1330];
	_ =	sdelay $0x4  }
0x10c: {  	[tilespmem:v53+s12+$0x0] =	vst.idx.add.f32.msk $0xffff, v1  }
0x10d: {  	v54 =	vor.u32 $0x15, v0;
	v1 =	vld [tilespmem:$0x13B0];
	_ =	sdelay $0x4  }
0x10e: {  	[tilespmem:v54+s12+$0x0] =	vst.idx.add.f32.msk $0xffff, v1  }
0x10f: {  	v55 =	vor.u32 $0x16, v0;
	v1 =	vld [tilespmem:$0x1430];
	_ =	sdelay $0x4  }
0x110: {  	[tilespmem:v55+s12+$0x0] =	vst.idx.add.f32.msk $0xffff, v1  }
0x111: {  	v56 =	vor.u32 $0x17, v0;
	v1 =	vld [tilespmem:$0x14B0];
	_ =	sdelay $0x4  }
0x112: {  	[tilespmem:v56+s12+$0x0] =	vst.idx.add.f32.msk $0xffff, v1  }
0x113: {  	v57 =	vor.u32 $0x18, v0;
	v1 =	vld [tilespmem:$0x1930];
	_ =	sdelay $0x4  }
0x114: {  	[tilespmem:v57+s12+$0x0] =	vst.idx.add.f32.msk $0xffff, v1  }
0x115: {  	v58 =	vor.u32 $0x19, v0;
	v1 =	vld [tilespmem:$0x19B0];
	_ =	sdelay $0x4  }
0x116: {  	[tilespmem:v58+s12+$0x0] =	vst.idx.add.f32.msk $0xffff, v1  }
0x117: {  	v59 =	vor.u32 $0x1A, v0;
	v1 =	vld [tilespmem:$0x1A30];
	_ =	sdelay $0x4  }
0x118: {  	[tilespmem:v59+s12+$0x0] =	vst.idx.add.f32.msk $0xffff, v1  }
0x119: {  	v60 =	vor.u32 $0x1B, v0;
	v1 =	vld [tilespmem:$0x1AB0];
	_ =	sdelay $0x4  }
0x11a: {  	[tilespmem:v60+s12+$0x0] =	vst.idx.add.f32.msk $0xffff, v1  }
0x11b: {  	v61 =	vor.u32 $0x1C, v0;
	v1 =	vld [tilespmem:$0x1B30];
	_ =	sdelay $0x4  }
0x11c: {  	[tilespmem:v61+s12+$0x0] =	vst.idx.add.f32.msk $0xffff, v1  }
0x11d: {  	v62 =	vor.u32 $0x1D, v0;
	v1 =	vld [tilespmem:$0x1BB0];
	_ =	sdelay $0x4  }
0x11e: {  	[tilespmem:v62+s12+$0x0] =	vst.idx.add.f32.msk $0xffff, v1  }
0x11f: {  	v63 =	vor.u32 $0x1E, v0;
	v1 =	vld [tilespmem:$0x1C30];
	_ =	sdelay $0x4  }
0x120: {  	[tilespmem:v63+s12+$0x0] =	vst.idx.add.f32.msk $0xffff, v1  }
0x121: {  	v0 =	vor.u32 $0x1F, v0;
	v1 =	vld [tilespmem:$0x1CB0];
	_ =	sdelay $0x4  }
0x122: {  	[tilespmem:v0+s12+$0x0] =	vst.idx.add.f32.msk $0xffff, v1  }
0x123: {  	v0 =	vld [tilespmem:$0x40];
	_ =	sdelay $0x4  }
0x124: {  	v1 =	vld [tilespmem:$0x140];
	v0 =	vshll.u32 v0, $0x5;
	_ =	sdelay $0x4  }
0x125: {  	[tilespmem:v0+s12+$0x0] =	vst.idx.add.f32.msk $0xffff, v1  }
0x126: {  	v4 =	vor.u32 $0x1, v0;
	v1 =	vld [tilespmem:$0x1C0];
	_ =	sdelay $0x4  }
0x127: {  	[tilespmem:v4+s12+$0x0] =	vst.idx.add.f32.msk $0xffff, v1  }
0x128: {  	v5 =	vor.u32 $0x2, v0;
	v1 =	vld [tilespmem:$0x240];
	_ =	sdelay $0x4  }
0x129: {  	[tilespmem:v5+s12+$0x0] =	vst.idx.add.f32.msk $0xffff, v1  }
0x12a: {  	v6 =	vor.u32 $0x3, v0;
	v1 =	vld [tilespmem:$0x2C0];
	_ =	sdelay $0x4  }
0x12b: {  	[tilespmem:v6+s12+$0x0] =	vst.idx.add.f32.msk $0xffff, v1  }
0x12c: {  	v7 =	vor.u32 $0x4, v0;
	v1 =	vld [tilespmem:$0x340];
	_ =	sdelay $0x4  }
0x12d: {  	[tilespmem:v7+s12+$0x0] =	vst.idx.add.f32.msk $0xffff, v1  }
0x12e: {  	v8 =	vor.u32 $0x5, v0;
	v1 =	vld [tilespmem:$0x3C0];
	_ =	sdelay $0x4  }
0x12f: {  	[tilespmem:v8+s12+$0x0] =	vst.idx.add.f32.msk $0xffff, v1  }
0x130: {  	v9 =	vor.u32 $0x6, v0;
	v1 =	vld [tilespmem:$0x440];
	_ =	sdelay $0x4  }
0x131: {  	[tilespmem:v9+s12+$0x0] =	vst.idx.add.f32.msk $0xffff, v1  }
0x132: {  	v10 =	vor.u32 $0x7, v0;
	v1 =	vld [tilespmem:$0x4C0];
	_ =	sdelay $0x4  }
0x133: {  	[tilespmem:v10+s12+$0x0] =	vst.idx.add.f32.msk $0xffff, v1  }
0x134: {  	v11 =	vor.u32 $0x8, v0;
	v1 =	vld [tilespmem:$0x940];
	_ =	sdelay $0x4  }
0x135: {  	[tilespmem:v11+s12+$0x0] =	vst.idx.add.f32.msk $0xffff, v1  }
0x136: {  	v12 =	vor.u32 $0x9, v0;
	v1 =	vld [tilespmem:$0x9C0];
	_ =	sdelay $0x4  }
0x137: {  	[tilespmem:v12+s12+$0x0] =	vst.idx.add.f32.msk $0xffff, v1  }
0x138: {  	v13 =	vor.u32 $0xA, v0;
	v1 =	vld [tilespmem:$0xA40];
	_ =	sdelay $0x4  }
0x139: {  	[tilespmem:v13+s12+$0x0] =	vst.idx.add.f32.msk $0xffff, v1  }
0x13a: {  	v14 =	vor.u32 $0xB, v0;
	v1 =	vld [tilespmem:$0xAC0];
	_ =	sdelay $0x4  }
0x13b: {  	[tilespmem:v14+s12+$0x0] =	vst.idx.add.f32.msk $0xffff, v1  }
0x13c: {  	v15 =	vor.u32 $0xC, v0;
	v1 =	vld [tilespmem:$0xB40];
	_ =	sdelay $0x4  }
0x13d: {  	[tilespmem:v15+s12+$0x0] =	vst.idx.add.f32.msk $0xffff, v1  }
0x13e: {  	v16 =	vor.u32 $0xD, v0;
	v1 =	vld [tilespmem:$0xBC0];
	_ =	sdelay $0x4  }
0x13f: {  	[tilespmem:v16+s12+$0x0] =	vst.idx.add.f32.msk $0xffff, v1  }
0x140: {  	v17 =	vor.u32 $0xE, v0;
	v1 =	vld [tilespmem:$0xC40];
	_ =	sdelay $0x4  }
0x141: {  	[tilespmem:v17+s12+$0x0] =	vst.idx.add.f32.msk $0xffff, v1  }
0x142: {  	v18 =	vor.u32 $0xF, v0;
	v1 =	vld [tilespmem:$0xCC0];
	_ =	sdelay $0x4  }
0x143: {  	[tilespmem:v18+s12+$0x0] =	vst.idx.add.f32.msk $0xffff, v1  }
0x144: {  	v19 =	vor.u32 $0x10, v0;
	v1 =	vld [tilespmem:$0x1140];
	_ =	sdelay $0x4  }
0x145: {  	[tilespmem:v19+s12+$0x0] =	vst.idx.add.f32.msk $0xffff, v1  }
0x146: {  	v20 =	vor.u32 $0x11, v0;
	v1 =	vld [tilespmem:$0x11C0];
	_ =	sdelay $0x4  }
0x147: {  	[tilespmem:v20+s12+$0x0] =	vst.idx.add.f32.msk $0xffff, v1  }
0x148: {  	v21 =	vor.u32 $0x12, v0;
	v1 =	vld [tilespmem:$0x1240];
	_ =	sdelay $0x4  }
0x149: {  	[tilespmem:v21+s12+$0x0] =	vst.idx.add.f32.msk $0xffff, v1  }
0x14a: {  	v22 =	vor.u32 $0x13, v0;
	v1 =	vld [tilespmem:$0x12C0];
	_ =	sdelay $0x4  }
0x14b: {  	[tilespmem:v22+s12+$0x0] =	vst.idx.add.f32.msk $0xffff, v1  }
0x14c: {  	v23 =	vor.u32 $0x14, v0;
	v1 =	vld [tilespmem:$0x1340];
	_ =	sdelay $0x4  }
0x14d: {  	[tilespmem:v23+s12+$0x0] =	vst.idx.add.f32.msk $0xffff, v1  }
0x14e: {  	v24 =	vor.u32 $0x15, v0;
	v1 =	vld [tilespmem:$0x13C0];
	_ =	sdelay $0x4  }
0x14f: {  	[tilespmem:v24+s12+$0x0] =	vst.idx.add.f32.msk $0xffff, v1  }
0x150: {  	v25 =	vor.u32 $0x16, v0;
	v1 =	vld [tilespmem:$0x1440];
	_ =	sdelay $0x4  }
0x151: {  	[tilespmem:v25+s12+$0x0] =	vst.idx.add.f32.msk $0xffff, v1  }
0x152: {  	v26 =	vor.u32 $0x17, v0;
	v1 =	vld [tilespmem:$0x14C0];
	_ =	sdelay $0x4  }
0x153: {  	[tilespmem:v26+s12+$0x0] =	vst.idx.add.f32.msk $0xffff, v1  }
0x154: {  	v27 =	vor.u32 $0x18, v0;
	v1 =	vld [tilespmem:$0x1940];
	_ =	sdelay $0x4  }
0x155: {  	[tilespmem:v27+s12+$0x0] =	vst.idx.add.f32.msk $0xffff, v1  }
0x156: {  	v28 =	vor.u32 $0x19, v0;
	v1 =	vld [tilespmem:$0x19C0];
	_ =	sdelay $0x4  }
0x157: {  	[tilespmem:v28+s12+$0x0] =	vst.idx.add.f32.msk $0xffff, v1  }
0x158: {  	v29 =	vor.u32 $0x1A, v0;
	v1 =	vld [tilespmem:$0x1A40];
	_ =	sdelay $0x4  }
0x159: {  	[tilespmem:v29+s12+$0x0] =	vst.idx.add.f32.msk $0xffff, v1  }
0x15a: {  	v30 =	vor.u32 $0x1B, v0;
	v1 =	vld [tilespmem:$0x1AC0];
	_ =	sdelay $0x4  }
0x15b: {  	[tilespmem:v30+s12+$0x0] =	vst.idx.add.f32.msk $0xffff, v1  }
0x15c: {  	v31 =	vor.u32 $0x1C, v0;
	v1 =	vld [tilespmem:$0x1B40];
	_ =	sdelay $0x4  }
0x15d: {  	[tilespmem:v31+s12+$0x0] =	vst.idx.add.f32.msk $0xffff, v1  }
0x15e: {  	v32 =	vor.u32 $0x1D, v0;
	v1 =	vld [tilespmem:$0x1BC0];
	_ =	sdelay $0x4  }
0x15f: {  	[tilespmem:v32+s12+$0x0] =	vst.idx.add.f32.msk $0xffff, v1  }
0x160: {  	v33 =	vor.u32 $0x1E, v0;
	v1 =	vld [tilespmem:$0x1C40];
	_ =	sdelay $0x4  }
0x161: {  	[tilespmem:v33+s12+$0x0] =	vst.idx.add.f32.msk $0xffff, v1  }
0x162: {  	v0 =	vor.u32 $0x1F, v0;
	v1 =	vld [tilespmem:$0x1CC0];
	_ =	sdelay $0x4  }
0x163: {  	[tilespmem:v0+s12+$0x0] =	vst.idx.add.f32.msk $0xffff, v1  }
0x164: {  	v0 =	vld [tilespmem:$0x50];
	_ =	sdelay $0x4  }
0x165: {  	v1 =	vld [tilespmem:$0x150];
	v0 =	vshll.u32 v0, $0x5;
	_ =	sdelay $0x4  }
0x166: {  	[tilespmem:v0+s12+$0x0] =	vst.idx.add.f32.msk $0xffff, v1  }
0x167: {  	v34 =	vor.u32 $0x1, v0;
	v1 =	vld [tilespmem:$0x1D0];
	_ =	sdelay $0x4  }
0x168: {  	[tilespmem:v34+s12+$0x0] =	vst.idx.add.f32.msk $0xffff, v1  }
0x169: {  	v35 =	vor.u32 $0x2, v0;
	v1 =	vld [tilespmem:$0x250];
	_ =	sdelay $0x4  }
0x16a: {  	[tilespmem:v35+s12+$0x0] =	vst.idx.add.f32.msk $0xffff, v1  }
0x16b: {  	v36 =	vor.u32 $0x3, v0;
	v1 =	vld [tilespmem:$0x2D0];
	_ =	sdelay $0x4  }
0x16c: {  	[tilespmem:v36+s12+$0x0] =	vst.idx.add.f32.msk $0xffff, v1  }
0x16d: {  	v37 =	vor.u32 $0x4, v0;
	v1 =	vld [tilespmem:$0x350];
	_ =	sdelay $0x4  }
0x16e: {  	[tilespmem:v37+s12+$0x0] =	vst.idx.add.f32.msk $0xffff, v1  }
0x16f: {  	v38 =	vor.u32 $0x5, v0;
	v1 =	vld [tilespmem:$0x3D0];
	_ =	sdelay $0x4  }
0x170: {  	[tilespmem:v38+s12+$0x0] =	vst.idx.add.f32.msk $0xffff, v1  }
0x171: {  	v39 =	vor.u32 $0x6, v0;
	v1 =	vld [tilespmem:$0x450];
	_ =	sdelay $0x4  }
0x172: {  	[tilespmem:v39+s12+$0x0] =	vst.idx.add.f32.msk $0xffff, v1  }
0x173: {  	v40 =	vor.u32 $0x7, v0;
	v1 =	vld [tilespmem:$0x4D0];
	_ =	sdelay $0x4  }
0x174: {  	[tilespmem:v40+s12+$0x0] =	vst.idx.add.f32.msk $0xffff, v1  }
0x175: {  	v41 =	vor.u32 $0x8, v0;
	v1 =	vld [tilespmem:$0x950];
	_ =	sdelay $0x4  }
0x176: {  	[tilespmem:v41+s12+$0x0] =	vst.idx.add.f32.msk $0xffff, v1  }
0x177: {  	v42 =	vor.u32 $0x9, v0;
	v1 =	vld [tilespmem:$0x9D0];
	_ =	sdelay $0x4  }
0x178: {  	[tilespmem:v42+s12+$0x0] =	vst.idx.add.f32.msk $0xffff, v1  }
0x179: {  	v43 =	vor.u32 $0xA, v0;
	v1 =	vld [tilespmem:$0xA50];
	_ =	sdelay $0x4  }
0x17a: {  	[tilespmem:v43+s12+$0x0] =	vst.idx.add.f32.msk $0xffff, v1  }
0x17b: {  	v44 =	vor.u32 $0xB, v0;
	v1 =	vld [tilespmem:$0xAD0];
	_ =	sdelay $0x4  }
0x17c: {  	[tilespmem:v44+s12+$0x0] =	vst.idx.add.f32.msk $0xffff, v1  }
0x17d: {  	v45 =	vor.u32 $0xC, v0;
	v1 =	vld [tilespmem:$0xB50];
	_ =	sdelay $0x4  }
0x17e: {  	[tilespmem:v45+s12+$0x0] =	vst.idx.add.f32.msk $0xffff, v1  }
0x17f: {  	v46 =	vor.u32 $0xD, v0;
	v1 =	vld [tilespmem:$0xBD0];
	_ =	sdelay $0x4  }
0x180: {  	[tilespmem:v46+s12+$0x0] =	vst.idx.add.f32.msk $0xffff, v1  }
0x181: {  	v47 =	vor.u32 $0xE, v0;
	v1 =	vld [tilespmem:$0xC50];
	_ =	sdelay $0x4  }
0x182: {  	[tilespmem:v47+s12+$0x0] =	vst.idx.add.f32.msk $0xffff, v1  }
0x183: {  	v48 =	vor.u32 $0xF, v0;
	v1 =	vld [tilespmem:$0xCD0];
	_ =	sdelay $0x4  }
0x184: {  	[tilespmem:v48+s12+$0x0] =	vst.idx.add.f32.msk $0xffff, v1  }
0x185: {  	v49 =	vor.u32 $0x10, v0;
	v1 =	vld [tilespmem:$0x1150];
	_ =	sdelay $0x4  }
0x186: {  	[tilespmem:v49+s12+$0x0] =	vst.idx.add.f32.msk $0xffff, v1  }
0x187: {  	v50 =	vor.u32 $0x11, v0;
	v1 =	vld [tilespmem:$0x11D0];
	_ =	sdelay $0x4  }
0x188: {  	[tilespmem:v50+s12+$0x0] =	vst.idx.add.f32.msk $0xffff, v1  }
0x189: {  	v51 =	vor.u32 $0x12, v0;
	v1 =	vld [tilespmem:$0x1250];
	_ =	sdelay $0x4  }
0x18a: {  	[tilespmem:v51+s12+$0x0] =	vst.idx.add.f32.msk $0xffff, v1  }
0x18b: {  	v52 =	vor.u32 $0x13, v0;
	v1 =	vld [tilespmem:$0x12D0];
	_ =	sdelay $0x4  }
0x18c: {  	[tilespmem:v52+s12+$0x0] =	vst.idx.add.f32.msk $0xffff, v1  }
0x18d: {  	v53 =	vor.u32 $0x14, v0;
	v1 =	vld [tilespmem:$0x1350];
	_ =	sdelay $0x4  }
0x18e: {  	[tilespmem:v53+s12+$0x0] =	vst.idx.add.f32.msk $0xffff, v1  }
0x18f: {  	v54 =	vor.u32 $0x15, v0;
	v1 =	vld [tilespmem:$0x13D0];
	_ =	sdelay $0x4  }
0x190: {  	[tilespmem:v54+s12+$0x0] =	vst.idx.add.f32.msk $0xffff, v1  }
0x191: {  	v55 =	vor.u32 $0x16, v0;
	v1 =	vld [tilespmem:$0x1450];
	_ =	sdelay $0x4  }
0x192: {  	[tilespmem:v55+s12+$0x0] =	vst.idx.add.f32.msk $0xffff, v1  }
0x193: {  	v56 =	vor.u32 $0x17, v0;
	v1 =	vld [tilespmem:$0x14D0];
	_ =	sdelay $0x4  }
0x194: {  	[tilespmem:v56+s12+$0x0] =	vst.idx.add.f32.msk $0xffff, v1  }
0x195: {  	v57 =	vor.u32 $0x18, v0;
	v1 =	vld [tilespmem:$0x1950];
	_ =	sdelay $0x4  }
0x196: {  	[tilespmem:v57+s12+$0x0] =	vst.idx.add.f32.msk $0xffff, v1  }
0x197: {  	v58 =	vor.u32 $0x19, v0;
	v1 =	vld [tilespmem:$0x19D0];
	_ =	sdelay $0x4  }
0x198: {  	[tilespmem:v58+s12+$0x0] =	vst.idx.add.f32.msk $0xffff, v1  }
0x199: {  	v59 =	vor.u32 $0x1A, v0;
	v1 =	vld [tilespmem:$0x1A50];
	_ =	sdelay $0x4  }
0x19a: {  	[tilespmem:v59+s12+$0x0] =	vst.idx.add.f32.msk $0xffff, v1  }
0x19b: {  	v60 =	vor.u32 $0x1B, v0;
	v1 =	vld [tilespmem:$0x1AD0];
	_ =	sdelay $0x4  }
0x19c: {  	[tilespmem:v60+s12+$0x0] =	vst.idx.add.f32.msk $0xffff, v1  }
0x19d: {  	v61 =	vor.u32 $0x1C, v0;
	v1 =	vld [tilespmem:$0x1B50];
	_ =	sdelay $0x4  }
0x19e: {  	[tilespmem:v61+s12+$0x0] =	vst.idx.add.f32.msk $0xffff, v1  }
0x19f: {  	v62 =	vor.u32 $0x1D, v0;
	v1 =	vld [tilespmem:$0x1BD0];
	_ =	sdelay $0x4  }
0x1a0: {  	[tilespmem:v62+s12+$0x0] =	vst.idx.add.f32.msk $0xffff, v1  }
0x1a1: {  	v63 =	vor.u32 $0x1E, v0;
	v1 =	vld [tilespmem:$0x1C50];
	_ =	sdelay $0x4  }
0x1a2: {  	[tilespmem:v63+s12+$0x0] =	vst.idx.add.f32.msk $0xffff, v1  }
0x1a3: {  	v0 =	vor.u32 $0x1F, v0;
	v1 =	vld [tilespmem:$0x1CD0];
	_ =	sdelay $0x4  }
0x1a4: {  	[tilespmem:v0+s12+$0x0] =	vst.idx.add.f32.msk $0xffff, v1  }
0x1a5: {  	v0 =	vld [tilespmem:$0x60];
	_ =	sdelay $0x4  }
0x1a6: {  	v1 =	vld [tilespmem:$0x160];
	v0 =	vshll.u32 v0, $0x5;
	_ =	sdelay $0x4  }
0x1a7: {  	[tilespmem:v0+s12+$0x0] =	vst.idx.add.f32.msk $0xffff, v1  }
0x1a8: {  	v4 =	vor.u32 $0x1, v0;
	v1 =	vld [tilespmem:$0x1E0];
	_ =	sdelay $0x4  }
0x1a9: {  	[tilespmem:v4+s12+$0x0] =	vst.idx.add.f32.msk $0xffff, v1  }
0x1aa: {  	v5 =	vor.u32 $0x2, v0;
	v1 =	vld [tilespmem:$0x260];
	_ =	sdelay $0x4  }
0x1ab: {  	[tilespmem:v5+s12+$0x0] =	vst.idx.add.f32.msk $0xffff, v1  }
0x1ac: {  	v6 =	vor.u32 $0x3, v0;
	v1 =	vld [tilespmem:$0x2E0];
	_ =	sdelay $0x4  }
0x1ad: {  	[tilespmem:v6+s12+$0x0] =	vst.idx.add.f32.msk $0xffff, v1  }
0x1ae: {  	v7 =	vor.u32 $0x4, v0;
	v1 =	vld [tilespmem:$0x360];
	_ =	sdelay $0x4  }
0x1af: {  	[tilespmem:v7+s12+$0x0] =	vst.idx.add.f32.msk $0xffff, v1  }
0x1b0: {  	v8 =	vor.u32 $0x5, v0;
	v1 =	vld [tilespmem:$0x3E0];
	_ =	sdelay $0x4  }
0x1b1: {  	[tilespmem:v8+s12+$0x0] =	vst.idx.add.f32.msk $0xffff, v1  }
0x1b2: {  	v9 =	vor.u32 $0x6, v0;
	v1 =	vld [tilespmem:$0x460];
	_ =	sdelay $0x4  }
0x1b3: {  	[tilespmem:v9+s12+$0x0] =	vst.idx.add.f32.msk $0xffff, v1  }
0x1b4: {  	v10 =	vor.u32 $0x7, v0;
	v1 =	vld [tilespmem:$0x4E0];
	_ =	sdelay $0x4  }
0x1b5: {  	[tilespmem:v10+s12+$0x0] =	vst.idx.add.f32.msk $0xffff, v1  }
0x1b6: {  	v11 =	vor.u32 $0x8, v0;
	v1 =	vld [tilespmem:$0x960];
	_ =	sdelay $0x4  }
0x1b7: {  	[tilespmem:v11+s12+$0x0] =	vst.idx.add.f32.msk $0xffff, v1  }
0x1b8: {  	v12 =	vor.u32 $0x9, v0;
	v1 =	vld [tilespmem:$0x9E0];
	_ =	sdelay $0x4  }
0x1b9: {  	[tilespmem:v12+s12+$0x0] =	vst.idx.add.f32.msk $0xffff, v1  }
0x1ba: {  	v13 =	vor.u32 $0xA, v0;
	v1 =	vld [tilespmem:$0xA60];
	_ =	sdelay $0x4  }
0x1bb: {  	[tilespmem:v13+s12+$0x0] =	vst.idx.add.f32.msk $0xffff, v1  }
0x1bc: {  	v14 =	vor.u32 $0xB, v0;
	v1 =	vld [tilespmem:$0xAE0];
	_ =	sdelay $0x4  }
0x1bd: {  	[tilespmem:v14+s12+$0x0] =	vst.idx.add.f32.msk $0xffff, v1  }
0x1be: {  	v15 =	vor.u32 $0xC, v0;
	v1 =	vld [tilespmem:$0xB60];
	_ =	sdelay $0x4  }
0x1bf: {  	[tilespmem:v15+s12+$0x0] =	vst.idx.add.f32.msk $0xffff, v1  }
0x1c0: {  	v16 =	vor.u32 $0xD, v0;
	v1 =	vld [tilespmem:$0xBE0];
	_ =	sdelay $0x4  }
0x1c1: {  	[tilespmem:v16+s12+$0x0] =	vst.idx.add.f32.msk $0xffff, v1  }
0x1c2: {  	v17 =	vor.u32 $0xE, v0;
	v1 =	vld [tilespmem:$0xC60];
	_ =	sdelay $0x4  }
0x1c3: {  	[tilespmem:v17+s12+$0x0] =	vst.idx.add.f32.msk $0xffff, v1  }
0x1c4: {  	v18 =	vor.u32 $0xF, v0;
	v1 =	vld [tilespmem:$0xCE0];
	_ =	sdelay $0x4  }
0x1c5: {  	[tilespmem:v18+s12+$0x0] =	vst.idx.add.f32.msk $0xffff, v1  }
0x1c6: {  	v19 =	vor.u32 $0x10, v0;
	v1 =	vld [tilespmem:$0x1160];
	_ =	sdelay $0x4  }
0x1c7: {  	[tilespmem:v19+s12+$0x0] =	vst.idx.add.f32.msk $0xffff, v1  }
0x1c8: {  	v20 =	vor.u32 $0x11, v0;
	v1 =	vld [tilespmem:$0x11E0];
	_ =	sdelay $0x4  }
0x1c9: {  	[tilespmem:v20+s12+$0x0] =	vst.idx.add.f32.msk $0xffff, v1  }
0x1ca: {  	v21 =	vor.u32 $0x12, v0;
	v1 =	vld [tilespmem:$0x1260];
	_ =	sdelay $0x4  }
0x1cb: {  	[tilespmem:v21+s12+$0x0] =	vst.idx.add.f32.msk $0xffff, v1  }
0x1cc: {  	v22 =	vor.u32 $0x13, v0;
	v1 =	vld [tilespmem:$0x12E0];
	_ =	sdelay $0x4  }
0x1cd: {  	[tilespmem:v22+s12+$0x0] =	vst.idx.add.f32.msk $0xffff, v1  }
0x1ce: {  	v23 =	vor.u32 $0x14, v0;
	v1 =	vld [tilespmem:$0x1360];
	_ =	sdelay $0x4  }
0x1cf: {  	[tilespmem:v23+s12+$0x0] =	vst.idx.add.f32.msk $0xffff, v1  }
0x1d0: {  	v24 =	vor.u32 $0x15, v0;
	v1 =	vld [tilespmem:$0x13E0];
	_ =	sdelay $0x4  }
0x1d1: {  	[tilespmem:v24+s12+$0x0] =	vst.idx.add.f32.msk $0xffff, v1  }
0x1d2: {  	v25 =	vor.u32 $0x16, v0;
	v1 =	vld [tilespmem:$0x1460];
	_ =	sdelay $0x4  }
0x1d3: {  	[tilespmem:v25+s12+$0x0] =	vst.idx.add.f32.msk $0xffff, v1  }
0x1d4: {  	v26 =	vor.u32 $0x17, v0;
	v1 =	vld [tilespmem:$0x14E0];
	_ =	sdelay $0x4  }
0x1d5: {  	[tilespmem:v26+s12+$0x0] =	vst.idx.add.f32.msk $0xffff, v1  }
0x1d6: {  	v27 =	vor.u32 $0x18, v0;
	v1 =	vld [tilespmem:$0x1960];
	_ =	sdelay $0x4  }
0x1d7: {  	[tilespmem:v27+s12+$0x0] =	vst.idx.add.f32.msk $0xffff, v1  }
0x1d8: {  	v28 =	vor.u32 $0x19, v0;
	v1 =	vld [tilespmem:$0x19E0];
	_ =	sdelay $0x4  }
0x1d9: {  	[tilespmem:v28+s12+$0x0] =	vst.idx.add.f32.msk $0xffff, v1  }
0x1da: {  	v29 =	vor.u32 $0x1A, v0;
	v1 =	vld [tilespmem:$0x1A60];
	_ =	sdelay $0x4  }
0x1db: {  	[tilespmem:v29+s12+$0x0] =	vst.idx.add.f32.msk $0xffff, v1  }
0x1dc: {  	v30 =	vor.u32 $0x1B, v0;
	v1 =	vld [tilespmem:$0x1AE0];
	_ =	sdelay $0x4  }
0x1dd: {  	[tilespmem:v30+s12+$0x0] =	vst.idx.add.f32.msk $0xffff, v1  }
0x1de: {  	v31 =	vor.u32 $0x1C, v0;
	v1 =	vld [tilespmem:$0x1B60];
	_ =	sdelay $0x4  }
0x1df: {  	[tilespmem:v31+s12+$0x0] =	vst.idx.add.f32.msk $0xffff, v1  }
0x1e0: {  	v32 =	vor.u32 $0x1D, v0;
	v1 =	vld [tilespmem:$0x1BE0];
	_ =	sdelay $0x4  }
0x1e1: {  	[tilespmem:v32+s12+$0x0] =	vst.idx.add.f32.msk $0xffff, v1  }
0x1e2: {  	v33 =	vor.u32 $0x1E, v0;
	v1 =	vld [tilespmem:$0x1C60];
	_ =	sdelay $0x4  }
0x1e3: {  	[tilespmem:v33+s12+$0x0] =	vst.idx.add.f32.msk $0xffff, v1  }
0x1e4: {  	v0 =	vor.u32 $0x1F, v0;
	v1 =	vld [tilespmem:$0x1CE0];
	_ =	sdelay $0x4  }
0x1e5: {  	[tilespmem:v0+s12+$0x0] =	vst.idx.add.f32.msk $0xffff, v1  }
0x1e6: {  	v0 =	vld [tilespmem:$0x70];
	_ =	sdelay $0x4  }
0x1e7: {  	v1 =	vld [tilespmem:$0x170];
	v0 =	vshll.u32 v0, $0x5;
	_ =	sdelay $0x4  }
0x1e8: {  	[tilespmem:v0+s12+$0x0] =	vst.idx.add.f32.msk $0xffff, v1  }
0x1e9: {  	v34 =	vor.u32 $0x1, v0;
	v1 =	vld [tilespmem:$0x1F0];
	_ =	sdelay $0x4  }
0x1ea: {  	[tilespmem:v34+s12+$0x0] =	vst.idx.add.f32.msk $0xffff, v1  }
0x1eb: {  	v35 =	vor.u32 $0x2, v0;
	v1 =	vld [tilespmem:$0x270];
	_ =	sdelay $0x4  }
0x1ec: {  	[tilespmem:v35+s12+$0x0] =	vst.idx.add.f32.msk $0xffff, v1  }
0x1ed: {  	v36 =	vor.u32 $0x3, v0;
	v1 =	vld [tilespmem:$0x2F0];
	_ =	sdelay $0x4  }
0x1ee: {  	[tilespmem:v36+s12+$0x0] =	vst.idx.add.f32.msk $0xffff, v1  }
0x1ef: {  	v37 =	vor.u32 $0x4, v0;
	v1 =	vld [tilespmem:$0x370];
	_ =	sdelay $0x4  }
0x1f0: {  	[tilespmem:v37+s12+$0x0] =	vst.idx.add.f32.msk $0xffff, v1  }
0x1f1: {  	v38 =	vor.u32 $0x5, v0;
	v1 =	vld [tilespmem:$0x3F0];
	_ =	sdelay $0x4  }
0x1f2: {  	[tilespmem:v38+s12+$0x0] =	vst.idx.add.f32.msk $0xffff, v1  }
0x1f3: {  	v39 =	vor.u32 $0x6, v0;
	v1 =	vld [tilespmem:$0x470];
	_ =	sdelay $0x4  }
0x1f4: {  	[tilespmem:v39+s12+$0x0] =	vst.idx.add.f32.msk $0xffff, v1  }
0x1f5: {  	v40 =	vor.u32 $0x7, v0;
	v1 =	vld [tilespmem:$0x4F0];
	_ =	sdelay $0x4  }
0x1f6: {  	[tilespmem:v40+s12+$0x0] =	vst.idx.add.f32.msk $0xffff, v1  }
0x1f7: {  	v41 =	vor.u32 $0x8, v0;
	v1 =	vld [tilespmem:$0x970];
	_ =	sdelay $0x4  }
0x1f8: {  	[tilespmem:v41+s12+$0x0] =	vst.idx.add.f32.msk $0xffff, v1  }
0x1f9: {  	v42 =	vor.u32 $0x9, v0;
	v1 =	vld [tilespmem:$0x9F0];
	_ =	sdelay $0x4  }
0x1fa: {  	[tilespmem:v42+s12+$0x0] =	vst.idx.add.f32.msk $0xffff, v1  }
0x1fb: {  	v43 =	vor.u32 $0xA, v0;
	v1 =	vld [tilespmem:$0xA70];
	_ =	sdelay $0x4  }
0x1fc: {  	[tilespmem:v43+s12+$0x0] =	vst.idx.add.f32.msk $0xffff, v1  }
0x1fd: {  	v44 =	vor.u32 $0xB, v0;
	v1 =	vld [tilespmem:$0xAF0];
	_ =	sdelay $0x4  }
0x1fe: {  	[tilespmem:v44+s12+$0x0] =	vst.idx.add.f32.msk $0xffff, v1  }
0x1ff: {  	v45 =	vor.u32 $0xC, v0;
	v1 =	vld [tilespmem:$0xB70];
	_ =	sdelay $0x4  }
0x200: {  	[tilespmem:v45+s12+$0x0] =	vst.idx.add.f32.msk $0xffff, v1  }
0x201: {  	v46 =	vor.u32 $0xD, v0;
	v1 =	vld [tilespmem:$0xBF0];
	_ =	sdelay $0x4  }
0x202: {  	[tilespmem:v46+s12+$0x0] =	vst.idx.add.f32.msk $0xffff, v1  }
0x203: {  	v47 =	vor.u32 $0xE, v0;
	v1 =	vld [tilespmem:$0xC70];
	_ =	sdelay $0x4  }
0x204: {  	[tilespmem:v47+s12+$0x0] =	vst.idx.add.f32.msk $0xffff, v1  }
0x205: {  	v48 =	vor.u32 $0xF, v0;
	v1 =	vld [tilespmem:$0xCF0];
	_ =	sdelay $0x4  }
0x206: {  	[tilespmem:v48+s12+$0x0] =	vst.idx.add.f32.msk $0xffff, v1  }
0x207: {  	v49 =	vor.u32 $0x10, v0;
	v1 =	vld [tilespmem:$0x1170];
	_ =	sdelay $0x4  }
0x208: {  	[tilespmem:v49+s12+$0x0] =	vst.idx.add.f32.msk $0xffff, v1  }
0x209: {  	v50 =	vor.u32 $0x11, v0;
	v1 =	vld [tilespmem:$0x11F0];
	_ =	sdelay $0x4  }
0x20a: {  	[tilespmem:v50+s12+$0x0] =	vst.idx.add.f32.msk $0xffff, v1  }
0x20b: {  	v51 =	vor.u32 $0x12, v0;
	v1 =	vld [tilespmem:$0x1270];
	_ =	sdelay $0x4  }
0x20c: {  	[tilespmem:v51+s12+$0x0] =	vst.idx.add.f32.msk $0xffff, v1  }
0x20d: {  	v52 =	vor.u32 $0x13, v0;
	v1 =	vld [tilespmem:$0x12F0];
	_ =	sdelay $0x4  }
0x20e: {  	[tilespmem:v52+s12+$0x0] =	vst.idx.add.f32.msk $0xffff, v1  }
0x20f: {  	v53 =	vor.u32 $0x14, v0;
	v1 =	vld [tilespmem:$0x1370];
	_ =	sdelay $0x4  }
0x210: {  	[tilespmem:v53+s12+$0x0] =	vst.idx.add.f32.msk $0xffff, v1  }
0x211: {  	v54 =	vor.u32 $0x15, v0;
	v1 =	vld [tilespmem:$0x13F0];
	_ =	sdelay $0x4  }
0x212: {  	[tilespmem:v54+s12+$0x0] =	vst.idx.add.f32.msk $0xffff, v1  }
0x213: {  	v55 =	vor.u32 $0x16, v0;
	v1 =	vld [tilespmem:$0x1470];
	_ =	sdelay $0x4  }
0x214: {  	[tilespmem:v55+s12+$0x0] =	vst.idx.add.f32.msk $0xffff, v1  }
0x215: {  	v56 =	vor.u32 $0x17, v0;
	v1 =	vld [tilespmem:$0x14F0];
	_ =	sdelay $0x4  }
0x216: {  	[tilespmem:v56+s12+$0x0] =	vst.idx.add.f32.msk $0xffff, v1  }
0x217: {  	v57 =	vor.u32 $0x18, v0;
	v1 =	vld [tilespmem:$0x1970];
	_ =	sdelay $0x4  }
0x218: {  	[tilespmem:v57+s12+$0x0] =	vst.idx.add.f32.msk $0xffff, v1  }
0x219: {  	v58 =	vor.u32 $0x19, v0;
	v1 =	vld [tilespmem:$0x19F0];
	_ =	sdelay $0x4  }
0x21a: {  	[tilespmem:v58+s12+$0x0] =	vst.idx.add.f32.msk $0xffff, v1  }
0x21b: {  	v59 =	vor.u32 $0x1A, v0;
	v1 =	vld [tilespmem:$0x1A70];
	_ =	sdelay $0x4  }
0x21c: {  	[tilespmem:v59+s12+$0x0] =	vst.idx.add.f32.msk $0xffff, v1  }
0x21d: {  	v60 =	vor.u32 $0x1B, v0;
	v1 =	vld [tilespmem:$0x1AF0];
	_ =	sdelay $0x4  }
0x21e: {  	[tilespmem:v60+s12+$0x0] =	vst.idx.add.f32.msk $0xffff, v1  }
0x21f: {  	v61 =	vor.u32 $0x1C, v0;
	v1 =	vld [tilespmem:$0x1B70];
	_ =	sdelay $0x4  }
0x220: {  	[tilespmem:v61+s12+$0x0] =	vst.idx.add.f32.msk $0xffff, v1  }
0x221: {  	v62 =	vor.u32 $0x1D, v0;
	v1 =	vld [tilespmem:$0x1BF0];
	_ =	sdelay $0x4  }
0x222: {  	[tilespmem:v62+s12+$0x0] =	vst.idx.add.f32.msk $0xffff, v1  }
0x223: {  	v63 =	vor.u32 $0x1E, v0;
	v1 =	vld [tilespmem:$0x1C70];
	_ =	sdelay $0x4  }
0x224: {  	[tilespmem:v63+s12+$0x0] =	vst.idx.add.f32.msk $0xffff, v1  }
0x225: {  	v0 =	vor.u32 $0x1F, v0;
	v1 =	vld [tilespmem:$0x1CF0];
	_ =	sdelay $0x4  }
0x226: {  	[tilespmem:v0+s12+$0x0] =	vst.idx.add.f32.msk $0xffff, v1  }
0x227: {  	v0 =	vld [tilespmem:$0x80];
	_ =	sdelay $0x4  }
0x228: {  	v1 =	vld [tilespmem:$0x500];
	v0 =	vshll.u32 v0, $0x5;
	_ =	sdelay $0x4  }
0x229: {  	[tilespmem:v0+s12+$0x0] =	vst.idx.add.f32.msk $0xffff, v1  }
0x22a: {  	v4 =	vor.u32 $0x1, v0;
	v1 =	vld [tilespmem:$0x580];
	_ =	sdelay $0x4  }
0x22b: {  	[tilespmem:v4+s12+$0x0] =	vst.idx.add.f32.msk $0xffff, v1  }
0x22c: {  	v5 =	vor.u32 $0x2, v0;
	v1 =	vld [tilespmem:$0x600];
	_ =	sdelay $0x4  }
0x22d: {  	[tilespmem:v5+s12+$0x0] =	vst.idx.add.f32.msk $0xffff, v1  }
0x22e: {  	v6 =	vor.u32 $0x3, v0;
	v1 =	vld [tilespmem:$0x680];
	_ =	sdelay $0x4  }
0x22f: {  	[tilespmem:v6+s12+$0x0] =	vst.idx.add.f32.msk $0xffff, v1  }
0x230: {  	v7 =	vor.u32 $0x4, v0;
	v1 =	vld [tilespmem:$0x700];
	_ =	sdelay $0x4  }
0x231: {  	[tilespmem:v7+s12+$0x0] =	vst.idx.add.f32.msk $0xffff, v1  }
0x232: {  	v8 =	vor.u32 $0x5, v0;
	v1 =	vld [tilespmem:$0x780];
	_ =	sdelay $0x4  }
0x233: {  	[tilespmem:v8+s12+$0x0] =	vst.idx.add.f32.msk $0xffff, v1  }
0x234: {  	v9 =	vor.u32 $0x6, v0;
	v1 =	vld [tilespmem:$0x800];
	_ =	sdelay $0x4  }
0x235: {  	[tilespmem:v9+s12+$0x0] =	vst.idx.add.f32.msk $0xffff, v1  }
0x236: {  	v10 =	vor.u32 $0x7, v0;
	v1 =	vld [tilespmem:$0x880];
	_ =	sdelay $0x4  }
0x237: {  	[tilespmem:v10+s12+$0x0] =	vst.idx.add.f32.msk $0xffff, v1  }
0x238: {  	v11 =	vor.u32 $0x8, v0;
	v1 =	vld [tilespmem:$0xD00];
	_ =	sdelay $0x4  }
0x239: {  	[tilespmem:v11+s12+$0x0] =	vst.idx.add.f32.msk $0xffff, v1  }
0x23a: {  	v12 =	vor.u32 $0x9, v0;
	v1 =	vld [tilespmem:$0xD80];
	_ =	sdelay $0x4  }
0x23b: {  	[tilespmem:v12+s12+$0x0] =	vst.idx.add.f32.msk $0xffff, v1  }
0x23c: {  	v13 =	vor.u32 $0xA, v0;
	v1 =	vld [tilespmem:$0xE00];
	_ =	sdelay $0x4  }
0x23d: {  	[tilespmem:v13+s12+$0x0] =	vst.idx.add.f32.msk $0xffff, v1  }
0x23e: {  	v14 =	vor.u32 $0xB, v0;
	v1 =	vld [tilespmem:$0xE80];
	_ =	sdelay $0x4  }
0x23f: {  	[tilespmem:v14+s12+$0x0] =	vst.idx.add.f32.msk $0xffff, v1  }
0x240: {  	v15 =	vor.u32 $0xC, v0;
	v1 =	vld [tilespmem:$0xF00];
	_ =	sdelay $0x4  }
0x241: {  	[tilespmem:v15+s12+$0x0] =	vst.idx.add.f32.msk $0xffff, v1  }
0x242: {  	v16 =	vor.u32 $0xD, v0;
	v1 =	vld [tilespmem:$0xF80];
	_ =	sdelay $0x4  }
0x243: {  	[tilespmem:v16+s12+$0x0] =	vst.idx.add.f32.msk $0xffff, v1  }
0x244: {  	v17 =	vor.u32 $0xE, v0;
	v1 =	vld [tilespmem:$0x1000];
	_ =	sdelay $0x4  }
0x245: {  	[tilespmem:v17+s12+$0x0] =	vst.idx.add.f32.msk $0xffff, v1  }
0x246: {  	v18 =	vor.u32 $0xF, v0;
	v1 =	vld [tilespmem:$0x1080];
	_ =	sdelay $0x4  }
0x247: {  	[tilespmem:v18+s12+$0x0] =	vst.idx.add.f32.msk $0xffff, v1  }
0x248: {  	v19 =	vor.u32 $0x10, v0;
	v1 =	vld [tilespmem:$0x1500];
	_ =	sdelay $0x4  }
0x249: {  	[tilespmem:v19+s12+$0x0] =	vst.idx.add.f32.msk $0xffff, v1  }
0x24a: {  	v20 =	vor.u32 $0x11, v0;
	v1 =	vld [tilespmem:$0x1580];
	_ =	sdelay $0x4  }
0x24b: {  	[tilespmem:v20+s12+$0x0] =	vst.idx.add.f32.msk $0xffff, v1  }
0x24c: {  	v21 =	vor.u32 $0x12, v0;
	v1 =	vld [tilespmem:$0x1600];
	_ =	sdelay $0x4  }
0x24d: {  	[tilespmem:v21+s12+$0x0] =	vst.idx.add.f32.msk $0xffff, v1  }
0x24e: {  	v22 =	vor.u32 $0x13, v0;
	v1 =	vld [tilespmem:$0x1680];
	_ =	sdelay $0x4  }
0x24f: {  	[tilespmem:v22+s12+$0x0] =	vst.idx.add.f32.msk $0xffff, v1  }
0x250: {  	v23 =	vor.u32 $0x14, v0;
	v1 =	vld [tilespmem:$0x1700];
	_ =	sdelay $0x4  }
0x251: {  	[tilespmem:v23+s12+$0x0] =	vst.idx.add.f32.msk $0xffff, v1  }
0x252: {  	v24 =	vor.u32 $0x15, v0;
	v1 =	vld [tilespmem:$0x1780];
	_ =	sdelay $0x4  }
0x253: {  	[tilespmem:v24+s12+$0x0] =	vst.idx.add.f32.msk $0xffff, v1  }
0x254: {  	v25 =	vor.u32 $0x16, v0;
	v1 =	vld [tilespmem:$0x1800];
	_ =	sdelay $0x4  }
0x255: {  	[tilespmem:v25+s12+$0x0] =	vst.idx.add.f32.msk $0xffff, v1  }
0x256: {  	v26 =	vor.u32 $0x17, v0;
	v1 =	vld [tilespmem:$0x1880];
	_ =	sdelay $0x4  }
0x257: {  	[tilespmem:v26+s12+$0x0] =	vst.idx.add.f32.msk $0xffff, v1  }
0x258: {  	v27 =	vor.u32 $0x18, v0;
	v1 =	vld [tilespmem:$0x1D00];
	_ =	sdelay $0x4  }
0x259: {  	[tilespmem:v27+s12+$0x0] =	vst.idx.add.f32.msk $0xffff, v1  }
0x25a: {  	v28 =	vor.u32 $0x19, v0;
	v1 =	vld [tilespmem:$0x1D80];
	_ =	sdelay $0x4  }
0x25b: {  	[tilespmem:v28+s12+$0x0] =	vst.idx.add.f32.msk $0xffff, v1  }
0x25c: {  	v29 =	vor.u32 $0x1A, v0;
	v1 =	vld [tilespmem:$0x1E00];
	_ =	sdelay $0x4  }
0x25d: {  	[tilespmem:v29+s12+$0x0] =	vst.idx.add.f32.msk $0xffff, v1  }
0x25e: {  	v30 =	vor.u32 $0x1B, v0;
	v1 =	vld [tilespmem:$0x1E80];
	_ =	sdelay $0x4  }
0x25f: {  	[tilespmem:v30+s12+$0x0] =	vst.idx.add.f32.msk $0xffff, v1  }
0x260: {  	v31 =	vor.u32 $0x1C, v0;
	v1 =	vld [tilespmem:$0x1F00];
	_ =	sdelay $0x4  }
0x261: {  	[tilespmem:v31+s12+$0x0] =	vst.idx.add.f32.msk $0xffff, v1  }
0x262: {  	v32 =	vor.u32 $0x1D, v0;
	v1 =	vld [tilespmem:$0x1F80];
	_ =	sdelay $0x4  }
0x263: {  	[tilespmem:v32+s12+$0x0] =	vst.idx.add.f32.msk $0xffff, v1  }
0x264: {  	v33 =	vor.u32 $0x1E, v0;
	v1 =	vld [tilespmem:$0x2000];
	_ =	sdelay $0x4  }
0x265: {  	[tilespmem:v33+s12+$0x0] =	vst.idx.add.f32.msk $0xffff, v1  }
0x266: {  	v0 =	vor.u32 $0x1F, v0;
	v1 =	vld [tilespmem:$0x2080];
	_ =	sdelay $0x4  }
0x267: {  	[tilespmem:v0+s12+$0x0] =	vst.idx.add.f32.msk $0xffff, v1  }
0x268: {  	v0 =	vld [tilespmem:$0x90];
	_ =	sdelay $0x4  }
0x269: {  	v1 =	vld [tilespmem:$0x510];
	v0 =	vshll.u32 v0, $0x5;
	_ =	sdelay $0x4  }
0x26a: {  	[tilespmem:v0+s12+$0x0] =	vst.idx.add.f32.msk $0xffff, v1  }
0x26b: {  	v34 =	vor.u32 $0x1, v0;
	v1 =	vld [tilespmem:$0x590];
	_ =	sdelay $0x4  }
0x26c: {  	[tilespmem:v34+s12+$0x0] =	vst.idx.add.f32.msk $0xffff, v1  }
0x26d: {  	v35 =	vor.u32 $0x2, v0;
	v1 =	vld [tilespmem:$0x610];
	_ =	sdelay $0x4  }
0x26e: {  	[tilespmem:v35+s12+$0x0] =	vst.idx.add.f32.msk $0xffff, v1  }
0x26f: {  	v36 =	vor.u32 $0x3, v0;
	v1 =	vld [tilespmem:$0x690];
	_ =	sdelay $0x4  }
0x270: {  	[tilespmem:v36+s12+$0x0] =	vst.idx.add.f32.msk $0xffff, v1  }
0x271: {  	v37 =	vor.u32 $0x4, v0;
	v1 =	vld [tilespmem:$0x710];
	_ =	sdelay $0x4  }
0x272: {  	[tilespmem:v37+s12+$0x0] =	vst.idx.add.f32.msk $0xffff, v1  }
0x273: {  	v38 =	vor.u32 $0x5, v0;
	v1 =	vld [tilespmem:$0x790];
	_ =	sdelay $0x4  }
0x274: {  	[tilespmem:v38+s12+$0x0] =	vst.idx.add.f32.msk $0xffff, v1  }
0x275: {  	v39 =	vor.u32 $0x6, v0;
	v1 =	vld [tilespmem:$0x810];
	_ =	sdelay $0x4  }
0x276: {  	[tilespmem:v39+s12+$0x0] =	vst.idx.add.f32.msk $0xffff, v1  }
0x277: {  	v40 =	vor.u32 $0x7, v0;
	v1 =	vld [tilespmem:$0x890];
	_ =	sdelay $0x4  }
0x278: {  	[tilespmem:v40+s12+$0x0] =	vst.idx.add.f32.msk $0xffff, v1  }
0x279: {  	v41 =	vor.u32 $0x8, v0;
	v1 =	vld [tilespmem:$0xD10];
	_ =	sdelay $0x4  }
0x27a: {  	[tilespmem:v41+s12+$0x0] =	vst.idx.add.f32.msk $0xffff, v1  }
0x27b: {  	v42 =	vor.u32 $0x9, v0;
	v1 =	vld [tilespmem:$0xD90];
	_ =	sdelay $0x4  }
0x27c: {  	[tilespmem:v42+s12+$0x0] =	vst.idx.add.f32.msk $0xffff, v1  }
0x27d: {  	v43 =	vor.u32 $0xA, v0;
	v1 =	vld [tilespmem:$0xE10];
	_ =	sdelay $0x4  }
0x27e: {  	[tilespmem:v43+s12+$0x0] =	vst.idx.add.f32.msk $0xffff, v1  }
0x27f: {  	v44 =	vor.u32 $0xB, v0;
	v1 =	vld [tilespmem:$0xE90];
	_ =	sdelay $0x4  }
0x280: {  	[tilespmem:v44+s12+$0x0] =	vst.idx.add.f32.msk $0xffff, v1  }
0x281: {  	v45 =	vor.u32 $0xC, v0;
	v1 =	vld [tilespmem:$0xF10];
	_ =	sdelay $0x4  }
0x282: {  	[tilespmem:v45+s12+$0x0] =	vst.idx.add.f32.msk $0xffff, v1  }
0x283: {  	v46 =	vor.u32 $0xD, v0;
	v1 =	vld [tilespmem:$0xF90];
	_ =	sdelay $0x4  }
0x284: {  	[tilespmem:v46+s12+$0x0] =	vst.idx.add.f32.msk $0xffff, v1  }
0x285: {  	v47 =	vor.u32 $0xE, v0;
	v1 =	vld [tilespmem:$0x1010];
	_ =	sdelay $0x4  }
0x286: {  	[tilespmem:v47+s12+$0x0] =	vst.idx.add.f32.msk $0xffff, v1  }
0x287: {  	v48 =	vor.u32 $0xF, v0;
	v1 =	vld [tilespmem:$0x1090];
	_ =	sdelay $0x4  }
0x288: {  	[tilespmem:v48+s12+$0x0] =	vst.idx.add.f32.msk $0xffff, v1  }
0x289: {  	v49 =	vor.u32 $0x10, v0;
	v1 =	vld [tilespmem:$0x1510];
	_ =	sdelay $0x4  }
0x28a: {  	[tilespmem:v49+s12+$0x0] =	vst.idx.add.f32.msk $0xffff, v1  }
0x28b: {  	v50 =	vor.u32 $0x11, v0;
	v1 =	vld [tilespmem:$0x1590];
	_ =	sdelay $0x4  }
0x28c: {  	[tilespmem:v50+s12+$0x0] =	vst.idx.add.f32.msk $0xffff, v1  }
0x28d: {  	v51 =	vor.u32 $0x12, v0;
	v1 =	vld [tilespmem:$0x1610];
	_ =	sdelay $0x4  }
0x28e: {  	[tilespmem:v51+s12+$0x0] =	vst.idx.add.f32.msk $0xffff, v1  }
0x28f: {  	v52 =	vor.u32 $0x13, v0;
	v1 =	vld [tilespmem:$0x1690];
	_ =	sdelay $0x4  }
0x290: {  	[tilespmem:v52+s12+$0x0] =	vst.idx.add.f32.msk $0xffff, v1  }
0x291: {  	v53 =	vor.u32 $0x14, v0;
	v1 =	vld [tilespmem:$0x1710];
	_ =	sdelay $0x4  }
0x292: {  	[tilespmem:v53+s12+$0x0] =	vst.idx.add.f32.msk $0xffff, v1  }
0x293: {  	v54 =	vor.u32 $0x15, v0;
	v1 =	vld [tilespmem:$0x1790];
	_ =	sdelay $0x4  }
0x294: {  	[tilespmem:v54+s12+$0x0] =	vst.idx.add.f32.msk $0xffff, v1  }
0x295: {  	v55 =	vor.u32 $0x16, v0;
	v1 =	vld [tilespmem:$0x1810];
	_ =	sdelay $0x4  }
0x296: {  	[tilespmem:v55+s12+$0x0] =	vst.idx.add.f32.msk $0xffff, v1  }
0x297: {  	v56 =	vor.u32 $0x17, v0;
	v1 =	vld [tilespmem:$0x1890];
	_ =	sdelay $0x4  }
0x298: {  	[tilespmem:v56+s12+$0x0] =	vst.idx.add.f32.msk $0xffff, v1  }
0x299: {  	v57 =	vor.u32 $0x18, v0;
	v1 =	vld [tilespmem:$0x1D10];
	_ =	sdelay $0x4  }
0x29a: {  	[tilespmem:v57+s12+$0x0] =	vst.idx.add.f32.msk $0xffff, v1  }
0x29b: {  	v58 =	vor.u32 $0x19, v0;
	v1 =	vld [tilespmem:$0x1D90];
	_ =	sdelay $0x4  }
0x29c: {  	[tilespmem:v58+s12+$0x0] =	vst.idx.add.f32.msk $0xffff, v1  }
0x29d: {  	v59 =	vor.u32 $0x1A, v0;
	v1 =	vld [tilespmem:$0x1E10];
	_ =	sdelay $0x4  }
0x29e: {  	[tilespmem:v59+s12+$0x0] =	vst.idx.add.f32.msk $0xffff, v1  }
0x29f: {  	v60 =	vor.u32 $0x1B, v0;
	v1 =	vld [tilespmem:$0x1E90];
	_ =	sdelay $0x4  }
0x2a0: {  	[tilespmem:v60+s12+$0x0] =	vst.idx.add.f32.msk $0xffff, v1  }
0x2a1: {  	v61 =	vor.u32 $0x1C, v0;
	v1 =	vld [tilespmem:$0x1F10];
	_ =	sdelay $0x4  }
0x2a2: {  	[tilespmem:v61+s12+$0x0] =	vst.idx.add.f32.msk $0xffff, v1  }
0x2a3: {  	v62 =	vor.u32 $0x1D, v0;
	v1 =	vld [tilespmem:$0x1F90];
	_ =	sdelay $0x4  }
0x2a4: {  	[tilespmem:v62+s12+$0x0] =	vst.idx.add.f32.msk $0xffff, v1  }
0x2a5: {  	v63 =	vor.u32 $0x1E, v0;
	v1 =	vld [tilespmem:$0x2010];
	_ =	sdelay $0x4  }
0x2a6: {  	[tilespmem:v63+s12+$0x0] =	vst.idx.add.f32.msk $0xffff, v1  }
0x2a7: {  	v0 =	vor.u32 $0x1F, v0;
	v1 =	vld [tilespmem:$0x2090];
	_ =	sdelay $0x4  }
0x2a8: {  	[tilespmem:v0+s12+$0x0] =	vst.idx.add.f32.msk $0xffff, v1  }
0x2a9: {  	v0 =	vld [tilespmem:$0xA0];
	_ =	sdelay $0x4  }
0x2aa: {  	v1 =	vld [tilespmem:$0x520];
	v0 =	vshll.u32 v0, $0x5;
	_ =	sdelay $0x4  }
0x2ab: {  	[tilespmem:v0+s12+$0x0] =	vst.idx.add.f32.msk $0xffff, v1  }
0x2ac: {  	v4 =	vor.u32 $0x1, v0;
	v1 =	vld [tilespmem:$0x5A0];
	_ =	sdelay $0x4  }
0x2ad: {  	[tilespmem:v4+s12+$0x0] =	vst.idx.add.f32.msk $0xffff, v1  }
0x2ae: {  	v5 =	vor.u32 $0x2, v0;
	v1 =	vld [tilespmem:$0x620];
	_ =	sdelay $0x4  }
0x2af: {  	[tilespmem:v5+s12+$0x0] =	vst.idx.add.f32.msk $0xffff, v1  }
0x2b0: {  	v6 =	vor.u32 $0x3, v0;
	v1 =	vld [tilespmem:$0x6A0];
	_ =	sdelay $0x4  }
0x2b1: {  	[tilespmem:v6+s12+$0x0] =	vst.idx.add.f32.msk $0xffff, v1  }
0x2b2: {  	v7 =	vor.u32 $0x4, v0;
	v1 =	vld [tilespmem:$0x720];
	_ =	sdelay $0x4  }
0x2b3: {  	[tilespmem:v7+s12+$0x0] =	vst.idx.add.f32.msk $0xffff, v1  }
0x2b4: {  	v8 =	vor.u32 $0x5, v0;
	v1 =	vld [tilespmem:$0x7A0];
	_ =	sdelay $0x4  }
0x2b5: {  	[tilespmem:v8+s12+$0x0] =	vst.idx.add.f32.msk $0xffff, v1  }
0x2b6: {  	v9 =	vor.u32 $0x6, v0;
	v1 =	vld [tilespmem:$0x820];
	_ =	sdelay $0x4  }
0x2b7: {  	[tilespmem:v9+s12+$0x0] =	vst.idx.add.f32.msk $0xffff, v1  }
0x2b8: {  	v10 =	vor.u32 $0x7, v0;
	v1 =	vld [tilespmem:$0x8A0];
	_ =	sdelay $0x4  }
0x2b9: {  	[tilespmem:v10+s12+$0x0] =	vst.idx.add.f32.msk $0xffff, v1  }
0x2ba: {  	v11 =	vor.u32 $0x8, v0;
	v1 =	vld [tilespmem:$0xD20];
	_ =	sdelay $0x4  }
0x2bb: {  	[tilespmem:v11+s12+$0x0] =	vst.idx.add.f32.msk $0xffff, v1  }
0x2bc: {  	v12 =	vor.u32 $0x9, v0;
	v1 =	vld [tilespmem:$0xDA0];
	_ =	sdelay $0x4  }
0x2bd: {  	[tilespmem:v12+s12+$0x0] =	vst.idx.add.f32.msk $0xffff, v1  }
0x2be: {  	v13 =	vor.u32 $0xA, v0;
	v1 =	vld [tilespmem:$0xE20];
	_ =	sdelay $0x4  }
0x2bf: {  	[tilespmem:v13+s12+$0x0] =	vst.idx.add.f32.msk $0xffff, v1  }
0x2c0: {  	v14 =	vor.u32 $0xB, v0;
	v1 =	vld [tilespmem:$0xEA0];
	_ =	sdelay $0x4  }
0x2c1: {  	[tilespmem:v14+s12+$0x0] =	vst.idx.add.f32.msk $0xffff, v1  }
0x2c2: {  	v15 =	vor.u32 $0xC, v0;
	v1 =	vld [tilespmem:$0xF20];
	_ =	sdelay $0x4  }
0x2c3: {  	[tilespmem:v15+s12+$0x0] =	vst.idx.add.f32.msk $0xffff, v1  }
0x2c4: {  	v16 =	vor.u32 $0xD, v0;
	v1 =	vld [tilespmem:$0xFA0];
	_ =	sdelay $0x4  }
0x2c5: {  	[tilespmem:v16+s12+$0x0] =	vst.idx.add.f32.msk $0xffff, v1  }
0x2c6: {  	v17 =	vor.u32 $0xE, v0;
	v1 =	vld [tilespmem:$0x1020];
	_ =	sdelay $0x4  }
0x2c7: {  	[tilespmem:v17+s12+$0x0] =	vst.idx.add.f32.msk $0xffff, v1  }
0x2c8: {  	v18 =	vor.u32 $0xF, v0;
	v1 =	vld [tilespmem:$0x10A0];
	_ =	sdelay $0x4  }
0x2c9: {  	[tilespmem:v18+s12+$0x0] =	vst.idx.add.f32.msk $0xffff, v1  }
0x2ca: {  	v19 =	vor.u32 $0x10, v0;
	v1 =	vld [tilespmem:$0x1520];
	_ =	sdelay $0x4  }
0x2cb: {  	[tilespmem:v19+s12+$0x0] =	vst.idx.add.f32.msk $0xffff, v1  }
0x2cc: {  	v20 =	vor.u32 $0x11, v0;
	v1 =	vld [tilespmem:$0x15A0];
	_ =	sdelay $0x4  }
0x2cd: {  	[tilespmem:v20+s12+$0x0] =	vst.idx.add.f32.msk $0xffff, v1  }
0x2ce: {  	v21 =	vor.u32 $0x12, v0;
	v1 =	vld [tilespmem:$0x1620];
	_ =	sdelay $0x4  }
0x2cf: {  	[tilespmem:v21+s12+$0x0] =	vst.idx.add.f32.msk $0xffff, v1  }
0x2d0: {  	v22 =	vor.u32 $0x13, v0;
	v1 =	vld [tilespmem:$0x16A0];
	_ =	sdelay $0x4  }
0x2d1: {  	[tilespmem:v22+s12+$0x0] =	vst.idx.add.f32.msk $0xffff, v1  }
0x2d2: {  	v23 =	vor.u32 $0x14, v0;
	v1 =	vld [tilespmem:$0x1720];
	_ =	sdelay $0x4  }
0x2d3: {  	[tilespmem:v23+s12+$0x0] =	vst.idx.add.f32.msk $0xffff, v1  }
0x2d4: {  	v24 =	vor.u32 $0x15, v0;
	v1 =	vld [tilespmem:$0x17A0];
	_ =	sdelay $0x4  }
0x2d5: {  	[tilespmem:v24+s12+$0x0] =	vst.idx.add.f32.msk $0xffff, v1  }
0x2d6: {  	v25 =	vor.u32 $0x16, v0;
	v1 =	vld [tilespmem:$0x1820];
	_ =	sdelay $0x4  }
0x2d7: {  	[tilespmem:v25+s12+$0x0] =	vst.idx.add.f32.msk $0xffff, v1  }
0x2d8: {  	v26 =	vor.u32 $0x17, v0;
	v1 =	vld [tilespmem:$0x18A0];
	_ =	sdelay $0x4  }
0x2d9: {  	[tilespmem:v26+s12+$0x0] =	vst.idx.add.f32.msk $0xffff, v1  }
0x2da: {  	v27 =	vor.u32 $0x18, v0;
	v1 =	vld [tilespmem:$0x1D20];
	_ =	sdelay $0x4  }
0x2db: {  	[tilespmem:v27+s12+$0x0] =	vst.idx.add.f32.msk $0xffff, v1  }
0x2dc: {  	v28 =	vor.u32 $0x19, v0;
	v1 =	vld [tilespmem:$0x1DA0];
	_ =	sdelay $0x4  }
0x2dd: {  	[tilespmem:v28+s12+$0x0] =	vst.idx.add.f32.msk $0xffff, v1  }
0x2de: {  	v29 =	vor.u32 $0x1A, v0;
	v1 =	vld [tilespmem:$0x1E20];
	_ =	sdelay $0x4  }
0x2df: {  	[tilespmem:v29+s12+$0x0] =	vst.idx.add.f32.msk $0xffff, v1  }
0x2e0: {  	v30 =	vor.u32 $0x1B, v0;
	v1 =	vld [tilespmem:$0x1EA0];
	_ =	sdelay $0x4  }
0x2e1: {  	[tilespmem:v30+s12+$0x0] =	vst.idx.add.f32.msk $0xffff, v1  }
0x2e2: {  	v31 =	vor.u32 $0x1C, v0;
	v1 =	vld [tilespmem:$0x1F20];
	_ =	sdelay $0x4  }
0x2e3: {  	[tilespmem:v31+s12+$0x0] =	vst.idx.add.f32.msk $0xffff, v1  }
0x2e4: {  	v32 =	vor.u32 $0x1D, v0;
	v1 =	vld [tilespmem:$0x1FA0];
	_ =	sdelay $0x4  }
0x2e5: {  	[tilespmem:v32+s12+$0x0] =	vst.idx.add.f32.msk $0xffff, v1  }
0x2e6: {  	v33 =	vor.u32 $0x1E, v0;
	v1 =	vld [tilespmem:$0x2020];
	_ =	sdelay $0x4  }
0x2e7: {  	[tilespmem:v33+s12+$0x0] =	vst.idx.add.f32.msk $0xffff, v1  }
0x2e8: {  	v0 =	vor.u32 $0x1F, v0;
	v1 =	vld [tilespmem:$0x20A0];
	_ =	sdelay $0x4  }
0x2e9: {  	[tilespmem:v0+s12+$0x0] =	vst.idx.add.f32.msk $0xffff, v1  }
0x2ea: {  	v0 =	vld [tilespmem:$0xB0];
	_ =	sdelay $0x4  }
0x2eb: {  	v1 =	vld [tilespmem:$0x530];
	v0 =	vshll.u32 v0, $0x5;
	_ =	sdelay $0x4  }
0x2ec: {  	[tilespmem:v0+s12+$0x0] =	vst.idx.add.f32.msk $0xffff, v1  }
0x2ed: {  	v34 =	vor.u32 $0x1, v0;
	v1 =	vld [tilespmem:$0x5B0];
	_ =	sdelay $0x4  }
0x2ee: {  	[tilespmem:v34+s12+$0x0] =	vst.idx.add.f32.msk $0xffff, v1  }
0x2ef: {  	v35 =	vor.u32 $0x2, v0;
	v1 =	vld [tilespmem:$0x630];
	_ =	sdelay $0x4  }
0x2f0: {  	[tilespmem:v35+s12+$0x0] =	vst.idx.add.f32.msk $0xffff, v1  }
0x2f1: {  	v36 =	vor.u32 $0x3, v0;
	v1 =	vld [tilespmem:$0x6B0];
	_ =	sdelay $0x4  }
0x2f2: {  	[tilespmem:v36+s12+$0x0] =	vst.idx.add.f32.msk $0xffff, v1  }
0x2f3: {  	v37 =	vor.u32 $0x4, v0;
	v1 =	vld [tilespmem:$0x730];
	_ =	sdelay $0x4  }
0x2f4: {  	[tilespmem:v37+s12+$0x0] =	vst.idx.add.f32.msk $0xffff, v1  }
0x2f5: {  	v38 =	vor.u32 $0x5, v0;
	v1 =	vld [tilespmem:$0x7B0];
	_ =	sdelay $0x4  }
0x2f6: {  	[tilespmem:v38+s12+$0x0] =	vst.idx.add.f32.msk $0xffff, v1  }
0x2f7: {  	v39 =	vor.u32 $0x6, v0;
	v1 =	vld [tilespmem:$0x830];
	_ =	sdelay $0x4  }
0x2f8: {  	[tilespmem:v39+s12+$0x0] =	vst.idx.add.f32.msk $0xffff, v1  }
0x2f9: {  	v40 =	vor.u32 $0x7, v0;
	v1 =	vld [tilespmem:$0x8B0];
	_ =	sdelay $0x4  }
0x2fa: {  	[tilespmem:v40+s12+$0x0] =	vst.idx.add.f32.msk $0xffff, v1  }
0x2fb: {  	v41 =	vor.u32 $0x8, v0;
	v1 =	vld [tilespmem:$0xD30];
	_ =	sdelay $0x4  }
0x2fc: {  	[tilespmem:v41+s12+$0x0] =	vst.idx.add.f32.msk $0xffff, v1  }
0x2fd: {  	v42 =	vor.u32 $0x9, v0;
	v1 =	vld [tilespmem:$0xDB0];
	_ =	sdelay $0x4  }
0x2fe: {  	[tilespmem:v42+s12+$0x0] =	vst.idx.add.f32.msk $0xffff, v1  }
0x2ff: {  	v43 =	vor.u32 $0xA, v0;
	v1 =	vld [tilespmem:$0xE30];
	_ =	sdelay $0x4  }
0x300: {  	[tilespmem:v43+s12+$0x0] =	vst.idx.add.f32.msk $0xffff, v1  }
0x301: {  	v44 =	vor.u32 $0xB, v0;
	v1 =	vld [tilespmem:$0xEB0];
	_ =	sdelay $0x4  }
0x302: {  	[tilespmem:v44+s12+$0x0] =	vst.idx.add.f32.msk $0xffff, v1  }
0x303: {  	v45 =	vor.u32 $0xC, v0;
	v1 =	vld [tilespmem:$0xF30];
	_ =	sdelay $0x4  }
0x304: {  	[tilespmem:v45+s12+$0x0] =	vst.idx.add.f32.msk $0xffff, v1  }
0x305: {  	v46 =	vor.u32 $0xD, v0;
	v1 =	vld [tilespmem:$0xFB0];
	_ =	sdelay $0x4  }
0x306: {  	[tilespmem:v46+s12+$0x0] =	vst.idx.add.f32.msk $0xffff, v1  }
0x307: {  	v47 =	vor.u32 $0xE, v0;
	v1 =	vld [tilespmem:$0x1030];
	_ =	sdelay $0x4  }
0x308: {  	[tilespmem:v47+s12+$0x0] =	vst.idx.add.f32.msk $0xffff, v1  }
0x309: {  	v48 =	vor.u32 $0xF, v0;
	v1 =	vld [tilespmem:$0x10B0];
	_ =	sdelay $0x4  }
0x30a: {  	[tilespmem:v48+s12+$0x0] =	vst.idx.add.f32.msk $0xffff, v1  }
0x30b: {  	v49 =	vor.u32 $0x10, v0;
	v1 =	vld [tilespmem:$0x1530];
	_ =	sdelay $0x4  }
0x30c: {  	[tilespmem:v49+s12+$0x0] =	vst.idx.add.f32.msk $0xffff, v1  }
0x30d: {  	v50 =	vor.u32 $0x11, v0;
	v1 =	vld [tilespmem:$0x15B0];
	_ =	sdelay $0x4  }
0x30e: {  	[tilespmem:v50+s12+$0x0] =	vst.idx.add.f32.msk $0xffff, v1  }
0x30f: {  	v51 =	vor.u32 $0x12, v0;
	v1 =	vld [tilespmem:$0x1630];
	_ =	sdelay $0x4  }
0x310: {  	[tilespmem:v51+s12+$0x0] =	vst.idx.add.f32.msk $0xffff, v1  }
0x311: {  	v52 =	vor.u32 $0x13, v0;
	v1 =	vld [tilespmem:$0x16B0];
	_ =	sdelay $0x4  }
0x312: {  	[tilespmem:v52+s12+$0x0] =	vst.idx.add.f32.msk $0xffff, v1  }
0x313: {  	v53 =	vor.u32 $0x14, v0;
	v1 =	vld [tilespmem:$0x1730];
	_ =	sdelay $0x4  }
0x314: {  	[tilespmem:v53+s12+$0x0] =	vst.idx.add.f32.msk $0xffff, v1  }
0x315: {  	v54 =	vor.u32 $0x15, v0;
	v1 =	vld [tilespmem:$0x17B0];
	_ =	sdelay $0x4  }
0x316: {  	[tilespmem:v54+s12+$0x0] =	vst.idx.add.f32.msk $0xffff, v1  }
0x317: {  	v55 =	vor.u32 $0x16, v0;
	v1 =	vld [tilespmem:$0x1830];
	_ =	sdelay $0x4  }
0x318: {  	[tilespmem:v55+s12+$0x0] =	vst.idx.add.f32.msk $0xffff, v1  }
0x319: {  	v56 =	vor.u32 $0x17, v0;
	v1 =	vld [tilespmem:$0x18B0];
	_ =	sdelay $0x4  }
0x31a: {  	[tilespmem:v56+s12+$0x0] =	vst.idx.add.f32.msk $0xffff, v1  }
0x31b: {  	v57 =	vor.u32 $0x18, v0;
	v1 =	vld [tilespmem:$0x1D30];
	_ =	sdelay $0x4  }
0x31c: {  	[tilespmem:v57+s12+$0x0] =	vst.idx.add.f32.msk $0xffff, v1  }
0x31d: {  	v58 =	vor.u32 $0x19, v0;
	v1 =	vld [tilespmem:$0x1DB0];
	_ =	sdelay $0x4  }
0x31e: {  	[tilespmem:v58+s12+$0x0] =	vst.idx.add.f32.msk $0xffff, v1  }
0x31f: {  	v59 =	vor.u32 $0x1A, v0;
	v1 =	vld [tilespmem:$0x1E30];
	_ =	sdelay $0x4  }
0x320: {  	[tilespmem:v59+s12+$0x0] =	vst.idx.add.f32.msk $0xffff, v1  }
0x321: {  	v60 =	vor.u32 $0x1B, v0;
	v1 =	vld [tilespmem:$0x1EB0];
	_ =	sdelay $0x4  }
0x322: {  	[tilespmem:v60+s12+$0x0] =	vst.idx.add.f32.msk $0xffff, v1  }
0x323: {  	v61 =	vor.u32 $0x1C, v0;
	v1 =	vld [tilespmem:$0x1F30];
	_ =	sdelay $0x4  }
0x324: {  	[tilespmem:v61+s12+$0x0] =	vst.idx.add.f32.msk $0xffff, v1  }
0x325: {  	v62 =	vor.u32 $0x1D, v0;
	v1 =	vld [tilespmem:$0x1FB0];
	_ =	sdelay $0x4  }
0x326: {  	[tilespmem:v62+s12+$0x0] =	vst.idx.add.f32.msk $0xffff, v1  }
0x327: {  	v63 =	vor.u32 $0x1E, v0;
	v1 =	vld [tilespmem:$0x2030];
	_ =	sdelay $0x4  }
0x328: {  	[tilespmem:v63+s12+$0x0] =	vst.idx.add.f32.msk $0xffff, v1  }
0x329: {  	v0 =	vor.u32 $0x1F, v0;
	v1 =	vld [tilespmem:$0x20B0];
	_ =	sdelay $0x4  }
0x32a: {  	[tilespmem:v0+s12+$0x0] =	vst.idx.add.f32.msk $0xffff, v1  }
0x32b: {  	v0 =	vld [tilespmem:$0xC0];
	_ =	sdelay $0x4  }
0x32c: {  	v1 =	vld [tilespmem:$0x540];
	v0 =	vshll.u32 v0, $0x5;
	_ =	sdelay $0x4  }
0x32d: {  	[tilespmem:v0+s12+$0x0] =	vst.idx.add.f32.msk $0xffff, v1  }
0x32e: {  	v4 =	vor.u32 $0x1, v0;
	v1 =	vld [tilespmem:$0x5C0];
	_ =	sdelay $0x4  }
0x32f: {  	[tilespmem:v4+s12+$0x0] =	vst.idx.add.f32.msk $0xffff, v1  }
0x330: {  	v5 =	vor.u32 $0x2, v0;
	v1 =	vld [tilespmem:$0x640];
	_ =	sdelay $0x4  }
0x331: {  	[tilespmem:v5+s12+$0x0] =	vst.idx.add.f32.msk $0xffff, v1  }
0x332: {  	v6 =	vor.u32 $0x3, v0;
	v1 =	vld [tilespmem:$0x6C0];
	_ =	sdelay $0x4  }
0x333: {  	[tilespmem:v6+s12+$0x0] =	vst.idx.add.f32.msk $0xffff, v1  }
0x334: {  	v7 =	vor.u32 $0x4, v0;
	v1 =	vld [tilespmem:$0x740];
	_ =	sdelay $0x4  }
0x335: {  	[tilespmem:v7+s12+$0x0] =	vst.idx.add.f32.msk $0xffff, v1  }
0x336: {  	v8 =	vor.u32 $0x5, v0;
	v1 =	vld [tilespmem:$0x7C0];
	_ =	sdelay $0x4  }
0x337: {  	[tilespmem:v8+s12+$0x0] =	vst.idx.add.f32.msk $0xffff, v1  }
0x338: {  	v9 =	vor.u32 $0x6, v0;
	v1 =	vld [tilespmem:$0x840];
	_ =	sdelay $0x4  }
0x339: {  	[tilespmem:v9+s12+$0x0] =	vst.idx.add.f32.msk $0xffff, v1  }
0x33a: {  	v10 =	vor.u32 $0x7, v0;
	v1 =	vld [tilespmem:$0x8C0];
	_ =	sdelay $0x4  }
0x33b: {  	[tilespmem:v10+s12+$0x0] =	vst.idx.add.f32.msk $0xffff, v1  }
0x33c: {  	v11 =	vor.u32 $0x8, v0;
	v1 =	vld [tilespmem:$0xD40];
	_ =	sdelay $0x4  }
0x33d: {  	[tilespmem:v11+s12+$0x0] =	vst.idx.add.f32.msk $0xffff, v1  }
0x33e: {  	v12 =	vor.u32 $0x9, v0;
	v1 =	vld [tilespmem:$0xDC0];
	_ =	sdelay $0x4  }
0x33f: {  	[tilespmem:v12+s12+$0x0] =	vst.idx.add.f32.msk $0xffff, v1  }
0x340: {  	v13 =	vor.u32 $0xA, v0;
	v1 =	vld [tilespmem:$0xE40];
	_ =	sdelay $0x4  }
0x341: {  	[tilespmem:v13+s12+$0x0] =	vst.idx.add.f32.msk $0xffff, v1  }
0x342: {  	v14 =	vor.u32 $0xB, v0;
	v1 =	vld [tilespmem:$0xEC0];
	_ =	sdelay $0x4  }
0x343: {  	[tilespmem:v14+s12+$0x0] =	vst.idx.add.f32.msk $0xffff, v1  }
0x344: {  	v15 =	vor.u32 $0xC, v0;
	v1 =	vld [tilespmem:$0xF40];
	_ =	sdelay $0x4  }
0x345: {  	[tilespmem:v15+s12+$0x0] =	vst.idx.add.f32.msk $0xffff, v1  }
0x346: {  	v16 =	vor.u32 $0xD, v0;
	v1 =	vld [tilespmem:$0xFC0];
	_ =	sdelay $0x4  }
0x347: {  	[tilespmem:v16+s12+$0x0] =	vst.idx.add.f32.msk $0xffff, v1  }
0x348: {  	v17 =	vor.u32 $0xE, v0;
	v1 =	vld [tilespmem:$0x1040];
	_ =	sdelay $0x4  }
0x349: {  	[tilespmem:v17+s12+$0x0] =	vst.idx.add.f32.msk $0xffff, v1  }
0x34a: {  	v18 =	vor.u32 $0xF, v0;
	v1 =	vld [tilespmem:$0x10C0];
	_ =	sdelay $0x4  }
0x34b: {  	[tilespmem:v18+s12+$0x0] =	vst.idx.add.f32.msk $0xffff, v1  }
0x34c: {  	v19 =	vor.u32 $0x10, v0;
	v1 =	vld [tilespmem:$0x1540];
	_ =	sdelay $0x4  }
0x34d: {  	[tilespmem:v19+s12+$0x0] =	vst.idx.add.f32.msk $0xffff, v1  }
0x34e: {  	v20 =	vor.u32 $0x11, v0;
	v1 =	vld [tilespmem:$0x15C0];
	_ =	sdelay $0x4  }
0x34f: {  	[tilespmem:v20+s12+$0x0] =	vst.idx.add.f32.msk $0xffff, v1  }
0x350: {  	v21 =	vor.u32 $0x12, v0;
	v1 =	vld [tilespmem:$0x1640];
	_ =	sdelay $0x4  }
0x351: {  	[tilespmem:v21+s12+$0x0] =	vst.idx.add.f32.msk $0xffff, v1  }
0x352: {  	v22 =	vor.u32 $0x13, v0;
	v1 =	vld [tilespmem:$0x16C0];
	_ =	sdelay $0x4  }
0x353: {  	[tilespmem:v22+s12+$0x0] =	vst.idx.add.f32.msk $0xffff, v1  }
0x354: {  	v23 =	vor.u32 $0x14, v0;
	v1 =	vld [tilespmem:$0x1740];
	_ =	sdelay $0x4  }
0x355: {  	[tilespmem:v23+s12+$0x0] =	vst.idx.add.f32.msk $0xffff, v1  }
0x356: {  	v24 =	vor.u32 $0x15, v0;
	v1 =	vld [tilespmem:$0x17C0];
	_ =	sdelay $0x4  }
0x357: {  	[tilespmem:v24+s12+$0x0] =	vst.idx.add.f32.msk $0xffff, v1  }
0x358: {  	v25 =	vor.u32 $0x16, v0;
	v1 =	vld [tilespmem:$0x1840];
	_ =	sdelay $0x4  }
0x359: {  	[tilespmem:v25+s12+$0x0] =	vst.idx.add.f32.msk $0xffff, v1  }
0x35a: {  	v26 =	vor.u32 $0x17, v0;
	v1 =	vld [tilespmem:$0x18C0];
	_ =	sdelay $0x4  }
0x35b: {  	[tilespmem:v26+s12+$0x0] =	vst.idx.add.f32.msk $0xffff, v1  }
0x35c: {  	v27 =	vor.u32 $0x18, v0;
	v1 =	vld [tilespmem:$0x1D40];
	_ =	sdelay $0x4  }
0x35d: {  	[tilespmem:v27+s12+$0x0] =	vst.idx.add.f32.msk $0xffff, v1  }
0x35e: {  	v28 =	vor.u32 $0x19, v0;
	v1 =	vld [tilespmem:$0x1DC0];
	_ =	sdelay $0x4  }
0x35f: {  	[tilespmem:v28+s12+$0x0] =	vst.idx.add.f32.msk $0xffff, v1  }
0x360: {  	v29 =	vor.u32 $0x1A, v0;
	v1 =	vld [tilespmem:$0x1E40];
	_ =	sdelay $0x4  }
0x361: {  	[tilespmem:v29+s12+$0x0] =	vst.idx.add.f32.msk $0xffff, v1  }
0x362: {  	v30 =	vor.u32 $0x1B, v0;
	v1 =	vld [tilespmem:$0x1EC0];
	_ =	sdelay $0x4  }
0x363: {  	[tilespmem:v30+s12+$0x0] =	vst.idx.add.f32.msk $0xffff, v1  }
0x364: {  	v31 =	vor.u32 $0x1C, v0;
	v1 =	vld [tilespmem:$0x1F40];
	_ =	sdelay $0x4  }
0x365: {  	[tilespmem:v31+s12+$0x0] =	vst.idx.add.f32.msk $0xffff, v1  }
0x366: {  	v32 =	vor.u32 $0x1D, v0;
	v1 =	vld [tilespmem:$0x1FC0];
	_ =	sdelay $0x4  }
0x367: {  	[tilespmem:v32+s12+$0x0] =	vst.idx.add.f32.msk $0xffff, v1  }
0x368: {  	v33 =	vor.u32 $0x1E, v0;
	v1 =	vld [tilespmem:$0x2040];
	_ =	sdelay $0x4  }
0x369: {  	[tilespmem:v33+s12+$0x0] =	vst.idx.add.f32.msk $0xffff, v1  }
0x36a: {  	v0 =	vor.u32 $0x1F, v0;
	v1 =	vld [tilespmem:$0x20C0];
	_ =	sdelay $0x4  }
0x36b: {  	[tilespmem:v0+s12+$0x0] =	vst.idx.add.f32.msk $0xffff, v1  }
0x36c: {  	v0 =	vld [tilespmem:$0xD0];
	_ =	sdelay $0x4  }
0x36d: {  	v1 =	vld [tilespmem:$0x550];
	v0 =	vshll.u32 v0, $0x5;
	_ =	sdelay $0x4  }
0x36e: {  	[tilespmem:v0+s12+$0x0] =	vst.idx.add.f32.msk $0xffff, v1  }
0x36f: {  	v34 =	vor.u32 $0x1, v0;
	v1 =	vld [tilespmem:$0x5D0];
	_ =	sdelay $0x4  }
0x370: {  	[tilespmem:v34+s12+$0x0] =	vst.idx.add.f32.msk $0xffff, v1  }
0x371: {  	v35 =	vor.u32 $0x2, v0;
	v1 =	vld [tilespmem:$0x650];
	_ =	sdelay $0x4  }
0x372: {  	[tilespmem:v35+s12+$0x0] =	vst.idx.add.f32.msk $0xffff, v1  }
0x373: {  	v36 =	vor.u32 $0x3, v0;
	v1 =	vld [tilespmem:$0x6D0];
	_ =	sdelay $0x4  }
0x374: {  	[tilespmem:v36+s12+$0x0] =	vst.idx.add.f32.msk $0xffff, v1  }
0x375: {  	v37 =	vor.u32 $0x4, v0;
	v1 =	vld [tilespmem:$0x750];
	_ =	sdelay $0x4  }
0x376: {  	[tilespmem:v37+s12+$0x0] =	vst.idx.add.f32.msk $0xffff, v1  }
0x377: {  	v38 =	vor.u32 $0x5, v0;
	v1 =	vld [tilespmem:$0x7D0];
	_ =	sdelay $0x4  }
0x378: {  	[tilespmem:v38+s12+$0x0] =	vst.idx.add.f32.msk $0xffff, v1  }
0x379: {  	v39 =	vor.u32 $0x6, v0;
	v1 =	vld [tilespmem:$0x850];
	_ =	sdelay $0x4  }
0x37a: {  	[tilespmem:v39+s12+$0x0] =	vst.idx.add.f32.msk $0xffff, v1  }
0x37b: {  	v40 =	vor.u32 $0x7, v0;
	v1 =	vld [tilespmem:$0x8D0];
	_ =	sdelay $0x4  }
0x37c: {  	[tilespmem:v40+s12+$0x0] =	vst.idx.add.f32.msk $0xffff, v1  }
0x37d: {  	v41 =	vor.u32 $0x8, v0;
	v1 =	vld [tilespmem:$0xD50];
	_ =	sdelay $0x4  }
0x37e: {  	[tilespmem:v41+s12+$0x0] =	vst.idx.add.f32.msk $0xffff, v1  }
0x37f: {  	v42 =	vor.u32 $0x9, v0;
	v1 =	vld [tilespmem:$0xDD0];
	_ =	sdelay $0x4  }
0x380: {  	[tilespmem:v42+s12+$0x0] =	vst.idx.add.f32.msk $0xffff, v1  }
0x381: {  	v43 =	vor.u32 $0xA, v0;
	v1 =	vld [tilespmem:$0xE50];
	_ =	sdelay $0x4  }
0x382: {  	[tilespmem:v43+s12+$0x0] =	vst.idx.add.f32.msk $0xffff, v1  }
0x383: {  	v44 =	vor.u32 $0xB, v0;
	v1 =	vld [tilespmem:$0xED0];
	_ =	sdelay $0x4  }
0x384: {  	[tilespmem:v44+s12+$0x0] =	vst.idx.add.f32.msk $0xffff, v1  }
0x385: {  	v45 =	vor.u32 $0xC, v0;
	v1 =	vld [tilespmem:$0xF50];
	_ =	sdelay $0x4  }
0x386: {  	[tilespmem:v45+s12+$0x0] =	vst.idx.add.f32.msk $0xffff, v1  }
0x387: {  	v46 =	vor.u32 $0xD, v0;
	v1 =	vld [tilespmem:$0xFD0];
	_ =	sdelay $0x4  }
0x388: {  	[tilespmem:v46+s12+$0x0] =	vst.idx.add.f32.msk $0xffff, v1  }
0x389: {  	v47 =	vor.u32 $0xE, v0;
	v1 =	vld [tilespmem:$0x1050];
	_ =	sdelay $0x4  }
0x38a: {  	[tilespmem:v47+s12+$0x0] =	vst.idx.add.f32.msk $0xffff, v1  }
0x38b: {  	v48 =	vor.u32 $0xF, v0;
	v1 =	vld [tilespmem:$0x10D0];
	_ =	sdelay $0x4  }
0x38c: {  	[tilespmem:v48+s12+$0x0] =	vst.idx.add.f32.msk $0xffff, v1  }
0x38d: {  	v49 =	vor.u32 $0x10, v0;
	v1 =	vld [tilespmem:$0x1550];
	_ =	sdelay $0x4  }
0x38e: {  	[tilespmem:v49+s12+$0x0] =	vst.idx.add.f32.msk $0xffff, v1  }
0x38f: {  	v50 =	vor.u32 $0x11, v0;
	v1 =	vld [tilespmem:$0x15D0];
	_ =	sdelay $0x4  }
0x390: {  	[tilespmem:v50+s12+$0x0] =	vst.idx.add.f32.msk $0xffff, v1  }
0x391: {  	v51 =	vor.u32 $0x12, v0;
	v1 =	vld [tilespmem:$0x1650];
	_ =	sdelay $0x4  }
0x392: {  	[tilespmem:v51+s12+$0x0] =	vst.idx.add.f32.msk $0xffff, v1  }
0x393: {  	v52 =	vor.u32 $0x13, v0;
	v1 =	vld [tilespmem:$0x16D0];
	_ =	sdelay $0x4  }
0x394: {  	[tilespmem:v52+s12+$0x0] =	vst.idx.add.f32.msk $0xffff, v1  }
0x395: {  	v53 =	vor.u32 $0x14, v0;
	v1 =	vld [tilespmem:$0x1750];
	_ =	sdelay $0x4  }
0x396: {  	[tilespmem:v53+s12+$0x0] =	vst.idx.add.f32.msk $0xffff, v1  }
0x397: {  	v54 =	vor.u32 $0x15, v0;
	v1 =	vld [tilespmem:$0x17D0];
	_ =	sdelay $0x4  }
0x398: {  	[tilespmem:v54+s12+$0x0] =	vst.idx.add.f32.msk $0xffff, v1  }
0x399: {  	v55 =	vor.u32 $0x16, v0;
	v1 =	vld [tilespmem:$0x1850];
	_ =	sdelay $0x4  }
0x39a: {  	[tilespmem:v55+s12+$0x0] =	vst.idx.add.f32.msk $0xffff, v1  }
0x39b: {  	v56 =	vor.u32 $0x17, v0;
	v1 =	vld [tilespmem:$0x18D0];
	_ =	sdelay $0x4  }
0x39c: {  	[tilespmem:v56+s12+$0x0] =	vst.idx.add.f32.msk $0xffff, v1  }
0x39d: {  	v57 =	vor.u32 $0x18, v0;
	v1 =	vld [tilespmem:$0x1D50];
	_ =	sdelay $0x4  }
0x39e: {  	[tilespmem:v57+s12+$0x0] =	vst.idx.add.f32.msk $0xffff, v1  }
0x39f: {  	v58 =	vor.u32 $0x19, v0;
	v1 =	vld [tilespmem:$0x1DD0];
	_ =	sdelay $0x4  }
0x3a0: {  	[tilespmem:v58+s12+$0x0] =	vst.idx.add.f32.msk $0xffff, v1  }
0x3a1: {  	v59 =	vor.u32 $0x1A, v0;
	v1 =	vld [tilespmem:$0x1E50];
	_ =	sdelay $0x4  }
0x3a2: {  	[tilespmem:v59+s12+$0x0] =	vst.idx.add.f32.msk $0xffff, v1  }
0x3a3: {  	v60 =	vor.u32 $0x1B, v0;
	v1 =	vld [tilespmem:$0x1ED0];
	_ =	sdelay $0x4  }
0x3a4: {  	[tilespmem:v60+s12+$0x0] =	vst.idx.add.f32.msk $0xffff, v1  }
0x3a5: {  	v61 =	vor.u32 $0x1C, v0;
	v1 =	vld [tilespmem:$0x1F50];
	_ =	sdelay $0x4  }
0x3a6: {  	[tilespmem:v61+s12+$0x0] =	vst.idx.add.f32.msk $0xffff, v1  }
0x3a7: {  	v62 =	vor.u32 $0x1D, v0;
	v1 =	vld [tilespmem:$0x1FD0];
	_ =	sdelay $0x4  }
0x3a8: {  	[tilespmem:v62+s12+$0x0] =	vst.idx.add.f32.msk $0xffff, v1  }
0x3a9: {  	v63 =	vor.u32 $0x1E, v0;
	v1 =	vld [tilespmem:$0x2050];
	_ =	sdelay $0x4  }
0x3aa: {  	[tilespmem:v63+s12+$0x0] =	vst.idx.add.f32.msk $0xffff, v1  }
0x3ab: {  	v0 =	vor.u32 $0x1F, v0;
	v1 =	vld [tilespmem:$0x20D0];
	_ =	sdelay $0x4  }
0x3ac: {  	[tilespmem:v0+s12+$0x0] =	vst.idx.add.f32.msk $0xffff, v1  }
0x3ad: {  	v0 =	vld [tilespmem:$0xE0];
	_ =	sdelay $0x4  }
0x3ae: {  	v1 =	vld [tilespmem:$0x560];
	v0 =	vshll.u32 v0, $0x5;
	_ =	sdelay $0x4  }
0x3af: {  	[tilespmem:v0+s12+$0x0] =	vst.idx.add.f32.msk $0xffff, v1  }
0x3b0: {  	v4 =	vor.u32 $0x1, v0;
	v1 =	vld [tilespmem:$0x5E0];
	_ =	sdelay $0x4  }
0x3b1: {  	[tilespmem:v4+s12+$0x0] =	vst.idx.add.f32.msk $0xffff, v1  }
0x3b2: {  	v5 =	vor.u32 $0x2, v0;
	v1 =	vld [tilespmem:$0x660];
	_ =	sdelay $0x4  }
0x3b3: {  	[tilespmem:v5+s12+$0x0] =	vst.idx.add.f32.msk $0xffff, v1  }
0x3b4: {  	v6 =	vor.u32 $0x3, v0;
	v1 =	vld [tilespmem:$0x6E0];
	_ =	sdelay $0x4  }
0x3b5: {  	[tilespmem:v6+s12+$0x0] =	vst.idx.add.f32.msk $0xffff, v1  }
0x3b6: {  	v7 =	vor.u32 $0x4, v0;
	v1 =	vld [tilespmem:$0x760];
	_ =	sdelay $0x4  }
0x3b7: {  	[tilespmem:v7+s12+$0x0] =	vst.idx.add.f32.msk $0xffff, v1  }
0x3b8: {  	v8 =	vor.u32 $0x5, v0;
	v1 =	vld [tilespmem:$0x7E0];
	_ =	sdelay $0x4  }
0x3b9: {  	[tilespmem:v8+s12+$0x0] =	vst.idx.add.f32.msk $0xffff, v1  }
0x3ba: {  	v9 =	vor.u32 $0x6, v0;
	v1 =	vld [tilespmem:$0x860];
	_ =	sdelay $0x4  }
0x3bb: {  	[tilespmem:v9+s12+$0x0] =	vst.idx.add.f32.msk $0xffff, v1  }
0x3bc: {  	v10 =	vor.u32 $0x7, v0;
	v1 =	vld [tilespmem:$0x8E0];
	_ =	sdelay $0x4  }
0x3bd: {  	[tilespmem:v10+s12+$0x0] =	vst.idx.add.f32.msk $0xffff, v1  }
0x3be: {  	v11 =	vor.u32 $0x8, v0;
	v1 =	vld [tilespmem:$0xD60];
	_ =	sdelay $0x4  }
0x3bf: {  	[tilespmem:v11+s12+$0x0] =	vst.idx.add.f32.msk $0xffff, v1  }
0x3c0: {  	v12 =	vor.u32 $0x9, v0;
	v1 =	vld [tilespmem:$0xDE0];
	_ =	sdelay $0x4  }
0x3c1: {  	[tilespmem:v12+s12+$0x0] =	vst.idx.add.f32.msk $0xffff, v1  }
0x3c2: {  	v13 =	vor.u32 $0xA, v0;
	v1 =	vld [tilespmem:$0xE60];
	_ =	sdelay $0x4  }
0x3c3: {  	[tilespmem:v13+s12+$0x0] =	vst.idx.add.f32.msk $0xffff, v1  }
0x3c4: {  	v14 =	vor.u32 $0xB, v0;
	v1 =	vld [tilespmem:$0xEE0];
	_ =	sdelay $0x4  }
0x3c5: {  	[tilespmem:v14+s12+$0x0] =	vst.idx.add.f32.msk $0xffff, v1  }
0x3c6: {  	v15 =	vor.u32 $0xC, v0;
	v1 =	vld [tilespmem:$0xF60];
	_ =	sdelay $0x4  }
0x3c7: {  	[tilespmem:v15+s12+$0x0] =	vst.idx.add.f32.msk $0xffff, v1  }
0x3c8: {  	v16 =	vor.u32 $0xD, v0;
	v1 =	vld [tilespmem:$0xFE0];
	_ =	sdelay $0x4  }
0x3c9: {  	[tilespmem:v16+s12+$0x0] =	vst.idx.add.f32.msk $0xffff, v1  }
0x3ca: {  	v17 =	vor.u32 $0xE, v0;
	v1 =	vld [tilespmem:$0x1060];
	_ =	sdelay $0x4  }
0x3cb: {  	[tilespmem:v17+s12+$0x0] =	vst.idx.add.f32.msk $0xffff, v1  }
0x3cc: {  	v18 =	vor.u32 $0xF, v0;
	v1 =	vld [tilespmem:$0x10E0];
	_ =	sdelay $0x4  }
0x3cd: {  	[tilespmem:v18+s12+$0x0] =	vst.idx.add.f32.msk $0xffff, v1  }
0x3ce: {  	v19 =	vor.u32 $0x10, v0;
	v1 =	vld [tilespmem:$0x1560];
	_ =	sdelay $0x4  }
0x3cf: {  	[tilespmem:v19+s12+$0x0] =	vst.idx.add.f32.msk $0xffff, v1  }
0x3d0: {  	v20 =	vor.u32 $0x11, v0;
	v1 =	vld [tilespmem:$0x15E0];
	_ =	sdelay $0x4  }
0x3d1: {  	[tilespmem:v20+s12+$0x0] =	vst.idx.add.f32.msk $0xffff, v1  }
0x3d2: {  	v21 =	vor.u32 $0x12, v0;
	v1 =	vld [tilespmem:$0x1660];
	_ =	sdelay $0x4  }
0x3d3: {  	[tilespmem:v21+s12+$0x0] =	vst.idx.add.f32.msk $0xffff, v1  }
0x3d4: {  	v22 =	vor.u32 $0x13, v0;
	v1 =	vld [tilespmem:$0x16E0];
	_ =	sdelay $0x4  }
0x3d5: {  	[tilespmem:v22+s12+$0x0] =	vst.idx.add.f32.msk $0xffff, v1  }
0x3d6: {  	v23 =	vor.u32 $0x14, v0;
	v1 =	vld [tilespmem:$0x1760];
	_ =	sdelay $0x4  }
0x3d7: {  	[tilespmem:v23+s12+$0x0] =	vst.idx.add.f32.msk $0xffff, v1  }
0x3d8: {  	v24 =	vor.u32 $0x15, v0;
	v1 =	vld [tilespmem:$0x17E0];
	_ =	sdelay $0x4  }
0x3d9: {  	[tilespmem:v24+s12+$0x0] =	vst.idx.add.f32.msk $0xffff, v1  }
0x3da: {  	v25 =	vor.u32 $0x16, v0;
	v1 =	vld [tilespmem:$0x1860];
	_ =	sdelay $0x4  }
0x3db: {  	[tilespmem:v25+s12+$0x0] =	vst.idx.add.f32.msk $0xffff, v1  }
0x3dc: {  	v26 =	vor.u32 $0x17, v0;
	v1 =	vld [tilespmem:$0x18E0];
	_ =	sdelay $0x4  }
0x3dd: {  	[tilespmem:v26+s12+$0x0] =	vst.idx.add.f32.msk $0xffff, v1  }
0x3de: {  	v27 =	vor.u32 $0x18, v0;
	v1 =	vld [tilespmem:$0x1D60];
	_ =	sdelay $0x4  }
0x3df: {  	[tilespmem:v27+s12+$0x0] =	vst.idx.add.f32.msk $0xffff, v1  }
0x3e0: {  	v28 =	vor.u32 $0x19, v0;
	v1 =	vld [tilespmem:$0x1DE0];
	_ =	sdelay $0x4  }
0x3e1: {  	[tilespmem:v28+s12+$0x0] =	vst.idx.add.f32.msk $0xffff, v1  }
0x3e2: {  	v29 =	vor.u32 $0x1A, v0;
	v1 =	vld [tilespmem:$0x1E60];
	_ =	sdelay $0x4  }
0x3e3: {  	[tilespmem:v29+s12+$0x0] =	vst.idx.add.f32.msk $0xffff, v1  }
0x3e4: {  	v30 =	vor.u32 $0x1B, v0;
	v1 =	vld [tilespmem:$0x1EE0];
	_ =	sdelay $0x4  }
0x3e5: {  	[tilespmem:v30+s12+$0x0] =	vst.idx.add.f32.msk $0xffff, v1  }
0x3e6: {  	v31 =	vor.u32 $0x1C, v0;
	v1 =	vld [tilespmem:$0x1F60];
	_ =	sdelay $0x4  }
0x3e7: {  	[tilespmem:v31+s12+$0x0] =	vst.idx.add.f32.msk $0xffff, v1  }
0x3e8: {  	v32 =	vor.u32 $0x1D, v0;
	v1 =	vld [tilespmem:$0x1FE0];
	_ =	sdelay $0x4  }
0x3e9: {  	[tilespmem:v32+s12+$0x0] =	vst.idx.add.f32.msk $0xffff, v1  }
0x3ea: {  	v33 =	vor.u32 $0x1E, v0;
	v1 =	vld [tilespmem:$0x2060];
	_ =	sdelay $0x4  }
0x3eb: {  	[tilespmem:v33+s12+$0x0] =	vst.idx.add.f32.msk $0xffff, v1  }
0x3ec: {  	v0 =	vor.u32 $0x1F, v0;
	v1 =	vld [tilespmem:$0x20E0];
	_ =	sdelay $0x4  }
0x3ed: {  	[tilespmem:v0+s12+$0x0] =	vst.idx.add.f32.msk $0xffff, v1  }
0x3ee: {  	v0 =	vld [tilespmem:$0xF0];
	_ =	sdelay $0x4  }
0x3ef: {  	v1 =	vld [tilespmem:$0x570];
	v0 =	vshll.u32 v0, $0x5;
	_ =	sdelay $0x4  }
0x3f0: {  	[tilespmem:v0+s12+$0x0] =	vst.idx.add.f32.msk $0xffff, v1  }
0x3f1: {  	v34 =	vor.u32 $0x1, v0;
	v1 =	vld [tilespmem:$0x5F0];
	_ =	sdelay $0x4  }
0x3f2: {  	[tilespmem:v34+s12+$0x0] =	vst.idx.add.f32.msk $0xffff, v1  }
0x3f3: {  	v35 =	vor.u32 $0x2, v0;
	v1 =	vld [tilespmem:$0x670];
	_ =	sdelay $0x4  }
0x3f4: {  	[tilespmem:v35+s12+$0x0] =	vst.idx.add.f32.msk $0xffff, v1  }
0x3f5: {  	v36 =	vor.u32 $0x3, v0;
	v1 =	vld [tilespmem:$0x6F0];
	_ =	sdelay $0x4  }
0x3f6: {  	[tilespmem:v36+s12+$0x0] =	vst.idx.add.f32.msk $0xffff, v1  }
0x3f7: {  	v37 =	vor.u32 $0x4, v0;
	v1 =	vld [tilespmem:$0x770];
	_ =	sdelay $0x4  }
0x3f8: {  	[tilespmem:v37+s12+$0x0] =	vst.idx.add.f32.msk $0xffff, v1  }
0x3f9: {  	v38 =	vor.u32 $0x5, v0;
	v1 =	vld [tilespmem:$0x7F0];
	_ =	sdelay $0x4  }
0x3fa: {  	[tilespmem:v38+s12+$0x0] =	vst.idx.add.f32.msk $0xffff, v1  }
0x3fb: {  	v39 =	vor.u32 $0x6, v0;
	v1 =	vld [tilespmem:$0x870];
	_ =	sdelay $0x4  }
0x3fc: {  	[tilespmem:v39+s12+$0x0] =	vst.idx.add.f32.msk $0xffff, v1  }
0x3fd: {  	v40 =	vor.u32 $0x7, v0;
	v1 =	vld [tilespmem:$0x8F0];
	_ =	sdelay $0x4  }
0x3fe: {  	[tilespmem:v40+s12+$0x0] =	vst.idx.add.f32.msk $0xffff, v1  }
0x3ff: {  	v41 =	vor.u32 $0x8, v0;
	v1 =	vld [tilespmem:$0xD70];
	_ =	sdelay $0x4  }
0x400: {  	[tilespmem:v41+s12+$0x0] =	vst.idx.add.f32.msk $0xffff, v1  }
0x401: {  	v42 =	vor.u32 $0x9, v0;
	v1 =	vld [tilespmem:$0xDF0];
	_ =	sdelay $0x4  }
0x402: {  	[tilespmem:v42+s12+$0x0] =	vst.idx.add.f32.msk $0xffff, v1  }
0x403: {  	v43 =	vor.u32 $0xA, v0;
	v1 =	vld [tilespmem:$0xE70];
	_ =	sdelay $0x4  }
0x404: {  	[tilespmem:v43+s12+$0x0] =	vst.idx.add.f32.msk $0xffff, v1  }
0x405: {  	v44 =	vor.u32 $0xB, v0;
	v1 =	vld [tilespmem:$0xEF0];
	_ =	sdelay $0x4  }
0x406: {  	[tilespmem:v44+s12+$0x0] =	vst.idx.add.f32.msk $0xffff, v1  }
0x407: {  	v45 =	vor.u32 $0xC, v0;
	v1 =	vld [tilespmem:$0xF70];
	_ =	sdelay $0x4  }
0x408: {  	[tilespmem:v45+s12+$0x0] =	vst.idx.add.f32.msk $0xffff, v1  }
0x409: {  	v46 =	vor.u32 $0xD, v0;
	v1 =	vld [tilespmem:$0xFF0];
	_ =	sdelay $0x4  }
0x40a: {  	[tilespmem:v46+s12+$0x0] =	vst.idx.add.f32.msk $0xffff, v1  }
0x40b: {  	v47 =	vor.u32 $0xE, v0;
	v1 =	vld [tilespmem:$0x1070];
	_ =	sdelay $0x4  }
0x40c: {  	[tilespmem:v47+s12+$0x0] =	vst.idx.add.f32.msk $0xffff, v1  }
0x40d: {  	v48 =	vor.u32 $0xF, v0;
	v1 =	vld [tilespmem:$0x10F0];
	_ =	sdelay $0x4  }
0x40e: {  	[tilespmem:v48+s12+$0x0] =	vst.idx.add.f32.msk $0xffff, v1  }
0x40f: {  	v49 =	vor.u32 $0x10, v0;
	v1 =	vld [tilespmem:$0x1570];
	_ =	sdelay $0x4  }
0x410: {  	[tilespmem:v49+s12+$0x0] =	vst.idx.add.f32.msk $0xffff, v1  }
0x411: {  	v50 =	vor.u32 $0x11, v0;
	v1 =	vld [tilespmem:$0x15F0];
	_ =	sdelay $0x4  }
0x412: {  	[tilespmem:v50+s12+$0x0] =	vst.idx.add.f32.msk $0xffff, v1  }
0x413: {  	v51 =	vor.u32 $0x12, v0;
	v1 =	vld [tilespmem:$0x1670];
	_ =	sdelay $0x4  }
0x414: {  	[tilespmem:v51+s12+$0x0] =	vst.idx.add.f32.msk $0xffff, v1  }
0x415: {  	v52 =	vor.u32 $0x13, v0;
	v1 =	vld [tilespmem:$0x16F0];
	_ =	sdelay $0x4  }
0x416: {  	[tilespmem:v52+s12+$0x0] =	vst.idx.add.f32.msk $0xffff, v1  }
0x417: {  	v53 =	vor.u32 $0x14, v0;
	v1 =	vld [tilespmem:$0x1770];
	_ =	sdelay $0x4  }
0x418: {  	[tilespmem:v53+s12+$0x0] =	vst.idx.add.f32.msk $0xffff, v1  }
0x419: {  	v54 =	vor.u32 $0x15, v0;
	v1 =	vld [tilespmem:$0x17F0];
	_ =	sdelay $0x4  }
0x41a: {  	[tilespmem:v54+s12+$0x0] =	vst.idx.add.f32.msk $0xffff, v1  }
0x41b: {  	v55 =	vor.u32 $0x16, v0;
	v1 =	vld [tilespmem:$0x1870];
	_ =	sdelay $0x4  }
0x41c: {  	[tilespmem:v55+s12+$0x0] =	vst.idx.add.f32.msk $0xffff, v1  }
0x41d: {  	v56 =	vor.u32 $0x17, v0;
	v1 =	vld [tilespmem:$0x18F0];
	_ =	sdelay $0x4  }
0x41e: {  	[tilespmem:v56+s12+$0x0] =	vst.idx.add.f32.msk $0xffff, v1  }
0x41f: {  	v57 =	vor.u32 $0x18, v0;
	v1 =	vld [tilespmem:$0x1D70];
	_ =	sdelay $0x4  }
0x420: {  	[tilespmem:v57+s12+$0x0] =	vst.idx.add.f32.msk $0xffff, v1  }
0x421: {  	v58 =	vor.u32 $0x19, v0;
	v1 =	vld [tilespmem:$0x1DF0];
	_ =	sdelay $0x4  }
0x422: {  	[tilespmem:v58+s12+$0x0] =	vst.idx.add.f32.msk $0xffff, v1  }
0x423: {  	v59 =	vor.u32 $0x1A, v0;
	v1 =	vld [tilespmem:$0x1E70];
	_ =	sdelay $0x4  }
0x424: {  	[tilespmem:v59+s12+$0x0] =	vst.idx.add.f32.msk $0xffff, v1  }
0x425: {  	v60 =	vor.u32 $0x1B, v0;
	v1 =	vld [tilespmem:$0x1EF0];
	_ =	sdelay $0x4  }
0x426: {  	[tilespmem:v60+s12+$0x0] =	vst.idx.add.f32.msk $0xffff, v1  }
0x427: {  	v61 =	vor.u32 $0x1C, v0;
	v1 =	vld [tilespmem:$0x1F70];
	_ =	sdelay $0x4  }
0x428: {  	[tilespmem:v61+s12+$0x0] =	vst.idx.add.f32.msk $0xffff, v1  }
0x429: {  	v62 =	vor.u32 $0x1D, v0;
	v1 =	vld [tilespmem:$0x1FF0];
	_ =	sdelay $0x4  }
0x42a: {  	[tilespmem:v62+s12+$0x0] =	vst.idx.add.f32.msk $0xffff, v1  }
0x42b: {  	v63 =	vor.u32 $0x1E, v0;
	v1 =	vld [tilespmem:$0x2070];
	_ =	sdelay $0x4  }
0x42c: {  	[tilespmem:v63+s12+$0x0] =	vst.idx.add.f32.msk $0xffff, v1  }
0x42d: {  	v0 =	vor.u32 $0x1F, v0;
	v1 =	vld [tilespmem:$0x20F0];
	_ =	sdelay $0x3  }
0x42e: {  	p0 =	sne.s32 s7, $0x1  }
.Ltmp1:
0x42f: {  	[tilespmem:v0+s12+$0x0] =	vst.idx.add.f32.msk $0xffff, v1;
	(pc) =	sbr.rel @p0 .LBB2_2-.Ltmp1, $4  }
0x430: {  	[hbm4b:s5+s13] =	stream.strided.scatter [tilespmem:s12], [sflag:$0x1], $0x4080, s14, s13, $0x38;
	[tilespmem:$0x6180] =	vst v63  }
0x431: {  	_ =	swait.ge [sflag:s8], $0x4080  }
0x432: {  	[sflag:s8] =	ssyncset.done $0x0  }
0x433: {  	s7 =	sadd.s32 $0xFFFFFFFF, s7;
	[sflag:s8] =	ssyncadd.s32 $0xFFFFBF80  }
.LBB2_3:
0x434: {  	_ =	sfence.sel $0x180000  }
0x435: {  	[bflag:$0x0] =	sbarrier.arrive $0xFFFF  }
0x436: {  	p0 =	sne.s32 s0, $0x0;
	_ =	strace $0x90000047  }
0x437: {  	s0 =	sadd.s32 @!p0 $0x100000, s1;
	[bflag:$0x2] =	sbarrier.arrive $0xFFFF  }
0x438: {  	[sflag:s0] =	ssyncadd.tile.s32 @!p0 $0x1;
	_ =	shalt  }
.Lfunc_end2:
_tile_overlayer_lowered:
.L_overlay_start_2:
0x439: {  	(tag) =	ssettag $0x2  }
0x43a: {  	s0 =	rddreg [dreg:$0x0];
	s2 =	stileid.u32  }
0x43b: {  	s1 =	rddreg [dreg:$0x1];
	p0 =	sne.s32 s2, $0x0  }
0x43c: {  	s3 =	rddreg [dreg:$0x2];
	[bflag:$0x3] =	sbarrier.arrive $0xFFFF;
	s2 =	simm.s32 @!p0 $0x1C01  }
0x43d: {  	[timem:s3], [sflag:s2] =	dma.local @!p0 [hbm:s0], s1  }
0x43e: {  	s0 =	simm.s32 @!p0 $0x1  }
0x43f: {  	_ =	swait.ge @!p0 [sflag:s0], s1  }
0x440: {  	s1 =	ssub.s32 @!p0 $0x0, s1;
	[sflag:s0] =	ssyncset.done @!p0 $0x0  }
0x441: {  	[sflag:s0] =	ssyncadd.s32 @!p0 s1  }
0x442: {  	[bflag:$0x3] =	sbarrier.arrive $0xFFFF  }
0x443: {  	_ =	shalt  }

</sc_bundles>
